<compile_context>
chip_gen: v7x
topology: tpu7x:2x2x1
jax: 0.10.2.dev20260603
libtpu: 0.0.44.dev20260713+nightly
codegen_flags: <defaults>
</compile_context>

<pallas_src>
import functools

import jax
import jax.numpy as jnp
from jax import lax
from jax.experimental import pallas as pl
from jax.experimental.pallas import tpu as pltpu
from jax.experimental.pallas import tpu_sc as plsc

N = 50000
D = 64
HB = 32
NH = D // HB
NC, NS = 2, 16

K = 128
CPS = 16
SUP = K * CPS
NSUP = 26
E_T = SUP * NSUP
E_PAD = E_T * NS

AGG_ROWS = N + 8
NR = N // NC
HIST_ROWS = NR + 8

BR = 2000


def _zero_rows(ref, n_cols16):
    def body(r, _):
        for j in range(n_cols16):
            ref[r, pl.ds(16 * j, 16)] = jnp.zeros((16,), jnp.float32)
        return 0
    lax.fori_loop(0, K, body, 0)



@functools.partial(
    pl.kernel,
    out_type=jax.ShapeDtypeStruct((NC * N, HB), jnp.bfloat16),
    mesh=plsc.VectorSubcoreMesh(core_axis_name="c", subcore_axis_name="s"),
    scratch_types=[
        pltpu.VMEM((2, CPS, K), jnp.int32),
        pltpu.VMEM((2, CPS, K), jnp.int32),
        pltpu.VMEM((2, CPS, K, HB), jnp.bfloat16),
        pltpu.VMEM((K, HB), jnp.bfloat16),
        pltpu.VMEM_SHARED((AGG_ROWS, HB), jnp.bfloat16),
        pltpu.SemaphoreType.DMA,
        pltpu.SemaphoreType.DMA,
    ],
    compiler_params=pltpu.CompilerParams(use_tc_tiling_on_sc=False),
)
def _segsum_sc(q2, srcs, dstb, rout, sv, dv, rows, zrow, agg, g0, g1):
    gsem = (g0, g1)
    c = lax.axis_index("c")
    s = lax.axis_index("s")

    def zero_z(r, _):
        zrow[r, pl.ds(0, 32)] = jnp.zeros((32,), jnp.bfloat16)
        return 0
    lax.fori_loop(0, K, zero_z, 0)
    base_z = jnp.minimum(s * 3200, AGG_ROWS - 25 * K)
    base_w = jnp.minimum(s * 3128, N - 3128)
    base_g = c * N

    def zero_chunk(k, _):
        pltpu.sync_copy(zrow, agg.at[pl.ds(base_z + k * K, K)])
        return 0
    lax.fori_loop(0, 25, zero_chunk, 0)
    plsc.subcore_barrier()

    def fire_gather(sup, b):
        pltpu.sync_copy(srcs.at[s, sup], sv.at[b])
        pltpu.sync_copy(dstb.at[s, sup], dv.at[b])

        def add_base(t, _):
            def add16(u, _):
                sv[b, t, pl.ds(u * 16, 16)] = (sv[b, t, pl.ds(u * 16, 16)]
                                               + base_g)
                return 0
            lax.fori_loop(0, K // 16, add16, 0)
            return 0
        lax.fori_loop(0, CPS, add_base, 0)
        for j in range(CPS):
            pltpu.async_copy(q2.at[sv.at[b, j]], rows.at[b, j], gsem[b])

    fire_gather(0, 0)
    fire_gather(1, 1)

    def pair(g2, _):
        for b in (0, 1):
            sup = 2 * g2 + b
            for j in range(CPS):
                pltpu.make_async_copy(q2.at[sv.at[b, j]], rows.at[b, j],
                                      gsem[b]).wait()
            for j in range(CPS):
                pltpu.sync_copy(rows.at[b, j], agg.at[dv.at[b, j]], add=True)

            @pl.when(sup + 2 < NSUP)
            def _():
                fire_gather(sup + 2, b)
        return 0
    lax.fori_loop(0, NSUP // 2, pair, 0)
    plsc.subcore_barrier()

    pltpu.sync_copy(agg.at[pl.ds(base_w, 3128)],
                    rout.at[pl.ds(c * N + base_w, 3128)])



@functools.partial(
    pl.kernel,
    out_type=jax.ShapeDtypeStruct((N, 16), jnp.float32),
    mesh=plsc.VectorSubcoreMesh(core_axis_name="c", subcore_axis_name="s"),
    scratch_types=[
        pltpu.VMEM((CPS, K), jnp.int32),
        pltpu.VMEM((K, 16), jnp.float32),
        pltpu.VMEM((K, 16), jnp.float32),
        pltpu.VMEM_SHARED((HIST_ROWS, 16), jnp.float32),
    ],
    compiler_params=pltpu.CompilerParams(use_tc_tiling_on_sc=False),
)
def _deg_sc(dstd, dout, dv, ones_v, zrow, hist):
    c = lax.axis_index("c")
    s = lax.axis_index("s")

    def fill_ones(r, _):
        ones_v[r, pl.ds(0, 16)] = jnp.ones((16,), jnp.float32)
        return 0
    lax.fori_loop(0, K, fill_ones, 0)
    _zero_rows(zrow, 1)

    base_z = jnp.minimum(s * 1568, HIST_ROWS - 13 * K)

    def zero_chunk(k, _):
        pltpu.sync_copy(zrow, hist.at[pl.ds(base_z + k * K, K)])
        return 0
    lax.fori_loop(0, 13, zero_chunk, 0)
    plsc.subcore_barrier()

    def super_chunk(sup, _):
        pltpu.sync_copy(dstd.at[c, s, sup], dv)
        for j in range(CPS):
            pltpu.sync_copy(ones_v, hist.at[dv.at[j]], add=True)
        return 0
    lax.fori_loop(0, NSUP, super_chunk, 0)
    plsc.subcore_barrier()

    base_w = jnp.minimum(s * 1568, NR - 1568)
    pltpu.sync_copy(hist.at[pl.ds(base_w, 1568)],
                    dout.at[pl.ds(c * NR + base_w, 1568)])



def _store_halves(q_ref, q):
    qb = q.astype(jnp.bfloat16)
    q_ref[0] = qb[:, :HB]
    q_ref[1] = qb[:, HB:]


def _mm_first_body(x_ref, ws_ref, wn_ref, b_ref, p_ref, q_ref):
    h = x_ref[...]
    p_ref[...] = (jnp.dot(h, ws_ref[...], preferred_element_type=jnp.float32)
                  + b_ref[...])
    _store_halves(q_ref, jnp.dot(h, wn_ref[...],
                                  preferred_element_type=jnp.float32))


def _mean_from(r_ref, d_ref):
    deg = jnp.maximum(d_ref[:, 0:1], 1.0)
    m = jnp.concatenate([r_ref[0], r_ref[1]], axis=1).astype(jnp.float32)
    return m / deg


def _fuse_body(p_ref, r_ref, d_ref, ws_ref, wn_ref, b_ref, f_ref, po_ref, qo_ref):
    z = p_ref[...] + _mean_from(r_ref, d_ref)
    h = jnp.where(f_ref[0, 0] > 0.0, jnp.maximum(z, 0.0), z)
    po_ref[...] = (jnp.dot(h, ws_ref[...], preferred_element_type=jnp.float32)
                   + b_ref[...])
    _store_halves(qo_ref, jnp.dot(h, wn_ref[...],
                                   preferred_element_type=jnp.float32))


_P_SPEC = pl.BlockSpec((BR, D), lambda i: (i, 0))
_Q_SPEC = pl.BlockSpec((NH, BR, HB), lambda i: (0, i, 0))
_DEG_SPEC = pl.BlockSpec((BR, 16), lambda i: (i, 0))
_W_SPEC = pl.BlockSpec((D, D), lambda i: (0, 0))
_B_SPEC = pl.BlockSpec((1, D), lambda i: (0, 0))
_F_SPEC = pl.BlockSpec((1, 1), lambda i: (0, 0))
_PQ_SHAPES = [jax.ShapeDtypeStruct((N, D), jnp.float32),
              jax.ShapeDtypeStruct((NH, N, HB), jnp.bfloat16)]


def _tc_first(x, ws, wn, b1):
    return pl.pallas_call(
        _mm_first_body,
        grid=(N // BR,),
        in_specs=[_P_SPEC, _W_SPEC, _W_SPEC, _B_SPEC],
        out_specs=[_P_SPEC, _Q_SPEC],
        out_shape=_PQ_SHAPES,
    )(x, ws, wn, b1)


def _tc_fuse(p, r, deg, ws, wn, b1, flag):
    return pl.pallas_call(
        _fuse_body,
        grid=(N // BR,),
        in_specs=[_P_SPEC, _Q_SPEC, _DEG_SPEC, _W_SPEC, _W_SPEC, _B_SPEC,
                  _F_SPEC],
        out_specs=[_P_SPEC, _Q_SPEC],
        out_shape=_PQ_SHAPES,
    )(p, r, deg, ws, wn, b1, flag)



def kernel(x, edge_index, Ws, Wn, b):
    src = edge_index[0].astype(jnp.int32)
    dst = edge_index[1].astype(jnp.int32)
    pad = E_PAD - src.shape[0]
    src_p = jnp.concatenate([src, jnp.zeros((pad,), jnp.int32)])
    dst_p = jnp.concatenate([dst, jnp.full((pad,), N, jnp.int32)])
    srcs = src_p.reshape(NS, NSUP, CPS, K)
    dst_b = dst_p.reshape(NS, NSUP, CPS, K)
    lo = (jnp.arange(NC, dtype=jnp.int32) * NR)[:, None]
    dloc = dst_p[None, :] - lo
    dst_d = jnp.where((dloc >= 0) & (dloc < NR), dloc, NR
                      ).reshape(NC, NS, NSUP, CPS, K)

    deg = _deg_sc(dst_d)
    eye = jnp.eye(D, dtype=jnp.float32)
    ws_ext = jnp.concatenate([Ws[1:], eye[None]], axis=0)
    wn_ext = jnp.concatenate([Wn[1:], jnp.zeros((1, D, D), jnp.float32)], axis=0)
    b_ext = jnp.concatenate([b[1:], jnp.zeros((1, D), jnp.float32)], axis=0)

    p, q = _tc_first(x, Ws[0], Wn[0], b[0:1])

    def layer(i, pq):
        p, q = pq
        r = _segsum_sc(q.reshape(NH * N, HB), srcs, dst_b).reshape(NH, N, HB)
        ws = lax.dynamic_index_in_dim(ws_ext, i, keepdims=False)
        wn = lax.dynamic_index_in_dim(wn_ext, i, keepdims=False)
        bi = lax.dynamic_index_in_dim(b_ext, i, keepdims=True)
        flag = jnp.where(i < 3, 1.0, 0.0).reshape(1, 1).astype(jnp.float32)
        return _tc_fuse(p, r, deg, ws, wn, bi, flag)

    p, q = lax.fori_loop(0, 4, layer, (p, q))
    return p

# --- scband reference (transcript-rebuilt; emitter-appended) ---
"""Pipeline reference for scband-spatial-block-72524817760964 (READ-ONLY COPY).

The authoritative reference and input builder live on the scoring server;
editing this copy changes nothing except your own understanding.
"""

import jax, jax.numpy as jnp
import numpy as np

N_NODES = 50000
N_EDGES = 800000
D = 64
N_LAYERS = 4

def setup_inputs(seed: int = 0) -> dict:
    key = jax.random.key(seed)
    k1, k2, k3, k4, k5 = jax.random.split(key, 5)
    x = jax.random.normal(k1, (N_NODES, D), dtype=jnp.float32)
    edge_index = jax.random.randint(k2, (2, N_EDGES), 0, N_NODES, dtype=jnp.int64)
    # GraphSAGE(in=64, out=64, num_layers=4): per-layer self weight, neighbor weight, bias
    scale = 1.0 / np.sqrt(D)
    Ws = jax.random.normal(k3, (N_LAYERS, D, D), dtype=jnp.float32) * scale
    Wn = jax.random.normal(k4, (N_LAYERS, D, D), dtype=jnp.float32) * scale
    b = jnp.zeros((N_LAYERS, D), dtype=jnp.float32)
    return {"x": x, "edge_index": edge_index, "Ws": Ws, "Wn": Wn, "b": b}

def reference(x, edge_index, Ws, Wn, b):
    # SpatialBlock.forward: runs self.graph_sage on the (x, edge_index) graph.
    # GraphSAGE with mean aggregation, 4 layers, ReLU between layers.
    src = edge_index[0]
    dst = edge_index[1]
    N = x.shape[0]
    deg = jax.ops.segment_sum(jnp.ones((src.shape[0], 1), dtype=x.dtype), dst, num_segments=N)
    deg = jnp.maximum(deg, 1.0)
    h = x
    for i in range(N_LAYERS):
        msg = h[src]  # gather from source nodes
        agg = jax.ops.segment_sum(msg, dst, num_segments=N)  # scatter-add to dst
        mean = agg / deg
        h = h @ Ws[i] + mean @ Wn[i] + b[i]
        if i < N_LAYERS - 1:
            h = jax.nn.relu(h)
    return h

if __name__ == "__main__":
    import jax
    _d = setup_inputs()
    print(jax.jit(kernel)(*tuple(_d.values())))

</pallas_src>

<mosaic_0001>
#map = affine_map<(d0, d1) -> (0, 0)>
#map1 = affine_map<(d0, d1) -> (0, 0, 0, 0)>
module attributes {stable_mosaic.version = 14 : i64} {
  func.func @_segsum_sc(%arg0: i32, %arg1: i32, %arg2: memref<100000x32xbf16, #tpu.memory_space<hbm>>, %arg3: memref<16x26x16x128xi32, #tpu.memory_space<hbm>>, %arg4: memref<16x26x16x128xi32, #tpu.memory_space<hbm>>, %arg5: memref<100000x32xbf16, #tpu.memory_space<hbm>>, %arg6: memref<2x16x128xi32, #tpu.memory_space<vmem>>, %arg7: memref<2x16x128xi32, #tpu.memory_space<vmem>>, %arg8: memref<2x16x128x32xbf16, #tpu.memory_space<vmem>>, %arg9: memref<128x32xbf16, #tpu.memory_space<vmem>>, %arg10: memref<50008x32xbf16, #tpu.memory_space<vmem_shared>>, %arg11: memref<!tpu.dma_semaphore, #tpu.memory_space<semaphore_mem>>, %arg12: memref<!tpu.dma_semaphore, #tpu.memory_space<semaphore_mem>>) attributes {dimension_semantics = [#tpu.dimension_semantics<core_parallel>, #tpu.dimension_semantics<subcore_parallel>], iteration_bounds = array<i64: 2, 16>, scalar_prefetch = 0 : i64, scratch_operands = 7 : i64, tpu.core_type = #tpu.core_type<sc_vector_subcore>, window_params = [{transform_indices = #map}, {transform_indices = #map1}, {transform_indices = #map1}, {transform_indices = #map}]} {
    %scan3A = arith.constant 0 : i32
    %scan3A_0 = arith.constant 0 : i32
    %scan3A_1 = arith.constant 128 : i32
    %scan3A_2 = arith.addi %scan3A_0, %scan3A_1 : i32
    %scan3A_3 = arith.constant 1 : i32
    %scan3A_4 = scf.for %scan3A_499 = %scan3A_0 to %scan3A_2 step %scan3A_3 iter_args(%scan3A_500 = %scan3A) -> (i32)  : i32 {
      %broadcast_in_dim3A = arith.constant 0.000000e+00 : bf16
      %broadcast_in_dim3A_501 = vector.broadcast %broadcast_in_dim3A : bf16 to vector<32xbf16>
      %swap3A = arith.index_cast %scan3A_499 : i32 to index
      %swap3A_502 = arith.constant 0 : index
      %swap3A_503 = tpu.vector_load %arg9[%swap3A, %swap3A_502] {strides = array<i32>} : memref<128x32xbf16, #tpu.memory_space<vmem>>, vector<1x32xbf16>,
      %swap3A_504 = vector.shape_cast %swap3A_503 : vector<1x32xbf16> to vector<32xbf16>
      %swap3A_505 = vector.shape_cast %broadcast_in_dim3A_501 : vector<32xbf16> to vector<1x32xbf16>
      tpu.vector_store %arg9[%swap3A, %swap3A_502], %swap3A_505 {strides = array<i32>} : memref<128x32xbf16, #tpu.memory_space<vmem>>, vector<1x32xbf16>,
      %scan3A_506 = arith.constant 0 : i32
      scf.yield %scan3A_506 : i32
    }
    %scan3A_5 = arith.constant 128 : i32
    %mul3A = arith.constant 3200 : i32
    %mul3A_6 = arith.muli %arg1, %mul3A : i32
    %min3A = arith.constant 46808 : i32
    %min3A_7 = arith.minsi %mul3A_6, %min3A : i32
    %mul3A_8 = arith.constant 3128 : i32
    %mul3A_9 = arith.muli %arg1, %mul3A_8 : i32
    %min3A_10 = arith.constant 46872 : i32
    %min3A_11 = arith.minsi %mul3A_9, %min3A_10 : i32
    %mul3A_12 = arith.constant 50000 : i32
    %mul3A_13 = arith.muli %arg0, %mul3A_12 : i32
    %scan3A_14 = arith.constant 0 : i32
    %scan3A_15 = arith.constant 0 : i32
    %scan3A_16 = arith.constant 25 : i32
    %scan3A_17 = arith.addi %scan3A_15, %scan3A_16 : i32
    %scan3A_18 = arith.constant 1 : i32
    %scan3A_19 = scf.for %scan3A_499 = %scan3A_15 to %scan3A_17 step %scan3A_18 iter_args(%scan3A_500 = %scan3A_14) -> (i32)  : i32 {
      %mul3A_501 = arith.constant 128 : i32
      %mul3A_502 = arith.muli %scan3A_499, %mul3A_501 : i32
      %add3A_503 = arith.addi %min3A_7, %mul3A_502 : i32
      "tpu.region"() ({
        %run_scoped3A_505 = tpu.sem_alloc : memref<!tpu.dma_semaphore, #tpu.memory_space<semaphore_mem>>
        %dma_start3A_506 = arith.constant 0 : i32
        %dma_start3A_507 = tpu.memref_slice %arg10[%add3A_503, %dma_start3A_506] : memref<50008x32xbf16, #tpu.memory_space<vmem_shared>> -> memref<128x32xbf16, #tpu.memory_space<vmem_shared>>
        %dma_start3A_508 = arith.constant 0 : i32
        %dma_start3A_509 = tpu.memref_slice %arg10[%add3A_503, %dma_start3A_508] : memref<50008x32xbf16, #tpu.memory_space<vmem_shared>> -> memref<128x32xbf16, #tpu.memory_space<vmem_shared>>
        tpu.enqueue_dma source(%arg9 : memref<128x32xbf16, #tpu.memory_space<vmem>>) target(%dma_start3A_509 : memref<128x32xbf16, #tpu.memory_space<vmem_shared>>) target_semaphore(%run_scoped3A_505 : memref<!tpu.dma_semaphore, #tpu.memory_space<semaphore_mem>>)
        %dma_wait3A = arith.constant 0 : i32
        %dma_wait3A_510 = tpu.memref_slice %arg10[%add3A_503, %dma_wait3A] : memref<50008x32xbf16, #tpu.memory_space<vmem_shared>> -> memref<128x32xbf16, #tpu.memory_space<vmem_shared>>
        %dma_wait3A_511 = arith.constant 0 : i32
        %dma_wait3A_512 = tpu.memref_slice %arg10[%add3A_503, %dma_wait3A_511] : memref<50008x32xbf16, #tpu.memory_space<vmem_shared>> -> memref<128x32xbf16, #tpu.memory_space<vmem_shared>>
        tpu.wait_dma2 semaphore(%run_scoped3A_505 : memref<!tpu.dma_semaphore, #tpu.memory_space<semaphore_mem>>) src(%arg9 : memref<128x32xbf16, #tpu.memory_space<vmem>>) dst(%dma_wait3A_512 : memref<128x32xbf16, #tpu.memory_space<vmem_shared>>)
        tpu.yield
      }) : () -> ()
      %scan3A_504 = arith.constant 0 : i32
      scf.yield %scan3A_504 : i32
    }
    %scan3A_20 = arith.constant 25 : i32
    %barrier3A = arith.constant 0 : index
    tpu.barrier barrier_id(%barrier3A)
    %run_scoped3A = arith.constant 0 : i32
    %run_scoped3A_21 = arith.constant 0 : i32
    "tpu.region"() ({
      %run_scoped3A_499 = tpu.sem_alloc : memref<!tpu.dma_semaphore, #tpu.memory_space<semaphore_mem>>
      %dma_start3A_500 = arith.constant 0 : i32
      %dma_start3A_501 = arith.constant 0 : i32
      %dma_start3A_502 = tpu.memref_slice %arg6[%run_scoped3A_21, %dma_start3A_500, %dma_start3A_501] : memref<2x16x128xi32, #tpu.memory_space<vmem>> -> memref<1x16x128xi32, #tpu.memory_space<vmem>>
      %dma_start3A_503 = tpu.memref_squeeze %dma_start3A_502 : memref<1x16x128xi32, #tpu.memory_space<vmem>> -> memref<16x128xi32, #tpu.memory_space<vmem>>
      %dma_start3A_504 = arith.constant 0 : i32
      %dma_start3A_505 = arith.constant 0 : i32
      %dma_start3A_506 = tpu.memref_slice %arg3[%arg1, %run_scoped3A, %dma_start3A_504, %dma_start3A_505] : memref<16x26x16x128xi32, #tpu.memory_space<hbm>> -> memref<1x1x16x128xi32, #tpu.memory_space<hbm>>
      %dma_start3A_507 = tpu.memref_squeeze %dma_start3A_506 : memref<1x1x16x128xi32, #tpu.memory_space<hbm>> -> memref<16x128xi32, #tpu.memory_space<hbm>>
      %dma_start3A_508 = arith.constant 0 : i32
      %dma_start3A_509 = arith.constant 0 : i32
      %dma_start3A_510 = tpu.memref_slice %arg6[%run_scoped3A_21, %dma_start3A_508, %dma_start3A_509] : memref<2x16x128xi32, #tpu.memory_space<vmem>> -> memref<1x16x128xi32, #tpu.memory_space<vmem>>
      %dma_start3A_511 = tpu.memref_squeeze %dma_start3A_510 : memref<1x16x128xi32, #tpu.memory_space<vmem>> -> memref<16x128xi32, #tpu.memory_space<vmem>>
      %dma_start3A_512 = arith.constant 0 : i32
      %dma_start3A_513 = arith.constant 0 : i32
      %dma_start3A_514 = tpu.memref_slice %arg3[%arg1, %run_scoped3A, %dma_start3A_512, %dma_start3A_513] : memref<16x26x16x128xi32, #tpu.memory_space<hbm>> -> memref<1x1x16x128xi32, #tpu.memory_space<hbm>>
      %dma_start3A_515 = tpu.memref_squeeze %dma_start3A_514 : memref<1x1x16x128xi32, #tpu.memory_space<hbm>> -> memref<16x128xi32, #tpu.memory_space<hbm>>
      tpu.enqueue_dma source(%dma_start3A_515 : memref<16x128xi32, #tpu.memory_space<hbm>>) target(%dma_start3A_511 : memref<16x128xi32, #tpu.memory_space<vmem>>) target_semaphore(%run_scoped3A_499 : memref<!tpu.dma_semaphore, #tpu.memory_space<semaphore_mem>>)
      %dma_wait3A = arith.constant 0 : i32
      %dma_wait3A_516 = arith.constant 0 : i32
      %dma_wait3A_517 = tpu.memref_slice %arg6[%run_scoped3A_21, %dma_wait3A, %dma_wait3A_516] : memref<2x16x128xi32, #tpu.memory_space<vmem>> -> memref<1x16x128xi32, #tpu.memory_space<vmem>>
      %dma_wait3A_518 = tpu.memref_squeeze %dma_wait3A_517 : memref<1x16x128xi32, #tpu.memory_space<vmem>> -> memref<16x128xi32, #tpu.memory_space<vmem>>
      %dma_wait3A_519 = arith.constant 0 : i32
      %dma_wait3A_520 = arith.constant 0 : i32
      %dma_wait3A_521 = tpu.memref_slice %arg3[%arg1, %run_scoped3A, %dma_wait3A_519, %dma_wait3A_520] : memref<16x26x16x128xi32, #tpu.memory_space<hbm>> -> memref<1x1x16x128xi32, #tpu.memory_space<hbm>>
      %dma_wait3A_522 = tpu.memref_squeeze %dma_wait3A_521 : memref<1x1x16x128xi32, #tpu.memory_space<hbm>> -> memref<16x128xi32, #tpu.memory_space<hbm>>
      %dma_wait3A_523 = arith.constant 0 : i32
      %dma_wait3A_524 = arith.constant 0 : i32
      %dma_wait3A_525 = tpu.memref_slice %arg6[%run_scoped3A_21, %dma_wait3A_523, %dma_wait3A_524] : memref<2x16x128xi32, #tpu.memory_space<vmem>> -> memref<1x16x128xi32, #tpu.memory_space<vmem>>
      %dma_wait3A_526 = tpu.memref_squeeze %dma_wait3A_525 : memref<1x16x128xi32, #tpu.memory_space<vmem>> -> memref<16x128xi32, #tpu.memory_space<vmem>>
      %dma_wait3A_527 = arith.constant 0 : i32
      %dma_wait3A_528 = arith.constant 0 : i32
      %dma_wait3A_529 = tpu.memref_slice %arg3[%arg1, %run_scoped3A, %dma_wait3A_527, %dma_wait3A_528] : memref<16x26x16x128xi32, #tpu.memory_space<hbm>> -> memref<1x1x16x128xi32, #tpu.memory_space<hbm>>
      %dma_wait3A_530 = tpu.memref_squeeze %dma_wait3A_529 : memref<1x1x16x128xi32, #tpu.memory_space<hbm>> -> memref<16x128xi32, #tpu.memory_space<hbm>>
      tpu.wait_dma2 semaphore(%run_scoped3A_499 : memref<!tpu.dma_semaphore, #tpu.memory_space<semaphore_mem>>) src(%dma_wait3A_530 : memref<16x128xi32, #tpu.memory_space<hbm>>) dst(%dma_wait3A_526 : memref<16x128xi32, #tpu.memory_space<vmem>>)
      tpu.yield
    }) : () -> ()
    %run_scoped3A_22 = arith.constant 0 : i32
    %run_scoped3A_23 = arith.constant 0 : i32
    "tpu.region"() ({
      %run_scoped3A_499 = tpu.sem_alloc : memref<!tpu.dma_semaphore, #tpu.memory_space<semaphore_mem>>
      %dma_start3A_500 = arith.constant 0 : i32
      %dma_start3A_501 = arith.constant 0 : i32
      %dma_start3A_502 = tpu.memref_slice %arg7[%run_scoped3A_23, %dma_start3A_500, %dma_start3A_501] : memref<2x16x128xi32, #tpu.memory_space<vmem>> -> memref<1x16x128xi32, #tpu.memory_space<vmem>>
      %dma_start3A_503 = tpu.memref_squeeze %dma_start3A_502 : memref<1x16x128xi32, #tpu.memory_space<vmem>> -> memref<16x128xi32, #tpu.memory_space<vmem>>
      %dma_start3A_504 = arith.constant 0 : i32
      %dma_start3A_505 = arith.constant 0 : i32
      %dma_start3A_506 = tpu.memref_slice %arg4[%arg1, %run_scoped3A_22, %dma_start3A_504, %dma_start3A_505] : memref<16x26x16x128xi32, #tpu.memory_space<hbm>> -> memref<1x1x16x128xi32, #tpu.memory_space<hbm>>
      %dma_start3A_507 = tpu.memref_squeeze %dma_start3A_506 : memref<1x1x16x128xi32, #tpu.memory_space<hbm>> -> memref<16x128xi32, #tpu.memory_space<hbm>>
      %dma_start3A_508 = arith.constant 0 : i32
      %dma_start3A_509 = arith.constant 0 : i32
      %dma_start3A_510 = tpu.memref_slice %arg7[%run_scoped3A_23, %dma_start3A_508, %dma_start3A_509] : memref<2x16x128xi32, #tpu.memory_space<vmem>> -> memref<1x16x128xi32, #tpu.memory_space<vmem>>
      %dma_start3A_511 = tpu.memref_squeeze %dma_start3A_510 : memref<1x16x128xi32, #tpu.memory_space<vmem>> -> memref<16x128xi32, #tpu.memory_space<vmem>>
      %dma_start3A_512 = arith.constant 0 : i32
      %dma_start3A_513 = arith.constant 0 : i32
      %dma_start3A_514 = tpu.memref_slice %arg4[%arg1, %run_scoped3A_22, %dma_start3A_512, %dma_start3A_513] : memref<16x26x16x128xi32, #tpu.memory_space<hbm>> -> memref<1x1x16x128xi32, #tpu.memory_space<hbm>>
      %dma_start3A_515 = tpu.memref_squeeze %dma_start3A_514 : memref<1x1x16x128xi32, #tpu.memory_space<hbm>> -> memref<16x128xi32, #tpu.memory_space<hbm>>
      tpu.enqueue_dma source(%dma_start3A_515 : memref<16x128xi32, #tpu.memory_space<hbm>>) target(%dma_start3A_511 : memref<16x128xi32, #tpu.memory_space<vmem>>) target_semaphore(%run_scoped3A_499 : memref<!tpu.dma_semaphore, #tpu.memory_space<semaphore_mem>>)
      %dma_wait3A = arith.constant 0 : i32
      %dma_wait3A_516 = arith.constant 0 : i32
      %dma_wait3A_517 = tpu.memref_slice %arg7[%run_scoped3A_23, %dma_wait3A, %dma_wait3A_516] : memref<2x16x128xi32, #tpu.memory_space<vmem>> -> memref<1x16x128xi32, #tpu.memory_space<vmem>>
      %dma_wait3A_518 = tpu.memref_squeeze %dma_wait3A_517 : memref<1x16x128xi32, #tpu.memory_space<vmem>> -> memref<16x128xi32, #tpu.memory_space<vmem>>
      %dma_wait3A_519 = arith.constant 0 : i32
      %dma_wait3A_520 = arith.constant 0 : i32
      %dma_wait3A_521 = tpu.memref_slice %arg4[%arg1, %run_scoped3A_22, %dma_wait3A_519, %dma_wait3A_520] : memref<16x26x16x128xi32, #tpu.memory_space<hbm>> -> memref<1x1x16x128xi32, #tpu.memory_space<hbm>>
      %dma_wait3A_522 = tpu.memref_squeeze %dma_wait3A_521 : memref<1x1x16x128xi32, #tpu.memory_space<hbm>> -> memref<16x128xi32, #tpu.memory_space<hbm>>
      %dma_wait3A_523 = arith.constant 0 : i32
      %dma_wait3A_524 = arith.constant 0 : i32
      %dma_wait3A_525 = tpu.memref_slice %arg7[%run_scoped3A_23, %dma_wait3A_523, %dma_wait3A_524] : memref<2x16x128xi32, #tpu.memory_space<vmem>> -> memref<1x16x128xi32, #tpu.memory_space<vmem>>
      %dma_wait3A_526 = tpu.memref_squeeze %dma_wait3A_525 : memref<1x16x128xi32, #tpu.memory_space<vmem>> -> memref<16x128xi32, #tpu.memory_space<vmem>>
      %dma_wait3A_527 = arith.constant 0 : i32
      %dma_wait3A_528 = arith.constant 0 : i32
      %dma_wait3A_529 = tpu.memref_slice %arg4[%arg1, %run_scoped3A_22, %dma_wait3A_527, %dma_wait3A_528] : memref<16x26x16x128xi32, #tpu.memory_space<hbm>> -> memref<1x1x16x128xi32, #tpu.memory_space<hbm>>
      %dma_wait3A_530 = tpu.memref_squeeze %dma_wait3A_529 : memref<1x1x16x128xi32, #tpu.memory_space<hbm>> -> memref<16x128xi32, #tpu.memory_space<hbm>>
      tpu.wait_dma2 semaphore(%run_scoped3A_499 : memref<!tpu.dma_semaphore, #tpu.memory_space<semaphore_mem>>) src(%dma_wait3A_530 : memref<16x128xi32, #tpu.memory_space<hbm>>) dst(%dma_wait3A_526 : memref<16x128xi32, #tpu.memory_space<vmem>>)
      tpu.yield
    }) : () -> ()
    %scan3A_24 = arith.constant 0 : i32
    %scan3A_25 = arith.constant 0 : i32
    %scan3A_26 = arith.constant 16 : i32
    %scan3A_27 = arith.addi %scan3A_25, %scan3A_26 : i32
    %scan3A_28 = arith.constant 1 : i32
    %scan3A_29 = scf.for %scan3A_499 = %scan3A_25 to %scan3A_27 step %scan3A_28 iter_args(%scan3A_500 = %scan3A_24) -> (i32)  : i32 {
      %scan3A_501 = arith.constant 0 : i32
      %scan3A_502 = arith.constant 0 : i32
      %scan3A_503 = arith.constant 8 : i32
      %scan3A_504 = arith.addi %scan3A_502, %scan3A_503 : i32
      %scan3A_505 = arith.constant 1 : i32
      %scan3A_506 = scf.for %scan3A_509 = %scan3A_502 to %scan3A_504 step %scan3A_505 iter_args(%scan3A_510 = %scan3A_501) -> (i32)  : i32 {
        %mul3A_511 = arith.constant 16 : i32
        %mul3A_512 = arith.muli %scan3A_509, %mul3A_511 : i32
        %get3A = arith.constant 0 : i32
        %get3A_513 = arith.index_cast %get3A : i32 to index
        %get3A_514 = arith.index_cast %scan3A_499 : i32 to index
        %get3A_515 = arith.index_cast %mul3A_512 : i32 to index
        %get3A_516 = tpu.vector_load %arg6[%get3A_513, %get3A_514, %get3A_515] {strides = array<i32>} : memref<2x16x128xi32, #tpu.memory_space<vmem>>, vector<1x1x16xi32>,
        %get3A_517 = vector.shape_cast %get3A_516 : vector<1x1x16xi32> to vector<16xi32>
        %add3A_518 = vector.broadcast %mul3A_13 : i32 to vector<16xi32>
        %add3A_519 = arith.addi %get3A_517, %add3A_518 : vector<16xi32>
        %mul3A_520 = arith.constant 16 : i32
        %mul3A_521 = arith.muli %scan3A_509, %mul3A_520 : i32
        %swap3A = arith.constant 0 : i32
        %swap3A_522 = arith.index_cast %swap3A : i32 to index
        %swap3A_523 = arith.index_cast %scan3A_499 : i32 to index
        %swap3A_524 = arith.index_cast %mul3A_521 : i32 to index
        %swap3A_525 = tpu.vector_load %arg6[%swap3A_522, %swap3A_523, %swap3A_524] {strides = array<i32>} : memref<2x16x128xi32, #tpu.memory_space<vmem>>, vector<1x1x16xi32>,
        %swap3A_526 = vector.shape_cast %swap3A_525 : vector<1x1x16xi32> to vector<16xi32>
        %swap3A_527 = vector.shape_cast %add3A_519 : vector<16xi32> to vector<1x1x16xi32>
        tpu.vector_store %arg6[%swap3A_522, %swap3A_523, %swap3A_524], %swap3A_527 {strides = array<i32>} : memref<2x16x128xi32, #tpu.memory_space<vmem>>, vector<1x1x16xi32>,
        %scan3A_528 = arith.constant 0 : i32
        scf.yield %scan3A_528 : i32
      }
      %scan3A_507 = arith.constant 8 : i32
      %scan3A_508 = arith.constant 0 : i32
      scf.yield %scan3A_508 : i32
    }
    %scan3A_30 = arith.constant 16 : i32
    %dma_start3A = arith.constant 0 : i32
    %dma_start3A_31 = arith.constant 0 : i32
    %dma_start3A_32 = arith.constant 0 : i32
    %dma_start3A_33 = arith.constant 0 : i32
    %dma_start3A_34 = arith.constant 0 : i32
    %dma_start3A_35 = arith.constant 0 : i32
    %dma_start3A_36 = tpu.memref_slice %arg8[%dma_start3A_32, %dma_start3A_33, %dma_start3A_34, %dma_start3A_35] : memref<2x16x128x32xbf16, #tpu.memory_space<vmem>> -> memref<1x1x128x32xbf16, #tpu.memory_space<vmem>>
    %dma_start3A_37 = tpu.memref_squeeze %dma_start3A_36 : memref<1x1x128x32xbf16, #tpu.memory_space<vmem>> -> memref<128x32xbf16, #tpu.memory_space<vmem>>
    %dma_start3A_38 = arith.constant 0 : i32
    %dma_start3A_39 = tpu.memref_slice %arg6[%dma_start3A, %dma_start3A_31, %dma_start3A_38] : memref<2x16x128xi32, #tpu.memory_space<vmem>> -> memref<1x1x128xi32, #tpu.memory_space<vmem>>
    %dma_start3A_40 = tpu.memref_squeeze %dma_start3A_39 : memref<1x1x128xi32, #tpu.memory_space<vmem>> -> memref<128xi32, #tpu.memory_space<vmem>>
    %dma_start3A_41 = arith.constant 0 : i32
    %dma_start3A_42 = arith.constant 0 : i32
    %dma_start3A_43 = tpu.memref_slice %arg2[%dma_start3A_41, %dma_start3A_42] : memref<100000x32xbf16, #tpu.memory_space<hbm>> -> memref<100000x32xbf16, #tpu.memory_space<hbm>>
    tpu.enqueue_indirect_dma source(%dma_start3A_43 : memref<100000x32xbf16, #tpu.memory_space<hbm>>) target(%dma_start3A_37 : memref<128x32xbf16, #tpu.memory_space<vmem>>) offsets(%dma_start3A_40 : memref<128xi32, #tpu.memory_space<vmem>>) semaphore(%arg11 : memref<!tpu.dma_semaphore, #tpu.memory_space<semaphore_mem>>)
    %dma_start3A_44 = arith.constant 0 : i32
    %dma_start3A_45 = arith.constant 1 : i32
    %dma_start3A_46 = arith.constant 0 : i32
    %dma_start3A_47 = arith.constant 1 : i32
    %dma_start3A_48 = arith.constant 0 : i32
    %dma_start3A_49 = arith.constant 0 : i32
    %dma_start3A_50 = tpu.memref_slice %arg8[%dma_start3A_46, %dma_start3A_47, %dma_start3A_48, %dma_start3A_49] : memref<2x16x128x32xbf16, #tpu.memory_space<vmem>> -> memref<1x1x128x32xbf16, #tpu.memory_space<vmem>>
    %dma_start3A_51 = tpu.memref_squeeze %dma_start3A_50 : memref<1x1x128x32xbf16, #tpu.memory_space<vmem>> -> memref<128x32xbf16, #tpu.memory_space<vmem>>
    %dma_start3A_52 = arith.constant 0 : i32
    %dma_start3A_53 = tpu.memref_slice %arg6[%dma_start3A_44, %dma_start3A_45, %dma_start3A_52] : memref<2x16x128xi32, #tpu.memory_space<vmem>> -> memref<1x1x128xi32, #tpu.memory_space<vmem>>
    %dma_start3A_54 = tpu.memref_squeeze %dma_start3A_53 : memref<1x1x128xi32, #tpu.memory_space<vmem>> -> memref<128xi32, #tpu.memory_space<vmem>>
    %dma_start3A_55 = arith.constant 0 : i32
    %dma_start3A_56 = arith.constant 0 : i32
    %dma_start3A_57 = tpu.memref_slice %arg2[%dma_start3A_55, %dma_start3A_56] : memref<100000x32xbf16, #tpu.memory_space<hbm>> -> memref<100000x32xbf16, #tpu.memory_space<hbm>>
    tpu.enqueue_indirect_dma source(%dma_start3A_57 : memref<100000x32xbf16, #tpu.memory_space<hbm>>) target(%dma_start3A_51 : memref<128x32xbf16, #tpu.memory_space<vmem>>) offsets(%dma_start3A_54 : memref<128xi32, #tpu.memory_space<vmem>>) semaphore(%arg11 : memref<!tpu.dma_semaphore, #tpu.memory_space<semaphore_mem>>)
    %dma_start3A_58 = arith.constant 0 : i32
    %dma_start3A_59 = arith.constant 2 : i32
    %dma_start3A_60 = arith.constant 0 : i32
    %dma_start3A_61 = arith.constant 2 : i32
    %dma_start3A_62 = arith.constant 0 : i32
    %dma_start3A_63 = arith.constant 0 : i32
    %dma_start3A_64 = tpu.memref_slice %arg8[%dma_start3A_60, %dma_start3A_61, %dma_start3A_62, %dma_start3A_63] : memref<2x16x128x32xbf16, #tpu.memory_space<vmem>> -> memref<1x1x128x32xbf16, #tpu.memory_space<vmem>>
    %dma_start3A_65 = tpu.memref_squeeze %dma_start3A_64 : memref<1x1x128x32xbf16, #tpu.memory_space<vmem>> -> memref<128x32xbf16, #tpu.memory_space<vmem>>
    %dma_start3A_66 = arith.constant 0 : i32
    %dma_start3A_67 = tpu.memref_slice %arg6[%dma_start3A_58, %dma_start3A_59, %dma_start3A_66] : memref<2x16x128xi32, #tpu.memory_space<vmem>> -> memref<1x1x128xi32, #tpu.memory_space<vmem>>
    %dma_start3A_68 = tpu.memref_squeeze %dma_start3A_67 : memref<1x1x128xi32, #tpu.memory_space<vmem>> -> memref<128xi32, #tpu.memory_space<vmem>>
    %dma_start3A_69 = arith.constant 0 : i32
    %dma_start3A_70 = arith.constant 0 : i32
    %dma_start3A_71 = tpu.memref_slice %arg2[%dma_start3A_69, %dma_start3A_70] : memref<100000x32xbf16, #tpu.memory_space<hbm>> -> memref<100000x32xbf16, #tpu.memory_space<hbm>>
    tpu.enqueue_indirect_dma source(%dma_start3A_71 : memref<100000x32xbf16, #tpu.memory_space<hbm>>) target(%dma_start3A_65 : memref<128x32xbf16, #tpu.memory_space<vmem>>) offsets(%dma_start3A_68 : memref<128xi32, #tpu.memory_space<vmem>>) semaphore(%arg11 : memref<!tpu.dma_semaphore, #tpu.memory_space<semaphore_mem>>)
    %dma_start3A_72 = arith.constant 0 : i32
    %dma_start3A_73 = arith.constant 3 : i32
    %dma_start3A_74 = arith.constant 0 : i32
    %dma_start3A_75 = arith.constant 3 : i32
    %dma_start3A_76 = arith.constant 0 : i32
    %dma_start3A_77 = arith.constant 0 : i32
    %dma_start3A_78 = tpu.memref_slice %arg8[%dma_start3A_74, %dma_start3A_75, %dma_start3A_76, %dma_start3A_77] : memref<2x16x128x32xbf16, #tpu.memory_space<vmem>> -> memref<1x1x128x32xbf16, #tpu.memory_space<vmem>>
    %dma_start3A_79 = tpu.memref_squeeze %dma_start3A_78 : memref<1x1x128x32xbf16, #tpu.memory_space<vmem>> -> memref<128x32xbf16, #tpu.memory_space<vmem>>
    %dma_start3A_80 = arith.constant 0 : i32
    %dma_start3A_81 = tpu.memref_slice %arg6[%dma_start3A_72, %dma_start3A_73, %dma_start3A_80] : memref<2x16x128xi32, #tpu.memory_space<vmem>> -> memref<1x1x128xi32, #tpu.memory_space<vmem>>
    %dma_start3A_82 = tpu.memref_squeeze %dma_start3A_81 : memref<1x1x128xi32, #tpu.memory_space<vmem>> -> memref<128xi32, #tpu.memory_space<vmem>>
    %dma_start3A_83 = arith.constant 0 : i32
    %dma_start3A_84 = arith.constant 0 : i32
    %dma_start3A_85 = tpu.memref_slice %arg2[%dma_start3A_83, %dma_start3A_84] : memref<100000x32xbf16, #tpu.memory_space<hbm>> -> memref<100000x32xbf16, #tpu.memory_space<hbm>>
    tpu.enqueue_indirect_dma source(%dma_start3A_85 : memref<100000x32xbf16, #tpu.memory_space<hbm>>) target(%dma_start3A_79 : memref<128x32xbf16, #tpu.memory_space<vmem>>) offsets(%dma_start3A_82 : memref<128xi32, #tpu.memory_space<vmem>>) semaphore(%arg11 : memref<!tpu.dma_semaphore, #tpu.memory_space<semaphore_mem>>)
    %dma_start3A_86 = arith.constant 0 : i32
    %dma_start3A_87 = arith.constant 4 : i32
    %dma_start3A_88 = arith.constant 0 : i32
    %dma_start3A_89 = arith.constant 4 : i32
    %dma_start3A_90 = arith.constant 0 : i32
    %dma_start3A_91 = arith.constant 0 : i32
    %dma_start3A_92 = tpu.memref_slice %arg8[%dma_start3A_88, %dma_start3A_89, %dma_start3A_90, %dma_start3A_91] : memref<2x16x128x32xbf16, #tpu.memory_space<vmem>> -> memref<1x1x128x32xbf16, #tpu.memory_space<vmem>>
    %dma_start3A_93 = tpu.memref_squeeze %dma_start3A_92 : memref<1x1x128x32xbf16, #tpu.memory_space<vmem>> -> memref<128x32xbf16, #tpu.memory_space<vmem>>
    %dma_start3A_94 = arith.constant 0 : i32
    %dma_start3A_95 = tpu.memref_slice %arg6[%dma_start3A_86, %dma_start3A_87, %dma_start3A_94] : memref<2x16x128xi32, #tpu.memory_space<vmem>> -> memref<1x1x128xi32, #tpu.memory_space<vmem>>
    %dma_start3A_96 = tpu.memref_squeeze %dma_start3A_95 : memref<1x1x128xi32, #tpu.memory_space<vmem>> -> memref<128xi32, #tpu.memory_space<vmem>>
    %dma_start3A_97 = arith.constant 0 : i32
    %dma_start3A_98 = arith.constant 0 : i32
    %dma_start3A_99 = tpu.memref_slice %arg2[%dma_start3A_97, %dma_start3A_98] : memref<100000x32xbf16, #tpu.memory_space<hbm>> -> memref<100000x32xbf16, #tpu.memory_space<hbm>>
    tpu.enqueue_indirect_dma source(%dma_start3A_99 : memref<100000x32xbf16, #tpu.memory_space<hbm>>) target(%dma_start3A_93 : memref<128x32xbf16, #tpu.memory_space<vmem>>) offsets(%dma_start3A_96 : memref<128xi32, #tpu.memory_space<vmem>>) semaphore(%arg11 : memref<!tpu.dma_semaphore, #tpu.memory_space<semaphore_mem>>)
    %dma_start3A_100 = arith.constant 0 : i32
    %dma_start3A_101 = arith.constant 5 : i32
    %dma_start3A_102 = arith.constant 0 : i32
    %dma_start3A_103 = arith.constant 5 : i32
    %dma_start3A_104 = arith.constant 0 : i32
    %dma_start3A_105 = arith.constant 0 : i32
    %dma_start3A_106 = tpu.memref_slice %arg8[%dma_start3A_102, %dma_start3A_103, %dma_start3A_104, %dma_start3A_105] : memref<2x16x128x32xbf16, #tpu.memory_space<vmem>> -> memref<1x1x128x32xbf16, #tpu.memory_space<vmem>>
    %dma_start3A_107 = tpu.memref_squeeze %dma_start3A_106 : memref<1x1x128x32xbf16, #tpu.memory_space<vmem>> -> memref<128x32xbf16, #tpu.memory_space<vmem>>
    %dma_start3A_108 = arith.constant 0 : i32
    %dma_start3A_109 = tpu.memref_slice %arg6[%dma_start3A_100, %dma_start3A_101, %dma_start3A_108] : memref<2x16x128xi32, #tpu.memory_space<vmem>> -> memref<1x1x128xi32, #tpu.memory_space<vmem>>
    %dma_start3A_110 = tpu.memref_squeeze %dma_start3A_109 : memref<1x1x128xi32, #tpu.memory_space<vmem>> -> memref<128xi32, #tpu.memory_space<vmem>>
    %dma_start3A_111 = arith.constant 0 : i32
    %dma_start3A_112 = arith.constant 0 : i32
    %dma_start3A_113 = tpu.memref_slice %arg2[%dma_start3A_111, %dma_start3A_112] : memref<100000x32xbf16, #tpu.memory_space<hbm>> -> memref<100000x32xbf16, #tpu.memory_space<hbm>>
    tpu.enqueue_indirect_dma source(%dma_start3A_113 : memref<100000x32xbf16, #tpu.memory_space<hbm>>) target(%dma_start3A_107 : memref<128x32xbf16, #tpu.memory_space<vmem>>) offsets(%dma_start3A_110 : memref<128xi32, #tpu.memory_space<vmem>>) semaphore(%arg11 : memref<!tpu.dma_semaphore, #tpu.memory_space<semaphore_mem>>)
    %dma_start3A_114 = arith.constant 0 : i32
    %dma_start3A_115 = arith.constant 6 : i32
    %dma_start3A_116 = arith.constant 0 : i32
    %dma_start3A_117 = arith.constant 6 : i32
    %dma_start3A_118 = arith.constant 0 : i32
    %dma_start3A_119 = arith.constant 0 : i32
    %dma_start3A_120 = tpu.memref_slice %arg8[%dma_start3A_116, %dma_start3A_117, %dma_start3A_118, %dma_start3A_119] : memref<2x16x128x32xbf16, #tpu.memory_space<vmem>> -> memref<1x1x128x32xbf16, #tpu.memory_space<vmem>>
    %dma_start3A_121 = tpu.memref_squeeze %dma_start3A_120 : memref<1x1x128x32xbf16, #tpu.memory_space<vmem>> -> memref<128x32xbf16, #tpu.memory_space<vmem>>
    %dma_start3A_122 = arith.constant 0 : i32
    %dma_start3A_123 = tpu.memref_slice %arg6[%dma_start3A_114, %dma_start3A_115, %dma_start3A_122] : memref<2x16x128xi32, #tpu.memory_space<vmem>> -> memref<1x1x128xi32, #tpu.memory_space<vmem>>
    %dma_start3A_124 = tpu.memref_squeeze %dma_start3A_123 : memref<1x1x128xi32, #tpu.memory_space<vmem>> -> memref<128xi32, #tpu.memory_space<vmem>>
    %dma_start3A_125 = arith.constant 0 : i32
    %dma_start3A_126 = arith.constant 0 : i32
    %dma_start3A_127 = tpu.memref_slice %arg2[%dma_start3A_125, %dma_start3A_126] : memref<100000x32xbf16, #tpu.memory_space<hbm>> -> memref<100000x32xbf16, #tpu.memory_space<hbm>>
    tpu.enqueue_indirect_dma source(%dma_start3A_127 : memref<100000x32xbf16, #tpu.memory_space<hbm>>) target(%dma_start3A_121 : memref<128x32xbf16, #tpu.memory_space<vmem>>) offsets(%dma_start3A_124 : memref<128xi32, #tpu.memory_space<vmem>>) semaphore(%arg11 : memref<!tpu.dma_semaphore, #tpu.memory_space<semaphore_mem>>)
    %dma_start3A_128 = arith.constant 0 : i32
    %dma_start3A_129 = arith.constant 7 : i32
    %dma_start3A_130 = arith.constant 0 : i32
    %dma_start3A_131 = arith.constant 7 : i32
    %dma_start3A_132 = arith.constant 0 : i32
    %dma_start3A_133 = arith.constant 0 : i32
    %dma_start3A_134 = tpu.memref_slice %arg8[%dma_start3A_130, %dma_start3A_131, %dma_start3A_132, %dma_start3A_133] : memref<2x16x128x32xbf16, #tpu.memory_space<vmem>> -> memref<1x1x128x32xbf16, #tpu.memory_space<vmem>>
    %dma_start3A_135 = tpu.memref_squeeze %dma_start3A_134 : memref<1x1x128x32xbf16, #tpu.memory_space<vmem>> -> memref<128x32xbf16, #tpu.memory_space<vmem>>
    %dma_start3A_136 = arith.constant 0 : i32
    %dma_start3A_137 = tpu.memref_slice %arg6[%dma_start3A_128, %dma_start3A_129, %dma_start3A_136] : memref<2x16x128xi32, #tpu.memory_space<vmem>> -> memref<1x1x128xi32, #tpu.memory_space<vmem>>
    %dma_start3A_138 = tpu.memref_squeeze %dma_start3A_137 : memref<1x1x128xi32, #tpu.memory_space<vmem>> -> memref<128xi32, #tpu.memory_space<vmem>>
    %dma_start3A_139 = arith.constant 0 : i32
    %dma_start3A_140 = arith.constant 0 : i32
    %dma_start3A_141 = tpu.memref_slice %arg2[%dma_start3A_139, %dma_start3A_140] : memref<100000x32xbf16, #tpu.memory_space<hbm>> -> memref<100000x32xbf16, #tpu.memory_space<hbm>>
    tpu.enqueue_indirect_dma source(%dma_start3A_141 : memref<100000x32xbf16, #tpu.memory_space<hbm>>) target(%dma_start3A_135 : memref<128x32xbf16, #tpu.memory_space<vmem>>) offsets(%dma_start3A_138 : memref<128xi32, #tpu.memory_space<vmem>>) semaphore(%arg11 : memref<!tpu.dma_semaphore, #tpu.memory_space<semaphore_mem>>)
    %dma_start3A_142 = arith.constant 0 : i32
    %dma_start3A_143 = arith.constant 8 : i32
    %dma_start3A_144 = arith.constant 0 : i32
    %dma_start3A_145 = arith.constant 8 : i32
    %dma_start3A_146 = arith.constant 0 : i32
    %dma_start3A_147 = arith.constant 0 : i32
    %dma_start3A_148 = tpu.memref_slice %arg8[%dma_start3A_144, %dma_start3A_145, %dma_start3A_146, %dma_start3A_147] : memref<2x16x128x32xbf16, #tpu.memory_space<vmem>> -> memref<1x1x128x32xbf16, #tpu.memory_space<vmem>>
    %dma_start3A_149 = tpu.memref_squeeze %dma_start3A_148 : memref<1x1x128x32xbf16, #tpu.memory_space<vmem>> -> memref<128x32xbf16, #tpu.memory_space<vmem>>
    %dma_start3A_150 = arith.constant 0 : i32
    %dma_start3A_151 = tpu.memref_slice %arg6[%dma_start3A_142, %dma_start3A_143, %dma_start3A_150] : memref<2x16x128xi32, #tpu.memory_space<vmem>> -> memref<1x1x128xi32, #tpu.memory_space<vmem>>
    %dma_start3A_152 = tpu.memref_squeeze %dma_start3A_151 : memref<1x1x128xi32, #tpu.memory_space<vmem>> -> memref<128xi32, #tpu.memory_space<vmem>>
    %dma_start3A_153 = arith.constant 0 : i32
    %dma_start3A_154 = arith.constant 0 : i32
    %dma_start3A_155 = tpu.memref_slice %arg2[%dma_start3A_153, %dma_start3A_154] : memref<100000x32xbf16, #tpu.memory_space<hbm>> -> memref<100000x32xbf16, #tpu.memory_space<hbm>>
    tpu.enqueue_indirect_dma source(%dma_start3A_155 : memref<100000x32xbf16, #tpu.memory_space<hbm>>) target(%dma_start3A_149 : memref<128x32xbf16, #tpu.memory_space<vmem>>) offsets(%dma_start3A_152 : memref<128xi32, #tpu.memory_space<vmem>>) semaphore(%arg11 : memref<!tpu.dma_semaphore, #tpu.memory_space<semaphore_mem>>)
    %dma_start3A_156 = arith.constant 0 : i32
    %dma_start3A_157 = arith.constant 9 : i32
    %dma_start3A_158 = arith.constant 0 : i32
    %dma_start3A_159 = arith.constant 9 : i32
    %dma_start3A_160 = arith.constant 0 : i32
    %dma_start3A_161 = arith.constant 0 : i32
    %dma_start3A_162 = tpu.memref_slice %arg8[%dma_start3A_158, %dma_start3A_159, %dma_start3A_160, %dma_start3A_161] : memref<2x16x128x32xbf16, #tpu.memory_space<vmem>> -> memref<1x1x128x32xbf16, #tpu.memory_space<vmem>>
    %dma_start3A_163 = tpu.memref_squeeze %dma_start3A_162 : memref<1x1x128x32xbf16, #tpu.memory_space<vmem>> -> memref<128x32xbf16, #tpu.memory_space<vmem>>
    %dma_start3A_164 = arith.constant 0 : i32
    %dma_start3A_165 = tpu.memref_slice %arg6[%dma_start3A_156, %dma_start3A_157, %dma_start3A_164] : memref<2x16x128xi32, #tpu.memory_space<vmem>> -> memref<1x1x128xi32, #tpu.memory_space<vmem>>
    %dma_start3A_166 = tpu.memref_squeeze %dma_start3A_165 : memref<1x1x128xi32, #tpu.memory_space<vmem>> -> memref<128xi32, #tpu.memory_space<vmem>>
    %dma_start3A_167 = arith.constant 0 : i32
    %dma_start3A_168 = arith.constant 0 : i32
    %dma_start3A_169 = tpu.memref_slice %arg2[%dma_start3A_167, %dma_start3A_168] : memref<100000x32xbf16, #tpu.memory_space<hbm>> -> memref<100000x32xbf16, #tpu.memory_space<hbm>>
    tpu.enqueue_indirect_dma source(%dma_start3A_169 : memref<100000x32xbf16, #tpu.memory_space<hbm>>) target(%dma_start3A_163 : memref<128x32xbf16, #tpu.memory_space<vmem>>) offsets(%dma_start3A_166 : memref<128xi32, #tpu.memory_space<vmem>>) semaphore(%arg11 : memref<!tpu.dma_semaphore, #tpu.memory_space<semaphore_mem>>)
    %dma_start3A_170 = arith.constant 0 : i32
    %dma_start3A_171 = arith.constant 10 : i32
    %dma_start3A_172 = arith.constant 0 : i32
    %dma_start3A_173 = arith.constant 10 : i32
    %dma_start3A_174 = arith.constant 0 : i32
    %dma_start3A_175 = arith.constant 0 : i32
    %dma_start3A_176 = tpu.memref_slice %arg8[%dma_start3A_172, %dma_start3A_173, %dma_start3A_174, %dma_start3A_175] : memref<2x16x128x32xbf16, #tpu.memory_space<vmem>> -> memref<1x1x128x32xbf16, #tpu.memory_space<vmem>>
    %dma_start3A_177 = tpu.memref_squeeze %dma_start3A_176 : memref<1x1x128x32xbf16, #tpu.memory_space<vmem>> -> memref<128x32xbf16, #tpu.memory_space<vmem>>
    %dma_start3A_178 = arith.constant 0 : i32
    %dma_start3A_179 = tpu.memref_slice %arg6[%dma_start3A_170, %dma_start3A_171, %dma_start3A_178] : memref<2x16x128xi32, #tpu.memory_space<vmem>> -> memref<1x1x128xi32, #tpu.memory_space<vmem>>
    %dma_start3A_180 = tpu.memref_squeeze %dma_start3A_179 : memref<1x1x128xi32, #tpu.memory_space<vmem>> -> memref<128xi32, #tpu.memory_space<vmem>>
    %dma_start3A_181 = arith.constant 0 : i32
    %dma_start3A_182 = arith.constant 0 : i32
    %dma_start3A_183 = tpu.memref_slice %arg2[%dma_start3A_181, %dma_start3A_182] : memref<100000x32xbf16, #tpu.memory_space<hbm>> -> memref<100000x32xbf16, #tpu.memory_space<hbm>>
    tpu.enqueue_indirect_dma source(%dma_start3A_183 : memref<100000x32xbf16, #tpu.memory_space<hbm>>) target(%dma_start3A_177 : memref<128x32xbf16, #tpu.memory_space<vmem>>) offsets(%dma_start3A_180 : memref<128xi32, #tpu.memory_space<vmem>>) semaphore(%arg11 : memref<!tpu.dma_semaphore, #tpu.memory_space<semaphore_mem>>)
    %dma_start3A_184 = arith.constant 0 : i32
    %dma_start3A_185 = arith.constant 11 : i32
    %dma_start3A_186 = arith.constant 0 : i32
    %dma_start3A_187 = arith.constant 11 : i32
    %dma_start3A_188 = arith.constant 0 : i32
    %dma_start3A_189 = arith.constant 0 : i32
    %dma_start3A_190 = tpu.memref_slice %arg8[%dma_start3A_186, %dma_start3A_187, %dma_start3A_188, %dma_start3A_189] : memref<2x16x128x32xbf16, #tpu.memory_space<vmem>> -> memref<1x1x128x32xbf16, #tpu.memory_space<vmem>>
    %dma_start3A_191 = tpu.memref_squeeze %dma_start3A_190 : memref<1x1x128x32xbf16, #tpu.memory_space<vmem>> -> memref<128x32xbf16, #tpu.memory_space<vmem>>
    %dma_start3A_192 = arith.constant 0 : i32
    %dma_start3A_193 = tpu.memref_slice %arg6[%dma_start3A_184, %dma_start3A_185, %dma_start3A_192] : memref<2x16x128xi32, #tpu.memory_space<vmem>> -> memref<1x1x128xi32, #tpu.memory_space<vmem>>
    %dma_start3A_194 = tpu.memref_squeeze %dma_start3A_193 : memref<1x1x128xi32, #tpu.memory_space<vmem>> -> memref<128xi32, #tpu.memory_space<vmem>>
    %dma_start3A_195 = arith.constant 0 : i32
    %dma_start3A_196 = arith.constant 0 : i32
    %dma_start3A_197 = tpu.memref_slice %arg2[%dma_start3A_195, %dma_start3A_196] : memref<100000x32xbf16, #tpu.memory_space<hbm>> -> memref<100000x32xbf16, #tpu.memory_space<hbm>>
    tpu.enqueue_indirect_dma source(%dma_start3A_197 : memref<100000x32xbf16, #tpu.memory_space<hbm>>) target(%dma_start3A_191 : memref<128x32xbf16, #tpu.memory_space<vmem>>) offsets(%dma_start3A_194 : memref<128xi32, #tpu.memory_space<vmem>>) semaphore(%arg11 : memref<!tpu.dma_semaphore, #tpu.memory_space<semaphore_mem>>)
    %dma_start3A_198 = arith.constant 0 : i32
    %dma_start3A_199 = arith.constant 12 : i32
    %dma_start3A_200 = arith.constant 0 : i32
    %dma_start3A_201 = arith.constant 12 : i32
    %dma_start3A_202 = arith.constant 0 : i32
    %dma_start3A_203 = arith.constant 0 : i32
    %dma_start3A_204 = tpu.memref_slice %arg8[%dma_start3A_200, %dma_start3A_201, %dma_start3A_202, %dma_start3A_203] : memref<2x16x128x32xbf16, #tpu.memory_space<vmem>> -> memref<1x1x128x32xbf16, #tpu.memory_space<vmem>>
    %dma_start3A_205 = tpu.memref_squeeze %dma_start3A_204 : memref<1x1x128x32xbf16, #tpu.memory_space<vmem>> -> memref<128x32xbf16, #tpu.memory_space<vmem>>
    %dma_start3A_206 = arith.constant 0 : i32
    %dma_start3A_207 = tpu.memref_slice %arg6[%dma_start3A_198, %dma_start3A_199, %dma_start3A_206] : memref<2x16x128xi32, #tpu.memory_space<vmem>> -> memref<1x1x128xi32, #tpu.memory_space<vmem>>
    %dma_start3A_208 = tpu.memref_squeeze %dma_start3A_207 : memref<1x1x128xi32, #tpu.memory_space<vmem>> -> memref<128xi32, #tpu.memory_space<vmem>>
    %dma_start3A_209 = arith.constant 0 : i32
    %dma_start3A_210 = arith.constant 0 : i32
    %dma_start3A_211 = tpu.memref_slice %arg2[%dma_start3A_209, %dma_start3A_210] : memref<100000x32xbf16, #tpu.memory_space<hbm>> -> memref<100000x32xbf16, #tpu.memory_space<hbm>>
    tpu.enqueue_indirect_dma source(%dma_start3A_211 : memref<100000x32xbf16, #tpu.memory_space<hbm>>) target(%dma_start3A_205 : memref<128x32xbf16, #tpu.memory_space<vmem>>) offsets(%dma_start3A_208 : memref<128xi32, #tpu.memory_space<vmem>>) semaphore(%arg11 : memref<!tpu.dma_semaphore, #tpu.memory_space<semaphore_mem>>)
    %dma_start3A_212 = arith.constant 0 : i32
    %dma_start3A_213 = arith.constant 13 : i32
    %dma_start3A_214 = arith.constant 0 : i32
    %dma_start3A_215 = arith.constant 13 : i32
    %dma_start3A_216 = arith.constant 0 : i32
    %dma_start3A_217 = arith.constant 0 : i32
    %dma_start3A_218 = tpu.memref_slice %arg8[%dma_start3A_214, %dma_start3A_215, %dma_start3A_216, %dma_start3A_217] : memref<2x16x128x32xbf16, #tpu.memory_space<vmem>> -> memref<1x1x128x32xbf16, #tpu.memory_space<vmem>>
    %dma_start3A_219 = tpu.memref_squeeze %dma_start3A_218 : memref<1x1x128x32xbf16, #tpu.memory_space<vmem>> -> memref<128x32xbf16, #tpu.memory_space<vmem>>
    %dma_start3A_220 = arith.constant 0 : i32
    %dma_start3A_221 = tpu.memref_slice %arg6[%dma_start3A_212, %dma_start3A_213, %dma_start3A_220] : memref<2x16x128xi32, #tpu.memory_space<vmem>> -> memref<1x1x128xi32, #tpu.memory_space<vmem>>
    %dma_start3A_222 = tpu.memref_squeeze %dma_start3A_221 : memref<1x1x128xi32, #tpu.memory_space<vmem>> -> memref<128xi32, #tpu.memory_space<vmem>>
    %dma_start3A_223 = arith.constant 0 : i32
    %dma_start3A_224 = arith.constant 0 : i32
    %dma_start3A_225 = tpu.memref_slice %arg2[%dma_start3A_223, %dma_start3A_224] : memref<100000x32xbf16, #tpu.memory_space<hbm>> -> memref<100000x32xbf16, #tpu.memory_space<hbm>>
    tpu.enqueue_indirect_dma source(%dma_start3A_225 : memref<100000x32xbf16, #tpu.memory_space<hbm>>) target(%dma_start3A_219 : memref<128x32xbf16, #tpu.memory_space<vmem>>) offsets(%dma_start3A_222 : memref<128xi32, #tpu.memory_space<vmem>>) semaphore(%arg11 : memref<!tpu.dma_semaphore, #tpu.memory_space<semaphore_mem>>)
    %dma_start3A_226 = arith.constant 0 : i32
    %dma_start3A_227 = arith.constant 14 : i32
    %dma_start3A_228 = arith.constant 0 : i32
    %dma_start3A_229 = arith.constant 14 : i32
    %dma_start3A_230 = arith.constant 0 : i32
    %dma_start3A_231 = arith.constant 0 : i32
    %dma_start3A_232 = tpu.memref_slice %arg8[%dma_start3A_228, %dma_start3A_229, %dma_start3A_230, %dma_start3A_231] : memref<2x16x128x32xbf16, #tpu.memory_space<vmem>> -> memref<1x1x128x32xbf16, #tpu.memory_space<vmem>>
    %dma_start3A_233 = tpu.memref_squeeze %dma_start3A_232 : memref<1x1x128x32xbf16, #tpu.memory_space<vmem>> -> memref<128x32xbf16, #tpu.memory_space<vmem>>
    %dma_start3A_234 = arith.constant 0 : i32
    %dma_start3A_235 = tpu.memref_slice %arg6[%dma_start3A_226, %dma_start3A_227, %dma_start3A_234] : memref<2x16x128xi32, #tpu.memory_space<vmem>> -> memref<1x1x128xi32, #tpu.memory_space<vmem>>
    %dma_start3A_236 = tpu.memref_squeeze %dma_start3A_235 : memref<1x1x128xi32, #tpu.memory_space<vmem>> -> memref<128xi32, #tpu.memory_space<vmem>>
    %dma_start3A_237 = arith.constant 0 : i32
    %dma_start3A_238 = arith.constant 0 : i32
    %dma_start3A_239 = tpu.memref_slice %arg2[%dma_start3A_237, %dma_start3A_238] : memref<100000x32xbf16, #tpu.memory_space<hbm>> -> memref<100000x32xbf16, #tpu.memory_space<hbm>>
    tpu.enqueue_indirect_dma source(%dma_start3A_239 : memref<100000x32xbf16, #tpu.memory_space<hbm>>) target(%dma_start3A_233 : memref<128x32xbf16, #tpu.memory_space<vmem>>) offsets(%dma_start3A_236 : memref<128xi32, #tpu.memory_space<vmem>>) semaphore(%arg11 : memref<!tpu.dma_semaphore, #tpu.memory_space<semaphore_mem>>)
    %dma_start3A_240 = arith.constant 0 : i32
    %dma_start3A_241 = arith.constant 15 : i32
    %dma_start3A_242 = arith.constant 0 : i32
    %dma_start3A_243 = arith.constant 15 : i32
    %dma_start3A_244 = arith.constant 0 : i32
    %dma_start3A_245 = arith.constant 0 : i32
    %dma_start3A_246 = tpu.memref_slice %arg8[%dma_start3A_242, %dma_start3A_243, %dma_start3A_244, %dma_start3A_245] : memref<2x16x128x32xbf16, #tpu.memory_space<vmem>> -> memref<1x1x128x32xbf16, #tpu.memory_space<vmem>>
    %dma_start3A_247 = tpu.memref_squeeze %dma_start3A_246 : memref<1x1x128x32xbf16, #tpu.memory_space<vmem>> -> memref<128x32xbf16, #tpu.memory_space<vmem>>
    %dma_start3A_248 = arith.constant 0 : i32
    %dma_start3A_249 = tpu.memref_slice %arg6[%dma_start3A_240, %dma_start3A_241, %dma_start3A_248] : memref<2x16x128xi32, #tpu.memory_space<vmem>> -> memref<1x1x128xi32, #tpu.memory_space<vmem>>
    %dma_start3A_250 = tpu.memref_squeeze %dma_start3A_249 : memref<1x1x128xi32, #tpu.memory_space<vmem>> -> memref<128xi32, #tpu.memory_space<vmem>>
    %dma_start3A_251 = arith.constant 0 : i32
    %dma_start3A_252 = arith.constant 0 : i32
    %dma_start3A_253 = tpu.memref_slice %arg2[%dma_start3A_251, %dma_start3A_252] : memref<100000x32xbf16, #tpu.memory_space<hbm>> -> memref<100000x32xbf16, #tpu.memory_space<hbm>>
    tpu.enqueue_indirect_dma source(%dma_start3A_253 : memref<100000x32xbf16, #tpu.memory_space<hbm>>) target(%dma_start3A_247 : memref<128x32xbf16, #tpu.memory_space<vmem>>) offsets(%dma_start3A_250 : memref<128xi32, #tpu.memory_space<vmem>>) semaphore(%arg11 : memref<!tpu.dma_semaphore, #tpu.memory_space<semaphore_mem>>)
    %run_scoped3A_254 = arith.constant 1 : i32
    %run_scoped3A_255 = arith.constant 1 : i32
    "tpu.region"() ({
      %run_scoped3A_499 = tpu.sem_alloc : memref<!tpu.dma_semaphore, #tpu.memory_space<semaphore_mem>>
      %dma_start3A_500 = arith.constant 0 : i32
      %dma_start3A_501 = arith.constant 0 : i32
      %dma_start3A_502 = tpu.memref_slice %arg6[%run_scoped3A_255, %dma_start3A_500, %dma_start3A_501] : memref<2x16x128xi32, #tpu.memory_space<vmem>> -> memref<1x16x128xi32, #tpu.memory_space<vmem>>
      %dma_start3A_503 = tpu.memref_squeeze %dma_start3A_502 : memref<1x16x128xi32, #tpu.memory_space<vmem>> -> memref<16x128xi32, #tpu.memory_space<vmem>>
      %dma_start3A_504 = arith.constant 0 : i32
      %dma_start3A_505 = arith.constant 0 : i32
      %dma_start3A_506 = tpu.memref_slice %arg3[%arg1, %run_scoped3A_254, %dma_start3A_504, %dma_start3A_505] : memref<16x26x16x128xi32, #tpu.memory_space<hbm>> -> memref<1x1x16x128xi32, #tpu.memory_space<hbm>>
      %dma_start3A_507 = tpu.memref_squeeze %dma_start3A_506 : memref<1x1x16x128xi32, #tpu.memory_space<hbm>> -> memref<16x128xi32, #tpu.memory_space<hbm>>
      %dma_start3A_508 = arith.constant 0 : i32
      %dma_start3A_509 = arith.constant 0 : i32
      %dma_start3A_510 = tpu.memref_slice %arg6[%run_scoped3A_255, %dma_start3A_508, %dma_start3A_509] : memref<2x16x128xi32, #tpu.memory_space<vmem>> -> memref<1x16x128xi32, #tpu.memory_space<vmem>>
      %dma_start3A_511 = tpu.memref_squeeze %dma_start3A_510 : memref<1x16x128xi32, #tpu.memory_space<vmem>> -> memref<16x128xi32, #tpu.memory_space<vmem>>
      %dma_start3A_512 = arith.constant 0 : i32
      %dma_start3A_513 = arith.constant 0 : i32
      %dma_start3A_514 = tpu.memref_slice %arg3[%arg1, %run_scoped3A_254, %dma_start3A_512, %dma_start3A_513] : memref<16x26x16x128xi32, #tpu.memory_space<hbm>> -> memref<1x1x16x128xi32, #tpu.memory_space<hbm>>
      %dma_start3A_515 = tpu.memref_squeeze %dma_start3A_514 : memref<1x1x16x128xi32, #tpu.memory_space<hbm>> -> memref<16x128xi32, #tpu.memory_space<hbm>>
      tpu.enqueue_dma source(%dma_start3A_515 : memref<16x128xi32, #tpu.memory_space<hbm>>) target(%dma_start3A_511 : memref<16x128xi32, #tpu.memory_space<vmem>>) target_semaphore(%run_scoped3A_499 : memref<!tpu.dma_semaphore, #tpu.memory_space<semaphore_mem>>)
      %dma_wait3A = arith.constant 0 : i32
      %dma_wait3A_516 = arith.constant 0 : i32
      %dma_wait3A_517 = tpu.memref_slice %arg6[%run_scoped3A_255, %dma_wait3A, %dma_wait3A_516] : memref<2x16x128xi32, #tpu.memory_space<vmem>> -> memref<1x16x128xi32, #tpu.memory_space<vmem>>
      %dma_wait3A_518 = tpu.memref_squeeze %dma_wait3A_517 : memref<1x16x128xi32, #tpu.memory_space<vmem>> -> memref<16x128xi32, #tpu.memory_space<vmem>>
      %dma_wait3A_519 = arith.constant 0 : i32
      %dma_wait3A_520 = arith.constant 0 : i32
      %dma_wait3A_521 = tpu.memref_slice %arg3[%arg1, %run_scoped3A_254, %dma_wait3A_519, %dma_wait3A_520] : memref<16x26x16x128xi32, #tpu.memory_space<hbm>> -> memref<1x1x16x128xi32, #tpu.memory_space<hbm>>
      %dma_wait3A_522 = tpu.memref_squeeze %dma_wait3A_521 : memref<1x1x16x128xi32, #tpu.memory_space<hbm>> -> memref<16x128xi32, #tpu.memory_space<hbm>>
      %dma_wait3A_523 = arith.constant 0 : i32
      %dma_wait3A_524 = arith.constant 0 : i32
      %dma_wait3A_525 = tpu.memref_slice %arg6[%run_scoped3A_255, %dma_wait3A_523, %dma_wait3A_524] : memref<2x16x128xi32, #tpu.memory_space<vmem>> -> memref<1x16x128xi32, #tpu.memory_space<vmem>>
      %dma_wait3A_526 = tpu.memref_squeeze %dma_wait3A_525 : memref<1x16x128xi32, #tpu.memory_space<vmem>> -> memref<16x128xi32, #tpu.memory_space<vmem>>
      %dma_wait3A_527 = arith.constant 0 : i32
      %dma_wait3A_528 = arith.constant 0 : i32
      %dma_wait3A_529 = tpu.memref_slice %arg3[%arg1, %run_scoped3A_254, %dma_wait3A_527, %dma_wait3A_528] : memref<16x26x16x128xi32, #tpu.memory_space<hbm>> -> memref<1x1x16x128xi32, #tpu.memory_space<hbm>>
      %dma_wait3A_530 = tpu.memref_squeeze %dma_wait3A_529 : memref<1x1x16x128xi32, #tpu.memory_space<hbm>> -> memref<16x128xi32, #tpu.memory_space<hbm>>
      tpu.wait_dma2 semaphore(%run_scoped3A_499 : memref<!tpu.dma_semaphore, #tpu.memory_space<semaphore_mem>>) src(%dma_wait3A_530 : memref<16x128xi32, #tpu.memory_space<hbm>>) dst(%dma_wait3A_526 : memref<16x128xi32, #tpu.memory_space<vmem>>)
      tpu.yield
    }) : () -> ()
    %run_scoped3A_256 = arith.constant 1 : i32
    %run_scoped3A_257 = arith.constant 1 : i32
    "tpu.region"() ({
      %run_scoped3A_499 = tpu.sem_alloc : memref<!tpu.dma_semaphore, #tpu.memory_space<semaphore_mem>>
      %dma_start3A_500 = arith.constant 0 : i32
      %dma_start3A_501 = arith.constant 0 : i32
      %dma_start3A_502 = tpu.memref_slice %arg7[%run_scoped3A_257, %dma_start3A_500, %dma_start3A_501] : memref<2x16x128xi32, #tpu.memory_space<vmem>> -> memref<1x16x128xi32, #tpu.memory_space<vmem>>
      %dma_start3A_503 = tpu.memref_squeeze %dma_start3A_502 : memref<1x16x128xi32, #tpu.memory_space<vmem>> -> memref<16x128xi32, #tpu.memory_space<vmem>>
      %dma_start3A_504 = arith.constant 0 : i32
      %dma_start3A_505 = arith.constant 0 : i32
      %dma_start3A_506 = tpu.memref_slice %arg4[%arg1, %run_scoped3A_256, %dma_start3A_504, %dma_start3A_505] : memref<16x26x16x128xi32, #tpu.memory_space<hbm>> -> memref<1x1x16x128xi32, #tpu.memory_space<hbm>>
      %dma_start3A_507 = tpu.memref_squeeze %dma_start3A_506 : memref<1x1x16x128xi32, #tpu.memory_space<hbm>> -> memref<16x128xi32, #tpu.memory_space<hbm>>
      %dma_start3A_508 = arith.constant 0 : i32
      %dma_start3A_509 = arith.constant 0 : i32
      %dma_start3A_510 = tpu.memref_slice %arg7[%run_scoped3A_257, %dma_start3A_508, %dma_start3A_509] : memref<2x16x128xi32, #tpu.memory_space<vmem>> -> memref<1x16x128xi32, #tpu.memory_space<vmem>>
      %dma_start3A_511 = tpu.memref_squeeze %dma_start3A_510 : memref<1x16x128xi32, #tpu.memory_space<vmem>> -> memref<16x128xi32, #tpu.memory_space<vmem>>
      %dma_start3A_512 = arith.constant 0 : i32
      %dma_start3A_513 = arith.constant 0 : i32
      %dma_start3A_514 = tpu.memref_slice %arg4[%arg1, %run_scoped3A_256, %dma_start3A_512, %dma_start3A_513] : memref<16x26x16x128xi32, #tpu.memory_space<hbm>> -> memref<1x1x16x128xi32, #tpu.memory_space<hbm>>
      %dma_start3A_515 = tpu.memref_squeeze %dma_start3A_514 : memref<1x1x16x128xi32, #tpu.memory_space<hbm>> -> memref<16x128xi32, #tpu.memory_space<hbm>>
      tpu.enqueue_dma source(%dma_start3A_515 : memref<16x128xi32, #tpu.memory_space<hbm>>) target(%dma_start3A_511 : memref<16x128xi32, #tpu.memory_space<vmem>>) target_semaphore(%run_scoped3A_499 : memref<!tpu.dma_semaphore, #tpu.memory_space<semaphore_mem>>)
      %dma_wait3A = arith.constant 0 : i32
      %dma_wait3A_516 = arith.constant 0 : i32
      %dma_wait3A_517 = tpu.memref_slice %arg7[%run_scoped3A_257, %dma_wait3A, %dma_wait3A_516] : memref<2x16x128xi32, #tpu.memory_space<vmem>> -> memref<1x16x128xi32, #tpu.memory_space<vmem>>
      %dma_wait3A_518 = tpu.memref_squeeze %dma_wait3A_517 : memref<1x16x128xi32, #tpu.memory_space<vmem>> -> memref<16x128xi32, #tpu.memory_space<vmem>>
      %dma_wait3A_519 = arith.constant 0 : i32
      %dma_wait3A_520 = arith.constant 0 : i32
      %dma_wait3A_521 = tpu.memref_slice %arg4[%arg1, %run_scoped3A_256, %dma_wait3A_519, %dma_wait3A_520] : memref<16x26x16x128xi32, #tpu.memory_space<hbm>> -> memref<1x1x16x128xi32, #tpu.memory_space<hbm>>
      %dma_wait3A_522 = tpu.memref_squeeze %dma_wait3A_521 : memref<1x1x16x128xi32, #tpu.memory_space<hbm>> -> memref<16x128xi32, #tpu.memory_space<hbm>>
      %dma_wait3A_523 = arith.constant 0 : i32
      %dma_wait3A_524 = arith.constant 0 : i32
      %dma_wait3A_525 = tpu.memref_slice %arg7[%run_scoped3A_257, %dma_wait3A_523, %dma_wait3A_524] : memref<2x16x128xi32, #tpu.memory_space<vmem>> -> memref<1x16x128xi32, #tpu.memory_space<vmem>>
      %dma_wait3A_526 = tpu.memref_squeeze %dma_wait3A_525 : memref<1x16x128xi32, #tpu.memory_space<vmem>> -> memref<16x128xi32, #tpu.memory_space<vmem>>
      %dma_wait3A_527 = arith.constant 0 : i32
      %dma_wait3A_528 = arith.constant 0 : i32
      %dma_wait3A_529 = tpu.memref_slice %arg4[%arg1, %run_scoped3A_256, %dma_wait3A_527, %dma_wait3A_528] : memref<16x26x16x128xi32, #tpu.memory_space<hbm>> -> memref<1x1x16x128xi32, #tpu.memory_space<hbm>>
      %dma_wait3A_530 = tpu.memref_squeeze %dma_wait3A_529 : memref<1x1x16x128xi32, #tpu.memory_space<hbm>> -> memref<16x128xi32, #tpu.memory_space<hbm>>
      tpu.wait_dma2 semaphore(%run_scoped3A_499 : memref<!tpu.dma_semaphore, #tpu.memory_space<semaphore_mem>>) src(%dma_wait3A_530 : memref<16x128xi32, #tpu.memory_space<hbm>>) dst(%dma_wait3A_526 : memref<16x128xi32, #tpu.memory_space<vmem>>)
      tpu.yield
    }) : () -> ()
    %scan3A_258 = arith.constant 0 : i32
    %scan3A_259 = arith.constant 0 : i32
    %scan3A_260 = arith.constant 16 : i32
    %scan3A_261 = arith.addi %scan3A_259, %scan3A_260 : i32
    %scan3A_262 = arith.constant 1 : i32
    %scan3A_263 = scf.for %scan3A_499 = %scan3A_259 to %scan3A_261 step %scan3A_262 iter_args(%scan3A_500 = %scan3A_258) -> (i32)  : i32 {
      %scan3A_501 = arith.constant 0 : i32
      %scan3A_502 = arith.constant 0 : i32
      %scan3A_503 = arith.constant 8 : i32
      %scan3A_504 = arith.addi %scan3A_502, %scan3A_503 : i32
      %scan3A_505 = arith.constant 1 : i32
      %scan3A_506 = scf.for %scan3A_509 = %scan3A_502 to %scan3A_504 step %scan3A_505 iter_args(%scan3A_510 = %scan3A_501) -> (i32)  : i32 {
        %mul3A_511 = arith.constant 16 : i32
        %mul3A_512 = arith.muli %scan3A_509, %mul3A_511 : i32
        %get3A = arith.constant 1 : i32
        %get3A_513 = arith.index_cast %get3A : i32 to index
        %get3A_514 = arith.index_cast %scan3A_499 : i32 to index
        %get3A_515 = arith.index_cast %mul3A_512 : i32 to index
        %get3A_516 = tpu.vector_load %arg6[%get3A_513, %get3A_514, %get3A_515] {strides = array<i32>} : memref<2x16x128xi32, #tpu.memory_space<vmem>>, vector<1x1x16xi32>,
        %get3A_517 = vector.shape_cast %get3A_516 : vector<1x1x16xi32> to vector<16xi32>
        %add3A_518 = vector.broadcast %mul3A_13 : i32 to vector<16xi32>
        %add3A_519 = arith.addi %get3A_517, %add3A_518 : vector<16xi32>
        %mul3A_520 = arith.constant 16 : i32
        %mul3A_521 = arith.muli %scan3A_509, %mul3A_520 : i32
        %swap3A = arith.constant 1 : i32
        %swap3A_522 = arith.index_cast %swap3A : i32 to index
        %swap3A_523 = arith.index_cast %scan3A_499 : i32 to index
        %swap3A_524 = arith.index_cast %mul3A_521 : i32 to index
        %swap3A_525 = tpu.vector_load %arg6[%swap3A_522, %swap3A_523, %swap3A_524] {strides = array<i32>} : memref<2x16x128xi32, #tpu.memory_space<vmem>>, vector<1x1x16xi32>,
        %swap3A_526 = vector.shape_cast %swap3A_525 : vector<1x1x16xi32> to vector<16xi32>
        %swap3A_527 = vector.shape_cast %add3A_519 : vector<16xi32> to vector<1x1x16xi32>
        tpu.vector_store %arg6[%swap3A_522, %swap3A_523, %swap3A_524], %swap3A_527 {strides = array<i32>} : memref<2x16x128xi32, #tpu.memory_space<vmem>>, vector<1x1x16xi32>,
        %scan3A_528 = arith.constant 0 : i32
        scf.yield %scan3A_528 : i32
      }
      %scan3A_507 = arith.constant 8 : i32
      %scan3A_508 = arith.constant 0 : i32
      scf.yield %scan3A_508 : i32
    }
    %scan3A_264 = arith.constant 16 : i32
    %dma_start3A_265 = arith.constant 1 : i32
    %dma_start3A_266 = arith.constant 0 : i32
    %dma_start3A_267 = arith.constant 1 : i32
    %dma_start3A_268 = arith.constant 0 : i32
    %dma_start3A_269 = arith.constant 0 : i32
    %dma_start3A_270 = arith.constant 0 : i32
    %dma_start3A_271 = tpu.memref_slice %arg8[%dma_start3A_267, %dma_start3A_268, %dma_start3A_269, %dma_start3A_270] : memref<2x16x128x32xbf16, #tpu.memory_space<vmem>> -> memref<1x1x128x32xbf16, #tpu.memory_space<vmem>>
    %dma_start3A_272 = tpu.memref_squeeze %dma_start3A_271 : memref<1x1x128x32xbf16, #tpu.memory_space<vmem>> -> memref<128x32xbf16, #tpu.memory_space<vmem>>
    %dma_start3A_273 = arith.constant 0 : i32
    %dma_start3A_274 = tpu.memref_slice %arg6[%dma_start3A_265, %dma_start3A_266, %dma_start3A_273] : memref<2x16x128xi32, #tpu.memory_space<vmem>> -> memref<1x1x128xi32, #tpu.memory_space<vmem>>
    %dma_start3A_275 = tpu.memref_squeeze %dma_start3A_274 : memref<1x1x128xi32, #tpu.memory_space<vmem>> -> memref<128xi32, #tpu.memory_space<vmem>>
    %dma_start3A_276 = arith.constant 0 : i32
    %dma_start3A_277 = arith.constant 0 : i32
    %dma_start3A_278 = tpu.memref_slice %arg2[%dma_start3A_276, %dma_start3A_277] : memref<100000x32xbf16, #tpu.memory_space<hbm>> -> memref<100000x32xbf16, #tpu.memory_space<hbm>>
    tpu.enqueue_indirect_dma source(%dma_start3A_278 : memref<100000x32xbf16, #tpu.memory_space<hbm>>) target(%dma_start3A_272 : memref<128x32xbf16, #tpu.memory_space<vmem>>) offsets(%dma_start3A_275 : memref<128xi32, #tpu.memory_space<vmem>>) semaphore(%arg12 : memref<!tpu.dma_semaphore, #tpu.memory_space<semaphore_mem>>)
    %dma_start3A_279 = arith.constant 1 : i32
    %dma_start3A_280 = arith.constant 1 : i32
    %dma_start3A_281 = arith.constant 1 : i32
    %dma_start3A_282 = arith.constant 1 : i32
    %dma_start3A_283 = arith.constant 0 : i32
    %dma_start3A_284 = arith.constant 0 : i32
    %dma_start3A_285 = tpu.memref_slice %arg8[%dma_start3A_281, %dma_start3A_282, %dma_start3A_283, %dma_start3A_284] : memref<2x16x128x32xbf16, #tpu.memory_space<vmem>> -> memref<1x1x128x32xbf16, #tpu.memory_space<vmem>>
    %dma_start3A_286 = tpu.memref_squeeze %dma_start3A_285 : memref<1x1x128x32xbf16, #tpu.memory_space<vmem>> -> memref<128x32xbf16, #tpu.memory_space<vmem>>
    %dma_start3A_287 = arith.constant 0 : i32
    %dma_start3A_288 = tpu.memref_slice %arg6[%dma_start3A_279, %dma_start3A_280, %dma_start3A_287] : memref<2x16x128xi32, #tpu.memory_space<vmem>> -> memref<1x1x128xi32, #tpu.memory_space<vmem>>
    %dma_start3A_289 = tpu.memref_squeeze %dma_start3A_288 : memref<1x1x128xi32, #tpu.memory_space<vmem>> -> memref<128xi32, #tpu.memory_space<vmem>>
    %dma_start3A_290 = arith.constant 0 : i32
    %dma_start3A_291 = arith.constant 0 : i32
    %dma_start3A_292 = tpu.memref_slice %arg2[%dma_start3A_290, %dma_start3A_291] : memref<100000x32xbf16, #tpu.memory_space<hbm>> -> memref<100000x32xbf16, #tpu.memory_space<hbm>>
    tpu.enqueue_indirect_dma source(%dma_start3A_292 : memref<100000x32xbf16, #tpu.memory_space<hbm>>) target(%dma_start3A_286 : memref<128x32xbf16, #tpu.memory_space<vmem>>) offsets(%dma_start3A_289 : memref<128xi32, #tpu.memory_space<vmem>>) semaphore(%arg12 : memref<!tpu.dma_semaphore, #tpu.memory_space<semaphore_mem>>)
    %dma_start3A_293 = arith.constant 1 : i32
    %dma_start3A_294 = arith.constant 2 : i32
    %dma_start3A_295 = arith.constant 1 : i32
    %dma_start3A_296 = arith.constant 2 : i32
    %dma_start3A_297 = arith.constant 0 : i32
    %dma_start3A_298 = arith.constant 0 : i32
    %dma_start3A_299 = tpu.memref_slice %arg8[%dma_start3A_295, %dma_start3A_296, %dma_start3A_297, %dma_start3A_298] : memref<2x16x128x32xbf16, #tpu.memory_space<vmem>> -> memref<1x1x128x32xbf16, #tpu.memory_space<vmem>>
    %dma_start3A_300 = tpu.memref_squeeze %dma_start3A_299 : memref<1x1x128x32xbf16, #tpu.memory_space<vmem>> -> memref<128x32xbf16, #tpu.memory_space<vmem>>
    %dma_start3A_301 = arith.constant 0 : i32
    %dma_start3A_302 = tpu.memref_slice %arg6[%dma_start3A_293, %dma_start3A_294, %dma_start3A_301] : memref<2x16x128xi32, #tpu.memory_space<vmem>> -> memref<1x1x128xi32, #tpu.memory_space<vmem>>
    %dma_start3A_303 = tpu.memref_squeeze %dma_start3A_302 : memref<1x1x128xi32, #tpu.memory_space<vmem>> -> memref<128xi32, #tpu.memory_space<vmem>>
    %dma_start3A_304 = arith.constant 0 : i32
    %dma_start3A_305 = arith.constant 0 : i32
    %dma_start3A_306 = tpu.memref_slice %arg2[%dma_start3A_304, %dma_start3A_305] : memref<100000x32xbf16, #tpu.memory_space<hbm>> -> memref<100000x32xbf16, #tpu.memory_space<hbm>>
    tpu.enqueue_indirect_dma source(%dma_start3A_306 : memref<100000x32xbf16, #tpu.memory_space<hbm>>) target(%dma_start3A_300 : memref<128x32xbf16, #tpu.memory_space<vmem>>) offsets(%dma_start3A_303 : memref<128xi32, #tpu.memory_space<vmem>>) semaphore(%arg12 : memref<!tpu.dma_semaphore, #tpu.memory_space<semaphore_mem>>)
    %dma_start3A_307 = arith.constant 1 : i32
    %dma_start3A_308 = arith.constant 3 : i32
    %dma_start3A_309 = arith.constant 1 : i32
    %dma_start3A_310 = arith.constant 3 : i32
    %dma_start3A_311 = arith.constant 0 : i32
    %dma_start3A_312 = arith.constant 0 : i32
    %dma_start3A_313 = tpu.memref_slice %arg8[%dma_start3A_309, %dma_start3A_310, %dma_start3A_311, %dma_start3A_312] : memref<2x16x128x32xbf16, #tpu.memory_space<vmem>> -> memref<1x1x128x32xbf16, #tpu.memory_space<vmem>>
    %dma_start3A_314 = tpu.memref_squeeze %dma_start3A_313 : memref<1x1x128x32xbf16, #tpu.memory_space<vmem>> -> memref<128x32xbf16, #tpu.memory_space<vmem>>
    %dma_start3A_315 = arith.constant 0 : i32
    %dma_start3A_316 = tpu.memref_slice %arg6[%dma_start3A_307, %dma_start3A_308, %dma_start3A_315] : memref<2x16x128xi32, #tpu.memory_space<vmem>> -> memref<1x1x128xi32, #tpu.memory_space<vmem>>
    %dma_start3A_317 = tpu.memref_squeeze %dma_start3A_316 : memref<1x1x128xi32, #tpu.memory_space<vmem>> -> memref<128xi32, #tpu.memory_space<vmem>>
    %dma_start3A_318 = arith.constant 0 : i32
    %dma_start3A_319 = arith.constant 0 : i32
    %dma_start3A_320 = tpu.memref_slice %arg2[%dma_start3A_318, %dma_start3A_319] : memref<100000x32xbf16, #tpu.memory_space<hbm>> -> memref<100000x32xbf16, #tpu.memory_space<hbm>>
    tpu.enqueue_indirect_dma source(%dma_start3A_320 : memref<100000x32xbf16, #tpu.memory_space<hbm>>) target(%dma_start3A_314 : memref<128x32xbf16, #tpu.memory_space<vmem>>) offsets(%dma_start3A_317 : memref<128xi32, #tpu.memory_space<vmem>>) semaphore(%arg12 : memref<!tpu.dma_semaphore, #tpu.memory_space<semaphore_mem>>)
    %dma_start3A_321 = arith.constant 1 : i32
    %dma_start3A_322 = arith.constant 4 : i32
    %dma_start3A_323 = arith.constant 1 : i32
    %dma_start3A_324 = arith.constant 4 : i32
    %dma_start3A_325 = arith.constant 0 : i32
    %dma_start3A_326 = arith.constant 0 : i32
    %dma_start3A_327 = tpu.memref_slice %arg8[%dma_start3A_323, %dma_start3A_324, %dma_start3A_325, %dma_start3A_326] : memref<2x16x128x32xbf16, #tpu.memory_space<vmem>> -> memref<1x1x128x32xbf16, #tpu.memory_space<vmem>>
    %dma_start3A_328 = tpu.memref_squeeze %dma_start3A_327 : memref<1x1x128x32xbf16, #tpu.memory_space<vmem>> -> memref<128x32xbf16, #tpu.memory_space<vmem>>
    %dma_start3A_329 = arith.constant 0 : i32
    %dma_start3A_330 = tpu.memref_slice %arg6[%dma_start3A_321, %dma_start3A_322, %dma_start3A_329] : memref<2x16x128xi32, #tpu.memory_space<vmem>> -> memref<1x1x128xi32, #tpu.memory_space<vmem>>
    %dma_start3A_331 = tpu.memref_squeeze %dma_start3A_330 : memref<1x1x128xi32, #tpu.memory_space<vmem>> -> memref<128xi32, #tpu.memory_space<vmem>>
    %dma_start3A_332 = arith.constant 0 : i32
    %dma_start3A_333 = arith.constant 0 : i32
    %dma_start3A_334 = tpu.memref_slice %arg2[%dma_start3A_332, %dma_start3A_333] : memref<100000x32xbf16, #tpu.memory_space<hbm>> -> memref<100000x32xbf16, #tpu.memory_space<hbm>>
    tpu.enqueue_indirect_dma source(%dma_start3A_334 : memref<100000x32xbf16, #tpu.memory_space<hbm>>) target(%dma_start3A_328 : memref<128x32xbf16, #tpu.memory_space<vmem>>) offsets(%dma_start3A_331 : memref<128xi32, #tpu.memory_space<vmem>>) semaphore(%arg12 : memref<!tpu.dma_semaphore, #tpu.memory_space<semaphore_mem>>)
    %dma_start3A_335 = arith.constant 1 : i32
    %dma_start3A_336 = arith.constant 5 : i32
    %dma_start3A_337 = arith.constant 1 : i32
    %dma_start3A_338 = arith.constant 5 : i32
    %dma_start3A_339 = arith.constant 0 : i32
    %dma_start3A_340 = arith.constant 0 : i32
    %dma_start3A_341 = tpu.memref_slice %arg8[%dma_start3A_337, %dma_start3A_338, %dma_start3A_339, %dma_start3A_340] : memref<2x16x128x32xbf16, #tpu.memory_space<vmem>> -> memref<1x1x128x32xbf16, #tpu.memory_space<vmem>>
    %dma_start3A_342 = tpu.memref_squeeze %dma_start3A_341 : memref<1x1x128x32xbf16, #tpu.memory_space<vmem>> -> memref<128x32xbf16, #tpu.memory_space<vmem>>
    %dma_start3A_343 = arith.constant 0 : i32
    %dma_start3A_344 = tpu.memref_slice %arg6[%dma_start3A_335, %dma_start3A_336, %dma_start3A_343] : memref<2x16x128xi32, #tpu.memory_space<vmem>> -> memref<1x1x128xi32, #tpu.memory_space<vmem>>
    %dma_start3A_345 = tpu.memref_squeeze %dma_start3A_344 : memref<1x1x128xi32, #tpu.memory_space<vmem>> -> memref<128xi32, #tpu.memory_space<vmem>>
    %dma_start3A_346 = arith.constant 0 : i32
    %dma_start3A_347 = arith.constant 0 : i32
    %dma_start3A_348 = tpu.memref_slice %arg2[%dma_start3A_346, %dma_start3A_347] : memref<100000x32xbf16, #tpu.memory_space<hbm>> -> memref<100000x32xbf16, #tpu.memory_space<hbm>>
    tpu.enqueue_indirect_dma source(%dma_start3A_348 : memref<100000x32xbf16, #tpu.memory_space<hbm>>) target(%dma_start3A_342 : memref<128x32xbf16, #tpu.memory_space<vmem>>) offsets(%dma_start3A_345 : memref<128xi32, #tpu.memory_space<vmem>>) semaphore(%arg12 : memref<!tpu.dma_semaphore, #tpu.memory_space<semaphore_mem>>)
    %dma_start3A_349 = arith.constant 1 : i32
    %dma_start3A_350 = arith.constant 6 : i32
    %dma_start3A_351 = arith.constant 1 : i32
    %dma_start3A_352 = arith.constant 6 : i32
    %dma_start3A_353 = arith.constant 0 : i32
    %dma_start3A_354 = arith.constant 0 : i32
    %dma_start3A_355 = tpu.memref_slice %arg8[%dma_start3A_351, %dma_start3A_352, %dma_start3A_353, %dma_start3A_354] : memref<2x16x128x32xbf16, #tpu.memory_space<vmem>> -> memref<1x1x128x32xbf16, #tpu.memory_space<vmem>>
    %dma_start3A_356 = tpu.memref_squeeze %dma_start3A_355 : memref<1x1x128x32xbf16, #tpu.memory_space<vmem>> -> memref<128x32xbf16, #tpu.memory_space<vmem>>
    %dma_start3A_357 = arith.constant 0 : i32
    %dma_start3A_358 = tpu.memref_slice %arg6[%dma_start3A_349, %dma_start3A_350, %dma_start3A_357] : memref<2x16x128xi32, #tpu.memory_space<vmem>> -> memref<1x1x128xi32, #tpu.memory_space<vmem>>
    %dma_start3A_359 = tpu.memref_squeeze %dma_start3A_358 : memref<1x1x128xi32, #tpu.memory_space<vmem>> -> memref<128xi32, #tpu.memory_space<vmem>>
    %dma_start3A_360 = arith.constant 0 : i32
    %dma_start3A_361 = arith.constant 0 : i32
    %dma_start3A_362 = tpu.memref_slice %arg2[%dma_start3A_360, %dma_start3A_361] : memref<100000x32xbf16, #tpu.memory_space<hbm>> -> memref<100000x32xbf16, #tpu.memory_space<hbm>>
    tpu.enqueue_indirect_dma source(%dma_start3A_362 : memref<100000x32xbf16, #tpu.memory_space<hbm>>) target(%dma_start3A_356 : memref<128x32xbf16, #tpu.memory_space<vmem>>) offsets(%dma_start3A_359 : memref<128xi32, #tpu.memory_space<vmem>>) semaphore(%arg12 : memref<!tpu.dma_semaphore, #tpu.memory_space<semaphore_mem>>)
    %dma_start3A_363 = arith.constant 1 : i32
    %dma_start3A_364 = arith.constant 7 : i32
    %dma_start3A_365 = arith.constant 1 : i32
    %dma_start3A_366 = arith.constant 7 : i32
    %dma_start3A_367 = arith.constant 0 : i32
    %dma_start3A_368 = arith.constant 0 : i32
    %dma_start3A_369 = tpu.memref_slice %arg8[%dma_start3A_365, %dma_start3A_366, %dma_start3A_367, %dma_start3A_368] : memref<2x16x128x32xbf16, #tpu.memory_space<vmem>> -> memref<1x1x128x32xbf16, #tpu.memory_space<vmem>>
    %dma_start3A_370 = tpu.memref_squeeze %dma_start3A_369 : memref<1x1x128x32xbf16, #tpu.memory_space<vmem>> -> memref<128x32xbf16, #tpu.memory_space<vmem>>
    %dma_start3A_371 = arith.constant 0 : i32
    %dma_start3A_372 = tpu.memref_slice %arg6[%dma_start3A_363, %dma_start3A_364, %dma_start3A_371] : memref<2x16x128xi32, #tpu.memory_space<vmem>> -> memref<1x1x128xi32, #tpu.memory_space<vmem>>
    %dma_start3A_373 = tpu.memref_squeeze %dma_start3A_372 : memref<1x1x128xi32, #tpu.memory_space<vmem>> -> memref<128xi32, #tpu.memory_space<vmem>>
    %dma_start3A_374 = arith.constant 0 : i32
    %dma_start3A_375 = arith.constant 0 : i32
    %dma_start3A_376 = tpu.memref_slice %arg2[%dma_start3A_374, %dma_start3A_375] : memref<100000x32xbf16, #tpu.memory_space<hbm>> -> memref<100000x32xbf16, #tpu.memory_space<hbm>>
    tpu.enqueue_indirect_dma source(%dma_start3A_376 : memref<100000x32xbf16, #tpu.memory_space<hbm>>) target(%dma_start3A_370 : memref<128x32xbf16, #tpu.memory_space<vmem>>) offsets(%dma_start3A_373 : memref<128xi32, #tpu.memory_space<vmem>>) semaphore(%arg12 : memref<!tpu.dma_semaphore, #tpu.memory_space<semaphore_mem>>)
    %dma_start3A_377 = arith.constant 1 : i32
    %dma_start3A_378 = arith.constant 8 : i32
    %dma_start3A_379 = arith.constant 1 : i32
    %dma_start3A_380 = arith.constant 8 : i32
    %dma_start3A_381 = arith.constant 0 : i32
    %dma_start3A_382 = arith.constant 0 : i32
    %dma_start3A_383 = tpu.memref_slice %arg8[%dma_start3A_379, %dma_start3A_380, %dma_start3A_381, %dma_start3A_382] : memref<2x16x128x32xbf16, #tpu.memory_space<vmem>> -> memref<1x1x128x32xbf16, #tpu.memory_space<vmem>>
    %dma_start3A_384 = tpu.memref_squeeze %dma_start3A_383 : memref<1x1x128x32xbf16, #tpu.memory_space<vmem>> -> memref<128x32xbf16, #tpu.memory_space<vmem>>
    %dma_start3A_385 = arith.constant 0 : i32
    %dma_start3A_386 = tpu.memref_slice %arg6[%dma_start3A_377, %dma_start3A_378, %dma_start3A_385] : memref<2x16x128xi32, #tpu.memory_space<vmem>> -> memref<1x1x128xi32, #tpu.memory_space<vmem>>
    %dma_start3A_387 = tpu.memref_squeeze %dma_start3A_386 : memref<1x1x128xi32, #tpu.memory_space<vmem>> -> memref<128xi32, #tpu.memory_space<vmem>>
    %dma_start3A_388 = arith.constant 0 : i32
    %dma_start3A_389 = arith.constant 0 : i32
    %dma_start3A_390 = tpu.memref_slice %arg2[%dma_start3A_388, %dma_start3A_389] : memref<100000x32xbf16, #tpu.memory_space<hbm>> -> memref<100000x32xbf16, #tpu.memory_space<hbm>>
    tpu.enqueue_indirect_dma source(%dma_start3A_390 : memref<100000x32xbf16, #tpu.memory_space<hbm>>) target(%dma_start3A_384 : memref<128x32xbf16, #tpu.memory_space<vmem>>) offsets(%dma_start3A_387 : memref<128xi32, #tpu.memory_space<vmem>>) semaphore(%arg12 : memref<!tpu.dma_semaphore, #tpu.memory_space<semaphore_mem>>)
    %dma_start3A_391 = arith.constant 1 : i32
    %dma_start3A_392 = arith.constant 9 : i32
    %dma_start3A_393 = arith.constant 1 : i32
    %dma_start3A_394 = arith.constant 9 : i32
    %dma_start3A_395 = arith.constant 0 : i32
    %dma_start3A_396 = arith.constant 0 : i32
    %dma_start3A_397 = tpu.memref_slice %arg8[%dma_start3A_393, %dma_start3A_394, %dma_start3A_395, %dma_start3A_396] : memref<2x16x128x32xbf16, #tpu.memory_space<vmem>> -> memref<1x1x128x32xbf16, #tpu.memory_space<vmem>>
    %dma_start3A_398 = tpu.memref_squeeze %dma_start3A_397 : memref<1x1x128x32xbf16, #tpu.memory_space<vmem>> -> memref<128x32xbf16, #tpu.memory_space<vmem>>
    %dma_start3A_399 = arith.constant 0 : i32
    %dma_start3A_400 = tpu.memref_slice %arg6[%dma_start3A_391, %dma_start3A_392, %dma_start3A_399] : memref<2x16x128xi32, #tpu.memory_space<vmem>> -> memref<1x1x128xi32, #tpu.memory_space<vmem>>
    %dma_start3A_401 = tpu.memref_squeeze %dma_start3A_400 : memref<1x1x128xi32, #tpu.memory_space<vmem>> -> memref<128xi32, #tpu.memory_space<vmem>>
    %dma_start3A_402 = arith.constant 0 : i32
    %dma_start3A_403 = arith.constant 0 : i32
    %dma_start3A_404 = tpu.memref_slice %arg2[%dma_start3A_402, %dma_start3A_403] : memref<100000x32xbf16, #tpu.memory_space<hbm>> -> memref<100000x32xbf16, #tpu.memory_space<hbm>>
    tpu.enqueue_indirect_dma source(%dma_start3A_404 : memref<100000x32xbf16, #tpu.memory_space<hbm>>) target(%dma_start3A_398 : memref<128x32xbf16, #tpu.memory_space<vmem>>) offsets(%dma_start3A_401 : memref<128xi32, #tpu.memory_space<vmem>>) semaphore(%arg12 : memref<!tpu.dma_semaphore, #tpu.memory_space<semaphore_mem>>)
    %dma_start3A_405 = arith.constant 1 : i32
    %dma_start3A_406 = arith.constant 10 : i32
    %dma_start3A_407 = arith.constant 1 : i32
    %dma_start3A_408 = arith.constant 10 : i32
    %dma_start3A_409 = arith.constant 0 : i32
    %dma_start3A_410 = arith.constant 0 : i32
    %dma_start3A_411 = tpu.memref_slice %arg8[%dma_start3A_407, %dma_start3A_408, %dma_start3A_409, %dma_start3A_410] : memref<2x16x128x32xbf16, #tpu.memory_space<vmem>> -> memref<1x1x128x32xbf16, #tpu.memory_space<vmem>>
    %dma_start3A_412 = tpu.memref_squeeze %dma_start3A_411 : memref<1x1x128x32xbf16, #tpu.memory_space<vmem>> -> memref<128x32xbf16, #tpu.memory_space<vmem>>
    %dma_start3A_413 = arith.constant 0 : i32
    %dma_start3A_414 = tpu.memref_slice %arg6[%dma_start3A_405, %dma_start3A_406, %dma_start3A_413] : memref<2x16x128xi32, #tpu.memory_space<vmem>> -> memref<1x1x128xi32, #tpu.memory_space<vmem>>
    %dma_start3A_415 = tpu.memref_squeeze %dma_start3A_414 : memref<1x1x128xi32, #tpu.memory_space<vmem>> -> memref<128xi32, #tpu.memory_space<vmem>>
    %dma_start3A_416 = arith.constant 0 : i32
    %dma_start3A_417 = arith.constant 0 : i32
    %dma_start3A_418 = tpu.memref_slice %arg2[%dma_start3A_416, %dma_start3A_417] : memref<100000x32xbf16, #tpu.memory_space<hbm>> -> memref<100000x32xbf16, #tpu.memory_space<hbm>>
    tpu.enqueue_indirect_dma source(%dma_start3A_418 : memref<100000x32xbf16, #tpu.memory_space<hbm>>) target(%dma_start3A_412 : memref<128x32xbf16, #tpu.memory_space<vmem>>) offsets(%dma_start3A_415 : memref<128xi32, #tpu.memory_space<vmem>>) semaphore(%arg12 : memref<!tpu.dma_semaphore, #tpu.memory_space<semaphore_mem>>)
    %dma_start3A_419 = arith.constant 1 : i32
    %dma_start3A_420 = arith.constant 11 : i32
    %dma_start3A_421 = arith.constant 1 : i32
    %dma_start3A_422 = arith.constant 11 : i32
    %dma_start3A_423 = arith.constant 0 : i32
    %dma_start3A_424 = arith.constant 0 : i32
    %dma_start3A_425 = tpu.memref_slice %arg8[%dma_start3A_421, %dma_start3A_422, %dma_start3A_423, %dma_start3A_424] : memref<2x16x128x32xbf16, #tpu.memory_space<vmem>> -> memref<1x1x128x32xbf16, #tpu.memory_space<vmem>>
    %dma_start3A_426 = tpu.memref_squeeze %dma_start3A_425 : memref<1x1x128x32xbf16, #tpu.memory_space<vmem>> -> memref<128x32xbf16, #tpu.memory_space<vmem>>
    %dma_start3A_427 = arith.constant 0 : i32
    %dma_start3A_428 = tpu.memref_slice %arg6[%dma_start3A_419, %dma_start3A_420, %dma_start3A_427] : memref<2x16x128xi32, #tpu.memory_space<vmem>> -> memref<1x1x128xi32, #tpu.memory_space<vmem>>
    %dma_start3A_429 = tpu.memref_squeeze %dma_start3A_428 : memref<1x1x128xi32, #tpu.memory_space<vmem>> -> memref<128xi32, #tpu.memory_space<vmem>>
    %dma_start3A_430 = arith.constant 0 : i32
    %dma_start3A_431 = arith.constant 0 : i32
    %dma_start3A_432 = tpu.memref_slice %arg2[%dma_start3A_430, %dma_start3A_431] : memref<100000x32xbf16, #tpu.memory_space<hbm>> -> memref<100000x32xbf16, #tpu.memory_space<hbm>>
    tpu.enqueue_indirect_dma source(%dma_start3A_432 : memref<100000x32xbf16, #tpu.memory_space<hbm>>) target(%dma_start3A_426 : memref<128x32xbf16, #tpu.memory_space<vmem>>) offsets(%dma_start3A_429 : memref<128xi32, #tpu.memory_space<vmem>>) semaphore(%arg12 : memref<!tpu.dma_semaphore, #tpu.memory_space<semaphore_mem>>)
    %dma_start3A_433 = arith.constant 1 : i32
    %dma_start3A_434 = arith.constant 12 : i32
    %dma_start3A_435 = arith.constant 1 : i32
    %dma_start3A_436 = arith.constant 12 : i32
    %dma_start3A_437 = arith.constant 0 : i32
    %dma_start3A_438 = arith.constant 0 : i32
    %dma_start3A_439 = tpu.memref_slice %arg8[%dma_start3A_435, %dma_start3A_436, %dma_start3A_437, %dma_start3A_438] : memref<2x16x128x32xbf16, #tpu.memory_space<vmem>> -> memref<1x1x128x32xbf16, #tpu.memory_space<vmem>>
    %dma_start3A_440 = tpu.memref_squeeze %dma_start3A_439 : memref<1x1x128x32xbf16, #tpu.memory_space<vmem>> -> memref<128x32xbf16, #tpu.memory_space<vmem>>
    %dma_start3A_441 = arith.constant 0 : i32
    %dma_start3A_442 = tpu.memref_slice %arg6[%dma_start3A_433, %dma_start3A_434, %dma_start3A_441] : memref<2x16x128xi32, #tpu.memory_space<vmem>> -> memref<1x1x128xi32, #tpu.memory_space<vmem>>
    %dma_start3A_443 = tpu.memref_squeeze %dma_start3A_442 : memref<1x1x128xi32, #tpu.memory_space<vmem>> -> memref<128xi32, #tpu.memory_space<vmem>>
    %dma_start3A_444 = arith.constant 0 : i32
    %dma_start3A_445 = arith.constant 0 : i32
    %dma_start3A_446 = tpu.memref_slice %arg2[%dma_start3A_444, %dma_start3A_445] : memref<100000x32xbf16, #tpu.memory_space<hbm>> -> memref<100000x32xbf16, #tpu.memory_space<hbm>>
    tpu.enqueue_indirect_dma source(%dma_start3A_446 : memref<100000x32xbf16, #tpu.memory_space<hbm>>) target(%dma_start3A_440 : memref<128x32xbf16, #tpu.memory_space<vmem>>) offsets(%dma_start3A_443 : memref<128xi32, #tpu.memory_space<vmem>>) semaphore(%arg12 : memref<!tpu.dma_semaphore, #tpu.memory_space<semaphore_mem>>)
    %dma_start3A_447 = arith.constant 1 : i32
    %dma_start3A_448 = arith.constant 13 : i32
    %dma_start3A_449 = arith.constant 1 : i32
    %dma_start3A_450 = arith.constant 13 : i32
    %dma_start3A_451 = arith.constant 0 : i32
    %dma_start3A_452 = arith.constant 0 : i32
    %dma_start3A_453 = tpu.memref_slice %arg8[%dma_start3A_449, %dma_start3A_450, %dma_start3A_451, %dma_start3A_452] : memref<2x16x128x32xbf16, #tpu.memory_space<vmem>> -> memref<1x1x128x32xbf16, #tpu.memory_space<vmem>>
    %dma_start3A_454 = tpu.memref_squeeze %dma_start3A_453 : memref<1x1x128x32xbf16, #tpu.memory_space<vmem>> -> memref<128x32xbf16, #tpu.memory_space<vmem>>
    %dma_start3A_455 = arith.constant 0 : i32
    %dma_start3A_456 = tpu.memref_slice %arg6[%dma_start3A_447, %dma_start3A_448, %dma_start3A_455] : memref<2x16x128xi32, #tpu.memory_space<vmem>> -> memref<1x1x128xi32, #tpu.memory_space<vmem>>
    %dma_start3A_457 = tpu.memref_squeeze %dma_start3A_456 : memref<1x1x128xi32, #tpu.memory_space<vmem>> -> memref<128xi32, #tpu.memory_space<vmem>>
    %dma_start3A_458 = arith.constant 0 : i32
    %dma_start3A_459 = arith.constant 0 : i32
    %dma_start3A_460 = tpu.memref_slice %arg2[%dma_start3A_458, %dma_start3A_459] : memref<100000x32xbf16, #tpu.memory_space<hbm>> -> memref<100000x32xbf16, #tpu.memory_space<hbm>>
    tpu.enqueue_indirect_dma source(%dma_start3A_460 : memref<100000x32xbf16, #tpu.memory_space<hbm>>) target(%dma_start3A_454 : memref<128x32xbf16, #tpu.memory_space<vmem>>) offsets(%dma_start3A_457 : memref<128xi32, #tpu.memory_space<vmem>>) semaphore(%arg12 : memref<!tpu.dma_semaphore, #tpu.memory_space<semaphore_mem>>)
    %dma_start3A_461 = arith.constant 1 : i32
    %dma_start3A_462 = arith.constant 14 : i32
    %dma_start3A_463 = arith.constant 1 : i32
    %dma_start3A_464 = arith.constant 14 : i32
    %dma_start3A_465 = arith.constant 0 : i32
    %dma_start3A_466 = arith.constant 0 : i32
    %dma_start3A_467 = tpu.memref_slice %arg8[%dma_start3A_463, %dma_start3A_464, %dma_start3A_465, %dma_start3A_466] : memref<2x16x128x32xbf16, #tpu.memory_space<vmem>> -> memref<1x1x128x32xbf16, #tpu.memory_space<vmem>>
    %dma_start3A_468 = tpu.memref_squeeze %dma_start3A_467 : memref<1x1x128x32xbf16, #tpu.memory_space<vmem>> -> memref<128x32xbf16, #tpu.memory_space<vmem>>
    %dma_start3A_469 = arith.constant 0 : i32
    %dma_start3A_470 = tpu.memref_slice %arg6[%dma_start3A_461, %dma_start3A_462, %dma_start3A_469] : memref<2x16x128xi32, #tpu.memory_space<vmem>> -> memref<1x1x128xi32, #tpu.memory_space<vmem>>
    %dma_start3A_471 = tpu.memref_squeeze %dma_start3A_470 : memref<1x1x128xi32, #tpu.memory_space<vmem>> -> memref<128xi32, #tpu.memory_space<vmem>>
    %dma_start3A_472 = arith.constant 0 : i32
    %dma_start3A_473 = arith.constant 0 : i32
    %dma_start3A_474 = tpu.memref_slice %arg2[%dma_start3A_472, %dma_start3A_473] : memref<100000x32xbf16, #tpu.memory_space<hbm>> -> memref<100000x32xbf16, #tpu.memory_space<hbm>>
    tpu.enqueue_indirect_dma source(%dma_start3A_474 : memref<100000x32xbf16, #tpu.memory_space<hbm>>) target(%dma_start3A_468 : memref<128x32xbf16, #tpu.memory_space<vmem>>) offsets(%dma_start3A_471 : memref<128xi32, #tpu.memory_space<vmem>>) semaphore(%arg12 : memref<!tpu.dma_semaphore, #tpu.memory_space<semaphore_mem>>)
    %dma_start3A_475 = arith.constant 1 : i32
    %dma_start3A_476 = arith.constant 15 : i32
    %dma_start3A_477 = arith.constant 1 : i32
    %dma_start3A_478 = arith.constant 15 : i32
    %dma_start3A_479 = arith.constant 0 : i32
    %dma_start3A_480 = arith.constant 0 : i32
    %dma_start3A_481 = tpu.memref_slice %arg8[%dma_start3A_477, %dma_start3A_478, %dma_start3A_479, %dma_start3A_480] : memref<2x16x128x32xbf16, #tpu.memory_space<vmem>> -> memref<1x1x128x32xbf16, #tpu.memory_space<vmem>>
    %dma_start3A_482 = tpu.memref_squeeze %dma_start3A_481 : memref<1x1x128x32xbf16, #tpu.memory_space<vmem>> -> memref<128x32xbf16, #tpu.memory_space<vmem>>
    %dma_start3A_483 = arith.constant 0 : i32
    %dma_start3A_484 = tpu.memref_slice %arg6[%dma_start3A_475, %dma_start3A_476, %dma_start3A_483] : memref<2x16x128xi32, #tpu.memory_space<vmem>> -> memref<1x1x128xi32, #tpu.memory_space<vmem>>
    %dma_start3A_485 = tpu.memref_squeeze %dma_start3A_484 : memref<1x1x128xi32, #tpu.memory_space<vmem>> -> memref<128xi32, #tpu.memory_space<vmem>>
    %dma_start3A_486 = arith.constant 0 : i32
    %dma_start3A_487 = arith.constant 0 : i32
    %dma_start3A_488 = tpu.memref_slice %arg2[%dma_start3A_486, %dma_start3A_487] : memref<100000x32xbf16, #tpu.memory_space<hbm>> -> memref<100000x32xbf16, #tpu.memory_space<hbm>>
    tpu.enqueue_indirect_dma source(%dma_start3A_488 : memref<100000x32xbf16, #tpu.memory_space<hbm>>) target(%dma_start3A_482 : memref<128x32xbf16, #tpu.memory_space<vmem>>) offsets(%dma_start3A_485 : memref<128xi32, #tpu.memory_space<vmem>>) semaphore(%arg12 : memref<!tpu.dma_semaphore, #tpu.memory_space<semaphore_mem>>)
    %scan3A_489 = arith.constant 0 : i32
    %scan3A_490 = arith.constant 0 : i32
    %scan3A_491 = arith.constant 13 : i32
    %scan3A_492 = arith.addi %scan3A_490, %scan3A_491 : i32
    %scan3A_493 = arith.constant 1 : i32
    %scan3A_494 = scf.for %scan3A_499 = %scan3A_490 to %scan3A_492 step %scan3A_493 iter_args(%scan3A_500 = %scan3A_489) -> (i32)  : i32 {
      %mul3A_501 = arith.constant 2 : i32
      %mul3A_502 = arith.muli %mul3A_501, %scan3A_499 : i32
      %add3A_503 = arith.constant 0 : i32
      %add3A_504 = arith.addi %mul3A_502, %add3A_503 : i32
      %dma_wait3A = arith.constant 0 : i32
      %dma_wait3A_505 = arith.constant 0 : i32
      %dma_wait3A_506 = arith.constant 0 : i32
      %dma_wait3A_507 = arith.constant 0 : i32
      %dma_wait3A_508 = arith.constant 0 : i32
      %dma_wait3A_509 = arith.constant 0 : i32
      %dma_wait3A_510 = tpu.memref_slice %arg8[%dma_wait3A_506, %dma_wait3A_507, %dma_wait3A_508, %dma_wait3A_509] : memref<2x16x128x32xbf16, #tpu.memory_space<vmem>> -> memref<1x1x128x32xbf16, #tpu.memory_space<vmem>>
      %dma_wait3A_511 = tpu.memref_squeeze %dma_wait3A_510 : memref<1x1x128x32xbf16, #tpu.memory_space<vmem>> -> memref<128x32xbf16, #tpu.memory_space<vmem>>
      %dma_wait3A_512 = arith.constant 0 : i32
      %dma_wait3A_513 = tpu.memref_slice %arg6[%dma_wait3A, %dma_wait3A_505, %dma_wait3A_512] : memref<2x16x128xi32, #tpu.memory_space<vmem>> -> memref<1x1x128xi32, #tpu.memory_space<vmem>>
      %dma_wait3A_514 = tpu.memref_squeeze %dma_wait3A_513 : memref<1x1x128xi32, #tpu.memory_space<vmem>> -> memref<128xi32, #tpu.memory_space<vmem>>
      %dma_wait3A_515 = arith.constant 0 : i32
      %dma_wait3A_516 = arith.constant 0 : i32
      %dma_wait3A_517 = tpu.memref_slice %arg2[%dma_wait3A_515, %dma_wait3A_516] : memref<100000x32xbf16, #tpu.memory_space<hbm>> -> memref<100000x32xbf16, #tpu.memory_space<hbm>>
      tpu.wait_indirect_dma semaphore(%arg11 : memref<!tpu.dma_semaphore, #tpu.memory_space<semaphore_mem>>) src(%dma_wait3A_517 : memref<100000x32xbf16, #tpu.memory_space<hbm>>) dst(%dma_wait3A_511 : memref<128x32xbf16, #tpu.memory_space<vmem>>)
      %dma_wait3A_518 = arith.constant 0 : i32
      %dma_wait3A_519 = arith.constant 1 : i32
      %dma_wait3A_520 = arith.constant 0 : i32
      %dma_wait3A_521 = arith.constant 1 : i32
      %dma_wait3A_522 = arith.constant 0 : i32
      %dma_wait3A_523 = arith.constant 0 : i32
      %dma_wait3A_524 = tpu.memref_slice %arg8[%dma_wait3A_520, %dma_wait3A_521, %dma_wait3A_522, %dma_wait3A_523] : memref<2x16x128x32xbf16, #tpu.memory_space<vmem>> -> memref<1x1x128x32xbf16, #tpu.memory_space<vmem>>
      %dma_wait3A_525 = tpu.memref_squeeze %dma_wait3A_524 : memref<1x1x128x32xbf16, #tpu.memory_space<vmem>> -> memref<128x32xbf16, #tpu.memory_space<vmem>>
      %dma_wait3A_526 = arith.constant 0 : i32
      %dma_wait3A_527 = tpu.memref_slice %arg6[%dma_wait3A_518, %dma_wait3A_519, %dma_wait3A_526] : memref<2x16x128xi32, #tpu.memory_space<vmem>> -> memref<1x1x128xi32, #tpu.memory_space<vmem>>
      %dma_wait3A_528 = tpu.memref_squeeze %dma_wait3A_527 : memref<1x1x128xi32, #tpu.memory_space<vmem>> -> memref<128xi32, #tpu.memory_space<vmem>>
      %dma_wait3A_529 = arith.constant 0 : i32
      %dma_wait3A_530 = arith.constant 0 : i32
      %dma_wait3A_531 = tpu.memref_slice %arg2[%dma_wait3A_529, %dma_wait3A_530] : memref<100000x32xbf16, #tpu.memory_space<hbm>> -> memref<100000x32xbf16, #tpu.memory_space<hbm>>
      tpu.wait_indirect_dma semaphore(%arg11 : memref<!tpu.dma_semaphore, #tpu.memory_space<semaphore_mem>>) src(%dma_wait3A_531 : memref<100000x32xbf16, #tpu.memory_space<hbm>>) dst(%dma_wait3A_525 : memref<128x32xbf16, #tpu.memory_space<vmem>>)
      %dma_wait3A_532 = arith.constant 0 : i32
      %dma_wait3A_533 = arith.constant 2 : i32
      %dma_wait3A_534 = arith.constant 0 : i32
      %dma_wait3A_535 = arith.constant 2 : i32
      %dma_wait3A_536 = arith.constant 0 : i32
      %dma_wait3A_537 = arith.constant 0 : i32
      %dma_wait3A_538 = tpu.memref_slice %arg8[%dma_wait3A_534, %dma_wait3A_535, %dma_wait3A_536, %dma_wait3A_537] : memref<2x16x128x32xbf16, #tpu.memory_space<vmem>> -> memref<1x1x128x32xbf16, #tpu.memory_space<vmem>>
      %dma_wait3A_539 = tpu.memref_squeeze %dma_wait3A_538 : memref<1x1x128x32xbf16, #tpu.memory_space<vmem>> -> memref<128x32xbf16, #tpu.memory_space<vmem>>
      %dma_wait3A_540 = arith.constant 0 : i32
      %dma_wait3A_541 = tpu.memref_slice %arg6[%dma_wait3A_532, %dma_wait3A_533, %dma_wait3A_540] : memref<2x16x128xi32, #tpu.memory_space<vmem>> -> memref<1x1x128xi32, #tpu.memory_space<vmem>>
      %dma_wait3A_542 = tpu.memref_squeeze %dma_wait3A_541 : memref<1x1x128xi32, #tpu.memory_space<vmem>> -> memref<128xi32, #tpu.memory_space<vmem>>
      %dma_wait3A_543 = arith.constant 0 : i32
      %dma_wait3A_544 = arith.constant 0 : i32
      %dma_wait3A_545 = tpu.memref_slice %arg2[%dma_wait3A_543, %dma_wait3A_544] : memref<100000x32xbf16, #tpu.memory_space<hbm>> -> memref<100000x32xbf16, #tpu.memory_space<hbm>>
      tpu.wait_indirect_dma semaphore(%arg11 : memref<!tpu.dma_semaphore, #tpu.memory_space<semaphore_mem>>) src(%dma_wait3A_545 : memref<100000x32xbf16, #tpu.memory_space<hbm>>) dst(%dma_wait3A_539 : memref<128x32xbf16, #tpu.memory_space<vmem>>)
      %dma_wait3A_546 = arith.constant 0 : i32
      %dma_wait3A_547 = arith.constant 3 : i32
      %dma_wait3A_548 = arith.constant 0 : i32
      %dma_wait3A_549 = arith.constant 3 : i32
      %dma_wait3A_550 = arith.constant 0 : i32
      %dma_wait3A_551 = arith.constant 0 : i32
      %dma_wait3A_552 = tpu.memref_slice %arg8[%dma_wait3A_548, %dma_wait3A_549, %dma_wait3A_550, %dma_wait3A_551] : memref<2x16x128x32xbf16, #tpu.memory_space<vmem>> -> memref<1x1x128x32xbf16, #tpu.memory_space<vmem>>
      %dma_wait3A_553 = tpu.memref_squeeze %dma_wait3A_552 : memref<1x1x128x32xbf16, #tpu.memory_space<vmem>> -> memref<128x32xbf16, #tpu.memory_space<vmem>>
      %dma_wait3A_554 = arith.constant 0 : i32
      %dma_wait3A_555 = tpu.memref_slice %arg6[%dma_wait3A_546, %dma_wait3A_547, %dma_wait3A_554] : memref<2x16x128xi32, #tpu.memory_space<vmem>> -> memref<1x1x128xi32, #tpu.memory_space<vmem>>
      %dma_wait3A_556 = tpu.memref_squeeze %dma_wait3A_555 : memref<1x1x128xi32, #tpu.memory_space<vmem>> -> memref<128xi32, #tpu.memory_space<vmem>>
      %dma_wait3A_557 = arith.constant 0 : i32
      %dma_wait3A_558 = arith.constant 0 : i32
      %dma_wait3A_559 = tpu.memref_slice %arg2[%dma_wait3A_557, %dma_wait3A_558] : memref<100000x32xbf16, #tpu.memory_space<hbm>> -> memref<100000x32xbf16, #tpu.memory_space<hbm>>
      tpu.wait_indirect_dma semaphore(%arg11 : memref<!tpu.dma_semaphore, #tpu.memory_space<semaphore_mem>>) src(%dma_wait3A_559 : memref<100000x32xbf16, #tpu.memory_space<hbm>>) dst(%dma_wait3A_553 : memref<128x32xbf16, #tpu.memory_space<vmem>>)
      %dma_wait3A_560 = arith.constant 0 : i32
      %dma_wait3A_561 = arith.constant 4 : i32
      %dma_wait3A_562 = arith.constant 0 : i32
      %dma_wait3A_563 = arith.constant 4 : i32
      %dma_wait3A_564 = arith.constant 0 : i32
      %dma_wait3A_565 = arith.constant 0 : i32
      %dma_wait3A_566 = tpu.memref_slice %arg8[%dma_wait3A_562, %dma_wait3A_563, %dma_wait3A_564, %dma_wait3A_565] : memref<2x16x128x32xbf16, #tpu.memory_space<vmem>> -> memref<1x1x128x32xbf16, #tpu.memory_space<vmem>>
      %dma_wait3A_567 = tpu.memref_squeeze %dma_wait3A_566 : memref<1x1x128x32xbf16, #tpu.memory_space<vmem>> -> memref<128x32xbf16, #tpu.memory_space<vmem>>
      %dma_wait3A_568 = arith.constant 0 : i32
      %dma_wait3A_569 = tpu.memref_slice %arg6[%dma_wait3A_560, %dma_wait3A_561, %dma_wait3A_568] : memref<2x16x128xi32, #tpu.memory_space<vmem>> -> memref<1x1x128xi32, #tpu.memory_space<vmem>>
      %dma_wait3A_570 = tpu.memref_squeeze %dma_wait3A_569 : memref<1x1x128xi32, #tpu.memory_space<vmem>> -> memref<128xi32, #tpu.memory_space<vmem>>
      %dma_wait3A_571 = arith.constant 0 : i32
      %dma_wait3A_572 = arith.constant 0 : i32
      %dma_wait3A_573 = tpu.memref_slice %arg2[%dma_wait3A_571, %dma_wait3A_572] : memref<100000x32xbf16, #tpu.memory_space<hbm>> -> memref<100000x32xbf16, #tpu.memory_space<hbm>>
      tpu.wait_indirect_dma semaphore(%arg11 : memref<!tpu.dma_semaphore, #tpu.memory_space<semaphore_mem>>) src(%dma_wait3A_573 : memref<100000x32xbf16, #tpu.memory_space<hbm>>) dst(%dma_wait3A_567 : memref<128x32xbf16, #tpu.memory_space<vmem>>)
      %dma_wait3A_574 = arith.constant 0 : i32
      %dma_wait3A_575 = arith.constant 5 : i32
      %dma_wait3A_576 = arith.constant 0 : i32
      %dma_wait3A_577 = arith.constant 5 : i32
      %dma_wait3A_578 = arith.constant 0 : i32
      %dma_wait3A_579 = arith.constant 0 : i32
      %dma_wait3A_580 = tpu.memref_slice %arg8[%dma_wait3A_576, %dma_wait3A_577, %dma_wait3A_578, %dma_wait3A_579] : memref<2x16x128x32xbf16, #tpu.memory_space<vmem>> -> memref<1x1x128x32xbf16, #tpu.memory_space<vmem>>
      %dma_wait3A_581 = tpu.memref_squeeze %dma_wait3A_580 : memref<1x1x128x32xbf16, #tpu.memory_space<vmem>> -> memref<128x32xbf16, #tpu.memory_space<vmem>>
      %dma_wait3A_582 = arith.constant 0 : i32
      %dma_wait3A_583 = tpu.memref_slice %arg6[%dma_wait3A_574, %dma_wait3A_575, %dma_wait3A_582] : memref<2x16x128xi32, #tpu.memory_space<vmem>> -> memref<1x1x128xi32, #tpu.memory_space<vmem>>
      %dma_wait3A_584 = tpu.memref_squeeze %dma_wait3A_583 : memref<1x1x128xi32, #tpu.memory_space<vmem>> -> memref<128xi32, #tpu.memory_space<vmem>>
      %dma_wait3A_585 = arith.constant 0 : i32
      %dma_wait3A_586 = arith.constant 0 : i32
      %dma_wait3A_587 = tpu.memref_slice %arg2[%dma_wait3A_585, %dma_wait3A_586] : memref<100000x32xbf16, #tpu.memory_space<hbm>> -> memref<100000x32xbf16, #tpu.memory_space<hbm>>
      tpu.wait_indirect_dma semaphore(%arg11 : memref<!tpu.dma_semaphore, #tpu.memory_space<semaphore_mem>>) src(%dma_wait3A_587 : memref<100000x32xbf16, #tpu.memory_space<hbm>>) dst(%dma_wait3A_581 : memref<128x32xbf16, #tpu.memory_space<vmem>>)
      %dma_wait3A_588 = arith.constant 0 : i32
      %dma_wait3A_589 = arith.constant 6 : i32
      %dma_wait3A_590 = arith.constant 0 : i32
      %dma_wait3A_591 = arith.constant 6 : i32
      %dma_wait3A_592 = arith.constant 0 : i32
      %dma_wait3A_593 = arith.constant 0 : i32
      %dma_wait3A_594 = tpu.memref_slice %arg8[%dma_wait3A_590, %dma_wait3A_591, %dma_wait3A_592, %dma_wait3A_593] : memref<2x16x128x32xbf16, #tpu.memory_space<vmem>> -> memref<1x1x128x32xbf16, #tpu.memory_space<vmem>>
      %dma_wait3A_595 = tpu.memref_squeeze %dma_wait3A_594 : memref<1x1x128x32xbf16, #tpu.memory_space<vmem>> -> memref<128x32xbf16, #tpu.memory_space<vmem>>
      %dma_wait3A_596 = arith.constant 0 : i32
      %dma_wait3A_597 = tpu.memref_slice %arg6[%dma_wait3A_588, %dma_wait3A_589, %dma_wait3A_596] : memref<2x16x128xi32, #tpu.memory_space<vmem>> -> memref<1x1x128xi32, #tpu.memory_space<vmem>>
      %dma_wait3A_598 = tpu.memref_squeeze %dma_wait3A_597 : memref<1x1x128xi32, #tpu.memory_space<vmem>> -> memref<128xi32, #tpu.memory_space<vmem>>
      %dma_wait3A_599 = arith.constant 0 : i32
      %dma_wait3A_600 = arith.constant 0 : i32
      %dma_wait3A_601 = tpu.memref_slice %arg2[%dma_wait3A_599, %dma_wait3A_600] : memref<100000x32xbf16, #tpu.memory_space<hbm>> -> memref<100000x32xbf16, #tpu.memory_space<hbm>>
      tpu.wait_indirect_dma semaphore(%arg11 : memref<!tpu.dma_semaphore, #tpu.memory_space<semaphore_mem>>) src(%dma_wait3A_601 : memref<100000x32xbf16, #tpu.memory_space<hbm>>) dst(%dma_wait3A_595 : memref<128x32xbf16, #tpu.memory_space<vmem>>)
      %dma_wait3A_602 = arith.constant 0 : i32
      %dma_wait3A_603 = arith.constant 7 : i32
      %dma_wait3A_604 = arith.constant 0 : i32
      %dma_wait3A_605 = arith.constant 7 : i32
      %dma_wait3A_606 = arith.constant 0 : i32
      %dma_wait3A_607 = arith.constant 0 : i32
      %dma_wait3A_608 = tpu.memref_slice %arg8[%dma_wait3A_604, %dma_wait3A_605, %dma_wait3A_606, %dma_wait3A_607] : memref<2x16x128x32xbf16, #tpu.memory_space<vmem>> -> memref<1x1x128x32xbf16, #tpu.memory_space<vmem>>
      %dma_wait3A_609 = tpu.memref_squeeze %dma_wait3A_608 : memref<1x1x128x32xbf16, #tpu.memory_space<vmem>> -> memref<128x32xbf16, #tpu.memory_space<vmem>>
      %dma_wait3A_610 = arith.constant 0 : i32
      %dma_wait3A_611 = tpu.memref_slice %arg6[%dma_wait3A_602, %dma_wait3A_603, %dma_wait3A_610] : memref<2x16x128xi32, #tpu.memory_space<vmem>> -> memref<1x1x128xi32, #tpu.memory_space<vmem>>
      %dma_wait3A_612 = tpu.memref_squeeze %dma_wait3A_611 : memref<1x1x128xi32, #tpu.memory_space<vmem>> -> memref<128xi32, #tpu.memory_space<vmem>>
      %dma_wait3A_613 = arith.constant 0 : i32
      %dma_wait3A_614 = arith.constant 0 : i32
      %dma_wait3A_615 = tpu.memref_slice %arg2[%dma_wait3A_613, %dma_wait3A_614] : memref<100000x32xbf16, #tpu.memory_space<hbm>> -> memref<100000x32xbf16, #tpu.memory_space<hbm>>
      tpu.wait_indirect_dma semaphore(%arg11 : memref<!tpu.dma_semaphore, #tpu.memory_space<semaphore_mem>>) src(%dma_wait3A_615 : memref<100000x32xbf16, #tpu.memory_space<hbm>>) dst(%dma_wait3A_609 : memref<128x32xbf16, #tpu.memory_space<vmem>>)
      %dma_wait3A_616 = arith.constant 0 : i32
      %dma_wait3A_617 = arith.constant 8 : i32
      %dma_wait3A_618 = arith.constant 0 : i32
      %dma_wait3A_619 = arith.constant 8 : i32
      %dma_wait3A_620 = arith.constant 0 : i32
      %dma_wait3A_621 = arith.constant 0 : i32
      %dma_wait3A_622 = tpu.memref_slice %arg8[%dma_wait3A_618, %dma_wait3A_619, %dma_wait3A_620, %dma_wait3A_621] : memref<2x16x128x32xbf16, #tpu.memory_space<vmem>> -> memref<1x1x128x32xbf16, #tpu.memory_space<vmem>>
      %dma_wait3A_623 = tpu.memref_squeeze %dma_wait3A_622 : memref<1x1x128x32xbf16, #tpu.memory_space<vmem>> -> memref<128x32xbf16, #tpu.memory_space<vmem>>
      %dma_wait3A_624 = arith.constant 0 : i32
      %dma_wait3A_625 = tpu.memref_slice %arg6[%dma_wait3A_616, %dma_wait3A_617, %dma_wait3A_624] : memref<2x16x128xi32, #tpu.memory_space<vmem>> -> memref<1x1x128xi32, #tpu.memory_space<vmem>>
      %dma_wait3A_626 = tpu.memref_squeeze %dma_wait3A_625 : memref<1x1x128xi32, #tpu.memory_space<vmem>> -> memref<128xi32, #tpu.memory_space<vmem>>
      %dma_wait3A_627 = arith.constant 0 : i32
      %dma_wait3A_628 = arith.constant 0 : i32
      %dma_wait3A_629 = tpu.memref_slice %arg2[%dma_wait3A_627, %dma_wait3A_628] : memref<100000x32xbf16, #tpu.memory_space<hbm>> -> memref<100000x32xbf16, #tpu.memory_space<hbm>>
      tpu.wait_indirect_dma semaphore(%arg11 : memref<!tpu.dma_semaphore, #tpu.memory_space<semaphore_mem>>) src(%dma_wait3A_629 : memref<100000x32xbf16, #tpu.memory_space<hbm>>) dst(%dma_wait3A_623 : memref<128x32xbf16, #tpu.memory_space<vmem>>)
      %dma_wait3A_630 = arith.constant 0 : i32
      %dma_wait3A_631 = arith.constant 9 : i32
      %dma_wait3A_632 = arith.constant 0 : i32
      %dma_wait3A_633 = arith.constant 9 : i32
      %dma_wait3A_634 = arith.constant 0 : i32
      %dma_wait3A_635 = arith.constant 0 : i32
      %dma_wait3A_636 = tpu.memref_slice %arg8[%dma_wait3A_632, %dma_wait3A_633, %dma_wait3A_634, %dma_wait3A_635] : memref<2x16x128x32xbf16, #tpu.memory_space<vmem>> -> memref<1x1x128x32xbf16, #tpu.memory_space<vmem>>
      %dma_wait3A_637 = tpu.memref_squeeze %dma_wait3A_636 : memref<1x1x128x32xbf16, #tpu.memory_space<vmem>> -> memref<128x32xbf16, #tpu.memory_space<vmem>>
      %dma_wait3A_638 = arith.constant 0 : i32
      %dma_wait3A_639 = tpu.memref_slice %arg6[%dma_wait3A_630, %dma_wait3A_631, %dma_wait3A_638] : memref<2x16x128xi32, #tpu.memory_space<vmem>> -> memref<1x1x128xi32, #tpu.memory_space<vmem>>
      %dma_wait3A_640 = tpu.memref_squeeze %dma_wait3A_639 : memref<1x1x128xi32, #tpu.memory_space<vmem>> -> memref<128xi32, #tpu.memory_space<vmem>>
      %dma_wait3A_641 = arith.constant 0 : i32
      %dma_wait3A_642 = arith.constant 0 : i32
      %dma_wait3A_643 = tpu.memref_slice %arg2[%dma_wait3A_641, %dma_wait3A_642] : memref<100000x32xbf16, #tpu.memory_space<hbm>> -> memref<100000x32xbf16, #tpu.memory_space<hbm>>
      tpu.wait_indirect_dma semaphore(%arg11 : memref<!tpu.dma_semaphore, #tpu.memory_space<semaphore_mem>>) src(%dma_wait3A_643 : memref<100000x32xbf16, #tpu.memory_space<hbm>>) dst(%dma_wait3A_637 : memref<128x32xbf16, #tpu.memory_space<vmem>>)
      %dma_wait3A_644 = arith.constant 0 : i32
      %dma_wait3A_645 = arith.constant 10 : i32
      %dma_wait3A_646 = arith.constant 0 : i32
      %dma_wait3A_647 = arith.constant 10 : i32
      %dma_wait3A_648 = arith.constant 0 : i32
      %dma_wait3A_649 = arith.constant 0 : i32
      %dma_wait3A_650 = tpu.memref_slice %arg8[%dma_wait3A_646, %dma_wait3A_647, %dma_wait3A_648, %dma_wait3A_649] : memref<2x16x128x32xbf16, #tpu.memory_space<vmem>> -> memref<1x1x128x32xbf16, #tpu.memory_space<vmem>>
      %dma_wait3A_651 = tpu.memref_squeeze %dma_wait3A_650 : memref<1x1x128x32xbf16, #tpu.memory_space<vmem>> -> memref<128x32xbf16, #tpu.memory_space<vmem>>
      %dma_wait3A_652 = arith.constant 0 : i32
      %dma_wait3A_653 = tpu.memref_slice %arg6[%dma_wait3A_644, %dma_wait3A_645, %dma_wait3A_652] : memref<2x16x128xi32, #tpu.memory_space<vmem>> -> memref<1x1x128xi32, #tpu.memory_space<vmem>>
      %dma_wait3A_654 = tpu.memref_squeeze %dma_wait3A_653 : memref<1x1x128xi32, #tpu.memory_space<vmem>> -> memref<128xi32, #tpu.memory_space<vmem>>
      %dma_wait3A_655 = arith.constant 0 : i32
      %dma_wait3A_656 = arith.constant 0 : i32
      %dma_wait3A_657 = tpu.memref_slice %arg2[%dma_wait3A_655, %dma_wait3A_656] : memref<100000x32xbf16, #tpu.memory_space<hbm>> -> memref<100000x32xbf16, #tpu.memory_space<hbm>>
      tpu.wait_indirect_dma semaphore(%arg11 : memref<!tpu.dma_semaphore, #tpu.memory_space<semaphore_mem>>) src(%dma_wait3A_657 : memref<100000x32xbf16, #tpu.memory_space<hbm>>) dst(%dma_wait3A_651 : memref<128x32xbf16, #tpu.memory_space<vmem>>)
      %dma_wait3A_658 = arith.constant 0 : i32
      %dma_wait3A_659 = arith.constant 11 : i32
      %dma_wait3A_660 = arith.constant 0 : i32
      %dma_wait3A_661 = arith.constant 11 : i32
      %dma_wait3A_662 = arith.constant 0 : i32
      %dma_wait3A_663 = arith.constant 0 : i32
      %dma_wait3A_664 = tpu.memref_slice %arg8[%dma_wait3A_660, %dma_wait3A_661, %dma_wait3A_662, %dma_wait3A_663] : memref<2x16x128x32xbf16, #tpu.memory_space<vmem>> -> memref<1x1x128x32xbf16, #tpu.memory_space<vmem>>
      %dma_wait3A_665 = tpu.memref_squeeze %dma_wait3A_664 : memref<1x1x128x32xbf16, #tpu.memory_space<vmem>> -> memref<128x32xbf16, #tpu.memory_space<vmem>>
      %dma_wait3A_666 = arith.constant 0 : i32
      %dma_wait3A_667 = tpu.memref_slice %arg6[%dma_wait3A_658, %dma_wait3A_659, %dma_wait3A_666] : memref<2x16x128xi32, #tpu.memory_space<vmem>> -> memref<1x1x128xi32, #tpu.memory_space<vmem>>
      %dma_wait3A_668 = tpu.memref_squeeze %dma_wait3A_667 : memref<1x1x128xi32, #tpu.memory_space<vmem>> -> memref<128xi32, #tpu.memory_space<vmem>>
      %dma_wait3A_669 = arith.constant 0 : i32
      %dma_wait3A_670 = arith.constant 0 : i32
      %dma_wait3A_671 = tpu.memref_slice %arg2[%dma_wait3A_669, %dma_wait3A_670] : memref<100000x32xbf16, #tpu.memory_space<hbm>> -> memref<100000x32xbf16, #tpu.memory_space<hbm>>
      tpu.wait_indirect_dma semaphore(%arg11 : memref<!tpu.dma_semaphore, #tpu.memory_space<semaphore_mem>>) src(%dma_wait3A_671 : memref<100000x32xbf16, #tpu.memory_space<hbm>>) dst(%dma_wait3A_665 : memref<128x32xbf16, #tpu.memory_space<vmem>>)
      %dma_wait3A_672 = arith.constant 0 : i32
      %dma_wait3A_673 = arith.constant 12 : i32
      %dma_wait3A_674 = arith.constant 0 : i32
      %dma_wait3A_675 = arith.constant 12 : i32
      %dma_wait3A_676 = arith.constant 0 : i32
      %dma_wait3A_677 = arith.constant 0 : i32
      %dma_wait3A_678 = tpu.memref_slice %arg8[%dma_wait3A_674, %dma_wait3A_675, %dma_wait3A_676, %dma_wait3A_677] : memref<2x16x128x32xbf16, #tpu.memory_space<vmem>> -> memref<1x1x128x32xbf16, #tpu.memory_space<vmem>>
      %dma_wait3A_679 = tpu.memref_squeeze %dma_wait3A_678 : memref<1x1x128x32xbf16, #tpu.memory_space<vmem>> -> memref<128x32xbf16, #tpu.memory_space<vmem>>
      %dma_wait3A_680 = arith.constant 0 : i32
      %dma_wait3A_681 = tpu.memref_slice %arg6[%dma_wait3A_672, %dma_wait3A_673, %dma_wait3A_680] : memref<2x16x128xi32, #tpu.memory_space<vmem>> -> memref<1x1x128xi32, #tpu.memory_space<vmem>>
      %dma_wait3A_682 = tpu.memref_squeeze %dma_wait3A_681 : memref<1x1x128xi32, #tpu.memory_space<vmem>> -> memref<128xi32, #tpu.memory_space<vmem>>
      %dma_wait3A_683 = arith.constant 0 : i32
      %dma_wait3A_684 = arith.constant 0 : i32
      %dma_wait3A_685 = tpu.memref_slice %arg2[%dma_wait3A_683, %dma_wait3A_684] : memref<100000x32xbf16, #tpu.memory_space<hbm>> -> memref<100000x32xbf16, #tpu.memory_space<hbm>>
      tpu.wait_indirect_dma semaphore(%arg11 : memref<!tpu.dma_semaphore, #tpu.memory_space<semaphore_mem>>) src(%dma_wait3A_685 : memref<100000x32xbf16, #tpu.memory_space<hbm>>) dst(%dma_wait3A_679 : memref<128x32xbf16, #tpu.memory_space<vmem>>)
      %dma_wait3A_686 = arith.constant 0 : i32
      %dma_wait3A_687 = arith.constant 13 : i32
      %dma_wait3A_688 = arith.constant 0 : i32
      %dma_wait3A_689 = arith.constant 13 : i32
      %dma_wait3A_690 = arith.constant 0 : i32
      %dma_wait3A_691 = arith.constant 0 : i32
      %dma_wait3A_692 = tpu.memref_slice %arg8[%dma_wait3A_688, %dma_wait3A_689, %dma_wait3A_690, %dma_wait3A_691] : memref<2x16x128x32xbf16, #tpu.memory_space<vmem>> -> memref<1x1x128x32xbf16, #tpu.memory_space<vmem>>
      %dma_wait3A_693 = tpu.memref_squeeze %dma_wait3A_692 : memref<1x1x128x32xbf16, #tpu.memory_space<vmem>> -> memref<128x32xbf16, #tpu.memory_space<vmem>>
      %dma_wait3A_694 = arith.constant 0 : i32
      %dma_wait3A_695 = tpu.memref_slice %arg6[%dma_wait3A_686, %dma_wait3A_687, %dma_wait3A_694] : memref<2x16x128xi32, #tpu.memory_space<vmem>> -> memref<1x1x128xi32, #tpu.memory_space<vmem>>
      %dma_wait3A_696 = tpu.memref_squeeze %dma_wait3A_695 : memref<1x1x128xi32, #tpu.memory_space<vmem>> -> memref<128xi32, #tpu.memory_space<vmem>>
      %dma_wait3A_697 = arith.constant 0 : i32
      %dma_wait3A_698 = arith.constant 0 : i32
      %dma_wait3A_699 = tpu.memref_slice %arg2[%dma_wait3A_697, %dma_wait3A_698] : memref<100000x32xbf16, #tpu.memory_space<hbm>> -> memref<100000x32xbf16, #tpu.memory_space<hbm>>
      tpu.wait_indirect_dma semaphore(%arg11 : memref<!tpu.dma_semaphore, #tpu.memory_space<semaphore_mem>>) src(%dma_wait3A_699 : memref<100000x32xbf16, #tpu.memory_space<hbm>>) dst(%dma_wait3A_693 : memref<128x32xbf16, #tpu.memory_space<vmem>>)
      %dma_wait3A_700 = arith.constant 0 : i32
      %dma_wait3A_701 = arith.constant 14 : i32
      %dma_wait3A_702 = arith.constant 0 : i32
      %dma_wait3A_703 = arith.constant 14 : i32
      %dma_wait3A_704 = arith.constant 0 : i32
      %dma_wait3A_705 = arith.constant 0 : i32
      %dma_wait3A_706 = tpu.memref_slice %arg8[%dma_wait3A_702, %dma_wait3A_703, %dma_wait3A_704, %dma_wait3A_705] : memref<2x16x128x32xbf16, #tpu.memory_space<vmem>> -> memref<1x1x128x32xbf16, #tpu.memory_space<vmem>>
      %dma_wait3A_707 = tpu.memref_squeeze %dma_wait3A_706 : memref<1x1x128x32xbf16, #tpu.memory_space<vmem>> -> memref<128x32xbf16, #tpu.memory_space<vmem>>
      %dma_wait3A_708 = arith.constant 0 : i32
      %dma_wait3A_709 = tpu.memref_slice %arg6[%dma_wait3A_700, %dma_wait3A_701, %dma_wait3A_708] : memref<2x16x128xi32, #tpu.memory_space<vmem>> -> memref<1x1x128xi32, #tpu.memory_space<vmem>>
      %dma_wait3A_710 = tpu.memref_squeeze %dma_wait3A_709 : memref<1x1x128xi32, #tpu.memory_space<vmem>> -> memref<128xi32, #tpu.memory_space<vmem>>
      %dma_wait3A_711 = arith.constant 0 : i32
      %dma_wait3A_712 = arith.constant 0 : i32
      %dma_wait3A_713 = tpu.memref_slice %arg2[%dma_wait3A_711, %dma_wait3A_712] : memref<100000x32xbf16, #tpu.memory_space<hbm>> -> memref<100000x32xbf16, #tpu.memory_space<hbm>>
      tpu.wait_indirect_dma semaphore(%arg11 : memref<!tpu.dma_semaphore, #tpu.memory_space<semaphore_mem>>) src(%dma_wait3A_713 : memref<100000x32xbf16, #tpu.memory_space<hbm>>) dst(%dma_wait3A_707 : memref<128x32xbf16, #tpu.memory_space<vmem>>)
      %dma_wait3A_714 = arith.constant 0 : i32
      %dma_wait3A_715 = arith.constant 15 : i32
      %dma_wait3A_716 = arith.constant 0 : i32
      %dma_wait3A_717 = arith.constant 15 : i32
      %dma_wait3A_718 = arith.constant 0 : i32
      %dma_wait3A_719 = arith.constant 0 : i32
      %dma_wait3A_720 = tpu.memref_slice %arg8[%dma_wait3A_716, %dma_wait3A_717, %dma_wait3A_718, %dma_wait3A_719] : memref<2x16x128x32xbf16, #tpu.memory_space<vmem>> -> memref<1x1x128x32xbf16, #tpu.memory_space<vmem>>
      %dma_wait3A_721 = tpu.memref_squeeze %dma_wait3A_720 : memref<1x1x128x32xbf16, #tpu.memory_space<vmem>> -> memref<128x32xbf16, #tpu.memory_space<vmem>>
      %dma_wait3A_722 = arith.constant 0 : i32
      %dma_wait3A_723 = tpu.memref_slice %arg6[%dma_wait3A_714, %dma_wait3A_715, %dma_wait3A_722] : memref<2x16x128xi32, #tpu.memory_space<vmem>> -> memref<1x1x128xi32, #tpu.memory_space<vmem>>
      %dma_wait3A_724 = tpu.memref_squeeze %dma_wait3A_723 : memref<1x1x128xi32, #tpu.memory_space<vmem>> -> memref<128xi32, #tpu.memory_space<vmem>>
      %dma_wait3A_725 = arith.constant 0 : i32
      %dma_wait3A_726 = arith.constant 0 : i32
      %dma_wait3A_727 = tpu.memref_slice %arg2[%dma_wait3A_725, %dma_wait3A_726] : memref<100000x32xbf16, #tpu.memory_space<hbm>> -> memref<100000x32xbf16, #tpu.memory_space<hbm>>
      tpu.wait_indirect_dma semaphore(%arg11 : memref<!tpu.dma_semaphore, #tpu.memory_space<semaphore_mem>>) src(%dma_wait3A_727 : memref<100000x32xbf16, #tpu.memory_space<hbm>>) dst(%dma_wait3A_721 : memref<128x32xbf16, #tpu.memory_space<vmem>>)
      %run_scoped3A_728 = arith.constant 0 : i32
      %run_scoped3A_729 = arith.constant 0 : i32
      %run_scoped3A_730 = arith.constant 0 : i32
      %run_scoped3A_731 = arith.constant 0 : i32
      "tpu.region"() ({
        %run_scoped3A_1096 = tpu.sem_alloc : memref<!tpu.dma_semaphore, #tpu.memory_space<semaphore_mem>>
        %dma_start3A_1097 = arith.constant 0 : i32
        %dma_start3A_1098 = arith.constant 0 : i32
        %dma_start3A_1099 = tpu.memref_slice %arg8[%run_scoped3A_728, %run_scoped3A_729, %dma_start3A_1097, %dma_start3A_1098] : memref<2x16x128x32xbf16, #tpu.memory_space<vmem>> -> memref<1x1x128x32xbf16, #tpu.memory_space<vmem>>
        %dma_start3A_1100 = tpu.memref_squeeze %dma_start3A_1099 : memref<1x1x128x32xbf16, #tpu.memory_space<vmem>> -> memref<128x32xbf16, #tpu.memory_space<vmem>>
        %dma_start3A_1101 = arith.constant 0 : i32
        %dma_start3A_1102 = tpu.memref_slice %arg7[%run_scoped3A_730, %run_scoped3A_731, %dma_start3A_1101] : memref<2x16x128xi32, #tpu.memory_space<vmem>> -> memref<1x1x128xi32, #tpu.memory_space<vmem>>
        %dma_start3A_1103 = tpu.memref_squeeze %dma_start3A_1102 : memref<1x1x128xi32, #tpu.memory_space<vmem>> -> memref<128xi32, #tpu.memory_space<vmem>>
        %dma_start3A_1104 = arith.constant 0 : i32
        %dma_start3A_1105 = arith.constant 0 : i32
        %dma_start3A_1106 = tpu.memref_slice %arg10[%dma_start3A_1104, %dma_start3A_1105] : memref<50008x32xbf16, #tpu.memory_space<vmem_shared>> -> memref<50008x32xbf16, #tpu.memory_space<vmem_shared>>
        tpu.enqueue_indirect_dma source(%dma_start3A_1100 : memref<128x32xbf16, #tpu.memory_space<vmem>>) target(%dma_start3A_1106 : memref<50008x32xbf16, #tpu.memory_space<vmem_shared>>) offsets(%dma_start3A_1103 : memref<128xi32, #tpu.memory_space<vmem>>) semaphore(%run_scoped3A_1096 : memref<!tpu.dma_semaphore, #tpu.memory_space<semaphore_mem>>) {add = true}
        %dma_wait3A_1107 = arith.constant 0 : i32
        %dma_wait3A_1108 = arith.constant 0 : i32
        %dma_wait3A_1109 = tpu.memref_slice %arg8[%run_scoped3A_728, %run_scoped3A_729, %dma_wait3A_1107, %dma_wait3A_1108] : memref<2x16x128x32xbf16, #tpu.memory_space<vmem>> -> memref<1x1x128x32xbf16, #tpu.memory_space<vmem>>
        %dma_wait3A_1110 = tpu.memref_squeeze %dma_wait3A_1109 : memref<1x1x128x32xbf16, #tpu.memory_space<vmem>> -> memref<128x32xbf16, #tpu.memory_space<vmem>>
        %dma_wait3A_1111 = arith.constant 0 : i32
        %dma_wait3A_1112 = tpu.memref_slice %arg7[%run_scoped3A_730, %run_scoped3A_731, %dma_wait3A_1111] : memref<2x16x128xi32, #tpu.memory_space<vmem>> -> memref<1x1x128xi32, #tpu.memory_space<vmem>>
        %dma_wait3A_1113 = tpu.memref_squeeze %dma_wait3A_1112 : memref<1x1x128xi32, #tpu.memory_space<vmem>> -> memref<128xi32, #tpu.memory_space<vmem>>
        %dma_wait3A_1114 = arith.constant 0 : i32
        %dma_wait3A_1115 = arith.constant 0 : i32
        %dma_wait3A_1116 = tpu.memref_slice %arg10[%dma_wait3A_1114, %dma_wait3A_1115] : memref<50008x32xbf16, #tpu.memory_space<vmem_shared>> -> memref<50008x32xbf16, #tpu.memory_space<vmem_shared>>
        tpu.wait_indirect_dma semaphore(%run_scoped3A_1096 : memref<!tpu.dma_semaphore, #tpu.memory_space<semaphore_mem>>) src(%dma_wait3A_1110 : memref<128x32xbf16, #tpu.memory_space<vmem>>) dst(%dma_wait3A_1116 : memref<50008x32xbf16, #tpu.memory_space<vmem_shared>>)
        tpu.yield
      }) : () -> ()
      %run_scoped3A_732 = arith.constant 0 : i32
      %run_scoped3A_733 = arith.constant 1 : i32
      %run_scoped3A_734 = arith.constant 0 : i32
      %run_scoped3A_735 = arith.constant 1 : i32
      "tpu.region"() ({
        %run_scoped3A_1096 = tpu.sem_alloc : memref<!tpu.dma_semaphore, #tpu.memory_space<semaphore_mem>>
        %dma_start3A_1097 = arith.constant 0 : i32
        %dma_start3A_1098 = arith.constant 0 : i32
        %dma_start3A_1099 = tpu.memref_slice %arg8[%run_scoped3A_732, %run_scoped3A_733, %dma_start3A_1097, %dma_start3A_1098] : memref<2x16x128x32xbf16, #tpu.memory_space<vmem>> -> memref<1x1x128x32xbf16, #tpu.memory_space<vmem>>
        %dma_start3A_1100 = tpu.memref_squeeze %dma_start3A_1099 : memref<1x1x128x32xbf16, #tpu.memory_space<vmem>> -> memref<128x32xbf16, #tpu.memory_space<vmem>>
        %dma_start3A_1101 = arith.constant 0 : i32
        %dma_start3A_1102 = tpu.memref_slice %arg7[%run_scoped3A_734, %run_scoped3A_735, %dma_start3A_1101] : memref<2x16x128xi32, #tpu.memory_space<vmem>> -> memref<1x1x128xi32, #tpu.memory_space<vmem>>
        %dma_start3A_1103 = tpu.memref_squeeze %dma_start3A_1102 : memref<1x1x128xi32, #tpu.memory_space<vmem>> -> memref<128xi32, #tpu.memory_space<vmem>>
        %dma_start3A_1104 = arith.constant 0 : i32
        %dma_start3A_1105 = arith.constant 0 : i32
        %dma_start3A_1106 = tpu.memref_slice %arg10[%dma_start3A_1104, %dma_start3A_1105] : memref<50008x32xbf16, #tpu.memory_space<vmem_shared>> -> memref<50008x32xbf16, #tpu.memory_space<vmem_shared>>
        tpu.enqueue_indirect_dma source(%dma_start3A_1100 : memref<128x32xbf16, #tpu.memory_space<vmem>>) target(%dma_start3A_1106 : memref<50008x32xbf16, #tpu.memory_space<vmem_shared>>) offsets(%dma_start3A_1103 : memref<128xi32, #tpu.memory_space<vmem>>) semaphore(%run_scoped3A_1096 : memref<!tpu.dma_semaphore, #tpu.memory_space<semaphore_mem>>) {add = true}
        %dma_wait3A_1107 = arith.constant 0 : i32
        %dma_wait3A_1108 = arith.constant 0 : i32
        %dma_wait3A_1109 = tpu.memref_slice %arg8[%run_scoped3A_732, %run_scoped3A_733, %dma_wait3A_1107, %dma_wait3A_1108] : memref<2x16x128x32xbf16, #tpu.memory_space<vmem>> -> memref<1x1x128x32xbf16, #tpu.memory_space<vmem>>
        %dma_wait3A_1110 = tpu.memref_squeeze %dma_wait3A_1109 : memref<1x1x128x32xbf16, #tpu.memory_space<vmem>> -> memref<128x32xbf16, #tpu.memory_space<vmem>>
        %dma_wait3A_1111 = arith.constant 0 : i32
        %dma_wait3A_1112 = tpu.memref_slice %arg7[%run_scoped3A_734, %run_scoped3A_735, %dma_wait3A_1111] : memref<2x16x128xi32, #tpu.memory_space<vmem>> -> memref<1x1x128xi32, #tpu.memory_space<vmem>>
        %dma_wait3A_1113 = tpu.memref_squeeze %dma_wait3A_1112 : memref<1x1x128xi32, #tpu.memory_space<vmem>> -> memref<128xi32, #tpu.memory_space<vmem>>
        %dma_wait3A_1114 = arith.constant 0 : i32
        %dma_wait3A_1115 = arith.constant 0 : i32
        %dma_wait3A_1116 = tpu.memref_slice %arg10[%dma_wait3A_1114, %dma_wait3A_1115] : memref<50008x32xbf16, #tpu.memory_space<vmem_shared>> -> memref<50008x32xbf16, #tpu.memory_space<vmem_shared>>
        tpu.wait_indirect_dma semaphore(%run_scoped3A_1096 : memref<!tpu.dma_semaphore, #tpu.memory_space<semaphore_mem>>) src(%dma_wait3A_1110 : memref<128x32xbf16, #tpu.memory_space<vmem>>) dst(%dma_wait3A_1116 : memref<50008x32xbf16, #tpu.memory_space<vmem_shared>>)
        tpu.yield
      }) : () -> ()
      %run_scoped3A_736 = arith.constant 0 : i32
      %run_scoped3A_737 = arith.constant 2 : i32
      %run_scoped3A_738 = arith.constant 0 : i32
      %run_scoped3A_739 = arith.constant 2 : i32
      "tpu.region"() ({
        %run_scoped3A_1096 = tpu.sem_alloc : memref<!tpu.dma_semaphore, #tpu.memory_space<semaphore_mem>>
        %dma_start3A_1097 = arith.constant 0 : i32
        %dma_start3A_1098 = arith.constant 0 : i32
        %dma_start3A_1099 = tpu.memref_slice %arg8[%run_scoped3A_736, %run_scoped3A_737, %dma_start3A_1097, %dma_start3A_1098] : memref<2x16x128x32xbf16, #tpu.memory_space<vmem>> -> memref<1x1x128x32xbf16, #tpu.memory_space<vmem>>
        %dma_start3A_1100 = tpu.memref_squeeze %dma_start3A_1099 : memref<1x1x128x32xbf16, #tpu.memory_space<vmem>> -> memref<128x32xbf16, #tpu.memory_space<vmem>>
        %dma_start3A_1101 = arith.constant 0 : i32
        %dma_start3A_1102 = tpu.memref_slice %arg7[%run_scoped3A_738, %run_scoped3A_739, %dma_start3A_1101] : memref<2x16x128xi32, #tpu.memory_space<vmem>> -> memref<1x1x128xi32, #tpu.memory_space<vmem>>
        %dma_start3A_1103 = tpu.memref_squeeze %dma_start3A_1102 : memref<1x1x128xi32, #tpu.memory_space<vmem>> -> memref<128xi32, #tpu.memory_space<vmem>>
        %dma_start3A_1104 = arith.constant 0 : i32
        %dma_start3A_1105 = arith.constant 0 : i32
        %dma_start3A_1106 = tpu.memref_slice %arg10[%dma_start3A_1104, %dma_start3A_1105] : memref<50008x32xbf16, #tpu.memory_space<vmem_shared>> -> memref<50008x32xbf16, #tpu.memory_space<vmem_shared>>
        tpu.enqueue_indirect_dma source(%dma_start3A_1100 : memref<128x32xbf16, #tpu.memory_space<vmem>>) target(%dma_start3A_1106 : memref<50008x32xbf16, #tpu.memory_space<vmem_shared>>) offsets(%dma_start3A_1103 : memref<128xi32, #tpu.memory_space<vmem>>) semaphore(%run_scoped3A_1096 : memref<!tpu.dma_semaphore, #tpu.memory_space<semaphore_mem>>) {add = true}
        %dma_wait3A_1107 = arith.constant 0 : i32
        %dma_wait3A_1108 = arith.constant 0 : i32
        %dma_wait3A_1109 = tpu.memref_slice %arg8[%run_scoped3A_736, %run_scoped3A_737, %dma_wait3A_1107, %dma_wait3A_1108] : memref<2x16x128x32xbf16, #tpu.memory_space<vmem>> -> memref<1x1x128x32xbf16, #tpu.memory_space<vmem>>
        %dma_wait3A_1110 = tpu.memref_squeeze %dma_wait3A_1109 : memref<1x1x128x32xbf16, #tpu.memory_space<vmem>> -> memref<128x32xbf16, #tpu.memory_space<vmem>>
        %dma_wait3A_1111 = arith.constant 0 : i32
        %dma_wait3A_1112 = tpu.memref_slice %arg7[%run_scoped3A_738, %run_scoped3A_739, %dma_wait3A_1111] : memref<2x16x128xi32, #tpu.memory_space<vmem>> -> memref<1x1x128xi32, #tpu.memory_space<vmem>>
        %dma_wait3A_1113 = tpu.memref_squeeze %dma_wait3A_1112 : memref<1x1x128xi32, #tpu.memory_space<vmem>> -> memref<128xi32, #tpu.memory_space<vmem>>
        %dma_wait3A_1114 = arith.constant 0 : i32
        %dma_wait3A_1115 = arith.constant 0 : i32
        %dma_wait3A_1116 = tpu.memref_slice %arg10[%dma_wait3A_1114, %dma_wait3A_1115] : memref<50008x32xbf16, #tpu.memory_space<vmem_shared>> -> memref<50008x32xbf16, #tpu.memory_space<vmem_shared>>
        tpu.wait_indirect_dma semaphore(%run_scoped3A_1096 : memref<!tpu.dma_semaphore, #tpu.memory_space<semaphore_mem>>) src(%dma_wait3A_1110 : memref<128x32xbf16, #tpu.memory_space<vmem>>) dst(%dma_wait3A_1116 : memref<50008x32xbf16, #tpu.memory_space<vmem_shared>>)
        tpu.yield
      }) : () -> ()
      %run_scoped3A_740 = arith.constant 0 : i32
      %run_scoped3A_741 = arith.constant 3 : i32
      %run_scoped3A_742 = arith.constant 0 : i32
      %run_scoped3A_743 = arith.constant 3 : i32
      "tpu.region"() ({
        %run_scoped3A_1096 = tpu.sem_alloc : memref<!tpu.dma_semaphore, #tpu.memory_space<semaphore_mem>>
        %dma_start3A_1097 = arith.constant 0 : i32
        %dma_start3A_1098 = arith.constant 0 : i32
        %dma_start3A_1099 = tpu.memref_slice %arg8[%run_scoped3A_740, %run_scoped3A_741, %dma_start3A_1097, %dma_start3A_1098] : memref<2x16x128x32xbf16, #tpu.memory_space<vmem>> -> memref<1x1x128x32xbf16, #tpu.memory_space<vmem>>
        %dma_start3A_1100 = tpu.memref_squeeze %dma_start3A_1099 : memref<1x1x128x32xbf16, #tpu.memory_space<vmem>> -> memref<128x32xbf16, #tpu.memory_space<vmem>>
        %dma_start3A_1101 = arith.constant 0 : i32
        %dma_start3A_1102 = tpu.memref_slice %arg7[%run_scoped3A_742, %run_scoped3A_743, %dma_start3A_1101] : memref<2x16x128xi32, #tpu.memory_space<vmem>> -> memref<1x1x128xi32, #tpu.memory_space<vmem>>
        %dma_start3A_1103 = tpu.memref_squeeze %dma_start3A_1102 : memref<1x1x128xi32, #tpu.memory_space<vmem>> -> memref<128xi32, #tpu.memory_space<vmem>>
        %dma_start3A_1104 = arith.constant 0 : i32
        %dma_start3A_1105 = arith.constant 0 : i32
        %dma_start3A_1106 = tpu.memref_slice %arg10[%dma_start3A_1104, %dma_start3A_1105] : memref<50008x32xbf16, #tpu.memory_space<vmem_shared>> -> memref<50008x32xbf16, #tpu.memory_space<vmem_shared>>
        tpu.enqueue_indirect_dma source(%dma_start3A_1100 : memref<128x32xbf16, #tpu.memory_space<vmem>>) target(%dma_start3A_1106 : memref<50008x32xbf16, #tpu.memory_space<vmem_shared>>) offsets(%dma_start3A_1103 : memref<128xi32, #tpu.memory_space<vmem>>) semaphore(%run_scoped3A_1096 : memref<!tpu.dma_semaphore, #tpu.memory_space<semaphore_mem>>) {add = true}
        %dma_wait3A_1107 = arith.constant 0 : i32
        %dma_wait3A_1108 = arith.constant 0 : i32
        %dma_wait3A_1109 = tpu.memref_slice %arg8[%run_scoped3A_740, %run_scoped3A_741, %dma_wait3A_1107, %dma_wait3A_1108] : memref<2x16x128x32xbf16, #tpu.memory_space<vmem>> -> memref<1x1x128x32xbf16, #tpu.memory_space<vmem>>
        %dma_wait3A_1110 = tpu.memref_squeeze %dma_wait3A_1109 : memref<1x1x128x32xbf16, #tpu.memory_space<vmem>> -> memref<128x32xbf16, #tpu.memory_space<vmem>>
        %dma_wait3A_1111 = arith.constant 0 : i32
        %dma_wait3A_1112 = tpu.memref_slice %arg7[%run_scoped3A_742, %run_scoped3A_743, %dma_wait3A_1111] : memref<2x16x128xi32, #tpu.memory_space<vmem>> -> memref<1x1x128xi32, #tpu.memory_space<vmem>>
        %dma_wait3A_1113 = tpu.memref_squeeze %dma_wait3A_1112 : memref<1x1x128xi32, #tpu.memory_space<vmem>> -> memref<128xi32, #tpu.memory_space<vmem>>
        %dma_wait3A_1114 = arith.constant 0 : i32
        %dma_wait3A_1115 = arith.constant 0 : i32
        %dma_wait3A_1116 = tpu.memref_slice %arg10[%dma_wait3A_1114, %dma_wait3A_1115] : memref<50008x32xbf16, #tpu.memory_space<vmem_shared>> -> memref<50008x32xbf16, #tpu.memory_space<vmem_shared>>
        tpu.wait_indirect_dma semaphore(%run_scoped3A_1096 : memref<!tpu.dma_semaphore, #tpu.memory_space<semaphore_mem>>) src(%dma_wait3A_1110 : memref<128x32xbf16, #tpu.memory_space<vmem>>) dst(%dma_wait3A_1116 : memref<50008x32xbf16, #tpu.memory_space<vmem_shared>>)
        tpu.yield
      }) : () -> ()
      %run_scoped3A_744 = arith.constant 0 : i32
      %run_scoped3A_745 = arith.constant 4 : i32
      %run_scoped3A_746 = arith.constant 0 : i32
      %run_scoped3A_747 = arith.constant 4 : i32
      "tpu.region"() ({
        %run_scoped3A_1096 = tpu.sem_alloc : memref<!tpu.dma_semaphore, #tpu.memory_space<semaphore_mem>>
        %dma_start3A_1097 = arith.constant 0 : i32
        %dma_start3A_1098 = arith.constant 0 : i32
        %dma_start3A_1099 = tpu.memref_slice %arg8[%run_scoped3A_744, %run_scoped3A_745, %dma_start3A_1097, %dma_start3A_1098] : memref<2x16x128x32xbf16, #tpu.memory_space<vmem>> -> memref<1x1x128x32xbf16, #tpu.memory_space<vmem>>
        %dma_start3A_1100 = tpu.memref_squeeze %dma_start3A_1099 : memref<1x1x128x32xbf16, #tpu.memory_space<vmem>> -> memref<128x32xbf16, #tpu.memory_space<vmem>>
        %dma_start3A_1101 = arith.constant 0 : i32
        %dma_start3A_1102 = tpu.memref_slice %arg7[%run_scoped3A_746, %run_scoped3A_747, %dma_start3A_1101] : memref<2x16x128xi32, #tpu.memory_space<vmem>> -> memref<1x1x128xi32, #tpu.memory_space<vmem>>
        %dma_start3A_1103 = tpu.memref_squeeze %dma_start3A_1102 : memref<1x1x128xi32, #tpu.memory_space<vmem>> -> memref<128xi32, #tpu.memory_space<vmem>>
        %dma_start3A_1104 = arith.constant 0 : i32
        %dma_start3A_1105 = arith.constant 0 : i32
        %dma_start3A_1106 = tpu.memref_slice %arg10[%dma_start3A_1104, %dma_start3A_1105] : memref<50008x32xbf16, #tpu.memory_space<vmem_shared>> -> memref<50008x32xbf16, #tpu.memory_space<vmem_shared>>
        tpu.enqueue_indirect_dma source(%dma_start3A_1100 : memref<128x32xbf16, #tpu.memory_space<vmem>>) target(%dma_start3A_1106 : memref<50008x32xbf16, #tpu.memory_space<vmem_shared>>) offsets(%dma_start3A_1103 : memref<128xi32, #tpu.memory_space<vmem>>) semaphore(%run_scoped3A_1096 : memref<!tpu.dma_semaphore, #tpu.memory_space<semaphore_mem>>) {add = true}
        %dma_wait3A_1107 = arith.constant 0 : i32
        %dma_wait3A_1108 = arith.constant 0 : i32
        %dma_wait3A_1109 = tpu.memref_slice %arg8[%run_scoped3A_744, %run_scoped3A_745, %dma_wait3A_1107, %dma_wait3A_1108] : memref<2x16x128x32xbf16, #tpu.memory_space<vmem>> -> memref<1x1x128x32xbf16, #tpu.memory_space<vmem>>
        %dma_wait3A_1110 = tpu.memref_squeeze %dma_wait3A_1109 : memref<1x1x128x32xbf16, #tpu.memory_space<vmem>> -> memref<128x32xbf16, #tpu.memory_space<vmem>>
        %dma_wait3A_1111 = arith.constant 0 : i32
        %dma_wait3A_1112 = tpu.memref_slice %arg7[%run_scoped3A_746, %run_scoped3A_747, %dma_wait3A_1111] : memref<2x16x128xi32, #tpu.memory_space<vmem>> -> memref<1x1x128xi32, #tpu.memory_space<vmem>>
        %dma_wait3A_1113 = tpu.memref_squeeze %dma_wait3A_1112 : memref<1x1x128xi32, #tpu.memory_space<vmem>> -> memref<128xi32, #tpu.memory_space<vmem>>
        %dma_wait3A_1114 = arith.constant 0 : i32
        %dma_wait3A_1115 = arith.constant 0 : i32
        %dma_wait3A_1116 = tpu.memref_slice %arg10[%dma_wait3A_1114, %dma_wait3A_1115] : memref<50008x32xbf16, #tpu.memory_space<vmem_shared>> -> memref<50008x32xbf16, #tpu.memory_space<vmem_shared>>
        tpu.wait_indirect_dma semaphore(%run_scoped3A_1096 : memref<!tpu.dma_semaphore, #tpu.memory_space<semaphore_mem>>) src(%dma_wait3A_1110 : memref<128x32xbf16, #tpu.memory_space<vmem>>) dst(%dma_wait3A_1116 : memref<50008x32xbf16, #tpu.memory_space<vmem_shared>>)
        tpu.yield
      }) : () -> ()
      %run_scoped3A_748 = arith.constant 0 : i32
      %run_scoped3A_749 = arith.constant 5 : i32
      %run_scoped3A_750 = arith.constant 0 : i32
      %run_scoped3A_751 = arith.constant 5 : i32
      "tpu.region"() ({
        %run_scoped3A_1096 = tpu.sem_alloc : memref<!tpu.dma_semaphore, #tpu.memory_space<semaphore_mem>>
        %dma_start3A_1097 = arith.constant 0 : i32
        %dma_start3A_1098 = arith.constant 0 : i32
        %dma_start3A_1099 = tpu.memref_slice %arg8[%run_scoped3A_748, %run_scoped3A_749, %dma_start3A_1097, %dma_start3A_1098] : memref<2x16x128x32xbf16, #tpu.memory_space<vmem>> -> memref<1x1x128x32xbf16, #tpu.memory_space<vmem>>
        %dma_start3A_1100 = tpu.memref_squeeze %dma_start3A_1099 : memref<1x1x128x32xbf16, #tpu.memory_space<vmem>> -> memref<128x32xbf16, #tpu.memory_space<vmem>>
        %dma_start3A_1101 = arith.constant 0 : i32
        %dma_start3A_1102 = tpu.memref_slice %arg7[%run_scoped3A_750, %run_scoped3A_751, %dma_start3A_1101] : memref<2x16x128xi32, #tpu.memory_space<vmem>> -> memref<1x1x128xi32, #tpu.memory_space<vmem>>
        %dma_start3A_1103 = tpu.memref_squeeze %dma_start3A_1102 : memref<1x1x128xi32, #tpu.memory_space<vmem>> -> memref<128xi32, #tpu.memory_space<vmem>>
        %dma_start3A_1104 = arith.constant 0 : i32
        %dma_start3A_1105 = arith.constant 0 : i32
        %dma_start3A_1106 = tpu.memref_slice %arg10[%dma_start3A_1104, %dma_start3A_1105] : memref<50008x32xbf16, #tpu.memory_space<vmem_shared>> -> memref<50008x32xbf16, #tpu.memory_space<vmem_shared>>
        tpu.enqueue_indirect_dma source(%dma_start3A_1100 : memref<128x32xbf16, #tpu.memory_space<vmem>>) target(%dma_start3A_1106 : memref<50008x32xbf16, #tpu.memory_space<vmem_shared>>) offsets(%dma_start3A_1103 : memref<128xi32, #tpu.memory_space<vmem>>) semaphore(%run_scoped3A_1096 : memref<!tpu.dma_semaphore, #tpu.memory_space<semaphore_mem>>) {add = true}
        %dma_wait3A_1107 = arith.constant 0 : i32
        %dma_wait3A_1108 = arith.constant 0 : i32
        %dma_wait3A_1109 = tpu.memref_slice %arg8[%run_scoped3A_748, %run_scoped3A_749, %dma_wait3A_1107, %dma_wait3A_1108] : memref<2x16x128x32xbf16, #tpu.memory_space<vmem>> -> memref<1x1x128x32xbf16, #tpu.memory_space<vmem>>
        %dma_wait3A_1110 = tpu.memref_squeeze %dma_wait3A_1109 : memref<1x1x128x32xbf16, #tpu.memory_space<vmem>> -> memref<128x32xbf16, #tpu.memory_space<vmem>>
        %dma_wait3A_1111 = arith.constant 0 : i32
        %dma_wait3A_1112 = tpu.memref_slice %arg7[%run_scoped3A_750, %run_scoped3A_751, %dma_wait3A_1111] : memref<2x16x128xi32, #tpu.memory_space<vmem>> -> memref<1x1x128xi32, #tpu.memory_space<vmem>>
        %dma_wait3A_1113 = tpu.memref_squeeze %dma_wait3A_1112 : memref<1x1x128xi32, #tpu.memory_space<vmem>> -> memref<128xi32, #tpu.memory_space<vmem>>
        %dma_wait3A_1114 = arith.constant 0 : i32
        %dma_wait3A_1115 = arith.constant 0 : i32
        %dma_wait3A_1116 = tpu.memref_slice %arg10[%dma_wait3A_1114, %dma_wait3A_1115] : memref<50008x32xbf16, #tpu.memory_space<vmem_shared>> -> memref<50008x32xbf16, #tpu.memory_space<vmem_shared>>
        tpu.wait_indirect_dma semaphore(%run_scoped3A_1096 : memref<!tpu.dma_semaphore, #tpu.memory_space<semaphore_mem>>) src(%dma_wait3A_1110 : memref<128x32xbf16, #tpu.memory_space<vmem>>) dst(%dma_wait3A_1116 : memref<50008x32xbf16, #tpu.memory_space<vmem_shared>>)
        tpu.yield
      }) : () -> ()
      %run_scoped3A_752 = arith.constant 0 : i32
      %run_scoped3A_753 = arith.constant 6 : i32
      %run_scoped3A_754 = arith.constant 0 : i32
      %run_scoped3A_755 = arith.constant 6 : i32
      "tpu.region"() ({
        %run_scoped3A_1096 = tpu.sem_alloc : memref<!tpu.dma_semaphore, #tpu.memory_space<semaphore_mem>>
        %dma_start3A_1097 = arith.constant 0 : i32
        %dma_start3A_1098 = arith.constant 0 : i32
        %dma_start3A_1099 = tpu.memref_slice %arg8[%run_scoped3A_752, %run_scoped3A_753, %dma_start3A_1097, %dma_start3A_1098] : memref<2x16x128x32xbf16, #tpu.memory_space<vmem>> -> memref<1x1x128x32xbf16, #tpu.memory_space<vmem>>
        %dma_start3A_1100 = tpu.memref_squeeze %dma_start3A_1099 : memref<1x1x128x32xbf16, #tpu.memory_space<vmem>> -> memref<128x32xbf16, #tpu.memory_space<vmem>>
        %dma_start3A_1101 = arith.constant 0 : i32
        %dma_start3A_1102 = tpu.memref_slice %arg7[%run_scoped3A_754, %run_scoped3A_755, %dma_start3A_1101] : memref<2x16x128xi32, #tpu.memory_space<vmem>> -> memref<1x1x128xi32, #tpu.memory_space<vmem>>
        %dma_start3A_1103 = tpu.memref_squeeze %dma_start3A_1102 : memref<1x1x128xi32, #tpu.memory_space<vmem>> -> memref<128xi32, #tpu.memory_space<vmem>>
        %dma_start3A_1104 = arith.constant 0 : i32
        %dma_start3A_1105 = arith.constant 0 : i32
        %dma_start3A_1106 = tpu.memref_slice %arg10[%dma_start3A_1104, %dma_start3A_1105] : memref<50008x32xbf16, #tpu.memory_space<vmem_shared>> -> memref<50008x32xbf16, #tpu.memory_space<vmem_shared>>
        tpu.enqueue_indirect_dma source(%dma_start3A_1100 : memref<128x32xbf16, #tpu.memory_space<vmem>>) target(%dma_start3A_1106 : memref<50008x32xbf16, #tpu.memory_space<vmem_shared>>) offsets(%dma_start3A_1103 : memref<128xi32, #tpu.memory_space<vmem>>) semaphore(%run_scoped3A_1096 : memref<!tpu.dma_semaphore, #tpu.memory_space<semaphore_mem>>) {add = true}
        %dma_wait3A_1107 = arith.constant 0 : i32
        %dma_wait3A_1108 = arith.constant 0 : i32
        %dma_wait3A_1109 = tpu.memref_slice %arg8[%run_scoped3A_752, %run_scoped3A_753, %dma_wait3A_1107, %dma_wait3A_1108] : memref<2x16x128x32xbf16, #tpu.memory_space<vmem>> -> memref<1x1x128x32xbf16, #tpu.memory_space<vmem>>
        %dma_wait3A_1110 = tpu.memref_squeeze %dma_wait3A_1109 : memref<1x1x128x32xbf16, #tpu.memory_space<vmem>> -> memref<128x32xbf16, #tpu.memory_space<vmem>>
        %dma_wait3A_1111 = arith.constant 0 : i32
        %dma_wait3A_1112 = tpu.memref_slice %arg7[%run_scoped3A_754, %run_scoped3A_755, %dma_wait3A_1111] : memref<2x16x128xi32, #tpu.memory_space<vmem>> -> memref<1x1x128xi32, #tpu.memory_space<vmem>>
        %dma_wait3A_1113 = tpu.memref_squeeze %dma_wait3A_1112 : memref<1x1x128xi32, #tpu.memory_space<vmem>> -> memref<128xi32, #tpu.memory_space<vmem>>
        %dma_wait3A_1114 = arith.constant 0 : i32
        %dma_wait3A_1115 = arith.constant 0 : i32
        %dma_wait3A_1116 = tpu.memref_slice %arg10[%dma_wait3A_1114, %dma_wait3A_1115] : memref<50008x32xbf16, #tpu.memory_space<vmem_shared>> -> memref<50008x32xbf16, #tpu.memory_space<vmem_shared>>
        tpu.wait_indirect_dma semaphore(%run_scoped3A_1096 : memref<!tpu.dma_semaphore, #tpu.memory_space<semaphore_mem>>) src(%dma_wait3A_1110 : memref<128x32xbf16, #tpu.memory_space<vmem>>) dst(%dma_wait3A_1116 : memref<50008x32xbf16, #tpu.memory_space<vmem_shared>>)
        tpu.yield
      }) : () -> ()
      %run_scoped3A_756 = arith.constant 0 : i32
      %run_scoped3A_757 = arith.constant 7 : i32
      %run_scoped3A_758 = arith.constant 0 : i32
      %run_scoped3A_759 = arith.constant 7 : i32
      "tpu.region"() ({
        %run_scoped3A_1096 = tpu.sem_alloc : memref<!tpu.dma_semaphore, #tpu.memory_space<semaphore_mem>>
        %dma_start3A_1097 = arith.constant 0 : i32
        %dma_start3A_1098 = arith.constant 0 : i32
        %dma_start3A_1099 = tpu.memref_slice %arg8[%run_scoped3A_756, %run_scoped3A_757, %dma_start3A_1097, %dma_start3A_1098] : memref<2x16x128x32xbf16, #tpu.memory_space<vmem>> -> memref<1x1x128x32xbf16, #tpu.memory_space<vmem>>
        %dma_start3A_1100 = tpu.memref_squeeze %dma_start3A_1099 : memref<1x1x128x32xbf16, #tpu.memory_space<vmem>> -> memref<128x32xbf16, #tpu.memory_space<vmem>>
        %dma_start3A_1101 = arith.constant 0 : i32
        %dma_start3A_1102 = tpu.memref_slice %arg7[%run_scoped3A_758, %run_scoped3A_759, %dma_start3A_1101] : memref<2x16x128xi32, #tpu.memory_space<vmem>> -> memref<1x1x128xi32, #tpu.memory_space<vmem>>
        %dma_start3A_1103 = tpu.memref_squeeze %dma_start3A_1102 : memref<1x1x128xi32, #tpu.memory_space<vmem>> -> memref<128xi32, #tpu.memory_space<vmem>>
        %dma_start3A_1104 = arith.constant 0 : i32
        %dma_start3A_1105 = arith.constant 0 : i32
        %dma_start3A_1106 = tpu.memref_slice %arg10[%dma_start3A_1104, %dma_start3A_1105] : memref<50008x32xbf16, #tpu.memory_space<vmem_shared>> -> memref<50008x32xbf16, #tpu.memory_space<vmem_shared>>
        tpu.enqueue_indirect_dma source(%dma_start3A_1100 : memref<128x32xbf16, #tpu.memory_space<vmem>>) target(%dma_start3A_1106 : memref<50008x32xbf16, #tpu.memory_space<vmem_shared>>) offsets(%dma_start3A_1103 : memref<128xi32, #tpu.memory_space<vmem>>) semaphore(%run_scoped3A_1096 : memref<!tpu.dma_semaphore, #tpu.memory_space<semaphore_mem>>) {add = true}
        %dma_wait3A_1107 = arith.constant 0 : i32
        %dma_wait3A_1108 = arith.constant 0 : i32
        %dma_wait3A_1109 = tpu.memref_slice %arg8[%run_scoped3A_756, %run_scoped3A_757, %dma_wait3A_1107, %dma_wait3A_1108] : memref<2x16x128x32xbf16, #tpu.memory_space<vmem>> -> memref<1x1x128x32xbf16, #tpu.memory_space<vmem>>
        %dma_wait3A_1110 = tpu.memref_squeeze %dma_wait3A_1109 : memref<1x1x128x32xbf16, #tpu.memory_space<vmem>> -> memref<128x32xbf16, #tpu.memory_space<vmem>>
        %dma_wait3A_1111 = arith.constant 0 : i32
        %dma_wait3A_1112 = tpu.memref_slice %arg7[%run_scoped3A_758, %run_scoped3A_759, %dma_wait3A_1111] : memref<2x16x128xi32, #tpu.memory_space<vmem>> -> memref<1x1x128xi32, #tpu.memory_space<vmem>>
        %dma_wait3A_1113 = tpu.memref_squeeze %dma_wait3A_1112 : memref<1x1x128xi32, #tpu.memory_space<vmem>> -> memref<128xi32, #tpu.memory_space<vmem>>
        %dma_wait3A_1114 = arith.constant 0 : i32
        %dma_wait3A_1115 = arith.constant 0 : i32
        %dma_wait3A_1116 = tpu.memref_slice %arg10[%dma_wait3A_1114, %dma_wait3A_1115] : memref<50008x32xbf16, #tpu.memory_space<vmem_shared>> -> memref<50008x32xbf16, #tpu.memory_space<vmem_shared>>
        tpu.wait_indirect_dma semaphore(%run_scoped3A_1096 : memref<!tpu.dma_semaphore, #tpu.memory_space<semaphore_mem>>) src(%dma_wait3A_1110 : memref<128x32xbf16, #tpu.memory_space<vmem>>) dst(%dma_wait3A_1116 : memref<50008x32xbf16, #tpu.memory_space<vmem_shared>>)
        tpu.yield
      }) : () -> ()
      %run_scoped3A_760 = arith.constant 0 : i32
      %run_scoped3A_761 = arith.constant 8 : i32
      %run_scoped3A_762 = arith.constant 0 : i32
      %run_scoped3A_763 = arith.constant 8 : i32
      "tpu.region"() ({
        %run_scoped3A_1096 = tpu.sem_alloc : memref<!tpu.dma_semaphore, #tpu.memory_space<semaphore_mem>>
        %dma_start3A_1097 = arith.constant 0 : i32
        %dma_start3A_1098 = arith.constant 0 : i32
        %dma_start3A_1099 = tpu.memref_slice %arg8[%run_scoped3A_760, %run_scoped3A_761, %dma_start3A_1097, %dma_start3A_1098] : memref<2x16x128x32xbf16, #tpu.memory_space<vmem>> -> memref<1x1x128x32xbf16, #tpu.memory_space<vmem>>
        %dma_start3A_1100 = tpu.memref_squeeze %dma_start3A_1099 : memref<1x1x128x32xbf16, #tpu.memory_space<vmem>> -> memref<128x32xbf16, #tpu.memory_space<vmem>>
        %dma_start3A_1101 = arith.constant 0 : i32
        %dma_start3A_1102 = tpu.memref_slice %arg7[%run_scoped3A_762, %run_scoped3A_763, %dma_start3A_1101] : memref<2x16x128xi32, #tpu.memory_space<vmem>> -> memref<1x1x128xi32, #tpu.memory_space<vmem>>
        %dma_start3A_1103 = tpu.memref_squeeze %dma_start3A_1102 : memref<1x1x128xi32, #tpu.memory_space<vmem>> -> memref<128xi32, #tpu.memory_space<vmem>>
        %dma_start3A_1104 = arith.constant 0 : i32
        %dma_start3A_1105 = arith.constant 0 : i32
        %dma_start3A_1106 = tpu.memref_slice %arg10[%dma_start3A_1104, %dma_start3A_1105] : memref<50008x32xbf16, #tpu.memory_space<vmem_shared>> -> memref<50008x32xbf16, #tpu.memory_space<vmem_shared>>
        tpu.enqueue_indirect_dma source(%dma_start3A_1100 : memref<128x32xbf16, #tpu.memory_space<vmem>>) target(%dma_start3A_1106 : memref<50008x32xbf16, #tpu.memory_space<vmem_shared>>) offsets(%dma_start3A_1103 : memref<128xi32, #tpu.memory_space<vmem>>) semaphore(%run_scoped3A_1096 : memref<!tpu.dma_semaphore, #tpu.memory_space<semaphore_mem>>) {add = true}
        %dma_wait3A_1107 = arith.constant 0 : i32
        %dma_wait3A_1108 = arith.constant 0 : i32
        %dma_wait3A_1109 = tpu.memref_slice %arg8[%run_scoped3A_760, %run_scoped3A_761, %dma_wait3A_1107, %dma_wait3A_1108] : memref<2x16x128x32xbf16, #tpu.memory_space<vmem>> -> memref<1x1x128x32xbf16, #tpu.memory_space<vmem>>
        %dma_wait3A_1110 = tpu.memref_squeeze %dma_wait3A_1109 : memref<1x1x128x32xbf16, #tpu.memory_space<vmem>> -> memref<128x32xbf16, #tpu.memory_space<vmem>>
        %dma_wait3A_1111 = arith.constant 0 : i32
        %dma_wait3A_1112 = tpu.memref_slice %arg7[%run_scoped3A_762, %run_scoped3A_763, %dma_wait3A_1111] : memref<2x16x128xi32, #tpu.memory_space<vmem>> -> memref<1x1x128xi32, #tpu.memory_space<vmem>>
        %dma_wait3A_1113 = tpu.memref_squeeze %dma_wait3A_1112 : memref<1x1x128xi32, #tpu.memory_space<vmem>> -> memref<128xi32, #tpu.memory_space<vmem>>
        %dma_wait3A_1114 = arith.constant 0 : i32
        %dma_wait3A_1115 = arith.constant 0 : i32
        %dma_wait3A_1116 = tpu.memref_slice %arg10[%dma_wait3A_1114, %dma_wait3A_1115] : memref<50008x32xbf16, #tpu.memory_space<vmem_shared>> -> memref<50008x32xbf16, #tpu.memory_space<vmem_shared>>
        tpu.wait_indirect_dma semaphore(%run_scoped3A_1096 : memref<!tpu.dma_semaphore, #tpu.memory_space<semaphore_mem>>) src(%dma_wait3A_1110 : memref<128x32xbf16, #tpu.memory_space<vmem>>) dst(%dma_wait3A_1116 : memref<50008x32xbf16, #tpu.memory_space<vmem_shared>>)
        tpu.yield
      }) : () -> ()
      %run_scoped3A_764 = arith.constant 0 : i32
      %run_scoped3A_765 = arith.constant 9 : i32
      %run_scoped3A_766 = arith.constant 0 : i32
      %run_scoped3A_767 = arith.constant 9 : i32
      "tpu.region"() ({
        %run_scoped3A_1096 = tpu.sem_alloc : memref<!tpu.dma_semaphore, #tpu.memory_space<semaphore_mem>>
        %dma_start3A_1097 = arith.constant 0 : i32
        %dma_start3A_1098 = arith.constant 0 : i32
        %dma_start3A_1099 = tpu.memref_slice %arg8[%run_scoped3A_764, %run_scoped3A_765, %dma_start3A_1097, %dma_start3A_1098] : memref<2x16x128x32xbf16, #tpu.memory_space<vmem>> -> memref<1x1x128x32xbf16, #tpu.memory_space<vmem>>
        %dma_start3A_1100 = tpu.memref_squeeze %dma_start3A_1099 : memref<1x1x128x32xbf16, #tpu.memory_space<vmem>> -> memref<128x32xbf16, #tpu.memory_space<vmem>>
        %dma_start3A_1101 = arith.constant 0 : i32
        %dma_start3A_1102 = tpu.memref_slice %arg7[%run_scoped3A_766, %run_scoped3A_767, %dma_start3A_1101] : memref<2x16x128xi32, #tpu.memory_space<vmem>> -> memref<1x1x128xi32, #tpu.memory_space<vmem>>
        %dma_start3A_1103 = tpu.memref_squeeze %dma_start3A_1102 : memref<1x1x128xi32, #tpu.memory_space<vmem>> -> memref<128xi32, #tpu.memory_space<vmem>>
        %dma_start3A_1104 = arith.constant 0 : i32
        %dma_start3A_1105 = arith.constant 0 : i32
        %dma_start3A_1106 = tpu.memref_slice %arg10[%dma_start3A_1104, %dma_start3A_1105] : memref<50008x32xbf16, #tpu.memory_space<vmem_shared>> -> memref<50008x32xbf16, #tpu.memory_space<vmem_shared>>
        tpu.enqueue_indirect_dma source(%dma_start3A_1100 : memref<128x32xbf16, #tpu.memory_space<vmem>>) target(%dma_start3A_1106 : memref<50008x32xbf16, #tpu.memory_space<vmem_shared>>) offsets(%dma_start3A_1103 : memref<128xi32, #tpu.memory_space<vmem>>) semaphore(%run_scoped3A_1096 : memref<!tpu.dma_semaphore, #tpu.memory_space<semaphore_mem>>) {add = true}
        %dma_wait3A_1107 = arith.constant 0 : i32
        %dma_wait3A_1108 = arith.constant 0 : i32
        %dma_wait3A_1109 = tpu.memref_slice %arg8[%run_scoped3A_764, %run_scoped3A_765, %dma_wait3A_1107, %dma_wait3A_1108] : memref<2x16x128x32xbf16, #tpu.memory_space<vmem>> -> memref<1x1x128x32xbf16, #tpu.memory_space<vmem>>
        %dma_wait3A_1110 = tpu.memref_squeeze %dma_wait3A_1109 : memref<1x1x128x32xbf16, #tpu.memory_space<vmem>> -> memref<128x32xbf16, #tpu.memory_space<vmem>>
        %dma_wait3A_1111 = arith.constant 0 : i32
        %dma_wait3A_1112 = tpu.memref_slice %arg7[%run_scoped3A_766, %run_scoped3A_767, %dma_wait3A_1111] : memref<2x16x128xi32, #tpu.memory_space<vmem>> -> memref<1x1x128xi32, #tpu.memory_space<vmem>>
        %dma_wait3A_1113 = tpu.memref_squeeze %dma_wait3A_1112 : memref<1x1x128xi32, #tpu.memory_space<vmem>> -> memref<128xi32, #tpu.memory_space<vmem>>
        %dma_wait3A_1114 = arith.constant 0 : i32
        %dma_wait3A_1115 = arith.constant 0 : i32
        %dma_wait3A_1116 = tpu.memref_slice %arg10[%dma_wait3A_1114, %dma_wait3A_1115] : memref<50008x32xbf16, #tpu.memory_space<vmem_shared>> -> memref<50008x32xbf16, #tpu.memory_space<vmem_shared>>
        tpu.wait_indirect_dma semaphore(%run_scoped3A_1096 : memref<!tpu.dma_semaphore, #tpu.memory_space<semaphore_mem>>) src(%dma_wait3A_1110 : memref<128x32xbf16, #tpu.memory_space<vmem>>) dst(%dma_wait3A_1116 : memref<50008x32xbf16, #tpu.memory_space<vmem_shared>>)
        tpu.yield
      }) : () -> ()
      %run_scoped3A_768 = arith.constant 0 : i32
      %run_scoped3A_769 = arith.constant 10 : i32
      %run_scoped3A_770 = arith.constant 0 : i32
      %run_scoped3A_771 = arith.constant 10 : i32
      "tpu.region"() ({
        %run_scoped3A_1096 = tpu.sem_alloc : memref<!tpu.dma_semaphore, #tpu.memory_space<semaphore_mem>>
        %dma_start3A_1097 = arith.constant 0 : i32
        %dma_start3A_1098 = arith.constant 0 : i32
        %dma_start3A_1099 = tpu.memref_slice %arg8[%run_scoped3A_768, %run_scoped3A_769, %dma_start3A_1097, %dma_start3A_1098] : memref<2x16x128x32xbf16, #tpu.memory_space<vmem>> -> memref<1x1x128x32xbf16, #tpu.memory_space<vmem>>
        %dma_start3A_1100 = tpu.memref_squeeze %dma_start3A_1099 : memref<1x1x128x32xbf16, #tpu.memory_space<vmem>> -> memref<128x32xbf16, #tpu.memory_space<vmem>>
        %dma_start3A_1101 = arith.constant 0 : i32
        %dma_start3A_1102 = tpu.memref_slice %arg7[%run_scoped3A_770, %run_scoped3A_771, %dma_start3A_1101] : memref<2x16x128xi32, #tpu.memory_space<vmem>> -> memref<1x1x128xi32, #tpu.memory_space<vmem>>
        %dma_start3A_1103 = tpu.memref_squeeze %dma_start3A_1102 : memref<1x1x128xi32, #tpu.memory_space<vmem>> -> memref<128xi32, #tpu.memory_space<vmem>>
        %dma_start3A_1104 = arith.constant 0 : i32
        %dma_start3A_1105 = arith.constant 0 : i32
        %dma_start3A_1106 = tpu.memref_slice %arg10[%dma_start3A_1104, %dma_start3A_1105] : memref<50008x32xbf16, #tpu.memory_space<vmem_shared>> -> memref<50008x32xbf16, #tpu.memory_space<vmem_shared>>
        tpu.enqueue_indirect_dma source(%dma_start3A_1100 : memref<128x32xbf16, #tpu.memory_space<vmem>>) target(%dma_start3A_1106 : memref<50008x32xbf16, #tpu.memory_space<vmem_shared>>) offsets(%dma_start3A_1103 : memref<128xi32, #tpu.memory_space<vmem>>) semaphore(%run_scoped3A_1096 : memref<!tpu.dma_semaphore, #tpu.memory_space<semaphore_mem>>) {add = true}
        %dma_wait3A_1107 = arith.constant 0 : i32
        %dma_wait3A_1108 = arith.constant 0 : i32
        %dma_wait3A_1109 = tpu.memref_slice %arg8[%run_scoped3A_768, %run_scoped3A_769, %dma_wait3A_1107, %dma_wait3A_1108] : memref<2x16x128x32xbf16, #tpu.memory_space<vmem>> -> memref<1x1x128x32xbf16, #tpu.memory_space<vmem>>
        %dma_wait3A_1110 = tpu.memref_squeeze %dma_wait3A_1109 : memref<1x1x128x32xbf16, #tpu.memory_space<vmem>> -> memref<128x32xbf16, #tpu.memory_space<vmem>>
        %dma_wait3A_1111 = arith.constant 0 : i32
        %dma_wait3A_1112 = tpu.memref_slice %arg7[%run_scoped3A_770, %run_scoped3A_771, %dma_wait3A_1111] : memref<2x16x128xi32, #tpu.memory_space<vmem>> -> memref<1x1x128xi32, #tpu.memory_space<vmem>>
        %dma_wait3A_1113 = tpu.memref_squeeze %dma_wait3A_1112 : memref<1x1x128xi32, #tpu.memory_space<vmem>> -> memref<128xi32, #tpu.memory_space<vmem>>
        %dma_wait3A_1114 = arith.constant 0 : i32
        %dma_wait3A_1115 = arith.constant 0 : i32
        %dma_wait3A_1116 = tpu.memref_slice %arg10[%dma_wait3A_1114, %dma_wait3A_1115] : memref<50008x32xbf16, #tpu.memory_space<vmem_shared>> -> memref<50008x32xbf16, #tpu.memory_space<vmem_shared>>
        tpu.wait_indirect_dma semaphore(%run_scoped3A_1096 : memref<!tpu.dma_semaphore, #tpu.memory_space<semaphore_mem>>) src(%dma_wait3A_1110 : memref<128x32xbf16, #tpu.memory_space<vmem>>) dst(%dma_wait3A_1116 : memref<50008x32xbf16, #tpu.memory_space<vmem_shared>>)
        tpu.yield
      }) : () -> ()
      %run_scoped3A_772 = arith.constant 0 : i32
      %run_scoped3A_773 = arith.constant 11 : i32
      %run_scoped3A_774 = arith.constant 0 : i32
      %run_scoped3A_775 = arith.constant 11 : i32
      "tpu.region"() ({
        %run_scoped3A_1096 = tpu.sem_alloc : memref<!tpu.dma_semaphore, #tpu.memory_space<semaphore_mem>>
        %dma_start3A_1097 = arith.constant 0 : i32
        %dma_start3A_1098 = arith.constant 0 : i32
        %dma_start3A_1099 = tpu.memref_slice %arg8[%run_scoped3A_772, %run_scoped3A_773, %dma_start3A_1097, %dma_start3A_1098] : memref<2x16x128x32xbf16, #tpu.memory_space<vmem>> -> memref<1x1x128x32xbf16, #tpu.memory_space<vmem>>
        %dma_start3A_1100 = tpu.memref_squeeze %dma_start3A_1099 : memref<1x1x128x32xbf16, #tpu.memory_space<vmem>> -> memref<128x32xbf16, #tpu.memory_space<vmem>>
        %dma_start3A_1101 = arith.constant 0 : i32
        %dma_start3A_1102 = tpu.memref_slice %arg7[%run_scoped3A_774, %run_scoped3A_775, %dma_start3A_1101] : memref<2x16x128xi32, #tpu.memory_space<vmem>> -> memref<1x1x128xi32, #tpu.memory_space<vmem>>
        %dma_start3A_1103 = tpu.memref_squeeze %dma_start3A_1102 : memref<1x1x128xi32, #tpu.memory_space<vmem>> -> memref<128xi32, #tpu.memory_space<vmem>>
        %dma_start3A_1104 = arith.constant 0 : i32
        %dma_start3A_1105 = arith.constant 0 : i32
        %dma_start3A_1106 = tpu.memref_slice %arg10[%dma_start3A_1104, %dma_start3A_1105] : memref<50008x32xbf16, #tpu.memory_space<vmem_shared>> -> memref<50008x32xbf16, #tpu.memory_space<vmem_shared>>
        tpu.enqueue_indirect_dma source(%dma_start3A_1100 : memref<128x32xbf16, #tpu.memory_space<vmem>>) target(%dma_start3A_1106 : memref<50008x32xbf16, #tpu.memory_space<vmem_shared>>) offsets(%dma_start3A_1103 : memref<128xi32, #tpu.memory_space<vmem>>) semaphore(%run_scoped3A_1096 : memref<!tpu.dma_semaphore, #tpu.memory_space<semaphore_mem>>) {add = true}
        %dma_wait3A_1107 = arith.constant 0 : i32
        %dma_wait3A_1108 = arith.constant 0 : i32
        %dma_wait3A_1109 = tpu.memref_slice %arg8[%run_scoped3A_772, %run_scoped3A_773, %dma_wait3A_1107, %dma_wait3A_1108] : memref<2x16x128x32xbf16, #tpu.memory_space<vmem>> -> memref<1x1x128x32xbf16, #tpu.memory_space<vmem>>
        %dma_wait3A_1110 = tpu.memref_squeeze %dma_wait3A_1109 : memref<1x1x128x32xbf16, #tpu.memory_space<vmem>> -> memref<128x32xbf16, #tpu.memory_space<vmem>>
        %dma_wait3A_1111 = arith.constant 0 : i32
        %dma_wait3A_1112 = tpu.memref_slice %arg7[%run_scoped3A_774, %run_scoped3A_775, %dma_wait3A_1111] : memref<2x16x128xi32, #tpu.memory_space<vmem>> -> memref<1x1x128xi32, #tpu.memory_space<vmem>>
        %dma_wait3A_1113 = tpu.memref_squeeze %dma_wait3A_1112 : memref<1x1x128xi32, #tpu.memory_space<vmem>> -> memref<128xi32, #tpu.memory_space<vmem>>
        %dma_wait3A_1114 = arith.constant 0 : i32
        %dma_wait3A_1115 = arith.constant 0 : i32
        %dma_wait3A_1116 = tpu.memref_slice %arg10[%dma_wait3A_1114, %dma_wait3A_1115] : memref<50008x32xbf16, #tpu.memory_space<vmem_shared>> -> memref<50008x32xbf16, #tpu.memory_space<vmem_shared>>
        tpu.wait_indirect_dma semaphore(%run_scoped3A_1096 : memref<!tpu.dma_semaphore, #tpu.memory_space<semaphore_mem>>) src(%dma_wait3A_1110 : memref<128x32xbf16, #tpu.memory_space<vmem>>) dst(%dma_wait3A_1116 : memref<50008x32xbf16, #tpu.memory_space<vmem_shared>>)
        tpu.yield
      }) : () -> ()
      %run_scoped3A_776 = arith.constant 0 : i32
      %run_scoped3A_777 = arith.constant 12 : i32
      %run_scoped3A_778 = arith.constant 0 : i32
      %run_scoped3A_779 = arith.constant 12 : i32
      "tpu.region"() ({
        %run_scoped3A_1096 = tpu.sem_alloc : memref<!tpu.dma_semaphore, #tpu.memory_space<semaphore_mem>>
        %dma_start3A_1097 = arith.constant 0 : i32
        %dma_start3A_1098 = arith.constant 0 : i32
        %dma_start3A_1099 = tpu.memref_slice %arg8[%run_scoped3A_776, %run_scoped3A_777, %dma_start3A_1097, %dma_start3A_1098] : memref<2x16x128x32xbf16, #tpu.memory_space<vmem>> -> memref<1x1x128x32xbf16, #tpu.memory_space<vmem>>
        %dma_start3A_1100 = tpu.memref_squeeze %dma_start3A_1099 : memref<1x1x128x32xbf16, #tpu.memory_space<vmem>> -> memref<128x32xbf16, #tpu.memory_space<vmem>>
        %dma_start3A_1101 = arith.constant 0 : i32
        %dma_start3A_1102 = tpu.memref_slice %arg7[%run_scoped3A_778, %run_scoped3A_779, %dma_start3A_1101] : memref<2x16x128xi32, #tpu.memory_space<vmem>> -> memref<1x1x128xi32, #tpu.memory_space<vmem>>
        %dma_start3A_1103 = tpu.memref_squeeze %dma_start3A_1102 : memref<1x1x128xi32, #tpu.memory_space<vmem>> -> memref<128xi32, #tpu.memory_space<vmem>>
        %dma_start3A_1104 = arith.constant 0 : i32
        %dma_start3A_1105 = arith.constant 0 : i32
        %dma_start3A_1106 = tpu.memref_slice %arg10[%dma_start3A_1104, %dma_start3A_1105] : memref<50008x32xbf16, #tpu.memory_space<vmem_shared>> -> memref<50008x32xbf16, #tpu.memory_space<vmem_shared>>
        tpu.enqueue_indirect_dma source(%dma_start3A_1100 : memref<128x32xbf16, #tpu.memory_space<vmem>>) target(%dma_start3A_1106 : memref<50008x32xbf16, #tpu.memory_space<vmem_shared>>) offsets(%dma_start3A_1103 : memref<128xi32, #tpu.memory_space<vmem>>) semaphore(%run_scoped3A_1096 : memref<!tpu.dma_semaphore, #tpu.memory_space<semaphore_mem>>) {add = true}
        %dma_wait3A_1107 = arith.constant 0 : i32
        %dma_wait3A_1108 = arith.constant 0 : i32
        %dma_wait3A_1109 = tpu.memref_slice %arg8[%run_scoped3A_776, %run_scoped3A_777, %dma_wait3A_1107, %dma_wait3A_1108] : memref<2x16x128x32xbf16, #tpu.memory_space<vmem>> -> memref<1x1x128x32xbf16, #tpu.memory_space<vmem>>
        %dma_wait3A_1110 = tpu.memref_squeeze %dma_wait3A_1109 : memref<1x1x128x32xbf16, #tpu.memory_space<vmem>> -> memref<128x32xbf16, #tpu.memory_space<vmem>>
        %dma_wait3A_1111 = arith.constant 0 : i32
        %dma_wait3A_1112 = tpu.memref_slice %arg7[%run_scoped3A_778, %run_scoped3A_779, %dma_wait3A_1111] : memref<2x16x128xi32, #tpu.memory_space<vmem>> -> memref<1x1x128xi32, #tpu.memory_space<vmem>>
        %dma_wait3A_1113 = tpu.memref_squeeze %dma_wait3A_1112 : memref<1x1x128xi32, #tpu.memory_space<vmem>> -> memref<128xi32, #tpu.memory_space<vmem>>
        %dma_wait3A_1114 = arith.constant 0 : i32
        %dma_wait3A_1115 = arith.constant 0 : i32
        %dma_wait3A_1116 = tpu.memref_slice %arg10[%dma_wait3A_1114, %dma_wait3A_1115] : memref<50008x32xbf16, #tpu.memory_space<vmem_shared>> -> memref<50008x32xbf16, #tpu.memory_space<vmem_shared>>
        tpu.wait_indirect_dma semaphore(%run_scoped3A_1096 : memref<!tpu.dma_semaphore, #tpu.memory_space<semaphore_mem>>) src(%dma_wait3A_1110 : memref<128x32xbf16, #tpu.memory_space<vmem>>) dst(%dma_wait3A_1116 : memref<50008x32xbf16, #tpu.memory_space<vmem_shared>>)
        tpu.yield
      }) : () -> ()
      %run_scoped3A_780 = arith.constant 0 : i32
      %run_scoped3A_781 = arith.constant 13 : i32
      %run_scoped3A_782 = arith.constant 0 : i32
      %run_scoped3A_783 = arith.constant 13 : i32
      "tpu.region"() ({
        %run_scoped3A_1096 = tpu.sem_alloc : memref<!tpu.dma_semaphore, #tpu.memory_space<semaphore_mem>>
        %dma_start3A_1097 = arith.constant 0 : i32
        %dma_start3A_1098 = arith.constant 0 : i32
        %dma_start3A_1099 = tpu.memref_slice %arg8[%run_scoped3A_780, %run_scoped3A_781, %dma_start3A_1097, %dma_start3A_1098] : memref<2x16x128x32xbf16, #tpu.memory_space<vmem>> -> memref<1x1x128x32xbf16, #tpu.memory_space<vmem>>
        %dma_start3A_1100 = tpu.memref_squeeze %dma_start3A_1099 : memref<1x1x128x32xbf16, #tpu.memory_space<vmem>> -> memref<128x32xbf16, #tpu.memory_space<vmem>>
        %dma_start3A_1101 = arith.constant 0 : i32
        %dma_start3A_1102 = tpu.memref_slice %arg7[%run_scoped3A_782, %run_scoped3A_783, %dma_start3A_1101] : memref<2x16x128xi32, #tpu.memory_space<vmem>> -> memref<1x1x128xi32, #tpu.memory_space<vmem>>
        %dma_start3A_1103 = tpu.memref_squeeze %dma_start3A_1102 : memref<1x1x128xi32, #tpu.memory_space<vmem>> -> memref<128xi32, #tpu.memory_space<vmem>>
        %dma_start3A_1104 = arith.constant 0 : i32
        %dma_start3A_1105 = arith.constant 0 : i32
        %dma_start3A_1106 = tpu.memref_slice %arg10[%dma_start3A_1104, %dma_start3A_1105] : memref<50008x32xbf16, #tpu.memory_space<vmem_shared>> -> memref<50008x32xbf16, #tpu.memory_space<vmem_shared>>
        tpu.enqueue_indirect_dma source(%dma_start3A_1100 : memref<128x32xbf16, #tpu.memory_space<vmem>>) target(%dma_start3A_1106 : memref<50008x32xbf16, #tpu.memory_space<vmem_shared>>) offsets(%dma_start3A_1103 : memref<128xi32, #tpu.memory_space<vmem>>) semaphore(%run_scoped3A_1096 : memref<!tpu.dma_semaphore, #tpu.memory_space<semaphore_mem>>) {add = true}
        %dma_wait3A_1107 = arith.constant 0 : i32
        %dma_wait3A_1108 = arith.constant 0 : i32
        %dma_wait3A_1109 = tpu.memref_slice %arg8[%run_scoped3A_780, %run_scoped3A_781, %dma_wait3A_1107, %dma_wait3A_1108] : memref<2x16x128x32xbf16, #tpu.memory_space<vmem>> -> memref<1x1x128x32xbf16, #tpu.memory_space<vmem>>
        %dma_wait3A_1110 = tpu.memref_squeeze %dma_wait3A_1109 : memref<1x1x128x32xbf16, #tpu.memory_space<vmem>> -> memref<128x32xbf16, #tpu.memory_space<vmem>>
        %dma_wait3A_1111 = arith.constant 0 : i32
        %dma_wait3A_1112 = tpu.memref_slice %arg7[%run_scoped3A_782, %run_scoped3A_783, %dma_wait3A_1111] : memref<2x16x128xi32, #tpu.memory_space<vmem>> -> memref<1x1x128xi32, #tpu.memory_space<vmem>>
        %dma_wait3A_1113 = tpu.memref_squeeze %dma_wait3A_1112 : memref<1x1x128xi32, #tpu.memory_space<vmem>> -> memref<128xi32, #tpu.memory_space<vmem>>
        %dma_wait3A_1114 = arith.constant 0 : i32
        %dma_wait3A_1115 = arith.constant 0 : i32
        %dma_wait3A_1116 = tpu.memref_slice %arg10[%dma_wait3A_1114, %dma_wait3A_1115] : memref<50008x32xbf16, #tpu.memory_space<vmem_shared>> -> memref<50008x32xbf16, #tpu.memory_space<vmem_shared>>
        tpu.wait_indirect_dma semaphore(%run_scoped3A_1096 : memref<!tpu.dma_semaphore, #tpu.memory_space<semaphore_mem>>) src(%dma_wait3A_1110 : memref<128x32xbf16, #tpu.memory_space<vmem>>) dst(%dma_wait3A_1116 : memref<50008x32xbf16, #tpu.memory_space<vmem_shared>>)
        tpu.yield
      }) : () -> ()
      %run_scoped3A_784 = arith.constant 0 : i32
      %run_scoped3A_785 = arith.constant 14 : i32
      %run_scoped3A_786 = arith.constant 0 : i32
      %run_scoped3A_787 = arith.constant 14 : i32
      "tpu.region"() ({
        %run_scoped3A_1096 = tpu.sem_alloc : memref<!tpu.dma_semaphore, #tpu.memory_space<semaphore_mem>>
        %dma_start3A_1097 = arith.constant 0 : i32
        %dma_start3A_1098 = arith.constant 0 : i32
        %dma_start3A_1099 = tpu.memref_slice %arg8[%run_scoped3A_784, %run_scoped3A_785, %dma_start3A_1097, %dma_start3A_1098] : memref<2x16x128x32xbf16, #tpu.memory_space<vmem>> -> memref<1x1x128x32xbf16, #tpu.memory_space<vmem>>
        %dma_start3A_1100 = tpu.memref_squeeze %dma_start3A_1099 : memref<1x1x128x32xbf16, #tpu.memory_space<vmem>> -> memref<128x32xbf16, #tpu.memory_space<vmem>>
        %dma_start3A_1101 = arith.constant 0 : i32
        %dma_start3A_1102 = tpu.memref_slice %arg7[%run_scoped3A_786, %run_scoped3A_787, %dma_start3A_1101] : memref<2x16x128xi32, #tpu.memory_space<vmem>> -> memref<1x1x128xi32, #tpu.memory_space<vmem>>
        %dma_start3A_1103 = tpu.memref_squeeze %dma_start3A_1102 : memref<1x1x128xi32, #tpu.memory_space<vmem>> -> memref<128xi32, #tpu.memory_space<vmem>>
        %dma_start3A_1104 = arith.constant 0 : i32
        %dma_start3A_1105 = arith.constant 0 : i32
        %dma_start3A_1106 = tpu.memref_slice %arg10[%dma_start3A_1104, %dma_start3A_1105] : memref<50008x32xbf16, #tpu.memory_space<vmem_shared>> -> memref<50008x32xbf16, #tpu.memory_space<vmem_shared>>
        tpu.enqueue_indirect_dma source(%dma_start3A_1100 : memref<128x32xbf16, #tpu.memory_space<vmem>>) target(%dma_start3A_1106 : memref<50008x32xbf16, #tpu.memory_space<vmem_shared>>) offsets(%dma_start3A_1103 : memref<128xi32, #tpu.memory_space<vmem>>) semaphore(%run_scoped3A_1096 : memref<!tpu.dma_semaphore, #tpu.memory_space<semaphore_mem>>) {add = true}
        %dma_wait3A_1107 = arith.constant 0 : i32
        %dma_wait3A_1108 = arith.constant 0 : i32
        %dma_wait3A_1109 = tpu.memref_slice %arg8[%run_scoped3A_784, %run_scoped3A_785, %dma_wait3A_1107, %dma_wait3A_1108] : memref<2x16x128x32xbf16, #tpu.memory_space<vmem>> -> memref<1x1x128x32xbf16, #tpu.memory_space<vmem>>
        %dma_wait3A_1110 = tpu.memref_squeeze %dma_wait3A_1109 : memref<1x1x128x32xbf16, #tpu.memory_space<vmem>> -> memref<128x32xbf16, #tpu.memory_space<vmem>>
        %dma_wait3A_1111 = arith.constant 0 : i32
        %dma_wait3A_1112 = tpu.memref_slice %arg7[%run_scoped3A_786, %run_scoped3A_787, %dma_wait3A_1111] : memref<2x16x128xi32, #tpu.memory_space<vmem>> -> memref<1x1x128xi32, #tpu.memory_space<vmem>>
        %dma_wait3A_1113 = tpu.memref_squeeze %dma_wait3A_1112 : memref<1x1x128xi32, #tpu.memory_space<vmem>> -> memref<128xi32, #tpu.memory_space<vmem>>
        %dma_wait3A_1114 = arith.constant 0 : i32
        %dma_wait3A_1115 = arith.constant 0 : i32
        %dma_wait3A_1116 = tpu.memref_slice %arg10[%dma_wait3A_1114, %dma_wait3A_1115] : memref<50008x32xbf16, #tpu.memory_space<vmem_shared>> -> memref<50008x32xbf16, #tpu.memory_space<vmem_shared>>
        tpu.wait_indirect_dma semaphore(%run_scoped3A_1096 : memref<!tpu.dma_semaphore, #tpu.memory_space<semaphore_mem>>) src(%dma_wait3A_1110 : memref<128x32xbf16, #tpu.memory_space<vmem>>) dst(%dma_wait3A_1116 : memref<50008x32xbf16, #tpu.memory_space<vmem_shared>>)
        tpu.yield
      }) : () -> ()
      %run_scoped3A_788 = arith.constant 0 : i32
      %run_scoped3A_789 = arith.constant 15 : i32
      %run_scoped3A_790 = arith.constant 0 : i32
      %run_scoped3A_791 = arith.constant 15 : i32
      "tpu.region"() ({
        %run_scoped3A_1096 = tpu.sem_alloc : memref<!tpu.dma_semaphore, #tpu.memory_space<semaphore_mem>>
        %dma_start3A_1097 = arith.constant 0 : i32
        %dma_start3A_1098 = arith.constant 0 : i32
        %dma_start3A_1099 = tpu.memref_slice %arg8[%run_scoped3A_788, %run_scoped3A_789, %dma_start3A_1097, %dma_start3A_1098] : memref<2x16x128x32xbf16, #tpu.memory_space<vmem>> -> memref<1x1x128x32xbf16, #tpu.memory_space<vmem>>
        %dma_start3A_1100 = tpu.memref_squeeze %dma_start3A_1099 : memref<1x1x128x32xbf16, #tpu.memory_space<vmem>> -> memref<128x32xbf16, #tpu.memory_space<vmem>>
        %dma_start3A_1101 = arith.constant 0 : i32
        %dma_start3A_1102 = tpu.memref_slice %arg7[%run_scoped3A_790, %run_scoped3A_791, %dma_start3A_1101] : memref<2x16x128xi32, #tpu.memory_space<vmem>> -> memref<1x1x128xi32, #tpu.memory_space<vmem>>
        %dma_start3A_1103 = tpu.memref_squeeze %dma_start3A_1102 : memref<1x1x128xi32, #tpu.memory_space<vmem>> -> memref<128xi32, #tpu.memory_space<vmem>>
        %dma_start3A_1104 = arith.constant 0 : i32
        %dma_start3A_1105 = arith.constant 0 : i32
        %dma_start3A_1106 = tpu.memref_slice %arg10[%dma_start3A_1104, %dma_start3A_1105] : memref<50008x32xbf16, #tpu.memory_space<vmem_shared>> -> memref<50008x32xbf16, #tpu.memory_space<vmem_shared>>
        tpu.enqueue_indirect_dma source(%dma_start3A_1100 : memref<128x32xbf16, #tpu.memory_space<vmem>>) target(%dma_start3A_1106 : memref<50008x32xbf16, #tpu.memory_space<vmem_shared>>) offsets(%dma_start3A_1103 : memref<128xi32, #tpu.memory_space<vmem>>) semaphore(%run_scoped3A_1096 : memref<!tpu.dma_semaphore, #tpu.memory_space<semaphore_mem>>) {add = true}
        %dma_wait3A_1107 = arith.constant 0 : i32
        %dma_wait3A_1108 = arith.constant 0 : i32
        %dma_wait3A_1109 = tpu.memref_slice %arg8[%run_scoped3A_788, %run_scoped3A_789, %dma_wait3A_1107, %dma_wait3A_1108] : memref<2x16x128x32xbf16, #tpu.memory_space<vmem>> -> memref<1x1x128x32xbf16, #tpu.memory_space<vmem>>
        %dma_wait3A_1110 = tpu.memref_squeeze %dma_wait3A_1109 : memref<1x1x128x32xbf16, #tpu.memory_space<vmem>> -> memref<128x32xbf16, #tpu.memory_space<vmem>>
        %dma_wait3A_1111 = arith.constant 0 : i32
        %dma_wait3A_1112 = tpu.memref_slice %arg7[%run_scoped3A_790, %run_scoped3A_791, %dma_wait3A_1111] : memref<2x16x128xi32, #tpu.memory_space<vmem>> -> memref<1x1x128xi32, #tpu.memory_space<vmem>>
        %dma_wait3A_1113 = tpu.memref_squeeze %dma_wait3A_1112 : memref<1x1x128xi32, #tpu.memory_space<vmem>> -> memref<128xi32, #tpu.memory_space<vmem>>
        %dma_wait3A_1114 = arith.constant 0 : i32
        %dma_wait3A_1115 = arith.constant 0 : i32
        %dma_wait3A_1116 = tpu.memref_slice %arg10[%dma_wait3A_1114, %dma_wait3A_1115] : memref<50008x32xbf16, #tpu.memory_space<vmem_shared>> -> memref<50008x32xbf16, #tpu.memory_space<vmem_shared>>
        tpu.wait_indirect_dma semaphore(%run_scoped3A_1096 : memref<!tpu.dma_semaphore, #tpu.memory_space<semaphore_mem>>) src(%dma_wait3A_1110 : memref<128x32xbf16, #tpu.memory_space<vmem>>) dst(%dma_wait3A_1116 : memref<50008x32xbf16, #tpu.memory_space<vmem_shared>>)
        tpu.yield
      }) : () -> ()
      %add3A_792 = arith.constant 2 : i32
      %add3A_793 = arith.addi %add3A_504, %add3A_792 : i32
      %lt3A = arith.constant 26 : i32
      %lt3A_794 = arith.cmpi slt, %add3A_793, %lt3A : i32
      %convert_element_type3A = arith.extui %lt3A_794 : i1 to i32
      %cond3A = arith.constant 0 : i32
      %cond3A_795 = arith.cmpi ne, %convert_element_type3A, %cond3A : i32
      scf.if %cond3A_795 {
        %add3A_1096 = arith.constant 2 : i32
        %add3A_1097 = arith.addi %add3A_504, %add3A_1096 : i32
        %run_scoped3A_1098 = arith.constant 0 : i32
        "tpu.region"() ({
          %run_scoped3A_1331 = tpu.sem_alloc : memref<!tpu.dma_semaphore, #tpu.memory_space<semaphore_mem>>
          %dma_start3A_1332 = arith.constant 0 : i32
          %dma_start3A_1333 = arith.constant 0 : i32
          %dma_start3A_1334 = tpu.memref_slice %arg6[%run_scoped3A_1098, %dma_start3A_1332, %dma_start3A_1333] : memref<2x16x128xi32, #tpu.memory_space<vmem>> -> memref<1x16x128xi32, #tpu.memory_space<vmem>>
          %dma_start3A_1335 = tpu.memref_squeeze %dma_start3A_1334 : memref<1x16x128xi32, #tpu.memory_space<vmem>> -> memref<16x128xi32, #tpu.memory_space<vmem>>
          %dma_start3A_1336 = arith.constant 0 : i32
          %dma_start3A_1337 = arith.constant 0 : i32
          %dma_start3A_1338 = tpu.memref_slice %arg3[%arg1, %add3A_1097, %dma_start3A_1336, %dma_start3A_1337] : memref<16x26x16x128xi32, #tpu.memory_space<hbm>> -> memref<1x1x16x128xi32, #tpu.memory_space<hbm>>
          %dma_start3A_1339 = tpu.memref_squeeze %dma_start3A_1338 : memref<1x1x16x128xi32, #tpu.memory_space<hbm>> -> memref<16x128xi32, #tpu.memory_space<hbm>>
          %dma_start3A_1340 = arith.constant 0 : i32
          %dma_start3A_1341 = arith.constant 0 : i32
          %dma_start3A_1342 = tpu.memref_slice %arg6[%run_scoped3A_1098, %dma_start3A_1340, %dma_start3A_1341] : memref<2x16x128xi32, #tpu.memory_space<vmem>> -> memref<1x16x128xi32, #tpu.memory_space<vmem>>
          %dma_start3A_1343 = tpu.memref_squeeze %dma_start3A_1342 : memref<1x16x128xi32, #tpu.memory_space<vmem>> -> memref<16x128xi32, #tpu.memory_space<vmem>>
          %dma_start3A_1344 = arith.constant 0 : i32
          %dma_start3A_1345 = arith.constant 0 : i32
          %dma_start3A_1346 = tpu.memref_slice %arg3[%arg1, %add3A_1097, %dma_start3A_1344, %dma_start3A_1345] : memref<16x26x16x128xi32, #tpu.memory_space<hbm>> -> memref<1x1x16x128xi32, #tpu.memory_space<hbm>>
          %dma_start3A_1347 = tpu.memref_squeeze %dma_start3A_1346 : memref<1x1x16x128xi32, #tpu.memory_space<hbm>> -> memref<16x128xi32, #tpu.memory_space<hbm>>
          tpu.enqueue_dma source(%dma_start3A_1347 : memref<16x128xi32, #tpu.memory_space<hbm>>) target(%dma_start3A_1343 : memref<16x128xi32, #tpu.memory_space<vmem>>) target_semaphore(%run_scoped3A_1331 : memref<!tpu.dma_semaphore, #tpu.memory_space<semaphore_mem>>)
          %dma_wait3A_1348 = arith.constant 0 : i32
          %dma_wait3A_1349 = arith.constant 0 : i32
          %dma_wait3A_1350 = tpu.memref_slice %arg6[%run_scoped3A_1098, %dma_wait3A_1348, %dma_wait3A_1349] : memref<2x16x128xi32, #tpu.memory_space<vmem>> -> memref<1x16x128xi32, #tpu.memory_space<vmem>>
          %dma_wait3A_1351 = tpu.memref_squeeze %dma_wait3A_1350 : memref<1x16x128xi32, #tpu.memory_space<vmem>> -> memref<16x128xi32, #tpu.memory_space<vmem>>
          %dma_wait3A_1352 = arith.constant 0 : i32
          %dma_wait3A_1353 = arith.constant 0 : i32
          %dma_wait3A_1354 = tpu.memref_slice %arg3[%arg1, %add3A_1097, %dma_wait3A_1352, %dma_wait3A_1353] : memref<16x26x16x128xi32, #tpu.memory_space<hbm>> -> memref<1x1x16x128xi32, #tpu.memory_space<hbm>>
          %dma_wait3A_1355 = tpu.memref_squeeze %dma_wait3A_1354 : memref<1x1x16x128xi32, #tpu.memory_space<hbm>> -> memref<16x128xi32, #tpu.memory_space<hbm>>
          %dma_wait3A_1356 = arith.constant 0 : i32
          %dma_wait3A_1357 = arith.constant 0 : i32
          %dma_wait3A_1358 = tpu.memref_slice %arg6[%run_scoped3A_1098, %dma_wait3A_1356, %dma_wait3A_1357] : memref<2x16x128xi32, #tpu.memory_space<vmem>> -> memref<1x16x128xi32, #tpu.memory_space<vmem>>
          %dma_wait3A_1359 = tpu.memref_squeeze %dma_wait3A_1358 : memref<1x16x128xi32, #tpu.memory_space<vmem>> -> memref<16x128xi32, #tpu.memory_space<vmem>>
          %dma_wait3A_1360 = arith.constant 0 : i32
          %dma_wait3A_1361 = arith.constant 0 : i32
          %dma_wait3A_1362 = tpu.memref_slice %arg3[%arg1, %add3A_1097, %dma_wait3A_1360, %dma_wait3A_1361] : memref<16x26x16x128xi32, #tpu.memory_space<hbm>> -> memref<1x1x16x128xi32, #tpu.memory_space<hbm>>
          %dma_wait3A_1363 = tpu.memref_squeeze %dma_wait3A_1362 : memref<1x1x16x128xi32, #tpu.memory_space<hbm>> -> memref<16x128xi32, #tpu.memory_space<hbm>>
          tpu.wait_dma2 semaphore(%run_scoped3A_1331 : memref<!tpu.dma_semaphore, #tpu.memory_space<semaphore_mem>>) src(%dma_wait3A_1363 : memref<16x128xi32, #tpu.memory_space<hbm>>) dst(%dma_wait3A_1359 : memref<16x128xi32, #tpu.memory_space<vmem>>)
          tpu.yield
        }) : () -> ()
        %run_scoped3A_1099 = arith.constant 0 : i32
        "tpu.region"() ({
          %run_scoped3A_1331 = tpu.sem_alloc : memref<!tpu.dma_semaphore, #tpu.memory_space<semaphore_mem>>
          %dma_start3A_1332 = arith.constant 0 : i32
          %dma_start3A_1333 = arith.constant 0 : i32
          %dma_start3A_1334 = tpu.memref_slice %arg7[%run_scoped3A_1099, %dma_start3A_1332, %dma_start3A_1333] : memref<2x16x128xi32, #tpu.memory_space<vmem>> -> memref<1x16x128xi32, #tpu.memory_space<vmem>>
          %dma_start3A_1335 = tpu.memref_squeeze %dma_start3A_1334 : memref<1x16x128xi32, #tpu.memory_space<vmem>> -> memref<16x128xi32, #tpu.memory_space<vmem>>
          %dma_start3A_1336 = arith.constant 0 : i32
          %dma_start3A_1337 = arith.constant 0 : i32
          %dma_start3A_1338 = tpu.memref_slice %arg4[%arg1, %add3A_1097, %dma_start3A_1336, %dma_start3A_1337] : memref<16x26x16x128xi32, #tpu.memory_space<hbm>> -> memref<1x1x16x128xi32, #tpu.memory_space<hbm>>
          %dma_start3A_1339 = tpu.memref_squeeze %dma_start3A_1338 : memref<1x1x16x128xi32, #tpu.memory_space<hbm>> -> memref<16x128xi32, #tpu.memory_space<hbm>>
          %dma_start3A_1340 = arith.constant 0 : i32
          %dma_start3A_1341 = arith.constant 0 : i32
          %dma_start3A_1342 = tpu.memref_slice %arg7[%run_scoped3A_1099, %dma_start3A_1340, %dma_start3A_1341] : memref<2x16x128xi32, #tpu.memory_space<vmem>> -> memref<1x16x128xi32, #tpu.memory_space<vmem>>
          %dma_start3A_1343 = tpu.memref_squeeze %dma_start3A_1342 : memref<1x16x128xi32, #tpu.memory_space<vmem>> -> memref<16x128xi32, #tpu.memory_space<vmem>>
          %dma_start3A_1344 = arith.constant 0 : i32
          %dma_start3A_1345 = arith.constant 0 : i32
          %dma_start3A_1346 = tpu.memref_slice %arg4[%arg1, %add3A_1097, %dma_start3A_1344, %dma_start3A_1345] : memref<16x26x16x128xi32, #tpu.memory_space<hbm>> -> memref<1x1x16x128xi32, #tpu.memory_space<hbm>>
          %dma_start3A_1347 = tpu.memref_squeeze %dma_start3A_1346 : memref<1x1x16x128xi32, #tpu.memory_space<hbm>> -> memref<16x128xi32, #tpu.memory_space<hbm>>
          tpu.enqueue_dma source(%dma_start3A_1347 : memref<16x128xi32, #tpu.memory_space<hbm>>) target(%dma_start3A_1343 : memref<16x128xi32, #tpu.memory_space<vmem>>) target_semaphore(%run_scoped3A_1331 : memref<!tpu.dma_semaphore, #tpu.memory_space<semaphore_mem>>)
          %dma_wait3A_1348 = arith.constant 0 : i32
          %dma_wait3A_1349 = arith.constant 0 : i32
          %dma_wait3A_1350 = tpu.memref_slice %arg7[%run_scoped3A_1099, %dma_wait3A_1348, %dma_wait3A_1349] : memref<2x16x128xi32, #tpu.memory_space<vmem>> -> memref<1x16x128xi32, #tpu.memory_space<vmem>>
          %dma_wait3A_1351 = tpu.memref_squeeze %dma_wait3A_1350 : memref<1x16x128xi32, #tpu.memory_space<vmem>> -> memref<16x128xi32, #tpu.memory_space<vmem>>
          %dma_wait3A_1352 = arith.constant 0 : i32
          %dma_wait3A_1353 = arith.constant 0 : i32
          %dma_wait3A_1354 = tpu.memref_slice %arg4[%arg1, %add3A_1097, %dma_wait3A_1352, %dma_wait3A_1353] : memref<16x26x16x128xi32, #tpu.memory_space<hbm>> -> memref<1x1x16x128xi32, #tpu.memory_space<hbm>>
          %dma_wait3A_1355 = tpu.memref_squeeze %dma_wait3A_1354 : memref<1x1x16x128xi32, #tpu.memory_space<hbm>> -> memref<16x128xi32, #tpu.memory_space<hbm>>
          %dma_wait3A_1356 = arith.constant 0 : i32
          %dma_wait3A_1357 = arith.constant 0 : i32
          %dma_wait3A_1358 = tpu.memref_slice %arg7[%run_scoped3A_1099, %dma_wait3A_1356, %dma_wait3A_1357] : memref<2x16x128xi32, #tpu.memory_space<vmem>> -> memref<1x16x128xi32, #tpu.memory_space<vmem>>
          %dma_wait3A_1359 = tpu.memref_squeeze %dma_wait3A_1358 : memref<1x16x128xi32, #tpu.memory_space<vmem>> -> memref<16x128xi32, #tpu.memory_space<vmem>>
          %dma_wait3A_1360 = arith.constant 0 : i32
          %dma_wait3A_1361 = arith.constant 0 : i32
          %dma_wait3A_1362 = tpu.memref_slice %arg4[%arg1, %add3A_1097, %dma_wait3A_1360, %dma_wait3A_1361] : memref<16x26x16x128xi32, #tpu.memory_space<hbm>> -> memref<1x1x16x128xi32, #tpu.memory_space<hbm>>
          %dma_wait3A_1363 = tpu.memref_squeeze %dma_wait3A_1362 : memref<1x1x16x128xi32, #tpu.memory_space<hbm>> -> memref<16x128xi32, #tpu.memory_space<hbm>>
          tpu.wait_dma2 semaphore(%run_scoped3A_1331 : memref<!tpu.dma_semaphore, #tpu.memory_space<semaphore_mem>>) src(%dma_wait3A_1363 : memref<16x128xi32, #tpu.memory_space<hbm>>) dst(%dma_wait3A_1359 : memref<16x128xi32, #tpu.memory_space<vmem>>)
          tpu.yield
        }) : () -> ()
        %scan3A_1100 = arith.constant 0 : i32
        %scan3A_1101 = arith.constant 0 : i32
        %scan3A_1102 = arith.constant 16 : i32
        %scan3A_1103 = arith.addi %scan3A_1101, %scan3A_1102 : i32
        %scan3A_1104 = arith.constant 1 : i32
        %scan3A_1105 = scf.for %scan3A_1331 = %scan3A_1101 to %scan3A_1103 step %scan3A_1104 iter_args(%scan3A_1332 = %scan3A_1100) -> (i32)  : i32 {
          %scan3A_1333 = arith.constant 0 : i32
          %scan3A_1334 = arith.constant 0 : i32
          %scan3A_1335 = arith.constant 8 : i32
          %scan3A_1336 = arith.addi %scan3A_1334, %scan3A_1335 : i32
          %scan3A_1337 = arith.constant 1 : i32
          %scan3A_1338 = scf.for %scan3A_1341 = %scan3A_1334 to %scan3A_1336 step %scan3A_1337 iter_args(%scan3A_1342 = %scan3A_1333) -> (i32)  : i32 {
            %mul3A_1343 = arith.constant 16 : i32
            %mul3A_1344 = arith.muli %scan3A_1341, %mul3A_1343 : i32
            %get3A = arith.constant 0 : i32
            %get3A_1345 = arith.index_cast %get3A : i32 to index
            %get3A_1346 = arith.index_cast %scan3A_1331 : i32 to index
            %get3A_1347 = arith.index_cast %mul3A_1344 : i32 to index
            %get3A_1348 = tpu.vector_load %arg6[%get3A_1345, %get3A_1346, %get3A_1347] {strides = array<i32>} : memref<2x16x128xi32, #tpu.memory_space<vmem>>, vector<1x1x16xi32>,
            %get3A_1349 = vector.shape_cast %get3A_1348 : vector<1x1x16xi32> to vector<16xi32>
            %add3A_1350 = vector.broadcast %mul3A_13 : i32 to vector<16xi32>
            %add3A_1351 = arith.addi %get3A_1349, %add3A_1350 : vector<16xi32>
            %mul3A_1352 = arith.constant 16 : i32
            %mul3A_1353 = arith.muli %scan3A_1341, %mul3A_1352 : i32
            %swap3A = arith.constant 0 : i32
            %swap3A_1354 = arith.index_cast %swap3A : i32 to index
            %swap3A_1355 = arith.index_cast %scan3A_1331 : i32 to index
            %swap3A_1356 = arith.index_cast %mul3A_1353 : i32 to index
            %swap3A_1357 = tpu.vector_load %arg6[%swap3A_1354, %swap3A_1355, %swap3A_1356] {strides = array<i32>} : memref<2x16x128xi32, #tpu.memory_space<vmem>>, vector<1x1x16xi32>,
            %swap3A_1358 = vector.shape_cast %swap3A_1357 : vector<1x1x16xi32> to vector<16xi32>
            %swap3A_1359 = vector.shape_cast %add3A_1351 : vector<16xi32> to vector<1x1x16xi32>
            tpu.vector_store %arg6[%swap3A_1354, %swap3A_1355, %swap3A_1356], %swap3A_1359 {strides = array<i32>} : memref<2x16x128xi32, #tpu.memory_space<vmem>>, vector<1x1x16xi32>,
            %scan3A_1360 = arith.constant 0 : i32
            scf.yield %scan3A_1360 : i32
          }
          %scan3A_1339 = arith.constant 8 : i32
          %scan3A_1340 = arith.constant 0 : i32
          scf.yield %scan3A_1340 : i32
        }
        %scan3A_1106 = arith.constant 16 : i32
        %dma_start3A_1107 = arith.constant 0 : i32
        %dma_start3A_1108 = arith.constant 0 : i32
        %dma_start3A_1109 = arith.constant 0 : i32
        %dma_start3A_1110 = arith.constant 0 : i32
        %dma_start3A_1111 = arith.constant 0 : i32
        %dma_start3A_1112 = arith.constant 0 : i32
        %dma_start3A_1113 = tpu.memref_slice %arg8[%dma_start3A_1109, %dma_start3A_1110, %dma_start3A_1111, %dma_start3A_1112] : memref<2x16x128x32xbf16, #tpu.memory_space<vmem>> -> memref<1x1x128x32xbf16, #tpu.memory_space<vmem>>
        %dma_start3A_1114 = tpu.memref_squeeze %dma_start3A_1113 : memref<1x1x128x32xbf16, #tpu.memory_space<vmem>> -> memref<128x32xbf16, #tpu.memory_space<vmem>>
        %dma_start3A_1115 = arith.constant 0 : i32
        %dma_start3A_1116 = tpu.memref_slice %arg6[%dma_start3A_1107, %dma_start3A_1108, %dma_start3A_1115] : memref<2x16x128xi32, #tpu.memory_space<vmem>> -> memref<1x1x128xi32, #tpu.memory_space<vmem>>
        %dma_start3A_1117 = tpu.memref_squeeze %dma_start3A_1116 : memref<1x1x128xi32, #tpu.memory_space<vmem>> -> memref<128xi32, #tpu.memory_space<vmem>>
        %dma_start3A_1118 = arith.constant 0 : i32
        %dma_start3A_1119 = arith.constant 0 : i32
        %dma_start3A_1120 = tpu.memref_slice %arg2[%dma_start3A_1118, %dma_start3A_1119] : memref<100000x32xbf16, #tpu.memory_space<hbm>> -> memref<100000x32xbf16, #tpu.memory_space<hbm>>
        tpu.enqueue_indirect_dma source(%dma_start3A_1120 : memref<100000x32xbf16, #tpu.memory_space<hbm>>) target(%dma_start3A_1114 : memref<128x32xbf16, #tpu.memory_space<vmem>>) offsets(%dma_start3A_1117 : memref<128xi32, #tpu.memory_space<vmem>>) semaphore(%arg11 : memref<!tpu.dma_semaphore, #tpu.memory_space<semaphore_mem>>)
        %dma_start3A_1121 = arith.constant 0 : i32
        %dma_start3A_1122 = arith.constant 1 : i32
        %dma_start3A_1123 = arith.constant 0 : i32
        %dma_start3A_1124 = arith.constant 1 : i32
        %dma_start3A_1125 = arith.constant 0 : i32
        %dma_start3A_1126 = arith.constant 0 : i32
        %dma_start3A_1127 = tpu.memref_slice %arg8[%dma_start3A_1123, %dma_start3A_1124, %dma_start3A_1125, %dma_start3A_1126] : memref<2x16x128x32xbf16, #tpu.memory_space<vmem>> -> memref<1x1x128x32xbf16, #tpu.memory_space<vmem>>
        %dma_start3A_1128 = tpu.memref_squeeze %dma_start3A_1127 : memref<1x1x128x32xbf16, #tpu.memory_space<vmem>> -> memref<128x32xbf16, #tpu.memory_space<vmem>>
        %dma_start3A_1129 = arith.constant 0 : i32
        %dma_start3A_1130 = tpu.memref_slice %arg6[%dma_start3A_1121, %dma_start3A_1122, %dma_start3A_1129] : memref<2x16x128xi32, #tpu.memory_space<vmem>> -> memref<1x1x128xi32, #tpu.memory_space<vmem>>
        %dma_start3A_1131 = tpu.memref_squeeze %dma_start3A_1130 : memref<1x1x128xi32, #tpu.memory_space<vmem>> -> memref<128xi32, #tpu.memory_space<vmem>>
        %dma_start3A_1132 = arith.constant 0 : i32
        %dma_start3A_1133 = arith.constant 0 : i32
        %dma_start3A_1134 = tpu.memref_slice %arg2[%dma_start3A_1132, %dma_start3A_1133] : memref<100000x32xbf16, #tpu.memory_space<hbm>> -> memref<100000x32xbf16, #tpu.memory_space<hbm>>
        tpu.enqueue_indirect_dma source(%dma_start3A_1134 : memref<100000x32xbf16, #tpu.memory_space<hbm>>) target(%dma_start3A_1128 : memref<128x32xbf16, #tpu.memory_space<vmem>>) offsets(%dma_start3A_1131 : memref<128xi32, #tpu.memory_space<vmem>>) semaphore(%arg11 : memref<!tpu.dma_semaphore, #tpu.memory_space<semaphore_mem>>)
        %dma_start3A_1135 = arith.constant 0 : i32
        %dma_start3A_1136 = arith.constant 2 : i32
        %dma_start3A_1137 = arith.constant 0 : i32
        %dma_start3A_1138 = arith.constant 2 : i32
        %dma_start3A_1139 = arith.constant 0 : i32
        %dma_start3A_1140 = arith.constant 0 : i32
        %dma_start3A_1141 = tpu.memref_slice %arg8[%dma_start3A_1137, %dma_start3A_1138, %dma_start3A_1139, %dma_start3A_1140] : memref<2x16x128x32xbf16, #tpu.memory_space<vmem>> -> memref<1x1x128x32xbf16, #tpu.memory_space<vmem>>
        %dma_start3A_1142 = tpu.memref_squeeze %dma_start3A_1141 : memref<1x1x128x32xbf16, #tpu.memory_space<vmem>> -> memref<128x32xbf16, #tpu.memory_space<vmem>>
        %dma_start3A_1143 = arith.constant 0 : i32
        %dma_start3A_1144 = tpu.memref_slice %arg6[%dma_start3A_1135, %dma_start3A_1136, %dma_start3A_1143] : memref<2x16x128xi32, #tpu.memory_space<vmem>> -> memref<1x1x128xi32, #tpu.memory_space<vmem>>
        %dma_start3A_1145 = tpu.memref_squeeze %dma_start3A_1144 : memref<1x1x128xi32, #tpu.memory_space<vmem>> -> memref<128xi32, #tpu.memory_space<vmem>>
        %dma_start3A_1146 = arith.constant 0 : i32
        %dma_start3A_1147 = arith.constant 0 : i32
        %dma_start3A_1148 = tpu.memref_slice %arg2[%dma_start3A_1146, %dma_start3A_1147] : memref<100000x32xbf16, #tpu.memory_space<hbm>> -> memref<100000x32xbf16, #tpu.memory_space<hbm>>
        tpu.enqueue_indirect_dma source(%dma_start3A_1148 : memref<100000x32xbf16, #tpu.memory_space<hbm>>) target(%dma_start3A_1142 : memref<128x32xbf16, #tpu.memory_space<vmem>>) offsets(%dma_start3A_1145 : memref<128xi32, #tpu.memory_space<vmem>>) semaphore(%arg11 : memref<!tpu.dma_semaphore, #tpu.memory_space<semaphore_mem>>)
        %dma_start3A_1149 = arith.constant 0 : i32
        %dma_start3A_1150 = arith.constant 3 : i32
        %dma_start3A_1151 = arith.constant 0 : i32
        %dma_start3A_1152 = arith.constant 3 : i32
        %dma_start3A_1153 = arith.constant 0 : i32
        %dma_start3A_1154 = arith.constant 0 : i32
        %dma_start3A_1155 = tpu.memref_slice %arg8[%dma_start3A_1151, %dma_start3A_1152, %dma_start3A_1153, %dma_start3A_1154] : memref<2x16x128x32xbf16, #tpu.memory_space<vmem>> -> memref<1x1x128x32xbf16, #tpu.memory_space<vmem>>
        %dma_start3A_1156 = tpu.memref_squeeze %dma_start3A_1155 : memref<1x1x128x32xbf16, #tpu.memory_space<vmem>> -> memref<128x32xbf16, #tpu.memory_space<vmem>>
        %dma_start3A_1157 = arith.constant 0 : i32
        %dma_start3A_1158 = tpu.memref_slice %arg6[%dma_start3A_1149, %dma_start3A_1150, %dma_start3A_1157] : memref<2x16x128xi32, #tpu.memory_space<vmem>> -> memref<1x1x128xi32, #tpu.memory_space<vmem>>
        %dma_start3A_1159 = tpu.memref_squeeze %dma_start3A_1158 : memref<1x1x128xi32, #tpu.memory_space<vmem>> -> memref<128xi32, #tpu.memory_space<vmem>>
        %dma_start3A_1160 = arith.constant 0 : i32
        %dma_start3A_1161 = arith.constant 0 : i32
        %dma_start3A_1162 = tpu.memref_slice %arg2[%dma_start3A_1160, %dma_start3A_1161] : memref<100000x32xbf16, #tpu.memory_space<hbm>> -> memref<100000x32xbf16, #tpu.memory_space<hbm>>
        tpu.enqueue_indirect_dma source(%dma_start3A_1162 : memref<100000x32xbf16, #tpu.memory_space<hbm>>) target(%dma_start3A_1156 : memref<128x32xbf16, #tpu.memory_space<vmem>>) offsets(%dma_start3A_1159 : memref<128xi32, #tpu.memory_space<vmem>>) semaphore(%arg11 : memref<!tpu.dma_semaphore, #tpu.memory_space<semaphore_mem>>)
        %dma_start3A_1163 = arith.constant 0 : i32
        %dma_start3A_1164 = arith.constant 4 : i32
        %dma_start3A_1165 = arith.constant 0 : i32
        %dma_start3A_1166 = arith.constant 4 : i32
        %dma_start3A_1167 = arith.constant 0 : i32
        %dma_start3A_1168 = arith.constant 0 : i32
        %dma_start3A_1169 = tpu.memref_slice %arg8[%dma_start3A_1165, %dma_start3A_1166, %dma_start3A_1167, %dma_start3A_1168] : memref<2x16x128x32xbf16, #tpu.memory_space<vmem>> -> memref<1x1x128x32xbf16, #tpu.memory_space<vmem>>
        %dma_start3A_1170 = tpu.memref_squeeze %dma_start3A_1169 : memref<1x1x128x32xbf16, #tpu.memory_space<vmem>> -> memref<128x32xbf16, #tpu.memory_space<vmem>>
        %dma_start3A_1171 = arith.constant 0 : i32
        %dma_start3A_1172 = tpu.memref_slice %arg6[%dma_start3A_1163, %dma_start3A_1164, %dma_start3A_1171] : memref<2x16x128xi32, #tpu.memory_space<vmem>> -> memref<1x1x128xi32, #tpu.memory_space<vmem>>
        %dma_start3A_1173 = tpu.memref_squeeze %dma_start3A_1172 : memref<1x1x128xi32, #tpu.memory_space<vmem>> -> memref<128xi32, #tpu.memory_space<vmem>>
        %dma_start3A_1174 = arith.constant 0 : i32
        %dma_start3A_1175 = arith.constant 0 : i32
        %dma_start3A_1176 = tpu.memref_slice %arg2[%dma_start3A_1174, %dma_start3A_1175] : memref<100000x32xbf16, #tpu.memory_space<hbm>> -> memref<100000x32xbf16, #tpu.memory_space<hbm>>
        tpu.enqueue_indirect_dma source(%dma_start3A_1176 : memref<100000x32xbf16, #tpu.memory_space<hbm>>) target(%dma_start3A_1170 : memref<128x32xbf16, #tpu.memory_space<vmem>>) offsets(%dma_start3A_1173 : memref<128xi32, #tpu.memory_space<vmem>>) semaphore(%arg11 : memref<!tpu.dma_semaphore, #tpu.memory_space<semaphore_mem>>)
        %dma_start3A_1177 = arith.constant 0 : i32
        %dma_start3A_1178 = arith.constant 5 : i32
        %dma_start3A_1179 = arith.constant 0 : i32
        %dma_start3A_1180 = arith.constant 5 : i32
        %dma_start3A_1181 = arith.constant 0 : i32
        %dma_start3A_1182 = arith.constant 0 : i32
        %dma_start3A_1183 = tpu.memref_slice %arg8[%dma_start3A_1179, %dma_start3A_1180, %dma_start3A_1181, %dma_start3A_1182] : memref<2x16x128x32xbf16, #tpu.memory_space<vmem>> -> memref<1x1x128x32xbf16, #tpu.memory_space<vmem>>
        %dma_start3A_1184 = tpu.memref_squeeze %dma_start3A_1183 : memref<1x1x128x32xbf16, #tpu.memory_space<vmem>> -> memref<128x32xbf16, #tpu.memory_space<vmem>>
        %dma_start3A_1185 = arith.constant 0 : i32
        %dma_start3A_1186 = tpu.memref_slice %arg6[%dma_start3A_1177, %dma_start3A_1178, %dma_start3A_1185] : memref<2x16x128xi32, #tpu.memory_space<vmem>> -> memref<1x1x128xi32, #tpu.memory_space<vmem>>
        %dma_start3A_1187 = tpu.memref_squeeze %dma_start3A_1186 : memref<1x1x128xi32, #tpu.memory_space<vmem>> -> memref<128xi32, #tpu.memory_space<vmem>>
        %dma_start3A_1188 = arith.constant 0 : i32
        %dma_start3A_1189 = arith.constant 0 : i32
        %dma_start3A_1190 = tpu.memref_slice %arg2[%dma_start3A_1188, %dma_start3A_1189] : memref<100000x32xbf16, #tpu.memory_space<hbm>> -> memref<100000x32xbf16, #tpu.memory_space<hbm>>
        tpu.enqueue_indirect_dma source(%dma_start3A_1190 : memref<100000x32xbf16, #tpu.memory_space<hbm>>) target(%dma_start3A_1184 : memref<128x32xbf16, #tpu.memory_space<vmem>>) offsets(%dma_start3A_1187 : memref<128xi32, #tpu.memory_space<vmem>>) semaphore(%arg11 : memref<!tpu.dma_semaphore, #tpu.memory_space<semaphore_mem>>)
        %dma_start3A_1191 = arith.constant 0 : i32
        %dma_start3A_1192 = arith.constant 6 : i32
        %dma_start3A_1193 = arith.constant 0 : i32
        %dma_start3A_1194 = arith.constant 6 : i32
        %dma_start3A_1195 = arith.constant 0 : i32
        %dma_start3A_1196 = arith.constant 0 : i32
        %dma_start3A_1197 = tpu.memref_slice %arg8[%dma_start3A_1193, %dma_start3A_1194, %dma_start3A_1195, %dma_start3A_1196] : memref<2x16x128x32xbf16, #tpu.memory_space<vmem>> -> memref<1x1x128x32xbf16, #tpu.memory_space<vmem>>
        %dma_start3A_1198 = tpu.memref_squeeze %dma_start3A_1197 : memref<1x1x128x32xbf16, #tpu.memory_space<vmem>> -> memref<128x32xbf16, #tpu.memory_space<vmem>>
        %dma_start3A_1199 = arith.constant 0 : i32
        %dma_start3A_1200 = tpu.memref_slice %arg6[%dma_start3A_1191, %dma_start3A_1192, %dma_start3A_1199] : memref<2x16x128xi32, #tpu.memory_space<vmem>> -> memref<1x1x128xi32, #tpu.memory_space<vmem>>
        %dma_start3A_1201 = tpu.memref_squeeze %dma_start3A_1200 : memref<1x1x128xi32, #tpu.memory_space<vmem>> -> memref<128xi32, #tpu.memory_space<vmem>>
        %dma_start3A_1202 = arith.constant 0 : i32
        %dma_start3A_1203 = arith.constant 0 : i32
        %dma_start3A_1204 = tpu.memref_slice %arg2[%dma_start3A_1202, %dma_start3A_1203] : memref<100000x32xbf16, #tpu.memory_space<hbm>> -> memref<100000x32xbf16, #tpu.memory_space<hbm>>
        tpu.enqueue_indirect_dma source(%dma_start3A_1204 : memref<100000x32xbf16, #tpu.memory_space<hbm>>) target(%dma_start3A_1198 : memref<128x32xbf16, #tpu.memory_space<vmem>>) offsets(%dma_start3A_1201 : memref<128xi32, #tpu.memory_space<vmem>>) semaphore(%arg11 : memref<!tpu.dma_semaphore, #tpu.memory_space<semaphore_mem>>)
        %dma_start3A_1205 = arith.constant 0 : i32
        %dma_start3A_1206 = arith.constant 7 : i32
        %dma_start3A_1207 = arith.constant 0 : i32
        %dma_start3A_1208 = arith.constant 7 : i32
        %dma_start3A_1209 = arith.constant 0 : i32
        %dma_start3A_1210 = arith.constant 0 : i32
        %dma_start3A_1211 = tpu.memref_slice %arg8[%dma_start3A_1207, %dma_start3A_1208, %dma_start3A_1209, %dma_start3A_1210] : memref<2x16x128x32xbf16, #tpu.memory_space<vmem>> -> memref<1x1x128x32xbf16, #tpu.memory_space<vmem>>
        %dma_start3A_1212 = tpu.memref_squeeze %dma_start3A_1211 : memref<1x1x128x32xbf16, #tpu.memory_space<vmem>> -> memref<128x32xbf16, #tpu.memory_space<vmem>>
        %dma_start3A_1213 = arith.constant 0 : i32
        %dma_start3A_1214 = tpu.memref_slice %arg6[%dma_start3A_1205, %dma_start3A_1206, %dma_start3A_1213] : memref<2x16x128xi32, #tpu.memory_space<vmem>> -> memref<1x1x128xi32, #tpu.memory_space<vmem>>
        %dma_start3A_1215 = tpu.memref_squeeze %dma_start3A_1214 : memref<1x1x128xi32, #tpu.memory_space<vmem>> -> memref<128xi32, #tpu.memory_space<vmem>>
        %dma_start3A_1216 = arith.constant 0 : i32
        %dma_start3A_1217 = arith.constant 0 : i32
        %dma_start3A_1218 = tpu.memref_slice %arg2[%dma_start3A_1216, %dma_start3A_1217] : memref<100000x32xbf16, #tpu.memory_space<hbm>> -> memref<100000x32xbf16, #tpu.memory_space<hbm>>
        tpu.enqueue_indirect_dma source(%dma_start3A_1218 : memref<100000x32xbf16, #tpu.memory_space<hbm>>) target(%dma_start3A_1212 : memref<128x32xbf16, #tpu.memory_space<vmem>>) offsets(%dma_start3A_1215 : memref<128xi32, #tpu.memory_space<vmem>>) semaphore(%arg11 : memref<!tpu.dma_semaphore, #tpu.memory_space<semaphore_mem>>)
        %dma_start3A_1219 = arith.constant 0 : i32
        %dma_start3A_1220 = arith.constant 8 : i32
        %dma_start3A_1221 = arith.constant 0 : i32
        %dma_start3A_1222 = arith.constant 8 : i32
        %dma_start3A_1223 = arith.constant 0 : i32
        %dma_start3A_1224 = arith.constant 0 : i32
        %dma_start3A_1225 = tpu.memref_slice %arg8[%dma_start3A_1221, %dma_start3A_1222, %dma_start3A_1223, %dma_start3A_1224] : memref<2x16x128x32xbf16, #tpu.memory_space<vmem>> -> memref<1x1x128x32xbf16, #tpu.memory_space<vmem>>
        %dma_start3A_1226 = tpu.memref_squeeze %dma_start3A_1225 : memref<1x1x128x32xbf16, #tpu.memory_space<vmem>> -> memref<128x32xbf16, #tpu.memory_space<vmem>>
        %dma_start3A_1227 = arith.constant 0 : i32
        %dma_start3A_1228 = tpu.memref_slice %arg6[%dma_start3A_1219, %dma_start3A_1220, %dma_start3A_1227] : memref<2x16x128xi32, #tpu.memory_space<vmem>> -> memref<1x1x128xi32, #tpu.memory_space<vmem>>
        %dma_start3A_1229 = tpu.memref_squeeze %dma_start3A_1228 : memref<1x1x128xi32, #tpu.memory_space<vmem>> -> memref<128xi32, #tpu.memory_space<vmem>>
        %dma_start3A_1230 = arith.constant 0 : i32
        %dma_start3A_1231 = arith.constant 0 : i32
        %dma_start3A_1232 = tpu.memref_slice %arg2[%dma_start3A_1230, %dma_start3A_1231] : memref<100000x32xbf16, #tpu.memory_space<hbm>> -> memref<100000x32xbf16, #tpu.memory_space<hbm>>
        tpu.enqueue_indirect_dma source(%dma_start3A_1232 : memref<100000x32xbf16, #tpu.memory_space<hbm>>) target(%dma_start3A_1226 : memref<128x32xbf16, #tpu.memory_space<vmem>>) offsets(%dma_start3A_1229 : memref<128xi32, #tpu.memory_space<vmem>>) semaphore(%arg11 : memref<!tpu.dma_semaphore, #tpu.memory_space<semaphore_mem>>)
        %dma_start3A_1233 = arith.constant 0 : i32
        %dma_start3A_1234 = arith.constant 9 : i32
        %dma_start3A_1235 = arith.constant 0 : i32
        %dma_start3A_1236 = arith.constant 9 : i32
        %dma_start3A_1237 = arith.constant 0 : i32
        %dma_start3A_1238 = arith.constant 0 : i32
        %dma_start3A_1239 = tpu.memref_slice %arg8[%dma_start3A_1235, %dma_start3A_1236, %dma_start3A_1237, %dma_start3A_1238] : memref<2x16x128x32xbf16, #tpu.memory_space<vmem>> -> memref<1x1x128x32xbf16, #tpu.memory_space<vmem>>
        %dma_start3A_1240 = tpu.memref_squeeze %dma_start3A_1239 : memref<1x1x128x32xbf16, #tpu.memory_space<vmem>> -> memref<128x32xbf16, #tpu.memory_space<vmem>>
        %dma_start3A_1241 = arith.constant 0 : i32
        %dma_start3A_1242 = tpu.memref_slice %arg6[%dma_start3A_1233, %dma_start3A_1234, %dma_start3A_1241] : memref<2x16x128xi32, #tpu.memory_space<vmem>> -> memref<1x1x128xi32, #tpu.memory_space<vmem>>
        %dma_start3A_1243 = tpu.memref_squeeze %dma_start3A_1242 : memref<1x1x128xi32, #tpu.memory_space<vmem>> -> memref<128xi32, #tpu.memory_space<vmem>>
        %dma_start3A_1244 = arith.constant 0 : i32
        %dma_start3A_1245 = arith.constant 0 : i32
        %dma_start3A_1246 = tpu.memref_slice %arg2[%dma_start3A_1244, %dma_start3A_1245] : memref<100000x32xbf16, #tpu.memory_space<hbm>> -> memref<100000x32xbf16, #tpu.memory_space<hbm>>
        tpu.enqueue_indirect_dma source(%dma_start3A_1246 : memref<100000x32xbf16, #tpu.memory_space<hbm>>) target(%dma_start3A_1240 : memref<128x32xbf16, #tpu.memory_space<vmem>>) offsets(%dma_start3A_1243 : memref<128xi32, #tpu.memory_space<vmem>>) semaphore(%arg11 : memref<!tpu.dma_semaphore, #tpu.memory_space<semaphore_mem>>)
        %dma_start3A_1247 = arith.constant 0 : i32
        %dma_start3A_1248 = arith.constant 10 : i32
        %dma_start3A_1249 = arith.constant 0 : i32
        %dma_start3A_1250 = arith.constant 10 : i32
        %dma_start3A_1251 = arith.constant 0 : i32
        %dma_start3A_1252 = arith.constant 0 : i32
        %dma_start3A_1253 = tpu.memref_slice %arg8[%dma_start3A_1249, %dma_start3A_1250, %dma_start3A_1251, %dma_start3A_1252] : memref<2x16x128x32xbf16, #tpu.memory_space<vmem>> -> memref<1x1x128x32xbf16, #tpu.memory_space<vmem>>
        %dma_start3A_1254 = tpu.memref_squeeze %dma_start3A_1253 : memref<1x1x128x32xbf16, #tpu.memory_space<vmem>> -> memref<128x32xbf16, #tpu.memory_space<vmem>>
        %dma_start3A_1255 = arith.constant 0 : i32
        %dma_start3A_1256 = tpu.memref_slice %arg6[%dma_start3A_1247, %dma_start3A_1248, %dma_start3A_1255] : memref<2x16x128xi32, #tpu.memory_space<vmem>> -> memref<1x1x128xi32, #tpu.memory_space<vmem>>
        %dma_start3A_1257 = tpu.memref_squeeze %dma_start3A_1256 : memref<1x1x128xi32, #tpu.memory_space<vmem>> -> memref<128xi32, #tpu.memory_space<vmem>>
        %dma_start3A_1258 = arith.constant 0 : i32
        %dma_start3A_1259 = arith.constant 0 : i32
        %dma_start3A_1260 = tpu.memref_slice %arg2[%dma_start3A_1258, %dma_start3A_1259] : memref<100000x32xbf16, #tpu.memory_space<hbm>> -> memref<100000x32xbf16, #tpu.memory_space<hbm>>
        tpu.enqueue_indirect_dma source(%dma_start3A_1260 : memref<100000x32xbf16, #tpu.memory_space<hbm>>) target(%dma_start3A_1254 : memref<128x32xbf16, #tpu.memory_space<vmem>>) offsets(%dma_start3A_1257 : memref<128xi32, #tpu.memory_space<vmem>>) semaphore(%arg11 : memref<!tpu.dma_semaphore, #tpu.memory_space<semaphore_mem>>)
        %dma_start3A_1261 = arith.constant 0 : i32
        %dma_start3A_1262 = arith.constant 11 : i32
        %dma_start3A_1263 = arith.constant 0 : i32
        %dma_start3A_1264 = arith.constant 11 : i32
        %dma_start3A_1265 = arith.constant 0 : i32
        %dma_start3A_1266 = arith.constant 0 : i32
        %dma_start3A_1267 = tpu.memref_slice %arg8[%dma_start3A_1263, %dma_start3A_1264, %dma_start3A_1265, %dma_start3A_1266] : memref<2x16x128x32xbf16, #tpu.memory_space<vmem>> -> memref<1x1x128x32xbf16, #tpu.memory_space<vmem>>
        %dma_start3A_1268 = tpu.memref_squeeze %dma_start3A_1267 : memref<1x1x128x32xbf16, #tpu.memory_space<vmem>> -> memref<128x32xbf16, #tpu.memory_space<vmem>>
        %dma_start3A_1269 = arith.constant 0 : i32
        %dma_start3A_1270 = tpu.memref_slice %arg6[%dma_start3A_1261, %dma_start3A_1262, %dma_start3A_1269] : memref<2x16x128xi32, #tpu.memory_space<vmem>> -> memref<1x1x128xi32, #tpu.memory_space<vmem>>
        %dma_start3A_1271 = tpu.memref_squeeze %dma_start3A_1270 : memref<1x1x128xi32, #tpu.memory_space<vmem>> -> memref<128xi32, #tpu.memory_space<vmem>>
        %dma_start3A_1272 = arith.constant 0 : i32
        %dma_start3A_1273 = arith.constant 0 : i32
        %dma_start3A_1274 = tpu.memref_slice %arg2[%dma_start3A_1272, %dma_start3A_1273] : memref<100000x32xbf16, #tpu.memory_space<hbm>> -> memref<100000x32xbf16, #tpu.memory_space<hbm>>
        tpu.enqueue_indirect_dma source(%dma_start3A_1274 : memref<100000x32xbf16, #tpu.memory_space<hbm>>) target(%dma_start3A_1268 : memref<128x32xbf16, #tpu.memory_space<vmem>>) offsets(%dma_start3A_1271 : memref<128xi32, #tpu.memory_space<vmem>>) semaphore(%arg11 : memref<!tpu.dma_semaphore, #tpu.memory_space<semaphore_mem>>)
        %dma_start3A_1275 = arith.constant 0 : i32
        %dma_start3A_1276 = arith.constant 12 : i32
        %dma_start3A_1277 = arith.constant 0 : i32
        %dma_start3A_1278 = arith.constant 12 : i32
        %dma_start3A_1279 = arith.constant 0 : i32
        %dma_start3A_1280 = arith.constant 0 : i32
        %dma_start3A_1281 = tpu.memref_slice %arg8[%dma_start3A_1277, %dma_start3A_1278, %dma_start3A_1279, %dma_start3A_1280] : memref<2x16x128x32xbf16, #tpu.memory_space<vmem>> -> memref<1x1x128x32xbf16, #tpu.memory_space<vmem>>
        %dma_start3A_1282 = tpu.memref_squeeze %dma_start3A_1281 : memref<1x1x128x32xbf16, #tpu.memory_space<vmem>> -> memref<128x32xbf16, #tpu.memory_space<vmem>>
        %dma_start3A_1283 = arith.constant 0 : i32
        %dma_start3A_1284 = tpu.memref_slice %arg6[%dma_start3A_1275, %dma_start3A_1276, %dma_start3A_1283] : memref<2x16x128xi32, #tpu.memory_space<vmem>> -> memref<1x1x128xi32, #tpu.memory_space<vmem>>
        %dma_start3A_1285 = tpu.memref_squeeze %dma_start3A_1284 : memref<1x1x128xi32, #tpu.memory_space<vmem>> -> memref<128xi32, #tpu.memory_space<vmem>>
        %dma_start3A_1286 = arith.constant 0 : i32
        %dma_start3A_1287 = arith.constant 0 : i32
        %dma_start3A_1288 = tpu.memref_slice %arg2[%dma_start3A_1286, %dma_start3A_1287] : memref<100000x32xbf16, #tpu.memory_space<hbm>> -> memref<100000x32xbf16, #tpu.memory_space<hbm>>
        tpu.enqueue_indirect_dma source(%dma_start3A_1288 : memref<100000x32xbf16, #tpu.memory_space<hbm>>) target(%dma_start3A_1282 : memref<128x32xbf16, #tpu.memory_space<vmem>>) offsets(%dma_start3A_1285 : memref<128xi32, #tpu.memory_space<vmem>>) semaphore(%arg11 : memref<!tpu.dma_semaphore, #tpu.memory_space<semaphore_mem>>)
        %dma_start3A_1289 = arith.constant 0 : i32
        %dma_start3A_1290 = arith.constant 13 : i32
        %dma_start3A_1291 = arith.constant 0 : i32
        %dma_start3A_1292 = arith.constant 13 : i32
        %dma_start3A_1293 = arith.constant 0 : i32
        %dma_start3A_1294 = arith.constant 0 : i32
        %dma_start3A_1295 = tpu.memref_slice %arg8[%dma_start3A_1291, %dma_start3A_1292, %dma_start3A_1293, %dma_start3A_1294] : memref<2x16x128x32xbf16, #tpu.memory_space<vmem>> -> memref<1x1x128x32xbf16, #tpu.memory_space<vmem>>
        %dma_start3A_1296 = tpu.memref_squeeze %dma_start3A_1295 : memref<1x1x128x32xbf16, #tpu.memory_space<vmem>> -> memref<128x32xbf16, #tpu.memory_space<vmem>>
        %dma_start3A_1297 = arith.constant 0 : i32
        %dma_start3A_1298 = tpu.memref_slice %arg6[%dma_start3A_1289, %dma_start3A_1290, %dma_start3A_1297] : memref<2x16x128xi32, #tpu.memory_space<vmem>> -> memref<1x1x128xi32, #tpu.memory_space<vmem>>
        %dma_start3A_1299 = tpu.memref_squeeze %dma_start3A_1298 : memref<1x1x128xi32, #tpu.memory_space<vmem>> -> memref<128xi32, #tpu.memory_space<vmem>>
        %dma_start3A_1300 = arith.constant 0 : i32
        %dma_start3A_1301 = arith.constant 0 : i32
        %dma_start3A_1302 = tpu.memref_slice %arg2[%dma_start3A_1300, %dma_start3A_1301] : memref<100000x32xbf16, #tpu.memory_space<hbm>> -> memref<100000x32xbf16, #tpu.memory_space<hbm>>
        tpu.enqueue_indirect_dma source(%dma_start3A_1302 : memref<100000x32xbf16, #tpu.memory_space<hbm>>) target(%dma_start3A_1296 : memref<128x32xbf16, #tpu.memory_space<vmem>>) offsets(%dma_start3A_1299 : memref<128xi32, #tpu.memory_space<vmem>>) semaphore(%arg11 : memref<!tpu.dma_semaphore, #tpu.memory_space<semaphore_mem>>)
        %dma_start3A_1303 = arith.constant 0 : i32
        %dma_start3A_1304 = arith.constant 14 : i32
        %dma_start3A_1305 = arith.constant 0 : i32
        %dma_start3A_1306 = arith.constant 14 : i32
        %dma_start3A_1307 = arith.constant 0 : i32
        %dma_start3A_1308 = arith.constant 0 : i32
        %dma_start3A_1309 = tpu.memref_slice %arg8[%dma_start3A_1305, %dma_start3A_1306, %dma_start3A_1307, %dma_start3A_1308] : memref<2x16x128x32xbf16, #tpu.memory_space<vmem>> -> memref<1x1x128x32xbf16, #tpu.memory_space<vmem>>
        %dma_start3A_1310 = tpu.memref_squeeze %dma_start3A_1309 : memref<1x1x128x32xbf16, #tpu.memory_space<vmem>> -> memref<128x32xbf16, #tpu.memory_space<vmem>>
        %dma_start3A_1311 = arith.constant 0 : i32
        %dma_start3A_1312 = tpu.memref_slice %arg6[%dma_start3A_1303, %dma_start3A_1304, %dma_start3A_1311] : memref<2x16x128xi32, #tpu.memory_space<vmem>> -> memref<1x1x128xi32, #tpu.memory_space<vmem>>
        %dma_start3A_1313 = tpu.memref_squeeze %dma_start3A_1312 : memref<1x1x128xi32, #tpu.memory_space<vmem>> -> memref<128xi32, #tpu.memory_space<vmem>>
        %dma_start3A_1314 = arith.constant 0 : i32
        %dma_start3A_1315 = arith.constant 0 : i32
        %dma_start3A_1316 = tpu.memref_slice %arg2[%dma_start3A_1314, %dma_start3A_1315] : memref<100000x32xbf16, #tpu.memory_space<hbm>> -> memref<100000x32xbf16, #tpu.memory_space<hbm>>
        tpu.enqueue_indirect_dma source(%dma_start3A_1316 : memref<100000x32xbf16, #tpu.memory_space<hbm>>) target(%dma_start3A_1310 : memref<128x32xbf16, #tpu.memory_space<vmem>>) offsets(%dma_start3A_1313 : memref<128xi32, #tpu.memory_space<vmem>>) semaphore(%arg11 : memref<!tpu.dma_semaphore, #tpu.memory_space<semaphore_mem>>)
        %dma_start3A_1317 = arith.constant 0 : i32
        %dma_start3A_1318 = arith.constant 15 : i32
        %dma_start3A_1319 = arith.constant 0 : i32
        %dma_start3A_1320 = arith.constant 15 : i32
        %dma_start3A_1321 = arith.constant 0 : i32
        %dma_start3A_1322 = arith.constant 0 : i32
        %dma_start3A_1323 = tpu.memref_slice %arg8[%dma_start3A_1319, %dma_start3A_1320, %dma_start3A_1321, %dma_start3A_1322] : memref<2x16x128x32xbf16, #tpu.memory_space<vmem>> -> memref<1x1x128x32xbf16, #tpu.memory_space<vmem>>
        %dma_start3A_1324 = tpu.memref_squeeze %dma_start3A_1323 : memref<1x1x128x32xbf16, #tpu.memory_space<vmem>> -> memref<128x32xbf16, #tpu.memory_space<vmem>>
        %dma_start3A_1325 = arith.constant 0 : i32
        %dma_start3A_1326 = tpu.memref_slice %arg6[%dma_start3A_1317, %dma_start3A_1318, %dma_start3A_1325] : memref<2x16x128xi32, #tpu.memory_space<vmem>> -> memref<1x1x128xi32, #tpu.memory_space<vmem>>
        %dma_start3A_1327 = tpu.memref_squeeze %dma_start3A_1326 : memref<1x1x128xi32, #tpu.memory_space<vmem>> -> memref<128xi32, #tpu.memory_space<vmem>>
        %dma_start3A_1328 = arith.constant 0 : i32
        %dma_start3A_1329 = arith.constant 0 : i32
        %dma_start3A_1330 = tpu.memref_slice %arg2[%dma_start3A_1328, %dma_start3A_1329] : memref<100000x32xbf16, #tpu.memory_space<hbm>> -> memref<100000x32xbf16, #tpu.memory_space<hbm>>
        tpu.enqueue_indirect_dma source(%dma_start3A_1330 : memref<100000x32xbf16, #tpu.memory_space<hbm>>) target(%dma_start3A_1324 : memref<128x32xbf16, #tpu.memory_space<vmem>>) offsets(%dma_start3A_1327 : memref<128xi32, #tpu.memory_space<vmem>>) semaphore(%arg11 : memref<!tpu.dma_semaphore, #tpu.memory_space<semaphore_mem>>)
      } else {
      }
      %mul3A_796 = arith.constant 2 : i32
      %mul3A_797 = arith.muli %mul3A_796, %scan3A_499 : i32
      %add3A_798 = arith.constant 1 : i32
      %add3A_799 = arith.addi %mul3A_797, %add3A_798 : i32
      %dma_wait3A_800 = arith.constant 1 : i32
      %dma_wait3A_801 = arith.constant 0 : i32
      %dma_wait3A_802 = arith.constant 1 : i32
      %dma_wait3A_803 = arith.constant 0 : i32
      %dma_wait3A_804 = arith.constant 0 : i32
      %dma_wait3A_805 = arith.constant 0 : i32
      %dma_wait3A_806 = tpu.memref_slice %arg8[%dma_wait3A_802, %dma_wait3A_803, %dma_wait3A_804, %dma_wait3A_805] : memref<2x16x128x32xbf16, #tpu.memory_space<vmem>> -> memref<1x1x128x32xbf16, #tpu.memory_space<vmem>>
      %dma_wait3A_807 = tpu.memref_squeeze %dma_wait3A_806 : memref<1x1x128x32xbf16, #tpu.memory_space<vmem>> -> memref<128x32xbf16, #tpu.memory_space<vmem>>
      %dma_wait3A_808 = arith.constant 0 : i32
      %dma_wait3A_809 = tpu.memref_slice %arg6[%dma_wait3A_800, %dma_wait3A_801, %dma_wait3A_808] : memref<2x16x128xi32, #tpu.memory_space<vmem>> -> memref<1x1x128xi32, #tpu.memory_space<vmem>>
      %dma_wait3A_810 = tpu.memref_squeeze %dma_wait3A_809 : memref<1x1x128xi32, #tpu.memory_space<vmem>> -> memref<128xi32, #tpu.memory_space<vmem>>
      %dma_wait3A_811 = arith.constant 0 : i32
      %dma_wait3A_812 = arith.constant 0 : i32
      %dma_wait3A_813 = tpu.memref_slice %arg2[%dma_wait3A_811, %dma_wait3A_812] : memref<100000x32xbf16, #tpu.memory_space<hbm>> -> memref<100000x32xbf16, #tpu.memory_space<hbm>>
      tpu.wait_indirect_dma semaphore(%arg12 : memref<!tpu.dma_semaphore, #tpu.memory_space<semaphore_mem>>) src(%dma_wait3A_813 : memref<100000x32xbf16, #tpu.memory_space<hbm>>) dst(%dma_wait3A_807 : memref<128x32xbf16, #tpu.memory_space<vmem>>)
      %dma_wait3A_814 = arith.constant 1 : i32
      %dma_wait3A_815 = arith.constant 1 : i32
      %dma_wait3A_816 = arith.constant 1 : i32
      %dma_wait3A_817 = arith.constant 1 : i32
      %dma_wait3A_818 = arith.constant 0 : i32
      %dma_wait3A_819 = arith.constant 0 : i32
      %dma_wait3A_820 = tpu.memref_slice %arg8[%dma_wait3A_816, %dma_wait3A_817, %dma_wait3A_818, %dma_wait3A_819] : memref<2x16x128x32xbf16, #tpu.memory_space<vmem>> -> memref<1x1x128x32xbf16, #tpu.memory_space<vmem>>
      %dma_wait3A_821 = tpu.memref_squeeze %dma_wait3A_820 : memref<1x1x128x32xbf16, #tpu.memory_space<vmem>> -> memref<128x32xbf16, #tpu.memory_space<vmem>>
      %dma_wait3A_822 = arith.constant 0 : i32
      %dma_wait3A_823 = tpu.memref_slice %arg6[%dma_wait3A_814, %dma_wait3A_815, %dma_wait3A_822] : memref<2x16x128xi32, #tpu.memory_space<vmem>> -> memref<1x1x128xi32, #tpu.memory_space<vmem>>
      %dma_wait3A_824 = tpu.memref_squeeze %dma_wait3A_823 : memref<1x1x128xi32, #tpu.memory_space<vmem>> -> memref<128xi32, #tpu.memory_space<vmem>>
      %dma_wait3A_825 = arith.constant 0 : i32
      %dma_wait3A_826 = arith.constant 0 : i32
      %dma_wait3A_827 = tpu.memref_slice %arg2[%dma_wait3A_825, %dma_wait3A_826] : memref<100000x32xbf16, #tpu.memory_space<hbm>> -> memref<100000x32xbf16, #tpu.memory_space<hbm>>
      tpu.wait_indirect_dma semaphore(%arg12 : memref<!tpu.dma_semaphore, #tpu.memory_space<semaphore_mem>>) src(%dma_wait3A_827 : memref<100000x32xbf16, #tpu.memory_space<hbm>>) dst(%dma_wait3A_821 : memref<128x32xbf16, #tpu.memory_space<vmem>>)
      %dma_wait3A_828 = arith.constant 1 : i32
      %dma_wait3A_829 = arith.constant 2 : i32
      %dma_wait3A_830 = arith.constant 1 : i32
      %dma_wait3A_831 = arith.constant 2 : i32
      %dma_wait3A_832 = arith.constant 0 : i32
      %dma_wait3A_833 = arith.constant 0 : i32
      %dma_wait3A_834 = tpu.memref_slice %arg8[%dma_wait3A_830, %dma_wait3A_831, %dma_wait3A_832, %dma_wait3A_833] : memref<2x16x128x32xbf16, #tpu.memory_space<vmem>> -> memref<1x1x128x32xbf16, #tpu.memory_space<vmem>>
      %dma_wait3A_835 = tpu.memref_squeeze %dma_wait3A_834 : memref<1x1x128x32xbf16, #tpu.memory_space<vmem>> -> memref<128x32xbf16, #tpu.memory_space<vmem>>
      %dma_wait3A_836 = arith.constant 0 : i32
      %dma_wait3A_837 = tpu.memref_slice %arg6[%dma_wait3A_828, %dma_wait3A_829, %dma_wait3A_836] : memref<2x16x128xi32, #tpu.memory_space<vmem>> -> memref<1x1x128xi32, #tpu.memory_space<vmem>>
      %dma_wait3A_838 = tpu.memref_squeeze %dma_wait3A_837 : memref<1x1x128xi32, #tpu.memory_space<vmem>> -> memref<128xi32, #tpu.memory_space<vmem>>
      %dma_wait3A_839 = arith.constant 0 : i32
      %dma_wait3A_840 = arith.constant 0 : i32
      %dma_wait3A_841 = tpu.memref_slice %arg2[%dma_wait3A_839, %dma_wait3A_840] : memref<100000x32xbf16, #tpu.memory_space<hbm>> -> memref<100000x32xbf16, #tpu.memory_space<hbm>>
      tpu.wait_indirect_dma semaphore(%arg12 : memref<!tpu.dma_semaphore, #tpu.memory_space<semaphore_mem>>) src(%dma_wait3A_841 : memref<100000x32xbf16, #tpu.memory_space<hbm>>) dst(%dma_wait3A_835 : memref<128x32xbf16, #tpu.memory_space<vmem>>)
      %dma_wait3A_842 = arith.constant 1 : i32
      %dma_wait3A_843 = arith.constant 3 : i32
      %dma_wait3A_844 = arith.constant 1 : i32
      %dma_wait3A_845 = arith.constant 3 : i32
      %dma_wait3A_846 = arith.constant 0 : i32
      %dma_wait3A_847 = arith.constant 0 : i32
      %dma_wait3A_848 = tpu.memref_slice %arg8[%dma_wait3A_844, %dma_wait3A_845, %dma_wait3A_846, %dma_wait3A_847] : memref<2x16x128x32xbf16, #tpu.memory_space<vmem>> -> memref<1x1x128x32xbf16, #tpu.memory_space<vmem>>
      %dma_wait3A_849 = tpu.memref_squeeze %dma_wait3A_848 : memref<1x1x128x32xbf16, #tpu.memory_space<vmem>> -> memref<128x32xbf16, #tpu.memory_space<vmem>>
      %dma_wait3A_850 = arith.constant 0 : i32
      %dma_wait3A_851 = tpu.memref_slice %arg6[%dma_wait3A_842, %dma_wait3A_843, %dma_wait3A_850] : memref<2x16x128xi32, #tpu.memory_space<vmem>> -> memref<1x1x128xi32, #tpu.memory_space<vmem>>
      %dma_wait3A_852 = tpu.memref_squeeze %dma_wait3A_851 : memref<1x1x128xi32, #tpu.memory_space<vmem>> -> memref<128xi32, #tpu.memory_space<vmem>>
      %dma_wait3A_853 = arith.constant 0 : i32
      %dma_wait3A_854 = arith.constant 0 : i32
      %dma_wait3A_855 = tpu.memref_slice %arg2[%dma_wait3A_853, %dma_wait3A_854] : memref<100000x32xbf16, #tpu.memory_space<hbm>> -> memref<100000x32xbf16, #tpu.memory_space<hbm>>
      tpu.wait_indirect_dma semaphore(%arg12 : memref<!tpu.dma_semaphore, #tpu.memory_space<semaphore_mem>>) src(%dma_wait3A_855 : memref<100000x32xbf16, #tpu.memory_space<hbm>>) dst(%dma_wait3A_849 : memref<128x32xbf16, #tpu.memory_space<vmem>>)
      %dma_wait3A_856 = arith.constant 1 : i32
      %dma_wait3A_857 = arith.constant 4 : i32
      %dma_wait3A_858 = arith.constant 1 : i32
      %dma_wait3A_859 = arith.constant 4 : i32
      %dma_wait3A_860 = arith.constant 0 : i32
      %dma_wait3A_861 = arith.constant 0 : i32
      %dma_wait3A_862 = tpu.memref_slice %arg8[%dma_wait3A_858, %dma_wait3A_859, %dma_wait3A_860, %dma_wait3A_861] : memref<2x16x128x32xbf16, #tpu.memory_space<vmem>> -> memref<1x1x128x32xbf16, #tpu.memory_space<vmem>>
      %dma_wait3A_863 = tpu.memref_squeeze %dma_wait3A_862 : memref<1x1x128x32xbf16, #tpu.memory_space<vmem>> -> memref<128x32xbf16, #tpu.memory_space<vmem>>
      %dma_wait3A_864 = arith.constant 0 : i32
      %dma_wait3A_865 = tpu.memref_slice %arg6[%dma_wait3A_856, %dma_wait3A_857, %dma_wait3A_864] : memref<2x16x128xi32, #tpu.memory_space<vmem>> -> memref<1x1x128xi32, #tpu.memory_space<vmem>>
      %dma_wait3A_866 = tpu.memref_squeeze %dma_wait3A_865 : memref<1x1x128xi32, #tpu.memory_space<vmem>> -> memref<128xi32, #tpu.memory_space<vmem>>
      %dma_wait3A_867 = arith.constant 0 : i32
      %dma_wait3A_868 = arith.constant 0 : i32
      %dma_wait3A_869 = tpu.memref_slice %arg2[%dma_wait3A_867, %dma_wait3A_868] : memref<100000x32xbf16, #tpu.memory_space<hbm>> -> memref<100000x32xbf16, #tpu.memory_space<hbm>>
      tpu.wait_indirect_dma semaphore(%arg12 : memref<!tpu.dma_semaphore, #tpu.memory_space<semaphore_mem>>) src(%dma_wait3A_869 : memref<100000x32xbf16, #tpu.memory_space<hbm>>) dst(%dma_wait3A_863 : memref<128x32xbf16, #tpu.memory_space<vmem>>)
      %dma_wait3A_870 = arith.constant 1 : i32
      %dma_wait3A_871 = arith.constant 5 : i32
      %dma_wait3A_872 = arith.constant 1 : i32
      %dma_wait3A_873 = arith.constant 5 : i32
      %dma_wait3A_874 = arith.constant 0 : i32
      %dma_wait3A_875 = arith.constant 0 : i32
      %dma_wait3A_876 = tpu.memref_slice %arg8[%dma_wait3A_872, %dma_wait3A_873, %dma_wait3A_874, %dma_wait3A_875] : memref<2x16x128x32xbf16, #tpu.memory_space<vmem>> -> memref<1x1x128x32xbf16, #tpu.memory_space<vmem>>
      %dma_wait3A_877 = tpu.memref_squeeze %dma_wait3A_876 : memref<1x1x128x32xbf16, #tpu.memory_space<vmem>> -> memref<128x32xbf16, #tpu.memory_space<vmem>>
      %dma_wait3A_878 = arith.constant 0 : i32
      %dma_wait3A_879 = tpu.memref_slice %arg6[%dma_wait3A_870, %dma_wait3A_871, %dma_wait3A_878] : memref<2x16x128xi32, #tpu.memory_space<vmem>> -> memref<1x1x128xi32, #tpu.memory_space<vmem>>
      %dma_wait3A_880 = tpu.memref_squeeze %dma_wait3A_879 : memref<1x1x128xi32, #tpu.memory_space<vmem>> -> memref<128xi32, #tpu.memory_space<vmem>>
      %dma_wait3A_881 = arith.constant 0 : i32
      %dma_wait3A_882 = arith.constant 0 : i32
      %dma_wait3A_883 = tpu.memref_slice %arg2[%dma_wait3A_881, %dma_wait3A_882] : memref<100000x32xbf16, #tpu.memory_space<hbm>> -> memref<100000x32xbf16, #tpu.memory_space<hbm>>
      tpu.wait_indirect_dma semaphore(%arg12 : memref<!tpu.dma_semaphore, #tpu.memory_space<semaphore_mem>>) src(%dma_wait3A_883 : memref<100000x32xbf16, #tpu.memory_space<hbm>>) dst(%dma_wait3A_877 : memref<128x32xbf16, #tpu.memory_space<vmem>>)
      %dma_wait3A_884 = arith.constant 1 : i32
      %dma_wait3A_885 = arith.constant 6 : i32
      %dma_wait3A_886 = arith.constant 1 : i32
      %dma_wait3A_887 = arith.constant 6 : i32
      %dma_wait3A_888 = arith.constant 0 : i32
      %dma_wait3A_889 = arith.constant 0 : i32
      %dma_wait3A_890 = tpu.memref_slice %arg8[%dma_wait3A_886, %dma_wait3A_887, %dma_wait3A_888, %dma_wait3A_889] : memref<2x16x128x32xbf16, #tpu.memory_space<vmem>> -> memref<1x1x128x32xbf16, #tpu.memory_space<vmem>>
      %dma_wait3A_891 = tpu.memref_squeeze %dma_wait3A_890 : memref<1x1x128x32xbf16, #tpu.memory_space<vmem>> -> memref<128x32xbf16, #tpu.memory_space<vmem>>
      %dma_wait3A_892 = arith.constant 0 : i32
      %dma_wait3A_893 = tpu.memref_slice %arg6[%dma_wait3A_884, %dma_wait3A_885, %dma_wait3A_892] : memref<2x16x128xi32, #tpu.memory_space<vmem>> -> memref<1x1x128xi32, #tpu.memory_space<vmem>>
      %dma_wait3A_894 = tpu.memref_squeeze %dma_wait3A_893 : memref<1x1x128xi32, #tpu.memory_space<vmem>> -> memref<128xi32, #tpu.memory_space<vmem>>
      %dma_wait3A_895 = arith.constant 0 : i32
      %dma_wait3A_896 = arith.constant 0 : i32
      %dma_wait3A_897 = tpu.memref_slice %arg2[%dma_wait3A_895, %dma_wait3A_896] : memref<100000x32xbf16, #tpu.memory_space<hbm>> -> memref<100000x32xbf16, #tpu.memory_space<hbm>>
      tpu.wait_indirect_dma semaphore(%arg12 : memref<!tpu.dma_semaphore, #tpu.memory_space<semaphore_mem>>) src(%dma_wait3A_897 : memref<100000x32xbf16, #tpu.memory_space<hbm>>) dst(%dma_wait3A_891 : memref<128x32xbf16, #tpu.memory_space<vmem>>)
      %dma_wait3A_898 = arith.constant 1 : i32
      %dma_wait3A_899 = arith.constant 7 : i32
      %dma_wait3A_900 = arith.constant 1 : i32
      %dma_wait3A_901 = arith.constant 7 : i32
      %dma_wait3A_902 = arith.constant 0 : i32
      %dma_wait3A_903 = arith.constant 0 : i32
      %dma_wait3A_904 = tpu.memref_slice %arg8[%dma_wait3A_900, %dma_wait3A_901, %dma_wait3A_902, %dma_wait3A_903] : memref<2x16x128x32xbf16, #tpu.memory_space<vmem>> -> memref<1x1x128x32xbf16, #tpu.memory_space<vmem>>
      %dma_wait3A_905 = tpu.memref_squeeze %dma_wait3A_904 : memref<1x1x128x32xbf16, #tpu.memory_space<vmem>> -> memref<128x32xbf16, #tpu.memory_space<vmem>>
      %dma_wait3A_906 = arith.constant 0 : i32
      %dma_wait3A_907 = tpu.memref_slice %arg6[%dma_wait3A_898, %dma_wait3A_899, %dma_wait3A_906] : memref<2x16x128xi32, #tpu.memory_space<vmem>> -> memref<1x1x128xi32, #tpu.memory_space<vmem>>
      %dma_wait3A_908 = tpu.memref_squeeze %dma_wait3A_907 : memref<1x1x128xi32, #tpu.memory_space<vmem>> -> memref<128xi32, #tpu.memory_space<vmem>>
      %dma_wait3A_909 = arith.constant 0 : i32
      %dma_wait3A_910 = arith.constant 0 : i32
      %dma_wait3A_911 = tpu.memref_slice %arg2[%dma_wait3A_909, %dma_wait3A_910] : memref<100000x32xbf16, #tpu.memory_space<hbm>> -> memref<100000x32xbf16, #tpu.memory_space<hbm>>
      tpu.wait_indirect_dma semaphore(%arg12 : memref<!tpu.dma_semaphore, #tpu.memory_space<semaphore_mem>>) src(%dma_wait3A_911 : memref<100000x32xbf16, #tpu.memory_space<hbm>>) dst(%dma_wait3A_905 : memref<128x32xbf16, #tpu.memory_space<vmem>>)
      %dma_wait3A_912 = arith.constant 1 : i32
      %dma_wait3A_913 = arith.constant 8 : i32
      %dma_wait3A_914 = arith.constant 1 : i32
      %dma_wait3A_915 = arith.constant 8 : i32
      %dma_wait3A_916 = arith.constant 0 : i32
      %dma_wait3A_917 = arith.constant 0 : i32
      %dma_wait3A_918 = tpu.memref_slice %arg8[%dma_wait3A_914, %dma_wait3A_915, %dma_wait3A_916, %dma_wait3A_917] : memref<2x16x128x32xbf16, #tpu.memory_space<vmem>> -> memref<1x1x128x32xbf16, #tpu.memory_space<vmem>>
      %dma_wait3A_919 = tpu.memref_squeeze %dma_wait3A_918 : memref<1x1x128x32xbf16, #tpu.memory_space<vmem>> -> memref<128x32xbf16, #tpu.memory_space<vmem>>
      %dma_wait3A_920 = arith.constant 0 : i32
      %dma_wait3A_921 = tpu.memref_slice %arg6[%dma_wait3A_912, %dma_wait3A_913, %dma_wait3A_920] : memref<2x16x128xi32, #tpu.memory_space<vmem>> -> memref<1x1x128xi32, #tpu.memory_space<vmem>>
      %dma_wait3A_922 = tpu.memref_squeeze %dma_wait3A_921 : memref<1x1x128xi32, #tpu.memory_space<vmem>> -> memref<128xi32, #tpu.memory_space<vmem>>
      %dma_wait3A_923 = arith.constant 0 : i32
      %dma_wait3A_924 = arith.constant 0 : i32
      %dma_wait3A_925 = tpu.memref_slice %arg2[%dma_wait3A_923, %dma_wait3A_924] : memref<100000x32xbf16, #tpu.memory_space<hbm>> -> memref<100000x32xbf16, #tpu.memory_space<hbm>>
      tpu.wait_indirect_dma semaphore(%arg12 : memref<!tpu.dma_semaphore, #tpu.memory_space<semaphore_mem>>) src(%dma_wait3A_925 : memref<100000x32xbf16, #tpu.memory_space<hbm>>) dst(%dma_wait3A_919 : memref<128x32xbf16, #tpu.memory_space<vmem>>)
      %dma_wait3A_926 = arith.constant 1 : i32
      %dma_wait3A_927 = arith.constant 9 : i32
      %dma_wait3A_928 = arith.constant 1 : i32
      %dma_wait3A_929 = arith.constant 9 : i32
      %dma_wait3A_930 = arith.constant 0 : i32
      %dma_wait3A_931 = arith.constant 0 : i32
      %dma_wait3A_932 = tpu.memref_slice %arg8[%dma_wait3A_928, %dma_wait3A_929, %dma_wait3A_930, %dma_wait3A_931] : memref<2x16x128x32xbf16, #tpu.memory_space<vmem>> -> memref<1x1x128x32xbf16, #tpu.memory_space<vmem>>
      %dma_wait3A_933 = tpu.memref_squeeze %dma_wait3A_932 : memref<1x1x128x32xbf16, #tpu.memory_space<vmem>> -> memref<128x32xbf16, #tpu.memory_space<vmem>>
      %dma_wait3A_934 = arith.constant 0 : i32
      %dma_wait3A_935 = tpu.memref_slice %arg6[%dma_wait3A_926, %dma_wait3A_927, %dma_wait3A_934] : memref<2x16x128xi32, #tpu.memory_space<vmem>> -> memref<1x1x128xi32, #tpu.memory_space<vmem>>
      %dma_wait3A_936 = tpu.memref_squeeze %dma_wait3A_935 : memref<1x1x128xi32, #tpu.memory_space<vmem>> -> memref<128xi32, #tpu.memory_space<vmem>>
      %dma_wait3A_937 = arith.constant 0 : i32
      %dma_wait3A_938 = arith.constant 0 : i32
      %dma_wait3A_939 = tpu.memref_slice %arg2[%dma_wait3A_937, %dma_wait3A_938] : memref<100000x32xbf16, #tpu.memory_space<hbm>> -> memref<100000x32xbf16, #tpu.memory_space<hbm>>
      tpu.wait_indirect_dma semaphore(%arg12 : memref<!tpu.dma_semaphore, #tpu.memory_space<semaphore_mem>>) src(%dma_wait3A_939 : memref<100000x32xbf16, #tpu.memory_space<hbm>>) dst(%dma_wait3A_933 : memref<128x32xbf16, #tpu.memory_space<vmem>>)
      %dma_wait3A_940 = arith.constant 1 : i32
      %dma_wait3A_941 = arith.constant 10 : i32
      %dma_wait3A_942 = arith.constant 1 : i32
      %dma_wait3A_943 = arith.constant 10 : i32
      %dma_wait3A_944 = arith.constant 0 : i32
      %dma_wait3A_945 = arith.constant 0 : i32
      %dma_wait3A_946 = tpu.memref_slice %arg8[%dma_wait3A_942, %dma_wait3A_943, %dma_wait3A_944, %dma_wait3A_945] : memref<2x16x128x32xbf16, #tpu.memory_space<vmem>> -> memref<1x1x128x32xbf16, #tpu.memory_space<vmem>>
      %dma_wait3A_947 = tpu.memref_squeeze %dma_wait3A_946 : memref<1x1x128x32xbf16, #tpu.memory_space<vmem>> -> memref<128x32xbf16, #tpu.memory_space<vmem>>
      %dma_wait3A_948 = arith.constant 0 : i32
      %dma_wait3A_949 = tpu.memref_slice %arg6[%dma_wait3A_940, %dma_wait3A_941, %dma_wait3A_948] : memref<2x16x128xi32, #tpu.memory_space<vmem>> -> memref<1x1x128xi32, #tpu.memory_space<vmem>>
      %dma_wait3A_950 = tpu.memref_squeeze %dma_wait3A_949 : memref<1x1x128xi32, #tpu.memory_space<vmem>> -> memref<128xi32, #tpu.memory_space<vmem>>
      %dma_wait3A_951 = arith.constant 0 : i32
      %dma_wait3A_952 = arith.constant 0 : i32
      %dma_wait3A_953 = tpu.memref_slice %arg2[%dma_wait3A_951, %dma_wait3A_952] : memref<100000x32xbf16, #tpu.memory_space<hbm>> -> memref<100000x32xbf16, #tpu.memory_space<hbm>>
      tpu.wait_indirect_dma semaphore(%arg12 : memref<!tpu.dma_semaphore, #tpu.memory_space<semaphore_mem>>) src(%dma_wait3A_953 : memref<100000x32xbf16, #tpu.memory_space<hbm>>) dst(%dma_wait3A_947 : memref<128x32xbf16, #tpu.memory_space<vmem>>)
      %dma_wait3A_954 = arith.constant 1 : i32
      %dma_wait3A_955 = arith.constant 11 : i32
      %dma_wait3A_956 = arith.constant 1 : i32
      %dma_wait3A_957 = arith.constant 11 : i32
      %dma_wait3A_958 = arith.constant 0 : i32
      %dma_wait3A_959 = arith.constant 0 : i32
      %dma_wait3A_960 = tpu.memref_slice %arg8[%dma_wait3A_956, %dma_wait3A_957, %dma_wait3A_958, %dma_wait3A_959] : memref<2x16x128x32xbf16, #tpu.memory_space<vmem>> -> memref<1x1x128x32xbf16, #tpu.memory_space<vmem>>
      %dma_wait3A_961 = tpu.memref_squeeze %dma_wait3A_960 : memref<1x1x128x32xbf16, #tpu.memory_space<vmem>> -> memref<128x32xbf16, #tpu.memory_space<vmem>>
      %dma_wait3A_962 = arith.constant 0 : i32
      %dma_wait3A_963 = tpu.memref_slice %arg6[%dma_wait3A_954, %dma_wait3A_955, %dma_wait3A_962] : memref<2x16x128xi32, #tpu.memory_space<vmem>> -> memref<1x1x128xi32, #tpu.memory_space<vmem>>
      %dma_wait3A_964 = tpu.memref_squeeze %dma_wait3A_963 : memref<1x1x128xi32, #tpu.memory_space<vmem>> -> memref<128xi32, #tpu.memory_space<vmem>>
      %dma_wait3A_965 = arith.constant 0 : i32
      %dma_wait3A_966 = arith.constant 0 : i32
      %dma_wait3A_967 = tpu.memref_slice %arg2[%dma_wait3A_965, %dma_wait3A_966] : memref<100000x32xbf16, #tpu.memory_space<hbm>> -> memref<100000x32xbf16, #tpu.memory_space<hbm>>
      tpu.wait_indirect_dma semaphore(%arg12 : memref<!tpu.dma_semaphore, #tpu.memory_space<semaphore_mem>>) src(%dma_wait3A_967 : memref<100000x32xbf16, #tpu.memory_space<hbm>>) dst(%dma_wait3A_961 : memref<128x32xbf16, #tpu.memory_space<vmem>>)
      %dma_wait3A_968 = arith.constant 1 : i32
      %dma_wait3A_969 = arith.constant 12 : i32
      %dma_wait3A_970 = arith.constant 1 : i32
      %dma_wait3A_971 = arith.constant 12 : i32
      %dma_wait3A_972 = arith.constant 0 : i32
      %dma_wait3A_973 = arith.constant 0 : i32
      %dma_wait3A_974 = tpu.memref_slice %arg8[%dma_wait3A_970, %dma_wait3A_971, %dma_wait3A_972, %dma_wait3A_973] : memref<2x16x128x32xbf16, #tpu.memory_space<vmem>> -> memref<1x1x128x32xbf16, #tpu.memory_space<vmem>>
      %dma_wait3A_975 = tpu.memref_squeeze %dma_wait3A_974 : memref<1x1x128x32xbf16, #tpu.memory_space<vmem>> -> memref<128x32xbf16, #tpu.memory_space<vmem>>
      %dma_wait3A_976 = arith.constant 0 : i32
      %dma_wait3A_977 = tpu.memref_slice %arg6[%dma_wait3A_968, %dma_wait3A_969, %dma_wait3A_976] : memref<2x16x128xi32, #tpu.memory_space<vmem>> -> memref<1x1x128xi32, #tpu.memory_space<vmem>>
      %dma_wait3A_978 = tpu.memref_squeeze %dma_wait3A_977 : memref<1x1x128xi32, #tpu.memory_space<vmem>> -> memref<128xi32, #tpu.memory_space<vmem>>
      %dma_wait3A_979 = arith.constant 0 : i32
      %dma_wait3A_980 = arith.constant 0 : i32
      %dma_wait3A_981 = tpu.memref_slice %arg2[%dma_wait3A_979, %dma_wait3A_980] : memref<100000x32xbf16, #tpu.memory_space<hbm>> -> memref<100000x32xbf16, #tpu.memory_space<hbm>>
      tpu.wait_indirect_dma semaphore(%arg12 : memref<!tpu.dma_semaphore, #tpu.memory_space<semaphore_mem>>) src(%dma_wait3A_981 : memref<100000x32xbf16, #tpu.memory_space<hbm>>) dst(%dma_wait3A_975 : memref<128x32xbf16, #tpu.memory_space<vmem>>)
      %dma_wait3A_982 = arith.constant 1 : i32
      %dma_wait3A_983 = arith.constant 13 : i32
      %dma_wait3A_984 = arith.constant 1 : i32
      %dma_wait3A_985 = arith.constant 13 : i32
      %dma_wait3A_986 = arith.constant 0 : i32
      %dma_wait3A_987 = arith.constant 0 : i32
      %dma_wait3A_988 = tpu.memref_slice %arg8[%dma_wait3A_984, %dma_wait3A_985, %dma_wait3A_986, %dma_wait3A_987] : memref<2x16x128x32xbf16, #tpu.memory_space<vmem>> -> memref<1x1x128x32xbf16, #tpu.memory_space<vmem>>
      %dma_wait3A_989 = tpu.memref_squeeze %dma_wait3A_988 : memref<1x1x128x32xbf16, #tpu.memory_space<vmem>> -> memref<128x32xbf16, #tpu.memory_space<vmem>>
      %dma_wait3A_990 = arith.constant 0 : i32
      %dma_wait3A_991 = tpu.memref_slice %arg6[%dma_wait3A_982, %dma_wait3A_983, %dma_wait3A_990] : memref<2x16x128xi32, #tpu.memory_space<vmem>> -> memref<1x1x128xi32, #tpu.memory_space<vmem>>
      %dma_wait3A_992 = tpu.memref_squeeze %dma_wait3A_991 : memref<1x1x128xi32, #tpu.memory_space<vmem>> -> memref<128xi32, #tpu.memory_space<vmem>>
      %dma_wait3A_993 = arith.constant 0 : i32
      %dma_wait3A_994 = arith.constant 0 : i32
      %dma_wait3A_995 = tpu.memref_slice %arg2[%dma_wait3A_993, %dma_wait3A_994] : memref<100000x32xbf16, #tpu.memory_space<hbm>> -> memref<100000x32xbf16, #tpu.memory_space<hbm>>
      tpu.wait_indirect_dma semaphore(%arg12 : memref<!tpu.dma_semaphore, #tpu.memory_space<semaphore_mem>>) src(%dma_wait3A_995 : memref<100000x32xbf16, #tpu.memory_space<hbm>>) dst(%dma_wait3A_989 : memref<128x32xbf16, #tpu.memory_space<vmem>>)
      %dma_wait3A_996 = arith.constant 1 : i32
      %dma_wait3A_997 = arith.constant 14 : i32
      %dma_wait3A_998 = arith.constant 1 : i32
      %dma_wait3A_999 = arith.constant 14 : i32
      %dma_wait3A_1000 = arith.constant 0 : i32
      %dma_wait3A_1001 = arith.constant 0 : i32
      %dma_wait3A_1002 = tpu.memref_slice %arg8[%dma_wait3A_998, %dma_wait3A_999, %dma_wait3A_1000, %dma_wait3A_1001] : memref<2x16x128x32xbf16, #tpu.memory_space<vmem>> -> memref<1x1x128x32xbf16, #tpu.memory_space<vmem>>
      %dma_wait3A_1003 = tpu.memref_squeeze %dma_wait3A_1002 : memref<1x1x128x32xbf16, #tpu.memory_space<vmem>> -> memref<128x32xbf16, #tpu.memory_space<vmem>>
      %dma_wait3A_1004 = arith.constant 0 : i32
      %dma_wait3A_1005 = tpu.memref_slice %arg6[%dma_wait3A_996, %dma_wait3A_997, %dma_wait3A_1004] : memref<2x16x128xi32, #tpu.memory_space<vmem>> -> memref<1x1x128xi32, #tpu.memory_space<vmem>>
      %dma_wait3A_1006 = tpu.memref_squeeze %dma_wait3A_1005 : memref<1x1x128xi32, #tpu.memory_space<vmem>> -> memref<128xi32, #tpu.memory_space<vmem>>
      %dma_wait3A_1007 = arith.constant 0 : i32
      %dma_wait3A_1008 = arith.constant 0 : i32
      %dma_wait3A_1009 = tpu.memref_slice %arg2[%dma_wait3A_1007, %dma_wait3A_1008] : memref<100000x32xbf16, #tpu.memory_space<hbm>> -> memref<100000x32xbf16, #tpu.memory_space<hbm>>
      tpu.wait_indirect_dma semaphore(%arg12 : memref<!tpu.dma_semaphore, #tpu.memory_space<semaphore_mem>>) src(%dma_wait3A_1009 : memref<100000x32xbf16, #tpu.memory_space<hbm>>) dst(%dma_wait3A_1003 : memref<128x32xbf16, #tpu.memory_space<vmem>>)
      %dma_wait3A_1010 = arith.constant 1 : i32
      %dma_wait3A_1011 = arith.constant 15 : i32
      %dma_wait3A_1012 = arith.constant 1 : i32
      %dma_wait3A_1013 = arith.constant 15 : i32
      %dma_wait3A_1014 = arith.constant 0 : i32
      %dma_wait3A_1015 = arith.constant 0 : i32
      %dma_wait3A_1016 = tpu.memref_slice %arg8[%dma_wait3A_1012, %dma_wait3A_1013, %dma_wait3A_1014, %dma_wait3A_1015] : memref<2x16x128x32xbf16, #tpu.memory_space<vmem>> -> memref<1x1x128x32xbf16, #tpu.memory_space<vmem>>
      %dma_wait3A_1017 = tpu.memref_squeeze %dma_wait3A_1016 : memref<1x1x128x32xbf16, #tpu.memory_space<vmem>> -> memref<128x32xbf16, #tpu.memory_space<vmem>>
      %dma_wait3A_1018 = arith.constant 0 : i32
      %dma_wait3A_1019 = tpu.memref_slice %arg6[%dma_wait3A_1010, %dma_wait3A_1011, %dma_wait3A_1018] : memref<2x16x128xi32, #tpu.memory_space<vmem>> -> memref<1x1x128xi32, #tpu.memory_space<vmem>>
      %dma_wait3A_1020 = tpu.memref_squeeze %dma_wait3A_1019 : memref<1x1x128xi32, #tpu.memory_space<vmem>> -> memref<128xi32, #tpu.memory_space<vmem>>
      %dma_wait3A_1021 = arith.constant 0 : i32
      %dma_wait3A_1022 = arith.constant 0 : i32
      %dma_wait3A_1023 = tpu.memref_slice %arg2[%dma_wait3A_1021, %dma_wait3A_1022] : memref<100000x32xbf16, #tpu.memory_space<hbm>> -> memref<100000x32xbf16, #tpu.memory_space<hbm>>
      tpu.wait_indirect_dma semaphore(%arg12 : memref<!tpu.dma_semaphore, #tpu.memory_space<semaphore_mem>>) src(%dma_wait3A_1023 : memref<100000x32xbf16, #tpu.memory_space<hbm>>) dst(%dma_wait3A_1017 : memref<128x32xbf16, #tpu.memory_space<vmem>>)
      %run_scoped3A_1024 = arith.constant 1 : i32
      %run_scoped3A_1025 = arith.constant 0 : i32
      %run_scoped3A_1026 = arith.constant 1 : i32
      %run_scoped3A_1027 = arith.constant 0 : i32
      "tpu.region"() ({
        %run_scoped3A_1096 = tpu.sem_alloc : memref<!tpu.dma_semaphore, #tpu.memory_space<semaphore_mem>>
        %dma_start3A_1097 = arith.constant 0 : i32
        %dma_start3A_1098 = arith.constant 0 : i32
        %dma_start3A_1099 = tpu.memref_slice %arg8[%run_scoped3A_1024, %run_scoped3A_1025, %dma_start3A_1097, %dma_start3A_1098] : memref<2x16x128x32xbf16, #tpu.memory_space<vmem>> -> memref<1x1x128x32xbf16, #tpu.memory_space<vmem>>
        %dma_start3A_1100 = tpu.memref_squeeze %dma_start3A_1099 : memref<1x1x128x32xbf16, #tpu.memory_space<vmem>> -> memref<128x32xbf16, #tpu.memory_space<vmem>>
        %dma_start3A_1101 = arith.constant 0 : i32
        %dma_start3A_1102 = tpu.memref_slice %arg7[%run_scoped3A_1026, %run_scoped3A_1027, %dma_start3A_1101] : memref<2x16x128xi32, #tpu.memory_space<vmem>> -> memref<1x1x128xi32, #tpu.memory_space<vmem>>
        %dma_start3A_1103 = tpu.memref_squeeze %dma_start3A_1102 : memref<1x1x128xi32, #tpu.memory_space<vmem>> -> memref<128xi32, #tpu.memory_space<vmem>>
        %dma_start3A_1104 = arith.constant 0 : i32
        %dma_start3A_1105 = arith.constant 0 : i32
        %dma_start3A_1106 = tpu.memref_slice %arg10[%dma_start3A_1104, %dma_start3A_1105] : memref<50008x32xbf16, #tpu.memory_space<vmem_shared>> -> memref<50008x32xbf16, #tpu.memory_space<vmem_shared>>
        tpu.enqueue_indirect_dma source(%dma_start3A_1100 : memref<128x32xbf16, #tpu.memory_space<vmem>>) target(%dma_start3A_1106 : memref<50008x32xbf16, #tpu.memory_space<vmem_shared>>) offsets(%dma_start3A_1103 : memref<128xi32, #tpu.memory_space<vmem>>) semaphore(%run_scoped3A_1096 : memref<!tpu.dma_semaphore, #tpu.memory_space<semaphore_mem>>) {add = true}
        %dma_wait3A_1107 = arith.constant 0 : i32
        %dma_wait3A_1108 = arith.constant 0 : i32
        %dma_wait3A_1109 = tpu.memref_slice %arg8[%run_scoped3A_1024, %run_scoped3A_1025, %dma_wait3A_1107, %dma_wait3A_1108] : memref<2x16x128x32xbf16, #tpu.memory_space<vmem>> -> memref<1x1x128x32xbf16, #tpu.memory_space<vmem>>
        %dma_wait3A_1110 = tpu.memref_squeeze %dma_wait3A_1109 : memref<1x1x128x32xbf16, #tpu.memory_space<vmem>> -> memref<128x32xbf16, #tpu.memory_space<vmem>>
        %dma_wait3A_1111 = arith.constant 0 : i32
        %dma_wait3A_1112 = tpu.memref_slice %arg7[%run_scoped3A_1026, %run_scoped3A_1027, %dma_wait3A_1111] : memref<2x16x128xi32, #tpu.memory_space<vmem>> -> memref<1x1x128xi32, #tpu.memory_space<vmem>>
        %dma_wait3A_1113 = tpu.memref_squeeze %dma_wait3A_1112 : memref<1x1x128xi32, #tpu.memory_space<vmem>> -> memref<128xi32, #tpu.memory_space<vmem>>
        %dma_wait3A_1114 = arith.constant 0 : i32
        %dma_wait3A_1115 = arith.constant 0 : i32
        %dma_wait3A_1116 = tpu.memref_slice %arg10[%dma_wait3A_1114, %dma_wait3A_1115] : memref<50008x32xbf16, #tpu.memory_space<vmem_shared>> -> memref<50008x32xbf16, #tpu.memory_space<vmem_shared>>
        tpu.wait_indirect_dma semaphore(%run_scoped3A_1096 : memref<!tpu.dma_semaphore, #tpu.memory_space<semaphore_mem>>) src(%dma_wait3A_1110 : memref<128x32xbf16, #tpu.memory_space<vmem>>) dst(%dma_wait3A_1116 : memref<50008x32xbf16, #tpu.memory_space<vmem_shared>>)
        tpu.yield
      }) : () -> ()
      %run_scoped3A_1028 = arith.constant 1 : i32
      %run_scoped3A_1029 = arith.constant 1 : i32
      %run_scoped3A_1030 = arith.constant 1 : i32
      %run_scoped3A_1031 = arith.constant 1 : i32
      "tpu.region"() ({
        %run_scoped3A_1096 = tpu.sem_alloc : memref<!tpu.dma_semaphore, #tpu.memory_space<semaphore_mem>>
        %dma_start3A_1097 = arith.constant 0 : i32
        %dma_start3A_1098 = arith.constant 0 : i32
        %dma_start3A_1099 = tpu.memref_slice %arg8[%run_scoped3A_1028, %run_scoped3A_1029, %dma_start3A_1097, %dma_start3A_1098] : memref<2x16x128x32xbf16, #tpu.memory_space<vmem>> -> memref<1x1x128x32xbf16, #tpu.memory_space<vmem>>
        %dma_start3A_1100 = tpu.memref_squeeze %dma_start3A_1099 : memref<1x1x128x32xbf16, #tpu.memory_space<vmem>> -> memref<128x32xbf16, #tpu.memory_space<vmem>>
        %dma_start3A_1101 = arith.constant 0 : i32
        %dma_start3A_1102 = tpu.memref_slice %arg7[%run_scoped3A_1030, %run_scoped3A_1031, %dma_start3A_1101] : memref<2x16x128xi32, #tpu.memory_space<vmem>> -> memref<1x1x128xi32, #tpu.memory_space<vmem>>
        %dma_start3A_1103 = tpu.memref_squeeze %dma_start3A_1102 : memref<1x1x128xi32, #tpu.memory_space<vmem>> -> memref<128xi32, #tpu.memory_space<vmem>>
        %dma_start3A_1104 = arith.constant 0 : i32
        %dma_start3A_1105 = arith.constant 0 : i32
        %dma_start3A_1106 = tpu.memref_slice %arg10[%dma_start3A_1104, %dma_start3A_1105] : memref<50008x32xbf16, #tpu.memory_space<vmem_shared>> -> memref<50008x32xbf16, #tpu.memory_space<vmem_shared>>
        tpu.enqueue_indirect_dma source(%dma_start3A_1100 : memref<128x32xbf16, #tpu.memory_space<vmem>>) target(%dma_start3A_1106 : memref<50008x32xbf16, #tpu.memory_space<vmem_shared>>) offsets(%dma_start3A_1103 : memref<128xi32, #tpu.memory_space<vmem>>) semaphore(%run_scoped3A_1096 : memref<!tpu.dma_semaphore, #tpu.memory_space<semaphore_mem>>) {add = true}
        %dma_wait3A_1107 = arith.constant 0 : i32
        %dma_wait3A_1108 = arith.constant 0 : i32
        %dma_wait3A_1109 = tpu.memref_slice %arg8[%run_scoped3A_1028, %run_scoped3A_1029, %dma_wait3A_1107, %dma_wait3A_1108] : memref<2x16x128x32xbf16, #tpu.memory_space<vmem>> -> memref<1x1x128x32xbf16, #tpu.memory_space<vmem>>
        %dma_wait3A_1110 = tpu.memref_squeeze %dma_wait3A_1109 : memref<1x1x128x32xbf16, #tpu.memory_space<vmem>> -> memref<128x32xbf16, #tpu.memory_space<vmem>>
        %dma_wait3A_1111 = arith.constant 0 : i32
        %dma_wait3A_1112 = tpu.memref_slice %arg7[%run_scoped3A_1030, %run_scoped3A_1031, %dma_wait3A_1111] : memref<2x16x128xi32, #tpu.memory_space<vmem>> -> memref<1x1x128xi32, #tpu.memory_space<vmem>>
        %dma_wait3A_1113 = tpu.memref_squeeze %dma_wait3A_1112 : memref<1x1x128xi32, #tpu.memory_space<vmem>> -> memref<128xi32, #tpu.memory_space<vmem>>
        %dma_wait3A_1114 = arith.constant 0 : i32
        %dma_wait3A_1115 = arith.constant 0 : i32
        %dma_wait3A_1116 = tpu.memref_slice %arg10[%dma_wait3A_1114, %dma_wait3A_1115] : memref<50008x32xbf16, #tpu.memory_space<vmem_shared>> -> memref<50008x32xbf16, #tpu.memory_space<vmem_shared>>
        tpu.wait_indirect_dma semaphore(%run_scoped3A_1096 : memref<!tpu.dma_semaphore, #tpu.memory_space<semaphore_mem>>) src(%dma_wait3A_1110 : memref<128x32xbf16, #tpu.memory_space<vmem>>) dst(%dma_wait3A_1116 : memref<50008x32xbf16, #tpu.memory_space<vmem_shared>>)
        tpu.yield
      }) : () -> ()
      %run_scoped3A_1032 = arith.constant 1 : i32
      %run_scoped3A_1033 = arith.constant 2 : i32
      %run_scoped3A_1034 = arith.constant 1 : i32
      %run_scoped3A_1035 = arith.constant 2 : i32
      "tpu.region"() ({
        %run_scoped3A_1096 = tpu.sem_alloc : memref<!tpu.dma_semaphore, #tpu.memory_space<semaphore_mem>>
        %dma_start3A_1097 = arith.constant 0 : i32
        %dma_start3A_1098 = arith.constant 0 : i32
        %dma_start3A_1099 = tpu.memref_slice %arg8[%run_scoped3A_1032, %run_scoped3A_1033, %dma_start3A_1097, %dma_start3A_1098] : memref<2x16x128x32xbf16, #tpu.memory_space<vmem>> -> memref<1x1x128x32xbf16, #tpu.memory_space<vmem>>
        %dma_start3A_1100 = tpu.memref_squeeze %dma_start3A_1099 : memref<1x1x128x32xbf16, #tpu.memory_space<vmem>> -> memref<128x32xbf16, #tpu.memory_space<vmem>>
        %dma_start3A_1101 = arith.constant 0 : i32
        %dma_start3A_1102 = tpu.memref_slice %arg7[%run_scoped3A_1034, %run_scoped3A_1035, %dma_start3A_1101] : memref<2x16x128xi32, #tpu.memory_space<vmem>> -> memref<1x1x128xi32, #tpu.memory_space<vmem>>
        %dma_start3A_1103 = tpu.memref_squeeze %dma_start3A_1102 : memref<1x1x128xi32, #tpu.memory_space<vmem>> -> memref<128xi32, #tpu.memory_space<vmem>>
        %dma_start3A_1104 = arith.constant 0 : i32
        %dma_start3A_1105 = arith.constant 0 : i32
        %dma_start3A_1106 = tpu.memref_slice %arg10[%dma_start3A_1104, %dma_start3A_1105] : memref<50008x32xbf16, #tpu.memory_space<vmem_shared>> -> memref<50008x32xbf16, #tpu.memory_space<vmem_shared>>
        tpu.enqueue_indirect_dma source(%dma_start3A_1100 : memref<128x32xbf16, #tpu.memory_space<vmem>>) target(%dma_start3A_1106 : memref<50008x32xbf16, #tpu.memory_space<vmem_shared>>) offsets(%dma_start3A_1103 : memref<128xi32, #tpu.memory_space<vmem>>) semaphore(%run_scoped3A_1096 : memref<!tpu.dma_semaphore, #tpu.memory_space<semaphore_mem>>) {add = true}
        %dma_wait3A_1107 = arith.constant 0 : i32
        %dma_wait3A_1108 = arith.constant 0 : i32
        %dma_wait3A_1109 = tpu.memref_slice %arg8[%run_scoped3A_1032, %run_scoped3A_1033, %dma_wait3A_1107, %dma_wait3A_1108] : memref<2x16x128x32xbf16, #tpu.memory_space<vmem>> -> memref<1x1x128x32xbf16, #tpu.memory_space<vmem>>
        %dma_wait3A_1110 = tpu.memref_squeeze %dma_wait3A_1109 : memref<1x1x128x32xbf16, #tpu.memory_space<vmem>> -> memref<128x32xbf16, #tpu.memory_space<vmem>>
        %dma_wait3A_1111 = arith.constant 0 : i32
        %dma_wait3A_1112 = tpu.memref_slice %arg7[%run_scoped3A_1034, %run_scoped3A_1035, %dma_wait3A_1111] : memref<2x16x128xi32, #tpu.memory_space<vmem>> -> memref<1x1x128xi32, #tpu.memory_space<vmem>>
        %dma_wait3A_1113 = tpu.memref_squeeze %dma_wait3A_1112 : memref<1x1x128xi32, #tpu.memory_space<vmem>> -> memref<128xi32, #tpu.memory_space<vmem>>
        %dma_wait3A_1114 = arith.constant 0 : i32
        %dma_wait3A_1115 = arith.constant 0 : i32
        %dma_wait3A_1116 = tpu.memref_slice %arg10[%dma_wait3A_1114, %dma_wait3A_1115] : memref<50008x32xbf16, #tpu.memory_space<vmem_shared>> -> memref<50008x32xbf16, #tpu.memory_space<vmem_shared>>
        tpu.wait_indirect_dma semaphore(%run_scoped3A_1096 : memref<!tpu.dma_semaphore, #tpu.memory_space<semaphore_mem>>) src(%dma_wait3A_1110 : memref<128x32xbf16, #tpu.memory_space<vmem>>) dst(%dma_wait3A_1116 : memref<50008x32xbf16, #tpu.memory_space<vmem_shared>>)
        tpu.yield
      }) : () -> ()
      %run_scoped3A_1036 = arith.constant 1 : i32
      %run_scoped3A_1037 = arith.constant 3 : i32
      %run_scoped3A_1038 = arith.constant 1 : i32
      %run_scoped3A_1039 = arith.constant 3 : i32
      "tpu.region"() ({
        %run_scoped3A_1096 = tpu.sem_alloc : memref<!tpu.dma_semaphore, #tpu.memory_space<semaphore_mem>>
        %dma_start3A_1097 = arith.constant 0 : i32
        %dma_start3A_1098 = arith.constant 0 : i32
        %dma_start3A_1099 = tpu.memref_slice %arg8[%run_scoped3A_1036, %run_scoped3A_1037, %dma_start3A_1097, %dma_start3A_1098] : memref<2x16x128x32xbf16, #tpu.memory_space<vmem>> -> memref<1x1x128x32xbf16, #tpu.memory_space<vmem>>
        %dma_start3A_1100 = tpu.memref_squeeze %dma_start3A_1099 : memref<1x1x128x32xbf16, #tpu.memory_space<vmem>> -> memref<128x32xbf16, #tpu.memory_space<vmem>>
        %dma_start3A_1101 = arith.constant 0 : i32
        %dma_start3A_1102 = tpu.memref_slice %arg7[%run_scoped3A_1038, %run_scoped3A_1039, %dma_start3A_1101] : memref<2x16x128xi32, #tpu.memory_space<vmem>> -> memref<1x1x128xi32, #tpu.memory_space<vmem>>
        %dma_start3A_1103 = tpu.memref_squeeze %dma_start3A_1102 : memref<1x1x128xi32, #tpu.memory_space<vmem>> -> memref<128xi32, #tpu.memory_space<vmem>>
        %dma_start3A_1104 = arith.constant 0 : i32
        %dma_start3A_1105 = arith.constant 0 : i32
        %dma_start3A_1106 = tpu.memref_slice %arg10[%dma_start3A_1104, %dma_start3A_1105] : memref<50008x32xbf16, #tpu.memory_space<vmem_shared>> -> memref<50008x32xbf16, #tpu.memory_space<vmem_shared>>
        tpu.enqueue_indirect_dma source(%dma_start3A_1100 : memref<128x32xbf16, #tpu.memory_space<vmem>>) target(%dma_start3A_1106 : memref<50008x32xbf16, #tpu.memory_space<vmem_shared>>) offsets(%dma_start3A_1103 : memref<128xi32, #tpu.memory_space<vmem>>) semaphore(%run_scoped3A_1096 : memref<!tpu.dma_semaphore, #tpu.memory_space<semaphore_mem>>) {add = true}
        %dma_wait3A_1107 = arith.constant 0 : i32
        %dma_wait3A_1108 = arith.constant 0 : i32
        %dma_wait3A_1109 = tpu.memref_slice %arg8[%run_scoped3A_1036, %run_scoped3A_1037, %dma_wait3A_1107, %dma_wait3A_1108] : memref<2x16x128x32xbf16, #tpu.memory_space<vmem>> -> memref<1x1x128x32xbf16, #tpu.memory_space<vmem>>
        %dma_wait3A_1110 = tpu.memref_squeeze %dma_wait3A_1109 : memref<1x1x128x32xbf16, #tpu.memory_space<vmem>> -> memref<128x32xbf16, #tpu.memory_space<vmem>>
        %dma_wait3A_1111 = arith.constant 0 : i32
        %dma_wait3A_1112 = tpu.memref_slice %arg7[%run_scoped3A_1038, %run_scoped3A_1039, %dma_wait3A_1111] : memref<2x16x128xi32, #tpu.memory_space<vmem>> -> memref<1x1x128xi32, #tpu.memory_space<vmem>>
        %dma_wait3A_1113 = tpu.memref_squeeze %dma_wait3A_1112 : memref<1x1x128xi32, #tpu.memory_space<vmem>> -> memref<128xi32, #tpu.memory_space<vmem>>
        %dma_wait3A_1114 = arith.constant 0 : i32
        %dma_wait3A_1115 = arith.constant 0 : i32
        %dma_wait3A_1116 = tpu.memref_slice %arg10[%dma_wait3A_1114, %dma_wait3A_1115] : memref<50008x32xbf16, #tpu.memory_space<vmem_shared>> -> memref<50008x32xbf16, #tpu.memory_space<vmem_shared>>
        tpu.wait_indirect_dma semaphore(%run_scoped3A_1096 : memref<!tpu.dma_semaphore, #tpu.memory_space<semaphore_mem>>) src(%dma_wait3A_1110 : memref<128x32xbf16, #tpu.memory_space<vmem>>) dst(%dma_wait3A_1116 : memref<50008x32xbf16, #tpu.memory_space<vmem_shared>>)
        tpu.yield
      }) : () -> ()
      %run_scoped3A_1040 = arith.constant 1 : i32
      %run_scoped3A_1041 = arith.constant 4 : i32
      %run_scoped3A_1042 = arith.constant 1 : i32
      %run_scoped3A_1043 = arith.constant 4 : i32
      "tpu.region"() ({
        %run_scoped3A_1096 = tpu.sem_alloc : memref<!tpu.dma_semaphore, #tpu.memory_space<semaphore_mem>>
        %dma_start3A_1097 = arith.constant 0 : i32
        %dma_start3A_1098 = arith.constant 0 : i32
        %dma_start3A_1099 = tpu.memref_slice %arg8[%run_scoped3A_1040, %run_scoped3A_1041, %dma_start3A_1097, %dma_start3A_1098] : memref<2x16x128x32xbf16, #tpu.memory_space<vmem>> -> memref<1x1x128x32xbf16, #tpu.memory_space<vmem>>
        %dma_start3A_1100 = tpu.memref_squeeze %dma_start3A_1099 : memref<1x1x128x32xbf16, #tpu.memory_space<vmem>> -> memref<128x32xbf16, #tpu.memory_space<vmem>>
        %dma_start3A_1101 = arith.constant 0 : i32
        %dma_start3A_1102 = tpu.memref_slice %arg7[%run_scoped3A_1042, %run_scoped3A_1043, %dma_start3A_1101] : memref<2x16x128xi32, #tpu.memory_space<vmem>> -> memref<1x1x128xi32, #tpu.memory_space<vmem>>
        %dma_start3A_1103 = tpu.memref_squeeze %dma_start3A_1102 : memref<1x1x128xi32, #tpu.memory_space<vmem>> -> memref<128xi32, #tpu.memory_space<vmem>>
        %dma_start3A_1104 = arith.constant 0 : i32
        %dma_start3A_1105 = arith.constant 0 : i32
        %dma_start3A_1106 = tpu.memref_slice %arg10[%dma_start3A_1104, %dma_start3A_1105] : memref<50008x32xbf16, #tpu.memory_space<vmem_shared>> -> memref<50008x32xbf16, #tpu.memory_space<vmem_shared>>
        tpu.enqueue_indirect_dma source(%dma_start3A_1100 : memref<128x32xbf16, #tpu.memory_space<vmem>>) target(%dma_start3A_1106 : memref<50008x32xbf16, #tpu.memory_space<vmem_shared>>) offsets(%dma_start3A_1103 : memref<128xi32, #tpu.memory_space<vmem>>) semaphore(%run_scoped3A_1096 : memref<!tpu.dma_semaphore, #tpu.memory_space<semaphore_mem>>) {add = true}
        %dma_wait3A_1107 = arith.constant 0 : i32
        %dma_wait3A_1108 = arith.constant 0 : i32
        %dma_wait3A_1109 = tpu.memref_slice %arg8[%run_scoped3A_1040, %run_scoped3A_1041, %dma_wait3A_1107, %dma_wait3A_1108] : memref<2x16x128x32xbf16, #tpu.memory_space<vmem>> -> memref<1x1x128x32xbf16, #tpu.memory_space<vmem>>
        %dma_wait3A_1110 = tpu.memref_squeeze %dma_wait3A_1109 : memref<1x1x128x32xbf16, #tpu.memory_space<vmem>> -> memref<128x32xbf16, #tpu.memory_space<vmem>>
        %dma_wait3A_1111 = arith.constant 0 : i32
        %dma_wait3A_1112 = tpu.memref_slice %arg7[%run_scoped3A_1042, %run_scoped3A_1043, %dma_wait3A_1111] : memref<2x16x128xi32, #tpu.memory_space<vmem>> -> memref<1x1x128xi32, #tpu.memory_space<vmem>>
        %dma_wait3A_1113 = tpu.memref_squeeze %dma_wait3A_1112 : memref<1x1x128xi32, #tpu.memory_space<vmem>> -> memref<128xi32, #tpu.memory_space<vmem>>
        %dma_wait3A_1114 = arith.constant 0 : i32
        %dma_wait3A_1115 = arith.constant 0 : i32
        %dma_wait3A_1116 = tpu.memref_slice %arg10[%dma_wait3A_1114, %dma_wait3A_1115] : memref<50008x32xbf16, #tpu.memory_space<vmem_shared>> -> memref<50008x32xbf16, #tpu.memory_space<vmem_shared>>
        tpu.wait_indirect_dma semaphore(%run_scoped3A_1096 : memref<!tpu.dma_semaphore, #tpu.memory_space<semaphore_mem>>) src(%dma_wait3A_1110 : memref<128x32xbf16, #tpu.memory_space<vmem>>) dst(%dma_wait3A_1116 : memref<50008x32xbf16, #tpu.memory_space<vmem_shared>>)
        tpu.yield
      }) : () -> ()
      %run_scoped3A_1044 = arith.constant 1 : i32
      %run_scoped3A_1045 = arith.constant 5 : i32
      %run_scoped3A_1046 = arith.constant 1 : i32
      %run_scoped3A_1047 = arith.constant 5 : i32
      "tpu.region"() ({
        %run_scoped3A_1096 = tpu.sem_alloc : memref<!tpu.dma_semaphore, #tpu.memory_space<semaphore_mem>>
        %dma_start3A_1097 = arith.constant 0 : i32
        %dma_start3A_1098 = arith.constant 0 : i32
        %dma_start3A_1099 = tpu.memref_slice %arg8[%run_scoped3A_1044, %run_scoped3A_1045, %dma_start3A_1097, %dma_start3A_1098] : memref<2x16x128x32xbf16, #tpu.memory_space<vmem>> -> memref<1x1x128x32xbf16, #tpu.memory_space<vmem>>
        %dma_start3A_1100 = tpu.memref_squeeze %dma_start3A_1099 : memref<1x1x128x32xbf16, #tpu.memory_space<vmem>> -> memref<128x32xbf16, #tpu.memory_space<vmem>>
        %dma_start3A_1101 = arith.constant 0 : i32
        %dma_start3A_1102 = tpu.memref_slice %arg7[%run_scoped3A_1046, %run_scoped3A_1047, %dma_start3A_1101] : memref<2x16x128xi32, #tpu.memory_space<vmem>> -> memref<1x1x128xi32, #tpu.memory_space<vmem>>
        %dma_start3A_1103 = tpu.memref_squeeze %dma_start3A_1102 : memref<1x1x128xi32, #tpu.memory_space<vmem>> -> memref<128xi32, #tpu.memory_space<vmem>>
        %dma_start3A_1104 = arith.constant 0 : i32
        %dma_start3A_1105 = arith.constant 0 : i32
        %dma_start3A_1106 = tpu.memref_slice %arg10[%dma_start3A_1104, %dma_start3A_1105] : memref<50008x32xbf16, #tpu.memory_space<vmem_shared>> -> memref<50008x32xbf16, #tpu.memory_space<vmem_shared>>
        tpu.enqueue_indirect_dma source(%dma_start3A_1100 : memref<128x32xbf16, #tpu.memory_space<vmem>>) target(%dma_start3A_1106 : memref<50008x32xbf16, #tpu.memory_space<vmem_shared>>) offsets(%dma_start3A_1103 : memref<128xi32, #tpu.memory_space<vmem>>) semaphore(%run_scoped3A_1096 : memref<!tpu.dma_semaphore, #tpu.memory_space<semaphore_mem>>) {add = true}
        %dma_wait3A_1107 = arith.constant 0 : i32
        %dma_wait3A_1108 = arith.constant 0 : i32
        %dma_wait3A_1109 = tpu.memref_slice %arg8[%run_scoped3A_1044, %run_scoped3A_1045, %dma_wait3A_1107, %dma_wait3A_1108] : memref<2x16x128x32xbf16, #tpu.memory_space<vmem>> -> memref<1x1x128x32xbf16, #tpu.memory_space<vmem>>
        %dma_wait3A_1110 = tpu.memref_squeeze %dma_wait3A_1109 : memref<1x1x128x32xbf16, #tpu.memory_space<vmem>> -> memref<128x32xbf16, #tpu.memory_space<vmem>>
        %dma_wait3A_1111 = arith.constant 0 : i32
        %dma_wait3A_1112 = tpu.memref_slice %arg7[%run_scoped3A_1046, %run_scoped3A_1047, %dma_wait3A_1111] : memref<2x16x128xi32, #tpu.memory_space<vmem>> -> memref<1x1x128xi32, #tpu.memory_space<vmem>>
        %dma_wait3A_1113 = tpu.memref_squeeze %dma_wait3A_1112 : memref<1x1x128xi32, #tpu.memory_space<vmem>> -> memref<128xi32, #tpu.memory_space<vmem>>
        %dma_wait3A_1114 = arith.constant 0 : i32
        %dma_wait3A_1115 = arith.constant 0 : i32
        %dma_wait3A_1116 = tpu.memref_slice %arg10[%dma_wait3A_1114, %dma_wait3A_1115] : memref<50008x32xbf16, #tpu.memory_space<vmem_shared>> -> memref<50008x32xbf16, #tpu.memory_space<vmem_shared>>
        tpu.wait_indirect_dma semaphore(%run_scoped3A_1096 : memref<!tpu.dma_semaphore, #tpu.memory_space<semaphore_mem>>) src(%dma_wait3A_1110 : memref<128x32xbf16, #tpu.memory_space<vmem>>) dst(%dma_wait3A_1116 : memref<50008x32xbf16, #tpu.memory_space<vmem_shared>>)
        tpu.yield
      }) : () -> ()
      %run_scoped3A_1048 = arith.constant 1 : i32
      %run_scoped3A_1049 = arith.constant 6 : i32
      %run_scoped3A_1050 = arith.constant 1 : i32
      %run_scoped3A_1051 = arith.constant 6 : i32
      "tpu.region"() ({
        %run_scoped3A_1096 = tpu.sem_alloc : memref<!tpu.dma_semaphore, #tpu.memory_space<semaphore_mem>>
        %dma_start3A_1097 = arith.constant 0 : i32
        %dma_start3A_1098 = arith.constant 0 : i32
        %dma_start3A_1099 = tpu.memref_slice %arg8[%run_scoped3A_1048, %run_scoped3A_1049, %dma_start3A_1097, %dma_start3A_1098] : memref<2x16x128x32xbf16, #tpu.memory_space<vmem>> -> memref<1x1x128x32xbf16, #tpu.memory_space<vmem>>
        %dma_start3A_1100 = tpu.memref_squeeze %dma_start3A_1099 : memref<1x1x128x32xbf16, #tpu.memory_space<vmem>> -> memref<128x32xbf16, #tpu.memory_space<vmem>>
        %dma_start3A_1101 = arith.constant 0 : i32
        %dma_start3A_1102 = tpu.memref_slice %arg7[%run_scoped3A_1050, %run_scoped3A_1051, %dma_start3A_1101] : memref<2x16x128xi32, #tpu.memory_space<vmem>> -> memref<1x1x128xi32, #tpu.memory_space<vmem>>
        %dma_start3A_1103 = tpu.memref_squeeze %dma_start3A_1102 : memref<1x1x128xi32, #tpu.memory_space<vmem>> -> memref<128xi32, #tpu.memory_space<vmem>>
        %dma_start3A_1104 = arith.constant 0 : i32
        %dma_start3A_1105 = arith.constant 0 : i32
        %dma_start3A_1106 = tpu.memref_slice %arg10[%dma_start3A_1104, %dma_start3A_1105] : memref<50008x32xbf16, #tpu.memory_space<vmem_shared>> -> memref<50008x32xbf16, #tpu.memory_space<vmem_shared>>
        tpu.enqueue_indirect_dma source(%dma_start3A_1100 : memref<128x32xbf16, #tpu.memory_space<vmem>>) target(%dma_start3A_1106 : memref<50008x32xbf16, #tpu.memory_space<vmem_shared>>) offsets(%dma_start3A_1103 : memref<128xi32, #tpu.memory_space<vmem>>) semaphore(%run_scoped3A_1096 : memref<!tpu.dma_semaphore, #tpu.memory_space<semaphore_mem>>) {add = true}
        %dma_wait3A_1107 = arith.constant 0 : i32
        %dma_wait3A_1108 = arith.constant 0 : i32
        %dma_wait3A_1109 = tpu.memref_slice %arg8[%run_scoped3A_1048, %run_scoped3A_1049, %dma_wait3A_1107, %dma_wait3A_1108] : memref<2x16x128x32xbf16, #tpu.memory_space<vmem>> -> memref<1x1x128x32xbf16, #tpu.memory_space<vmem>>
        %dma_wait3A_1110 = tpu.memref_squeeze %dma_wait3A_1109 : memref<1x1x128x32xbf16, #tpu.memory_space<vmem>> -> memref<128x32xbf16, #tpu.memory_space<vmem>>
        %dma_wait3A_1111 = arith.constant 0 : i32
        %dma_wait3A_1112 = tpu.memref_slice %arg7[%run_scoped3A_1050, %run_scoped3A_1051, %dma_wait3A_1111] : memref<2x16x128xi32, #tpu.memory_space<vmem>> -> memref<1x1x128xi32, #tpu.memory_space<vmem>>
        %dma_wait3A_1113 = tpu.memref_squeeze %dma_wait3A_1112 : memref<1x1x128xi32, #tpu.memory_space<vmem>> -> memref<128xi32, #tpu.memory_space<vmem>>
        %dma_wait3A_1114 = arith.constant 0 : i32
        %dma_wait3A_1115 = arith.constant 0 : i32
        %dma_wait3A_1116 = tpu.memref_slice %arg10[%dma_wait3A_1114, %dma_wait3A_1115] : memref<50008x32xbf16, #tpu.memory_space<vmem_shared>> -> memref<50008x32xbf16, #tpu.memory_space<vmem_shared>>
        tpu.wait_indirect_dma semaphore(%run_scoped3A_1096 : memref<!tpu.dma_semaphore, #tpu.memory_space<semaphore_mem>>) src(%dma_wait3A_1110 : memref<128x32xbf16, #tpu.memory_space<vmem>>) dst(%dma_wait3A_1116 : memref<50008x32xbf16, #tpu.memory_space<vmem_shared>>)
        tpu.yield
      }) : () -> ()
      %run_scoped3A_1052 = arith.constant 1 : i32
      %run_scoped3A_1053 = arith.constant 7 : i32
      %run_scoped3A_1054 = arith.constant 1 : i32
      %run_scoped3A_1055 = arith.constant 7 : i32
      "tpu.region"() ({
        %run_scoped3A_1096 = tpu.sem_alloc : memref<!tpu.dma_semaphore, #tpu.memory_space<semaphore_mem>>
        %dma_start3A_1097 = arith.constant 0 : i32
        %dma_start3A_1098 = arith.constant 0 : i32
        %dma_start3A_1099 = tpu.memref_slice %arg8[%run_scoped3A_1052, %run_scoped3A_1053, %dma_start3A_1097, %dma_start3A_1098] : memref<2x16x128x32xbf16, #tpu.memory_space<vmem>> -> memref<1x1x128x32xbf16, #tpu.memory_space<vmem>>
        %dma_start3A_1100 = tpu.memref_squeeze %dma_start3A_1099 : memref<1x1x128x32xbf16, #tpu.memory_space<vmem>> -> memref<128x32xbf16, #tpu.memory_space<vmem>>
        %dma_start3A_1101 = arith.constant 0 : i32
        %dma_start3A_1102 = tpu.memref_slice %arg7[%run_scoped3A_1054, %run_scoped3A_1055, %dma_start3A_1101] : memref<2x16x128xi32, #tpu.memory_space<vmem>> -> memref<1x1x128xi32, #tpu.memory_space<vmem>>
        %dma_start3A_1103 = tpu.memref_squeeze %dma_start3A_1102 : memref<1x1x128xi32, #tpu.memory_space<vmem>> -> memref<128xi32, #tpu.memory_space<vmem>>
        %dma_start3A_1104 = arith.constant 0 : i32
        %dma_start3A_1105 = arith.constant 0 : i32
        %dma_start3A_1106 = tpu.memref_slice %arg10[%dma_start3A_1104, %dma_start3A_1105] : memref<50008x32xbf16, #tpu.memory_space<vmem_shared>> -> memref<50008x32xbf16, #tpu.memory_space<vmem_shared>>
        tpu.enqueue_indirect_dma source(%dma_start3A_1100 : memref<128x32xbf16, #tpu.memory_space<vmem>>) target(%dma_start3A_1106 : memref<50008x32xbf16, #tpu.memory_space<vmem_shared>>) offsets(%dma_start3A_1103 : memref<128xi32, #tpu.memory_space<vmem>>) semaphore(%run_scoped3A_1096 : memref<!tpu.dma_semaphore, #tpu.memory_space<semaphore_mem>>) {add = true}
        %dma_wait3A_1107 = arith.constant 0 : i32
        %dma_wait3A_1108 = arith.constant 0 : i32
        %dma_wait3A_1109 = tpu.memref_slice %arg8[%run_scoped3A_1052, %run_scoped3A_1053, %dma_wait3A_1107, %dma_wait3A_1108] : memref<2x16x128x32xbf16, #tpu.memory_space<vmem>> -> memref<1x1x128x32xbf16, #tpu.memory_space<vmem>>
        %dma_wait3A_1110 = tpu.memref_squeeze %dma_wait3A_1109 : memref<1x1x128x32xbf16, #tpu.memory_space<vmem>> -> memref<128x32xbf16, #tpu.memory_space<vmem>>
        %dma_wait3A_1111 = arith.constant 0 : i32
        %dma_wait3A_1112 = tpu.memref_slice %arg7[%run_scoped3A_1054, %run_scoped3A_1055, %dma_wait3A_1111] : memref<2x16x128xi32, #tpu.memory_space<vmem>> -> memref<1x1x128xi32, #tpu.memory_space<vmem>>
        %dma_wait3A_1113 = tpu.memref_squeeze %dma_wait3A_1112 : memref<1x1x128xi32, #tpu.memory_space<vmem>> -> memref<128xi32, #tpu.memory_space<vmem>>
        %dma_wait3A_1114 = arith.constant 0 : i32
        %dma_wait3A_1115 = arith.constant 0 : i32
        %dma_wait3A_1116 = tpu.memref_slice %arg10[%dma_wait3A_1114, %dma_wait3A_1115] : memref<50008x32xbf16, #tpu.memory_space<vmem_shared>> -> memref<50008x32xbf16, #tpu.memory_space<vmem_shared>>
        tpu.wait_indirect_dma semaphore(%run_scoped3A_1096 : memref<!tpu.dma_semaphore, #tpu.memory_space<semaphore_mem>>) src(%dma_wait3A_1110 : memref<128x32xbf16, #tpu.memory_space<vmem>>) dst(%dma_wait3A_1116 : memref<50008x32xbf16, #tpu.memory_space<vmem_shared>>)
        tpu.yield
      }) : () -> ()
      %run_scoped3A_1056 = arith.constant 1 : i32
      %run_scoped3A_1057 = arith.constant 8 : i32
      %run_scoped3A_1058 = arith.constant 1 : i32
      %run_scoped3A_1059 = arith.constant 8 : i32
      "tpu.region"() ({
        %run_scoped3A_1096 = tpu.sem_alloc : memref<!tpu.dma_semaphore, #tpu.memory_space<semaphore_mem>>
        %dma_start3A_1097 = arith.constant 0 : i32
        %dma_start3A_1098 = arith.constant 0 : i32
        %dma_start3A_1099 = tpu.memref_slice %arg8[%run_scoped3A_1056, %run_scoped3A_1057, %dma_start3A_1097, %dma_start3A_1098] : memref<2x16x128x32xbf16, #tpu.memory_space<vmem>> -> memref<1x1x128x32xbf16, #tpu.memory_space<vmem>>
        %dma_start3A_1100 = tpu.memref_squeeze %dma_start3A_1099 : memref<1x1x128x32xbf16, #tpu.memory_space<vmem>> -> memref<128x32xbf16, #tpu.memory_space<vmem>>
        %dma_start3A_1101 = arith.constant 0 : i32
        %dma_start3A_1102 = tpu.memref_slice %arg7[%run_scoped3A_1058, %run_scoped3A_1059, %dma_start3A_1101] : memref<2x16x128xi32, #tpu.memory_space<vmem>> -> memref<1x1x128xi32, #tpu.memory_space<vmem>>
        %dma_start3A_1103 = tpu.memref_squeeze %dma_start3A_1102 : memref<1x1x128xi32, #tpu.memory_space<vmem>> -> memref<128xi32, #tpu.memory_space<vmem>>
        %dma_start3A_1104 = arith.constant 0 : i32
        %dma_start3A_1105 = arith.constant 0 : i32
        %dma_start3A_1106 = tpu.memref_slice %arg10[%dma_start3A_1104, %dma_start3A_1105] : memref<50008x32xbf16, #tpu.memory_space<vmem_shared>> -> memref<50008x32xbf16, #tpu.memory_space<vmem_shared>>
        tpu.enqueue_indirect_dma source(%dma_start3A_1100 : memref<128x32xbf16, #tpu.memory_space<vmem>>) target(%dma_start3A_1106 : memref<50008x32xbf16, #tpu.memory_space<vmem_shared>>) offsets(%dma_start3A_1103 : memref<128xi32, #tpu.memory_space<vmem>>) semaphore(%run_scoped3A_1096 : memref<!tpu.dma_semaphore, #tpu.memory_space<semaphore_mem>>) {add = true}
        %dma_wait3A_1107 = arith.constant 0 : i32
        %dma_wait3A_1108 = arith.constant 0 : i32
        %dma_wait3A_1109 = tpu.memref_slice %arg8[%run_scoped3A_1056, %run_scoped3A_1057, %dma_wait3A_1107, %dma_wait3A_1108] : memref<2x16x128x32xbf16, #tpu.memory_space<vmem>> -> memref<1x1x128x32xbf16, #tpu.memory_space<vmem>>
        %dma_wait3A_1110 = tpu.memref_squeeze %dma_wait3A_1109 : memref<1x1x128x32xbf16, #tpu.memory_space<vmem>> -> memref<128x32xbf16, #tpu.memory_space<vmem>>
        %dma_wait3A_1111 = arith.constant 0 : i32
        %dma_wait3A_1112 = tpu.memref_slice %arg7[%run_scoped3A_1058, %run_scoped3A_1059, %dma_wait3A_1111] : memref<2x16x128xi32, #tpu.memory_space<vmem>> -> memref<1x1x128xi32, #tpu.memory_space<vmem>>
        %dma_wait3A_1113 = tpu.memref_squeeze %dma_wait3A_1112 : memref<1x1x128xi32, #tpu.memory_space<vmem>> -> memref<128xi32, #tpu.memory_space<vmem>>
        %dma_wait3A_1114 = arith.constant 0 : i32
        %dma_wait3A_1115 = arith.constant 0 : i32
        %dma_wait3A_1116 = tpu.memref_slice %arg10[%dma_wait3A_1114, %dma_wait3A_1115] : memref<50008x32xbf16, #tpu.memory_space<vmem_shared>> -> memref<50008x32xbf16, #tpu.memory_space<vmem_shared>>
        tpu.wait_indirect_dma semaphore(%run_scoped3A_1096 : memref<!tpu.dma_semaphore, #tpu.memory_space<semaphore_mem>>) src(%dma_wait3A_1110 : memref<128x32xbf16, #tpu.memory_space<vmem>>) dst(%dma_wait3A_1116 : memref<50008x32xbf16, #tpu.memory_space<vmem_shared>>)
        tpu.yield
      }) : () -> ()
      %run_scoped3A_1060 = arith.constant 1 : i32
      %run_scoped3A_1061 = arith.constant 9 : i32
      %run_scoped3A_1062 = arith.constant 1 : i32
      %run_scoped3A_1063 = arith.constant 9 : i32
      "tpu.region"() ({
        %run_scoped3A_1096 = tpu.sem_alloc : memref<!tpu.dma_semaphore, #tpu.memory_space<semaphore_mem>>
        %dma_start3A_1097 = arith.constant 0 : i32
        %dma_start3A_1098 = arith.constant 0 : i32
        %dma_start3A_1099 = tpu.memref_slice %arg8[%run_scoped3A_1060, %run_scoped3A_1061, %dma_start3A_1097, %dma_start3A_1098] : memref<2x16x128x32xbf16, #tpu.memory_space<vmem>> -> memref<1x1x128x32xbf16, #tpu.memory_space<vmem>>
        %dma_start3A_1100 = tpu.memref_squeeze %dma_start3A_1099 : memref<1x1x128x32xbf16, #tpu.memory_space<vmem>> -> memref<128x32xbf16, #tpu.memory_space<vmem>>
        %dma_start3A_1101 = arith.constant 0 : i32
        %dma_start3A_1102 = tpu.memref_slice %arg7[%run_scoped3A_1062, %run_scoped3A_1063, %dma_start3A_1101] : memref<2x16x128xi32, #tpu.memory_space<vmem>> -> memref<1x1x128xi32, #tpu.memory_space<vmem>>
        %dma_start3A_1103 = tpu.memref_squeeze %dma_start3A_1102 : memref<1x1x128xi32, #tpu.memory_space<vmem>> -> memref<128xi32, #tpu.memory_space<vmem>>
        %dma_start3A_1104 = arith.constant 0 : i32
        %dma_start3A_1105 = arith.constant 0 : i32
        %dma_start3A_1106 = tpu.memref_slice %arg10[%dma_start3A_1104, %dma_start3A_1105] : memref<50008x32xbf16, #tpu.memory_space<vmem_shared>> -> memref<50008x32xbf16, #tpu.memory_space<vmem_shared>>
        tpu.enqueue_indirect_dma source(%dma_start3A_1100 : memref<128x32xbf16, #tpu.memory_space<vmem>>) target(%dma_start3A_1106 : memref<50008x32xbf16, #tpu.memory_space<vmem_shared>>) offsets(%dma_start3A_1103 : memref<128xi32, #tpu.memory_space<vmem>>) semaphore(%run_scoped3A_1096 : memref<!tpu.dma_semaphore, #tpu.memory_space<semaphore_mem>>) {add = true}
        %dma_wait3A_1107 = arith.constant 0 : i32
        %dma_wait3A_1108 = arith.constant 0 : i32
        %dma_wait3A_1109 = tpu.memref_slice %arg8[%run_scoped3A_1060, %run_scoped3A_1061, %dma_wait3A_1107, %dma_wait3A_1108] : memref<2x16x128x32xbf16, #tpu.memory_space<vmem>> -> memref<1x1x128x32xbf16, #tpu.memory_space<vmem>>
        %dma_wait3A_1110 = tpu.memref_squeeze %dma_wait3A_1109 : memref<1x1x128x32xbf16, #tpu.memory_space<vmem>> -> memref<128x32xbf16, #tpu.memory_space<vmem>>
        %dma_wait3A_1111 = arith.constant 0 : i32
        %dma_wait3A_1112 = tpu.memref_slice %arg7[%run_scoped3A_1062, %run_scoped3A_1063, %dma_wait3A_1111] : memref<2x16x128xi32, #tpu.memory_space<vmem>> -> memref<1x1x128xi32, #tpu.memory_space<vmem>>
        %dma_wait3A_1113 = tpu.memref_squeeze %dma_wait3A_1112 : memref<1x1x128xi32, #tpu.memory_space<vmem>> -> memref<128xi32, #tpu.memory_space<vmem>>
        %dma_wait3A_1114 = arith.constant 0 : i32
        %dma_wait3A_1115 = arith.constant 0 : i32
        %dma_wait3A_1116 = tpu.memref_slice %arg10[%dma_wait3A_1114, %dma_wait3A_1115] : memref<50008x32xbf16, #tpu.memory_space<vmem_shared>> -> memref<50008x32xbf16, #tpu.memory_space<vmem_shared>>
        tpu.wait_indirect_dma semaphore(%run_scoped3A_1096 : memref<!tpu.dma_semaphore, #tpu.memory_space<semaphore_mem>>) src(%dma_wait3A_1110 : memref<128x32xbf16, #tpu.memory_space<vmem>>) dst(%dma_wait3A_1116 : memref<50008x32xbf16, #tpu.memory_space<vmem_shared>>)
        tpu.yield
      }) : () -> ()
      %run_scoped3A_1064 = arith.constant 1 : i32
      %run_scoped3A_1065 = arith.constant 10 : i32
      %run_scoped3A_1066 = arith.constant 1 : i32
      %run_scoped3A_1067 = arith.constant 10 : i32
      "tpu.region"() ({
        %run_scoped3A_1096 = tpu.sem_alloc : memref<!tpu.dma_semaphore, #tpu.memory_space<semaphore_mem>>
        %dma_start3A_1097 = arith.constant 0 : i32
        %dma_start3A_1098 = arith.constant 0 : i32
        %dma_start3A_1099 = tpu.memref_slice %arg8[%run_scoped3A_1064, %run_scoped3A_1065, %dma_start3A_1097, %dma_start3A_1098] : memref<2x16x128x32xbf16, #tpu.memory_space<vmem>> -> memref<1x1x128x32xbf16, #tpu.memory_space<vmem>>
        %dma_start3A_1100 = tpu.memref_squeeze %dma_start3A_1099 : memref<1x1x128x32xbf16, #tpu.memory_space<vmem>> -> memref<128x32xbf16, #tpu.memory_space<vmem>>
        %dma_start3A_1101 = arith.constant 0 : i32
        %dma_start3A_1102 = tpu.memref_slice %arg7[%run_scoped3A_1066, %run_scoped3A_1067, %dma_start3A_1101] : memref<2x16x128xi32, #tpu.memory_space<vmem>> -> memref<1x1x128xi32, #tpu.memory_space<vmem>>
        %dma_start3A_1103 = tpu.memref_squeeze %dma_start3A_1102 : memref<1x1x128xi32, #tpu.memory_space<vmem>> -> memref<128xi32, #tpu.memory_space<vmem>>
        %dma_start3A_1104 = arith.constant 0 : i32
        %dma_start3A_1105 = arith.constant 0 : i32
        %dma_start3A_1106 = tpu.memref_slice %arg10[%dma_start3A_1104, %dma_start3A_1105] : memref<50008x32xbf16, #tpu.memory_space<vmem_shared>> -> memref<50008x32xbf16, #tpu.memory_space<vmem_shared>>
        tpu.enqueue_indirect_dma source(%dma_start3A_1100 : memref<128x32xbf16, #tpu.memory_space<vmem>>) target(%dma_start3A_1106 : memref<50008x32xbf16, #tpu.memory_space<vmem_shared>>) offsets(%dma_start3A_1103 : memref<128xi32, #tpu.memory_space<vmem>>) semaphore(%run_scoped3A_1096 : memref<!tpu.dma_semaphore, #tpu.memory_space<semaphore_mem>>) {add = true}
        %dma_wait3A_1107 = arith.constant 0 : i32
        %dma_wait3A_1108 = arith.constant 0 : i32
        %dma_wait3A_1109 = tpu.memref_slice %arg8[%run_scoped3A_1064, %run_scoped3A_1065, %dma_wait3A_1107, %dma_wait3A_1108] : memref<2x16x128x32xbf16, #tpu.memory_space<vmem>> -> memref<1x1x128x32xbf16, #tpu.memory_space<vmem>>
        %dma_wait3A_1110 = tpu.memref_squeeze %dma_wait3A_1109 : memref<1x1x128x32xbf16, #tpu.memory_space<vmem>> -> memref<128x32xbf16, #tpu.memory_space<vmem>>
        %dma_wait3A_1111 = arith.constant 0 : i32
        %dma_wait3A_1112 = tpu.memref_slice %arg7[%run_scoped3A_1066, %run_scoped3A_1067, %dma_wait3A_1111] : memref<2x16x128xi32, #tpu.memory_space<vmem>> -> memref<1x1x128xi32, #tpu.memory_space<vmem>>
        %dma_wait3A_1113 = tpu.memref_squeeze %dma_wait3A_1112 : memref<1x1x128xi32, #tpu.memory_space<vmem>> -> memref<128xi32, #tpu.memory_space<vmem>>
        %dma_wait3A_1114 = arith.constant 0 : i32
        %dma_wait3A_1115 = arith.constant 0 : i32
        %dma_wait3A_1116 = tpu.memref_slice %arg10[%dma_wait3A_1114, %dma_wait3A_1115] : memref<50008x32xbf16, #tpu.memory_space<vmem_shared>> -> memref<50008x32xbf16, #tpu.memory_space<vmem_shared>>
        tpu.wait_indirect_dma semaphore(%run_scoped3A_1096 : memref<!tpu.dma_semaphore, #tpu.memory_space<semaphore_mem>>) src(%dma_wait3A_1110 : memref<128x32xbf16, #tpu.memory_space<vmem>>) dst(%dma_wait3A_1116 : memref<50008x32xbf16, #tpu.memory_space<vmem_shared>>)
        tpu.yield
      }) : () -> ()
      %run_scoped3A_1068 = arith.constant 1 : i32
      %run_scoped3A_1069 = arith.constant 11 : i32
      %run_scoped3A_1070 = arith.constant 1 : i32
      %run_scoped3A_1071 = arith.constant 11 : i32
      "tpu.region"() ({
        %run_scoped3A_1096 = tpu.sem_alloc : memref<!tpu.dma_semaphore, #tpu.memory_space<semaphore_mem>>
        %dma_start3A_1097 = arith.constant 0 : i32
        %dma_start3A_1098 = arith.constant 0 : i32
        %dma_start3A_1099 = tpu.memref_slice %arg8[%run_scoped3A_1068, %run_scoped3A_1069, %dma_start3A_1097, %dma_start3A_1098] : memref<2x16x128x32xbf16, #tpu.memory_space<vmem>> -> memref<1x1x128x32xbf16, #tpu.memory_space<vmem>>
        %dma_start3A_1100 = tpu.memref_squeeze %dma_start3A_1099 : memref<1x1x128x32xbf16, #tpu.memory_space<vmem>> -> memref<128x32xbf16, #tpu.memory_space<vmem>>
        %dma_start3A_1101 = arith.constant 0 : i32
        %dma_start3A_1102 = tpu.memref_slice %arg7[%run_scoped3A_1070, %run_scoped3A_1071, %dma_start3A_1101] : memref<2x16x128xi32, #tpu.memory_space<vmem>> -> memref<1x1x128xi32, #tpu.memory_space<vmem>>
        %dma_start3A_1103 = tpu.memref_squeeze %dma_start3A_1102 : memref<1x1x128xi32, #tpu.memory_space<vmem>> -> memref<128xi32, #tpu.memory_space<vmem>>
        %dma_start3A_1104 = arith.constant 0 : i32
        %dma_start3A_1105 = arith.constant 0 : i32
        %dma_start3A_1106 = tpu.memref_slice %arg10[%dma_start3A_1104, %dma_start3A_1105] : memref<50008x32xbf16, #tpu.memory_space<vmem_shared>> -> memref<50008x32xbf16, #tpu.memory_space<vmem_shared>>
        tpu.enqueue_indirect_dma source(%dma_start3A_1100 : memref<128x32xbf16, #tpu.memory_space<vmem>>) target(%dma_start3A_1106 : memref<50008x32xbf16, #tpu.memory_space<vmem_shared>>) offsets(%dma_start3A_1103 : memref<128xi32, #tpu.memory_space<vmem>>) semaphore(%run_scoped3A_1096 : memref<!tpu.dma_semaphore, #tpu.memory_space<semaphore_mem>>) {add = true}
        %dma_wait3A_1107 = arith.constant 0 : i32
        %dma_wait3A_1108 = arith.constant 0 : i32
        %dma_wait3A_1109 = tpu.memref_slice %arg8[%run_scoped3A_1068, %run_scoped3A_1069, %dma_wait3A_1107, %dma_wait3A_1108] : memref<2x16x128x32xbf16, #tpu.memory_space<vmem>> -> memref<1x1x128x32xbf16, #tpu.memory_space<vmem>>
        %dma_wait3A_1110 = tpu.memref_squeeze %dma_wait3A_1109 : memref<1x1x128x32xbf16, #tpu.memory_space<vmem>> -> memref<128x32xbf16, #tpu.memory_space<vmem>>
        %dma_wait3A_1111 = arith.constant 0 : i32
        %dma_wait3A_1112 = tpu.memref_slice %arg7[%run_scoped3A_1070, %run_scoped3A_1071, %dma_wait3A_1111] : memref<2x16x128xi32, #tpu.memory_space<vmem>> -> memref<1x1x128xi32, #tpu.memory_space<vmem>>
        %dma_wait3A_1113 = tpu.memref_squeeze %dma_wait3A_1112 : memref<1x1x128xi32, #tpu.memory_space<vmem>> -> memref<128xi32, #tpu.memory_space<vmem>>
        %dma_wait3A_1114 = arith.constant 0 : i32
        %dma_wait3A_1115 = arith.constant 0 : i32
        %dma_wait3A_1116 = tpu.memref_slice %arg10[%dma_wait3A_1114, %dma_wait3A_1115] : memref<50008x32xbf16, #tpu.memory_space<vmem_shared>> -> memref<50008x32xbf16, #tpu.memory_space<vmem_shared>>
        tpu.wait_indirect_dma semaphore(%run_scoped3A_1096 : memref<!tpu.dma_semaphore, #tpu.memory_space<semaphore_mem>>) src(%dma_wait3A_1110 : memref<128x32xbf16, #tpu.memory_space<vmem>>) dst(%dma_wait3A_1116 : memref<50008x32xbf16, #tpu.memory_space<vmem_shared>>)
        tpu.yield
      }) : () -> ()
      %run_scoped3A_1072 = arith.constant 1 : i32
      %run_scoped3A_1073 = arith.constant 12 : i32
      %run_scoped3A_1074 = arith.constant 1 : i32
      %run_scoped3A_1075 = arith.constant 12 : i32
      "tpu.region"() ({
        %run_scoped3A_1096 = tpu.sem_alloc : memref<!tpu.dma_semaphore, #tpu.memory_space<semaphore_mem>>
        %dma_start3A_1097 = arith.constant 0 : i32
        %dma_start3A_1098 = arith.constant 0 : i32
        %dma_start3A_1099 = tpu.memref_slice %arg8[%run_scoped3A_1072, %run_scoped3A_1073, %dma_start3A_1097, %dma_start3A_1098] : memref<2x16x128x32xbf16, #tpu.memory_space<vmem>> -> memref<1x1x128x32xbf16, #tpu.memory_space<vmem>>
        %dma_start3A_1100 = tpu.memref_squeeze %dma_start3A_1099 : memref<1x1x128x32xbf16, #tpu.memory_space<vmem>> -> memref<128x32xbf16, #tpu.memory_space<vmem>>
        %dma_start3A_1101 = arith.constant 0 : i32
        %dma_start3A_1102 = tpu.memref_slice %arg7[%run_scoped3A_1074, %run_scoped3A_1075, %dma_start3A_1101] : memref<2x16x128xi32, #tpu.memory_space<vmem>> -> memref<1x1x128xi32, #tpu.memory_space<vmem>>
        %dma_start3A_1103 = tpu.memref_squeeze %dma_start3A_1102 : memref<1x1x128xi32, #tpu.memory_space<vmem>> -> memref<128xi32, #tpu.memory_space<vmem>>
        %dma_start3A_1104 = arith.constant 0 : i32
        %dma_start3A_1105 = arith.constant 0 : i32
        %dma_start3A_1106 = tpu.memref_slice %arg10[%dma_start3A_1104, %dma_start3A_1105] : memref<50008x32xbf16, #tpu.memory_space<vmem_shared>> -> memref<50008x32xbf16, #tpu.memory_space<vmem_shared>>
        tpu.enqueue_indirect_dma source(%dma_start3A_1100 : memref<128x32xbf16, #tpu.memory_space<vmem>>) target(%dma_start3A_1106 : memref<50008x32xbf16, #tpu.memory_space<vmem_shared>>) offsets(%dma_start3A_1103 : memref<128xi32, #tpu.memory_space<vmem>>) semaphore(%run_scoped3A_1096 : memref<!tpu.dma_semaphore, #tpu.memory_space<semaphore_mem>>) {add = true}
        %dma_wait3A_1107 = arith.constant 0 : i32
        %dma_wait3A_1108 = arith.constant 0 : i32
        %dma_wait3A_1109 = tpu.memref_slice %arg8[%run_scoped3A_1072, %run_scoped3A_1073, %dma_wait3A_1107, %dma_wait3A_1108] : memref<2x16x128x32xbf16, #tpu.memory_space<vmem>> -> memref<1x1x128x32xbf16, #tpu.memory_space<vmem>>
        %dma_wait3A_1110 = tpu.memref_squeeze %dma_wait3A_1109 : memref<1x1x128x32xbf16, #tpu.memory_space<vmem>> -> memref<128x32xbf16, #tpu.memory_space<vmem>>
        %dma_wait3A_1111 = arith.constant 0 : i32
        %dma_wait3A_1112 = tpu.memref_slice %arg7[%run_scoped3A_1074, %run_scoped3A_1075, %dma_wait3A_1111] : memref<2x16x128xi32, #tpu.memory_space<vmem>> -> memref<1x1x128xi32, #tpu.memory_space<vmem>>
        %dma_wait3A_1113 = tpu.memref_squeeze %dma_wait3A_1112 : memref<1x1x128xi32, #tpu.memory_space<vmem>> -> memref<128xi32, #tpu.memory_space<vmem>>
        %dma_wait3A_1114 = arith.constant 0 : i32
        %dma_wait3A_1115 = arith.constant 0 : i32
        %dma_wait3A_1116 = tpu.memref_slice %arg10[%dma_wait3A_1114, %dma_wait3A_1115] : memref<50008x32xbf16, #tpu.memory_space<vmem_shared>> -> memref<50008x32xbf16, #tpu.memory_space<vmem_shared>>
        tpu.wait_indirect_dma semaphore(%run_scoped3A_1096 : memref<!tpu.dma_semaphore, #tpu.memory_space<semaphore_mem>>) src(%dma_wait3A_1110 : memref<128x32xbf16, #tpu.memory_space<vmem>>) dst(%dma_wait3A_1116 : memref<50008x32xbf16, #tpu.memory_space<vmem_shared>>)
        tpu.yield
      }) : () -> ()
      %run_scoped3A_1076 = arith.constant 1 : i32
      %run_scoped3A_1077 = arith.constant 13 : i32
      %run_scoped3A_1078 = arith.constant 1 : i32
      %run_scoped3A_1079 = arith.constant 13 : i32
      "tpu.region"() ({
        %run_scoped3A_1096 = tpu.sem_alloc : memref<!tpu.dma_semaphore, #tpu.memory_space<semaphore_mem>>
        %dma_start3A_1097 = arith.constant 0 : i32
        %dma_start3A_1098 = arith.constant 0 : i32
        %dma_start3A_1099 = tpu.memref_slice %arg8[%run_scoped3A_1076, %run_scoped3A_1077, %dma_start3A_1097, %dma_start3A_1098] : memref<2x16x128x32xbf16, #tpu.memory_space<vmem>> -> memref<1x1x128x32xbf16, #tpu.memory_space<vmem>>
        %dma_start3A_1100 = tpu.memref_squeeze %dma_start3A_1099 : memref<1x1x128x32xbf16, #tpu.memory_space<vmem>> -> memref<128x32xbf16, #tpu.memory_space<vmem>>
        %dma_start3A_1101 = arith.constant 0 : i32
        %dma_start3A_1102 = tpu.memref_slice %arg7[%run_scoped3A_1078, %run_scoped3A_1079, %dma_start3A_1101] : memref<2x16x128xi32, #tpu.memory_space<vmem>> -> memref<1x1x128xi32, #tpu.memory_space<vmem>>
        %dma_start3A_1103 = tpu.memref_squeeze %dma_start3A_1102 : memref<1x1x128xi32, #tpu.memory_space<vmem>> -> memref<128xi32, #tpu.memory_space<vmem>>
        %dma_start3A_1104 = arith.constant 0 : i32
        %dma_start3A_1105 = arith.constant 0 : i32
        %dma_start3A_1106 = tpu.memref_slice %arg10[%dma_start3A_1104, %dma_start3A_1105] : memref<50008x32xbf16, #tpu.memory_space<vmem_shared>> -> memref<50008x32xbf16, #tpu.memory_space<vmem_shared>>
        tpu.enqueue_indirect_dma source(%dma_start3A_1100 : memref<128x32xbf16, #tpu.memory_space<vmem>>) target(%dma_start3A_1106 : memref<50008x32xbf16, #tpu.memory_space<vmem_shared>>) offsets(%dma_start3A_1103 : memref<128xi32, #tpu.memory_space<vmem>>) semaphore(%run_scoped3A_1096 : memref<!tpu.dma_semaphore, #tpu.memory_space<semaphore_mem>>) {add = true}
        %dma_wait3A_1107 = arith.constant 0 : i32
        %dma_wait3A_1108 = arith.constant 0 : i32
        %dma_wait3A_1109 = tpu.memref_slice %arg8[%run_scoped3A_1076, %run_scoped3A_1077, %dma_wait3A_1107, %dma_wait3A_1108] : memref<2x16x128x32xbf16, #tpu.memory_space<vmem>> -> memref<1x1x128x32xbf16, #tpu.memory_space<vmem>>
        %dma_wait3A_1110 = tpu.memref_squeeze %dma_wait3A_1109 : memref<1x1x128x32xbf16, #tpu.memory_space<vmem>> -> memref<128x32xbf16, #tpu.memory_space<vmem>>
        %dma_wait3A_1111 = arith.constant 0 : i32
        %dma_wait3A_1112 = tpu.memref_slice %arg7[%run_scoped3A_1078, %run_scoped3A_1079, %dma_wait3A_1111] : memref<2x16x128xi32, #tpu.memory_space<vmem>> -> memref<1x1x128xi32, #tpu.memory_space<vmem>>
        %dma_wait3A_1113 = tpu.memref_squeeze %dma_wait3A_1112 : memref<1x1x128xi32, #tpu.memory_space<vmem>> -> memref<128xi32, #tpu.memory_space<vmem>>
        %dma_wait3A_1114 = arith.constant 0 : i32
        %dma_wait3A_1115 = arith.constant 0 : i32
        %dma_wait3A_1116 = tpu.memref_slice %arg10[%dma_wait3A_1114, %dma_wait3A_1115] : memref<50008x32xbf16, #tpu.memory_space<vmem_shared>> -> memref<50008x32xbf16, #tpu.memory_space<vmem_shared>>
        tpu.wait_indirect_dma semaphore(%run_scoped3A_1096 : memref<!tpu.dma_semaphore, #tpu.memory_space<semaphore_mem>>) src(%dma_wait3A_1110 : memref<128x32xbf16, #tpu.memory_space<vmem>>) dst(%dma_wait3A_1116 : memref<50008x32xbf16, #tpu.memory_space<vmem_shared>>)
        tpu.yield
      }) : () -> ()
      %run_scoped3A_1080 = arith.constant 1 : i32
      %run_scoped3A_1081 = arith.constant 14 : i32
      %run_scoped3A_1082 = arith.constant 1 : i32
      %run_scoped3A_1083 = arith.constant 14 : i32
      "tpu.region"() ({
        %run_scoped3A_1096 = tpu.sem_alloc : memref<!tpu.dma_semaphore, #tpu.memory_space<semaphore_mem>>
        %dma_start3A_1097 = arith.constant 0 : i32
        %dma_start3A_1098 = arith.constant 0 : i32
        %dma_start3A_1099 = tpu.memref_slice %arg8[%run_scoped3A_1080, %run_scoped3A_1081, %dma_start3A_1097, %dma_start3A_1098] : memref<2x16x128x32xbf16, #tpu.memory_space<vmem>> -> memref<1x1x128x32xbf16, #tpu.memory_space<vmem>>
        %dma_start3A_1100 = tpu.memref_squeeze %dma_start3A_1099 : memref<1x1x128x32xbf16, #tpu.memory_space<vmem>> -> memref<128x32xbf16, #tpu.memory_space<vmem>>
        %dma_start3A_1101 = arith.constant 0 : i32
        %dma_start3A_1102 = tpu.memref_slice %arg7[%run_scoped3A_1082, %run_scoped3A_1083, %dma_start3A_1101] : memref<2x16x128xi32, #tpu.memory_space<vmem>> -> memref<1x1x128xi32, #tpu.memory_space<vmem>>
        %dma_start3A_1103 = tpu.memref_squeeze %dma_start3A_1102 : memref<1x1x128xi32, #tpu.memory_space<vmem>> -> memref<128xi32, #tpu.memory_space<vmem>>
        %dma_start3A_1104 = arith.constant 0 : i32
        %dma_start3A_1105 = arith.constant 0 : i32
        %dma_start3A_1106 = tpu.memref_slice %arg10[%dma_start3A_1104, %dma_start3A_1105] : memref<50008x32xbf16, #tpu.memory_space<vmem_shared>> -> memref<50008x32xbf16, #tpu.memory_space<vmem_shared>>
        tpu.enqueue_indirect_dma source(%dma_start3A_1100 : memref<128x32xbf16, #tpu.memory_space<vmem>>) target(%dma_start3A_1106 : memref<50008x32xbf16, #tpu.memory_space<vmem_shared>>) offsets(%dma_start3A_1103 : memref<128xi32, #tpu.memory_space<vmem>>) semaphore(%run_scoped3A_1096 : memref<!tpu.dma_semaphore, #tpu.memory_space<semaphore_mem>>) {add = true}
        %dma_wait3A_1107 = arith.constant 0 : i32
        %dma_wait3A_1108 = arith.constant 0 : i32
        %dma_wait3A_1109 = tpu.memref_slice %arg8[%run_scoped3A_1080, %run_scoped3A_1081, %dma_wait3A_1107, %dma_wait3A_1108] : memref<2x16x128x32xbf16, #tpu.memory_space<vmem>> -> memref<1x1x128x32xbf16, #tpu.memory_space<vmem>>
        %dma_wait3A_1110 = tpu.memref_squeeze %dma_wait3A_1109 : memref<1x1x128x32xbf16, #tpu.memory_space<vmem>> -> memref<128x32xbf16, #tpu.memory_space<vmem>>
        %dma_wait3A_1111 = arith.constant 0 : i32
        %dma_wait3A_1112 = tpu.memref_slice %arg7[%run_scoped3A_1082, %run_scoped3A_1083, %dma_wait3A_1111] : memref<2x16x128xi32, #tpu.memory_space<vmem>> -> memref<1x1x128xi32, #tpu.memory_space<vmem>>
        %dma_wait3A_1113 = tpu.memref_squeeze %dma_wait3A_1112 : memref<1x1x128xi32, #tpu.memory_space<vmem>> -> memref<128xi32, #tpu.memory_space<vmem>>
        %dma_wait3A_1114 = arith.constant 0 : i32
        %dma_wait3A_1115 = arith.constant 0 : i32
        %dma_wait3A_1116 = tpu.memref_slice %arg10[%dma_wait3A_1114, %dma_wait3A_1115] : memref<50008x32xbf16, #tpu.memory_space<vmem_shared>> -> memref<50008x32xbf16, #tpu.memory_space<vmem_shared>>
        tpu.wait_indirect_dma semaphore(%run_scoped3A_1096 : memref<!tpu.dma_semaphore, #tpu.memory_space<semaphore_mem>>) src(%dma_wait3A_1110 : memref<128x32xbf16, #tpu.memory_space<vmem>>) dst(%dma_wait3A_1116 : memref<50008x32xbf16, #tpu.memory_space<vmem_shared>>)
        tpu.yield
      }) : () -> ()
      %run_scoped3A_1084 = arith.constant 1 : i32
      %run_scoped3A_1085 = arith.constant 15 : i32
      %run_scoped3A_1086 = arith.constant 1 : i32
      %run_scoped3A_1087 = arith.constant 15 : i32
      "tpu.region"() ({
        %run_scoped3A_1096 = tpu.sem_alloc : memref<!tpu.dma_semaphore, #tpu.memory_space<semaphore_mem>>
        %dma_start3A_1097 = arith.constant 0 : i32
        %dma_start3A_1098 = arith.constant 0 : i32
        %dma_start3A_1099 = tpu.memref_slice %arg8[%run_scoped3A_1084, %run_scoped3A_1085, %dma_start3A_1097, %dma_start3A_1098] : memref<2x16x128x32xbf16, #tpu.memory_space<vmem>> -> memref<1x1x128x32xbf16, #tpu.memory_space<vmem>>
        %dma_start3A_1100 = tpu.memref_squeeze %dma_start3A_1099 : memref<1x1x128x32xbf16, #tpu.memory_space<vmem>> -> memref<128x32xbf16, #tpu.memory_space<vmem>>
        %dma_start3A_1101 = arith.constant 0 : i32
        %dma_start3A_1102 = tpu.memref_slice %arg7[%run_scoped3A_1086, %run_scoped3A_1087, %dma_start3A_1101] : memref<2x16x128xi32, #tpu.memory_space<vmem>> -> memref<1x1x128xi32, #tpu.memory_space<vmem>>
        %dma_start3A_1103 = tpu.memref_squeeze %dma_start3A_1102 : memref<1x1x128xi32, #tpu.memory_space<vmem>> -> memref<128xi32, #tpu.memory_space<vmem>>
        %dma_start3A_1104 = arith.constant 0 : i32
        %dma_start3A_1105 = arith.constant 0 : i32
        %dma_start3A_1106 = tpu.memref_slice %arg10[%dma_start3A_1104, %dma_start3A_1105] : memref<50008x32xbf16, #tpu.memory_space<vmem_shared>> -> memref<50008x32xbf16, #tpu.memory_space<vmem_shared>>
        tpu.enqueue_indirect_dma source(%dma_start3A_1100 : memref<128x32xbf16, #tpu.memory_space<vmem>>) target(%dma_start3A_1106 : memref<50008x32xbf16, #tpu.memory_space<vmem_shared>>) offsets(%dma_start3A_1103 : memref<128xi32, #tpu.memory_space<vmem>>) semaphore(%run_scoped3A_1096 : memref<!tpu.dma_semaphore, #tpu.memory_space<semaphore_mem>>) {add = true}
        %dma_wait3A_1107 = arith.constant 0 : i32
        %dma_wait3A_1108 = arith.constant 0 : i32
        %dma_wait3A_1109 = tpu.memref_slice %arg8[%run_scoped3A_1084, %run_scoped3A_1085, %dma_wait3A_1107, %dma_wait3A_1108] : memref<2x16x128x32xbf16, #tpu.memory_space<vmem>> -> memref<1x1x128x32xbf16, #tpu.memory_space<vmem>>
        %dma_wait3A_1110 = tpu.memref_squeeze %dma_wait3A_1109 : memref<1x1x128x32xbf16, #tpu.memory_space<vmem>> -> memref<128x32xbf16, #tpu.memory_space<vmem>>
        %dma_wait3A_1111 = arith.constant 0 : i32
        %dma_wait3A_1112 = tpu.memref_slice %arg7[%run_scoped3A_1086, %run_scoped3A_1087, %dma_wait3A_1111] : memref<2x16x128xi32, #tpu.memory_space<vmem>> -> memref<1x1x128xi32, #tpu.memory_space<vmem>>
        %dma_wait3A_1113 = tpu.memref_squeeze %dma_wait3A_1112 : memref<1x1x128xi32, #tpu.memory_space<vmem>> -> memref<128xi32, #tpu.memory_space<vmem>>
        %dma_wait3A_1114 = arith.constant 0 : i32
        %dma_wait3A_1115 = arith.constant 0 : i32
        %dma_wait3A_1116 = tpu.memref_slice %arg10[%dma_wait3A_1114, %dma_wait3A_1115] : memref<50008x32xbf16, #tpu.memory_space<vmem_shared>> -> memref<50008x32xbf16, #tpu.memory_space<vmem_shared>>
        tpu.wait_indirect_dma semaphore(%run_scoped3A_1096 : memref<!tpu.dma_semaphore, #tpu.memory_space<semaphore_mem>>) src(%dma_wait3A_1110 : memref<128x32xbf16, #tpu.memory_space<vmem>>) dst(%dma_wait3A_1116 : memref<50008x32xbf16, #tpu.memory_space<vmem_shared>>)
        tpu.yield
      }) : () -> ()
      %add3A_1088 = arith.constant 2 : i32
      %add3A_1089 = arith.addi %add3A_799, %add3A_1088 : i32
      %lt3A_1090 = arith.constant 26 : i32
      %lt3A_1091 = arith.cmpi slt, %add3A_1089, %lt3A_1090 : i32
      %convert_element_type3A_1092 = arith.extui %lt3A_1091 : i1 to i32
      %cond3A_1093 = arith.constant 0 : i32
      %cond3A_1094 = arith.cmpi ne, %convert_element_type3A_1092, %cond3A_1093 : i32
      scf.if %cond3A_1094 {
        %add3A_1096 = arith.constant 2 : i32
        %add3A_1097 = arith.addi %add3A_799, %add3A_1096 : i32
        %run_scoped3A_1098 = arith.constant 1 : i32
        "tpu.region"() ({
          %run_scoped3A_1331 = tpu.sem_alloc : memref<!tpu.dma_semaphore, #tpu.memory_space<semaphore_mem>>
          %dma_start3A_1332 = arith.constant 0 : i32
          %dma_start3A_1333 = arith.constant 0 : i32
          %dma_start3A_1334 = tpu.memref_slice %arg6[%run_scoped3A_1098, %dma_start3A_1332, %dma_start3A_1333] : memref<2x16x128xi32, #tpu.memory_space<vmem>> -> memref<1x16x128xi32, #tpu.memory_space<vmem>>
          %dma_start3A_1335 = tpu.memref_squeeze %dma_start3A_1334 : memref<1x16x128xi32, #tpu.memory_space<vmem>> -> memref<16x128xi32, #tpu.memory_space<vmem>>
          %dma_start3A_1336 = arith.constant 0 : i32
          %dma_start3A_1337 = arith.constant 0 : i32
          %dma_start3A_1338 = tpu.memref_slice %arg3[%arg1, %add3A_1097, %dma_start3A_1336, %dma_start3A_1337] : memref<16x26x16x128xi32, #tpu.memory_space<hbm>> -> memref<1x1x16x128xi32, #tpu.memory_space<hbm>>
          %dma_start3A_1339 = tpu.memref_squeeze %dma_start3A_1338 : memref<1x1x16x128xi32, #tpu.memory_space<hbm>> -> memref<16x128xi32, #tpu.memory_space<hbm>>
          %dma_start3A_1340 = arith.constant 0 : i32
          %dma_start3A_1341 = arith.constant 0 : i32
          %dma_start3A_1342 = tpu.memref_slice %arg6[%run_scoped3A_1098, %dma_start3A_1340, %dma_start3A_1341] : memref<2x16x128xi32, #tpu.memory_space<vmem>> -> memref<1x16x128xi32, #tpu.memory_space<vmem>>
          %dma_start3A_1343 = tpu.memref_squeeze %dma_start3A_1342 : memref<1x16x128xi32, #tpu.memory_space<vmem>> -> memref<16x128xi32, #tpu.memory_space<vmem>>
          %dma_start3A_1344 = arith.constant 0 : i32
          %dma_start3A_1345 = arith.constant 0 : i32
          %dma_start3A_1346 = tpu.memref_slice %arg3[%arg1, %add3A_1097, %dma_start3A_1344, %dma_start3A_1345] : memref<16x26x16x128xi32, #tpu.memory_space<hbm>> -> memref<1x1x16x128xi32, #tpu.memory_space<hbm>>
          %dma_start3A_1347 = tpu.memref_squeeze %dma_start3A_1346 : memref<1x1x16x128xi32, #tpu.memory_space<hbm>> -> memref<16x128xi32, #tpu.memory_space<hbm>>
          tpu.enqueue_dma source(%dma_start3A_1347 : memref<16x128xi32, #tpu.memory_space<hbm>>) target(%dma_start3A_1343 : memref<16x128xi32, #tpu.memory_space<vmem>>) target_semaphore(%run_scoped3A_1331 : memref<!tpu.dma_semaphore, #tpu.memory_space<semaphore_mem>>)
          %dma_wait3A_1348 = arith.constant 0 : i32
          %dma_wait3A_1349 = arith.constant 0 : i32
          %dma_wait3A_1350 = tpu.memref_slice %arg6[%run_scoped3A_1098, %dma_wait3A_1348, %dma_wait3A_1349] : memref<2x16x128xi32, #tpu.memory_space<vmem>> -> memref<1x16x128xi32, #tpu.memory_space<vmem>>
          %dma_wait3A_1351 = tpu.memref_squeeze %dma_wait3A_1350 : memref<1x16x128xi32, #tpu.memory_space<vmem>> -> memref<16x128xi32, #tpu.memory_space<vmem>>
          %dma_wait3A_1352 = arith.constant 0 : i32
          %dma_wait3A_1353 = arith.constant 0 : i32
          %dma_wait3A_1354 = tpu.memref_slice %arg3[%arg1, %add3A_1097, %dma_wait3A_1352, %dma_wait3A_1353] : memref<16x26x16x128xi32, #tpu.memory_space<hbm>> -> memref<1x1x16x128xi32, #tpu.memory_space<hbm>>
          %dma_wait3A_1355 = tpu.memref_squeeze %dma_wait3A_1354 : memref<1x1x16x128xi32, #tpu.memory_space<hbm>> -> memref<16x128xi32, #tpu.memory_space<hbm>>
          %dma_wait3A_1356 = arith.constant 0 : i32
          %dma_wait3A_1357 = arith.constant 0 : i32
          %dma_wait3A_1358 = tpu.memref_slice %arg6[%run_scoped3A_1098, %dma_wait3A_1356, %dma_wait3A_1357] : memref<2x16x128xi32, #tpu.memory_space<vmem>> -> memref<1x16x128xi32, #tpu.memory_space<vmem>>
          %dma_wait3A_1359 = tpu.memref_squeeze %dma_wait3A_1358 : memref<1x16x128xi32, #tpu.memory_space<vmem>> -> memref<16x128xi32, #tpu.memory_space<vmem>>
          %dma_wait3A_1360 = arith.constant 0 : i32
          %dma_wait3A_1361 = arith.constant 0 : i32
          %dma_wait3A_1362 = tpu.memref_slice %arg3[%arg1, %add3A_1097, %dma_wait3A_1360, %dma_wait3A_1361] : memref<16x26x16x128xi32, #tpu.memory_space<hbm>> -> memref<1x1x16x128xi32, #tpu.memory_space<hbm>>
          %dma_wait3A_1363 = tpu.memref_squeeze %dma_wait3A_1362 : memref<1x1x16x128xi32, #tpu.memory_space<hbm>> -> memref<16x128xi32, #tpu.memory_space<hbm>>
          tpu.wait_dma2 semaphore(%run_scoped3A_1331 : memref<!tpu.dma_semaphore, #tpu.memory_space<semaphore_mem>>) src(%dma_wait3A_1363 : memref<16x128xi32, #tpu.memory_space<hbm>>) dst(%dma_wait3A_1359 : memref<16x128xi32, #tpu.memory_space<vmem>>)
          tpu.yield
        }) : () -> ()
        %run_scoped3A_1099 = arith.constant 1 : i32
        "tpu.region"() ({
          %run_scoped3A_1331 = tpu.sem_alloc : memref<!tpu.dma_semaphore, #tpu.memory_space<semaphore_mem>>
          %dma_start3A_1332 = arith.constant 0 : i32
          %dma_start3A_1333 = arith.constant 0 : i32
          %dma_start3A_1334 = tpu.memref_slice %arg7[%run_scoped3A_1099, %dma_start3A_1332, %dma_start3A_1333] : memref<2x16x128xi32, #tpu.memory_space<vmem>> -> memref<1x16x128xi32, #tpu.memory_space<vmem>>
          %dma_start3A_1335 = tpu.memref_squeeze %dma_start3A_1334 : memref<1x16x128xi32, #tpu.memory_space<vmem>> -> memref<16x128xi32, #tpu.memory_space<vmem>>
          %dma_start3A_1336 = arith.constant 0 : i32
          %dma_start3A_1337 = arith.constant 0 : i32
          %dma_start3A_1338 = tpu.memref_slice %arg4[%arg1, %add3A_1097, %dma_start3A_1336, %dma_start3A_1337] : memref<16x26x16x128xi32, #tpu.memory_space<hbm>> -> memref<1x1x16x128xi32, #tpu.memory_space<hbm>>
          %dma_start3A_1339 = tpu.memref_squeeze %dma_start3A_1338 : memref<1x1x16x128xi32, #tpu.memory_space<hbm>> -> memref<16x128xi32, #tpu.memory_space<hbm>>
          %dma_start3A_1340 = arith.constant 0 : i32
          %dma_start3A_1341 = arith.constant 0 : i32
          %dma_start3A_1342 = tpu.memref_slice %arg7[%run_scoped3A_1099, %dma_start3A_1340, %dma_start3A_1341] : memref<2x16x128xi32, #tpu.memory_space<vmem>> -> memref<1x16x128xi32, #tpu.memory_space<vmem>>
          %dma_start3A_1343 = tpu.memref_squeeze %dma_start3A_1342 : memref<1x16x128xi32, #tpu.memory_space<vmem>> -> memref<16x128xi32, #tpu.memory_space<vmem>>
          %dma_start3A_1344 = arith.constant 0 : i32
          %dma_start3A_1345 = arith.constant 0 : i32
          %dma_start3A_1346 = tpu.memref_slice %arg4[%arg1, %add3A_1097, %dma_start3A_1344, %dma_start3A_1345] : memref<16x26x16x128xi32, #tpu.memory_space<hbm>> -> memref<1x1x16x128xi32, #tpu.memory_space<hbm>>
          %dma_start3A_1347 = tpu.memref_squeeze %dma_start3A_1346 : memref<1x1x16x128xi32, #tpu.memory_space<hbm>> -> memref<16x128xi32, #tpu.memory_space<hbm>>
          tpu.enqueue_dma source(%dma_start3A_1347 : memref<16x128xi32, #tpu.memory_space<hbm>>) target(%dma_start3A_1343 : memref<16x128xi32, #tpu.memory_space<vmem>>) target_semaphore(%run_scoped3A_1331 : memref<!tpu.dma_semaphore, #tpu.memory_space<semaphore_mem>>)
          %dma_wait3A_1348 = arith.constant 0 : i32
          %dma_wait3A_1349 = arith.constant 0 : i32
          %dma_wait3A_1350 = tpu.memref_slice %arg7[%run_scoped3A_1099, %dma_wait3A_1348, %dma_wait3A_1349] : memref<2x16x128xi32, #tpu.memory_space<vmem>> -> memref<1x16x128xi32, #tpu.memory_space<vmem>>
          %dma_wait3A_1351 = tpu.memref_squeeze %dma_wait3A_1350 : memref<1x16x128xi32, #tpu.memory_space<vmem>> -> memref<16x128xi32, #tpu.memory_space<vmem>>
          %dma_wait3A_1352 = arith.constant 0 : i32
          %dma_wait3A_1353 = arith.constant 0 : i32
          %dma_wait3A_1354 = tpu.memref_slice %arg4[%arg1, %add3A_1097, %dma_wait3A_1352, %dma_wait3A_1353] : memref<16x26x16x128xi32, #tpu.memory_space<hbm>> -> memref<1x1x16x128xi32, #tpu.memory_space<hbm>>
          %dma_wait3A_1355 = tpu.memref_squeeze %dma_wait3A_1354 : memref<1x1x16x128xi32, #tpu.memory_space<hbm>> -> memref<16x128xi32, #tpu.memory_space<hbm>>
          %dma_wait3A_1356 = arith.constant 0 : i32
          %dma_wait3A_1357 = arith.constant 0 : i32
          %dma_wait3A_1358 = tpu.memref_slice %arg7[%run_scoped3A_1099, %dma_wait3A_1356, %dma_wait3A_1357] : memref<2x16x128xi32, #tpu.memory_space<vmem>> -> memref<1x16x128xi32, #tpu.memory_space<vmem>>
          %dma_wait3A_1359 = tpu.memref_squeeze %dma_wait3A_1358 : memref<1x16x128xi32, #tpu.memory_space<vmem>> -> memref<16x128xi32, #tpu.memory_space<vmem>>
          %dma_wait3A_1360 = arith.constant 0 : i32
          %dma_wait3A_1361 = arith.constant 0 : i32
          %dma_wait3A_1362 = tpu.memref_slice %arg4[%arg1, %add3A_1097, %dma_wait3A_1360, %dma_wait3A_1361] : memref<16x26x16x128xi32, #tpu.memory_space<hbm>> -> memref<1x1x16x128xi32, #tpu.memory_space<hbm>>
          %dma_wait3A_1363 = tpu.memref_squeeze %dma_wait3A_1362 : memref<1x1x16x128xi32, #tpu.memory_space<hbm>> -> memref<16x128xi32, #tpu.memory_space<hbm>>
          tpu.wait_dma2 semaphore(%run_scoped3A_1331 : memref<!tpu.dma_semaphore, #tpu.memory_space<semaphore_mem>>) src(%dma_wait3A_1363 : memref<16x128xi32, #tpu.memory_space<hbm>>) dst(%dma_wait3A_1359 : memref<16x128xi32, #tpu.memory_space<vmem>>)
          tpu.yield
        }) : () -> ()
        %scan3A_1100 = arith.constant 0 : i32
        %scan3A_1101 = arith.constant 0 : i32
        %scan3A_1102 = arith.constant 16 : i32
        %scan3A_1103 = arith.addi %scan3A_1101, %scan3A_1102 : i32
        %scan3A_1104 = arith.constant 1 : i32
        %scan3A_1105 = scf.for %scan3A_1331 = %scan3A_1101 to %scan3A_1103 step %scan3A_1104 iter_args(%scan3A_1332 = %scan3A_1100) -> (i32)  : i32 {
          %scan3A_1333 = arith.constant 0 : i32
          %scan3A_1334 = arith.constant 0 : i32
          %scan3A_1335 = arith.constant 8 : i32
          %scan3A_1336 = arith.addi %scan3A_1334, %scan3A_1335 : i32
          %scan3A_1337 = arith.constant 1 : i32
          %scan3A_1338 = scf.for %scan3A_1341 = %scan3A_1334 to %scan3A_1336 step %scan3A_1337 iter_args(%scan3A_1342 = %scan3A_1333) -> (i32)  : i32 {
            %mul3A_1343 = arith.constant 16 : i32
            %mul3A_1344 = arith.muli %scan3A_1341, %mul3A_1343 : i32
            %get3A = arith.constant 1 : i32
            %get3A_1345 = arith.index_cast %get3A : i32 to index
            %get3A_1346 = arith.index_cast %scan3A_1331 : i32 to index
            %get3A_1347 = arith.index_cast %mul3A_1344 : i32 to index
            %get3A_1348 = tpu.vector_load %arg6[%get3A_1345, %get3A_1346, %get3A_1347] {strides = array<i32>} : memref<2x16x128xi32, #tpu.memory_space<vmem>>, vector<1x1x16xi32>,
            %get3A_1349 = vector.shape_cast %get3A_1348 : vector<1x1x16xi32> to vector<16xi32>
            %add3A_1350 = vector.broadcast %mul3A_13 : i32 to vector<16xi32>
            %add3A_1351 = arith.addi %get3A_1349, %add3A_1350 : vector<16xi32>
            %mul3A_1352 = arith.constant 16 : i32
            %mul3A_1353 = arith.muli %scan3A_1341, %mul3A_1352 : i32
            %swap3A = arith.constant 1 : i32
            %swap3A_1354 = arith.index_cast %swap3A : i32 to index
            %swap3A_1355 = arith.index_cast %scan3A_1331 : i32 to index
            %swap3A_1356 = arith.index_cast %mul3A_1353 : i32 to index
            %swap3A_1357 = tpu.vector_load %arg6[%swap3A_1354, %swap3A_1355, %swap3A_1356] {strides = array<i32>} : memref<2x16x128xi32, #tpu.memory_space<vmem>>, vector<1x1x16xi32>,
            %swap3A_1358 = vector.shape_cast %swap3A_1357 : vector<1x1x16xi32> to vector<16xi32>
            %swap3A_1359 = vector.shape_cast %add3A_1351 : vector<16xi32> to vector<1x1x16xi32>
            tpu.vector_store %arg6[%swap3A_1354, %swap3A_1355, %swap3A_1356], %swap3A_1359 {strides = array<i32>} : memref<2x16x128xi32, #tpu.memory_space<vmem>>, vector<1x1x16xi32>,
            %scan3A_1360 = arith.constant 0 : i32
            scf.yield %scan3A_1360 : i32
          }
          %scan3A_1339 = arith.constant 8 : i32
          %scan3A_1340 = arith.constant 0 : i32
          scf.yield %scan3A_1340 : i32
        }
        %scan3A_1106 = arith.constant 16 : i32
        %dma_start3A_1107 = arith.constant 1 : i32
        %dma_start3A_1108 = arith.constant 0 : i32
        %dma_start3A_1109 = arith.constant 1 : i32
        %dma_start3A_1110 = arith.constant 0 : i32
        %dma_start3A_1111 = arith.constant 0 : i32
        %dma_start3A_1112 = arith.constant 0 : i32
        %dma_start3A_1113 = tpu.memref_slice %arg8[%dma_start3A_1109, %dma_start3A_1110, %dma_start3A_1111, %dma_start3A_1112] : memref<2x16x128x32xbf16, #tpu.memory_space<vmem>> -> memref<1x1x128x32xbf16, #tpu.memory_space<vmem>>
        %dma_start3A_1114 = tpu.memref_squeeze %dma_start3A_1113 : memref<1x1x128x32xbf16, #tpu.memory_space<vmem>> -> memref<128x32xbf16, #tpu.memory_space<vmem>>
        %dma_start3A_1115 = arith.constant 0 : i32
        %dma_start3A_1116 = tpu.memref_slice %arg6[%dma_start3A_1107, %dma_start3A_1108, %dma_start3A_1115] : memref<2x16x128xi32, #tpu.memory_space<vmem>> -> memref<1x1x128xi32, #tpu.memory_space<vmem>>
        %dma_start3A_1117 = tpu.memref_squeeze %dma_start3A_1116 : memref<1x1x128xi32, #tpu.memory_space<vmem>> -> memref<128xi32, #tpu.memory_space<vmem>>
        %dma_start3A_1118 = arith.constant 0 : i32
        %dma_start3A_1119 = arith.constant 0 : i32
        %dma_start3A_1120 = tpu.memref_slice %arg2[%dma_start3A_1118, %dma_start3A_1119] : memref<100000x32xbf16, #tpu.memory_space<hbm>> -> memref<100000x32xbf16, #tpu.memory_space<hbm>>
        tpu.enqueue_indirect_dma source(%dma_start3A_1120 : memref<100000x32xbf16, #tpu.memory_space<hbm>>) target(%dma_start3A_1114 : memref<128x32xbf16, #tpu.memory_space<vmem>>) offsets(%dma_start3A_1117 : memref<128xi32, #tpu.memory_space<vmem>>) semaphore(%arg12 : memref<!tpu.dma_semaphore, #tpu.memory_space<semaphore_mem>>)
        %dma_start3A_1121 = arith.constant 1 : i32
        %dma_start3A_1122 = arith.constant 1 : i32
        %dma_start3A_1123 = arith.constant 1 : i32
        %dma_start3A_1124 = arith.constant 1 : i32
        %dma_start3A_1125 = arith.constant 0 : i32
        %dma_start3A_1126 = arith.constant 0 : i32
        %dma_start3A_1127 = tpu.memref_slice %arg8[%dma_start3A_1123, %dma_start3A_1124, %dma_start3A_1125, %dma_start3A_1126] : memref<2x16x128x32xbf16, #tpu.memory_space<vmem>> -> memref<1x1x128x32xbf16, #tpu.memory_space<vmem>>
        %dma_start3A_1128 = tpu.memref_squeeze %dma_start3A_1127 : memref<1x1x128x32xbf16, #tpu.memory_space<vmem>> -> memref<128x32xbf16, #tpu.memory_space<vmem>>
        %dma_start3A_1129 = arith.constant 0 : i32
        %dma_start3A_1130 = tpu.memref_slice %arg6[%dma_start3A_1121, %dma_start3A_1122, %dma_start3A_1129] : memref<2x16x128xi32, #tpu.memory_space<vmem>> -> memref<1x1x128xi32, #tpu.memory_space<vmem>>
        %dma_start3A_1131 = tpu.memref_squeeze %dma_start3A_1130 : memref<1x1x128xi32, #tpu.memory_space<vmem>> -> memref<128xi32, #tpu.memory_space<vmem>>
        %dma_start3A_1132 = arith.constant 0 : i32
        %dma_start3A_1133 = arith.constant 0 : i32
        %dma_start3A_1134 = tpu.memref_slice %arg2[%dma_start3A_1132, %dma_start3A_1133] : memref<100000x32xbf16, #tpu.memory_space<hbm>> -> memref<100000x32xbf16, #tpu.memory_space<hbm>>
        tpu.enqueue_indirect_dma source(%dma_start3A_1134 : memref<100000x32xbf16, #tpu.memory_space<hbm>>) target(%dma_start3A_1128 : memref<128x32xbf16, #tpu.memory_space<vmem>>) offsets(%dma_start3A_1131 : memref<128xi32, #tpu.memory_space<vmem>>) semaphore(%arg12 : memref<!tpu.dma_semaphore, #tpu.memory_space<semaphore_mem>>)
        %dma_start3A_1135 = arith.constant 1 : i32
        %dma_start3A_1136 = arith.constant 2 : i32
        %dma_start3A_1137 = arith.constant 1 : i32
        %dma_start3A_1138 = arith.constant 2 : i32
        %dma_start3A_1139 = arith.constant 0 : i32
        %dma_start3A_1140 = arith.constant 0 : i32
        %dma_start3A_1141 = tpu.memref_slice %arg8[%dma_start3A_1137, %dma_start3A_1138, %dma_start3A_1139, %dma_start3A_1140] : memref<2x16x128x32xbf16, #tpu.memory_space<vmem>> -> memref<1x1x128x32xbf16, #tpu.memory_space<vmem>>
        %dma_start3A_1142 = tpu.memref_squeeze %dma_start3A_1141 : memref<1x1x128x32xbf16, #tpu.memory_space<vmem>> -> memref<128x32xbf16, #tpu.memory_space<vmem>>
        %dma_start3A_1143 = arith.constant 0 : i32
        %dma_start3A_1144 = tpu.memref_slice %arg6[%dma_start3A_1135, %dma_start3A_1136, %dma_start3A_1143] : memref<2x16x128xi32, #tpu.memory_space<vmem>> -> memref<1x1x128xi32, #tpu.memory_space<vmem>>
        %dma_start3A_1145 = tpu.memref_squeeze %dma_start3A_1144 : memref<1x1x128xi32, #tpu.memory_space<vmem>> -> memref<128xi32, #tpu.memory_space<vmem>>
        %dma_start3A_1146 = arith.constant 0 : i32
        %dma_start3A_1147 = arith.constant 0 : i32
        %dma_start3A_1148 = tpu.memref_slice %arg2[%dma_start3A_1146, %dma_start3A_1147] : memref<100000x32xbf16, #tpu.memory_space<hbm>> -> memref<100000x32xbf16, #tpu.memory_space<hbm>>
        tpu.enqueue_indirect_dma source(%dma_start3A_1148 : memref<100000x32xbf16, #tpu.memory_space<hbm>>) target(%dma_start3A_1142 : memref<128x32xbf16, #tpu.memory_space<vmem>>) offsets(%dma_start3A_1145 : memref<128xi32, #tpu.memory_space<vmem>>) semaphore(%arg12 : memref<!tpu.dma_semaphore, #tpu.memory_space<semaphore_mem>>)
        %dma_start3A_1149 = arith.constant 1 : i32
        %dma_start3A_1150 = arith.constant 3 : i32
        %dma_start3A_1151 = arith.constant 1 : i32
        %dma_start3A_1152 = arith.constant 3 : i32
        %dma_start3A_1153 = arith.constant 0 : i32
        %dma_start3A_1154 = arith.constant 0 : i32
        %dma_start3A_1155 = tpu.memref_slice %arg8[%dma_start3A_1151, %dma_start3A_1152, %dma_start3A_1153, %dma_start3A_1154] : memref<2x16x128x32xbf16, #tpu.memory_space<vmem>> -> memref<1x1x128x32xbf16, #tpu.memory_space<vmem>>
        %dma_start3A_1156 = tpu.memref_squeeze %dma_start3A_1155 : memref<1x1x128x32xbf16, #tpu.memory_space<vmem>> -> memref<128x32xbf16, #tpu.memory_space<vmem>>
        %dma_start3A_1157 = arith.constant 0 : i32
        %dma_start3A_1158 = tpu.memref_slice %arg6[%dma_start3A_1149, %dma_start3A_1150, %dma_start3A_1157] : memref<2x16x128xi32, #tpu.memory_space<vmem>> -> memref<1x1x128xi32, #tpu.memory_space<vmem>>
        %dma_start3A_1159 = tpu.memref_squeeze %dma_start3A_1158 : memref<1x1x128xi32, #tpu.memory_space<vmem>> -> memref<128xi32, #tpu.memory_space<vmem>>
        %dma_start3A_1160 = arith.constant 0 : i32
        %dma_start3A_1161 = arith.constant 0 : i32
        %dma_start3A_1162 = tpu.memref_slice %arg2[%dma_start3A_1160, %dma_start3A_1161] : memref<100000x32xbf16, #tpu.memory_space<hbm>> -> memref<100000x32xbf16, #tpu.memory_space<hbm>>
        tpu.enqueue_indirect_dma source(%dma_start3A_1162 : memref<100000x32xbf16, #tpu.memory_space<hbm>>) target(%dma_start3A_1156 : memref<128x32xbf16, #tpu.memory_space<vmem>>) offsets(%dma_start3A_1159 : memref<128xi32, #tpu.memory_space<vmem>>) semaphore(%arg12 : memref<!tpu.dma_semaphore, #tpu.memory_space<semaphore_mem>>)
        %dma_start3A_1163 = arith.constant 1 : i32
        %dma_start3A_1164 = arith.constant 4 : i32
        %dma_start3A_1165 = arith.constant 1 : i32
        %dma_start3A_1166 = arith.constant 4 : i32
        %dma_start3A_1167 = arith.constant 0 : i32
        %dma_start3A_1168 = arith.constant 0 : i32
        %dma_start3A_1169 = tpu.memref_slice %arg8[%dma_start3A_1165, %dma_start3A_1166, %dma_start3A_1167, %dma_start3A_1168] : memref<2x16x128x32xbf16, #tpu.memory_space<vmem>> -> memref<1x1x128x32xbf16, #tpu.memory_space<vmem>>
        %dma_start3A_1170 = tpu.memref_squeeze %dma_start3A_1169 : memref<1x1x128x32xbf16, #tpu.memory_space<vmem>> -> memref<128x32xbf16, #tpu.memory_space<vmem>>
        %dma_start3A_1171 = arith.constant 0 : i32
        %dma_start3A_1172 = tpu.memref_slice %arg6[%dma_start3A_1163, %dma_start3A_1164, %dma_start3A_1171] : memref<2x16x128xi32, #tpu.memory_space<vmem>> -> memref<1x1x128xi32, #tpu.memory_space<vmem>>
        %dma_start3A_1173 = tpu.memref_squeeze %dma_start3A_1172 : memref<1x1x128xi32, #tpu.memory_space<vmem>> -> memref<128xi32, #tpu.memory_space<vmem>>
        %dma_start3A_1174 = arith.constant 0 : i32
        %dma_start3A_1175 = arith.constant 0 : i32
        %dma_start3A_1176 = tpu.memref_slice %arg2[%dma_start3A_1174, %dma_start3A_1175] : memref<100000x32xbf16, #tpu.memory_space<hbm>> -> memref<100000x32xbf16, #tpu.memory_space<hbm>>
        tpu.enqueue_indirect_dma source(%dma_start3A_1176 : memref<100000x32xbf16, #tpu.memory_space<hbm>>) target(%dma_start3A_1170 : memref<128x32xbf16, #tpu.memory_space<vmem>>) offsets(%dma_start3A_1173 : memref<128xi32, #tpu.memory_space<vmem>>) semaphore(%arg12 : memref<!tpu.dma_semaphore, #tpu.memory_space<semaphore_mem>>)
        %dma_start3A_1177 = arith.constant 1 : i32
        %dma_start3A_1178 = arith.constant 5 : i32
        %dma_start3A_1179 = arith.constant 1 : i32
        %dma_start3A_1180 = arith.constant 5 : i32
        %dma_start3A_1181 = arith.constant 0 : i32
        %dma_start3A_1182 = arith.constant 0 : i32
        %dma_start3A_1183 = tpu.memref_slice %arg8[%dma_start3A_1179, %dma_start3A_1180, %dma_start3A_1181, %dma_start3A_1182] : memref<2x16x128x32xbf16, #tpu.memory_space<vmem>> -> memref<1x1x128x32xbf16, #tpu.memory_space<vmem>>
        %dma_start3A_1184 = tpu.memref_squeeze %dma_start3A_1183 : memref<1x1x128x32xbf16, #tpu.memory_space<vmem>> -> memref<128x32xbf16, #tpu.memory_space<vmem>>
        %dma_start3A_1185 = arith.constant 0 : i32
        %dma_start3A_1186 = tpu.memref_slice %arg6[%dma_start3A_1177, %dma_start3A_1178, %dma_start3A_1185] : memref<2x16x128xi32, #tpu.memory_space<vmem>> -> memref<1x1x128xi32, #tpu.memory_space<vmem>>
        %dma_start3A_1187 = tpu.memref_squeeze %dma_start3A_1186 : memref<1x1x128xi32, #tpu.memory_space<vmem>> -> memref<128xi32, #tpu.memory_space<vmem>>
        %dma_start3A_1188 = arith.constant 0 : i32
        %dma_start3A_1189 = arith.constant 0 : i32
        %dma_start3A_1190 = tpu.memref_slice %arg2[%dma_start3A_1188, %dma_start3A_1189] : memref<100000x32xbf16, #tpu.memory_space<hbm>> -> memref<100000x32xbf16, #tpu.memory_space<hbm>>
        tpu.enqueue_indirect_dma source(%dma_start3A_1190 : memref<100000x32xbf16, #tpu.memory_space<hbm>>) target(%dma_start3A_1184 : memref<128x32xbf16, #tpu.memory_space<vmem>>) offsets(%dma_start3A_1187 : memref<128xi32, #tpu.memory_space<vmem>>) semaphore(%arg12 : memref<!tpu.dma_semaphore, #tpu.memory_space<semaphore_mem>>)
        %dma_start3A_1191 = arith.constant 1 : i32
        %dma_start3A_1192 = arith.constant 6 : i32
        %dma_start3A_1193 = arith.constant 1 : i32
        %dma_start3A_1194 = arith.constant 6 : i32
        %dma_start3A_1195 = arith.constant 0 : i32
        %dma_start3A_1196 = arith.constant 0 : i32
        %dma_start3A_1197 = tpu.memref_slice %arg8[%dma_start3A_1193, %dma_start3A_1194, %dma_start3A_1195, %dma_start3A_1196] : memref<2x16x128x32xbf16, #tpu.memory_space<vmem>> -> memref<1x1x128x32xbf16, #tpu.memory_space<vmem>>
        %dma_start3A_1198 = tpu.memref_squeeze %dma_start3A_1197 : memref<1x1x128x32xbf16, #tpu.memory_space<vmem>> -> memref<128x32xbf16, #tpu.memory_space<vmem>>
        %dma_start3A_1199 = arith.constant 0 : i32
        %dma_start3A_1200 = tpu.memref_slice %arg6[%dma_start3A_1191, %dma_start3A_1192, %dma_start3A_1199] : memref<2x16x128xi32, #tpu.memory_space<vmem>> -> memref<1x1x128xi32, #tpu.memory_space<vmem>>
        %dma_start3A_1201 = tpu.memref_squeeze %dma_start3A_1200 : memref<1x1x128xi32, #tpu.memory_space<vmem>> -> memref<128xi32, #tpu.memory_space<vmem>>
        %dma_start3A_1202 = arith.constant 0 : i32
        %dma_start3A_1203 = arith.constant 0 : i32
        %dma_start3A_1204 = tpu.memref_slice %arg2[%dma_start3A_1202, %dma_start3A_1203] : memref<100000x32xbf16, #tpu.memory_space<hbm>> -> memref<100000x32xbf16, #tpu.memory_space<hbm>>
        tpu.enqueue_indirect_dma source(%dma_start3A_1204 : memref<100000x32xbf16, #tpu.memory_space<hbm>>) target(%dma_start3A_1198 : memref<128x32xbf16, #tpu.memory_space<vmem>>) offsets(%dma_start3A_1201 : memref<128xi32, #tpu.memory_space<vmem>>) semaphore(%arg12 : memref<!tpu.dma_semaphore, #tpu.memory_space<semaphore_mem>>)
        %dma_start3A_1205 = arith.constant 1 : i32
        %dma_start3A_1206 = arith.constant 7 : i32
        %dma_start3A_1207 = arith.constant 1 : i32
        %dma_start3A_1208 = arith.constant 7 : i32
        %dma_start3A_1209 = arith.constant 0 : i32
        %dma_start3A_1210 = arith.constant 0 : i32
        %dma_start3A_1211 = tpu.memref_slice %arg8[%dma_start3A_1207, %dma_start3A_1208, %dma_start3A_1209, %dma_start3A_1210] : memref<2x16x128x32xbf16, #tpu.memory_space<vmem>> -> memref<1x1x128x32xbf16, #tpu.memory_space<vmem>>
        %dma_start3A_1212 = tpu.memref_squeeze %dma_start3A_1211 : memref<1x1x128x32xbf16, #tpu.memory_space<vmem>> -> memref<128x32xbf16, #tpu.memory_space<vmem>>
        %dma_start3A_1213 = arith.constant 0 : i32
        %dma_start3A_1214 = tpu.memref_slice %arg6[%dma_start3A_1205, %dma_start3A_1206, %dma_start3A_1213] : memref<2x16x128xi32, #tpu.memory_space<vmem>> -> memref<1x1x128xi32, #tpu.memory_space<vmem>>
        %dma_start3A_1215 = tpu.memref_squeeze %dma_start3A_1214 : memref<1x1x128xi32, #tpu.memory_space<vmem>> -> memref<128xi32, #tpu.memory_space<vmem>>
        %dma_start3A_1216 = arith.constant 0 : i32
        %dma_start3A_1217 = arith.constant 0 : i32
        %dma_start3A_1218 = tpu.memref_slice %arg2[%dma_start3A_1216, %dma_start3A_1217] : memref<100000x32xbf16, #tpu.memory_space<hbm>> -> memref<100000x32xbf16, #tpu.memory_space<hbm>>
        tpu.enqueue_indirect_dma source(%dma_start3A_1218 : memref<100000x32xbf16, #tpu.memory_space<hbm>>) target(%dma_start3A_1212 : memref<128x32xbf16, #tpu.memory_space<vmem>>) offsets(%dma_start3A_1215 : memref<128xi32, #tpu.memory_space<vmem>>) semaphore(%arg12 : memref<!tpu.dma_semaphore, #tpu.memory_space<semaphore_mem>>)
        %dma_start3A_1219 = arith.constant 1 : i32
        %dma_start3A_1220 = arith.constant 8 : i32
        %dma_start3A_1221 = arith.constant 1 : i32
        %dma_start3A_1222 = arith.constant 8 : i32
        %dma_start3A_1223 = arith.constant 0 : i32
        %dma_start3A_1224 = arith.constant 0 : i32
        %dma_start3A_1225 = tpu.memref_slice %arg8[%dma_start3A_1221, %dma_start3A_1222, %dma_start3A_1223, %dma_start3A_1224] : memref<2x16x128x32xbf16, #tpu.memory_space<vmem>> -> memref<1x1x128x32xbf16, #tpu.memory_space<vmem>>
        %dma_start3A_1226 = tpu.memref_squeeze %dma_start3A_1225 : memref<1x1x128x32xbf16, #tpu.memory_space<vmem>> -> memref<128x32xbf16, #tpu.memory_space<vmem>>
        %dma_start3A_1227 = arith.constant 0 : i32
        %dma_start3A_1228 = tpu.memref_slice %arg6[%dma_start3A_1219, %dma_start3A_1220, %dma_start3A_1227] : memref<2x16x128xi32, #tpu.memory_space<vmem>> -> memref<1x1x128xi32, #tpu.memory_space<vmem>>
        %dma_start3A_1229 = tpu.memref_squeeze %dma_start3A_1228 : memref<1x1x128xi32, #tpu.memory_space<vmem>> -> memref<128xi32, #tpu.memory_space<vmem>>
        %dma_start3A_1230 = arith.constant 0 : i32
        %dma_start3A_1231 = arith.constant 0 : i32
        %dma_start3A_1232 = tpu.memref_slice %arg2[%dma_start3A_1230, %dma_start3A_1231] : memref<100000x32xbf16, #tpu.memory_space<hbm>> -> memref<100000x32xbf16, #tpu.memory_space<hbm>>
        tpu.enqueue_indirect_dma source(%dma_start3A_1232 : memref<100000x32xbf16, #tpu.memory_space<hbm>>) target(%dma_start3A_1226 : memref<128x32xbf16, #tpu.memory_space<vmem>>) offsets(%dma_start3A_1229 : memref<128xi32, #tpu.memory_space<vmem>>) semaphore(%arg12 : memref<!tpu.dma_semaphore, #tpu.memory_space<semaphore_mem>>)
        %dma_start3A_1233 = arith.constant 1 : i32
        %dma_start3A_1234 = arith.constant 9 : i32
        %dma_start3A_1235 = arith.constant 1 : i32
        %dma_start3A_1236 = arith.constant 9 : i32
        %dma_start3A_1237 = arith.constant 0 : i32
        %dma_start3A_1238 = arith.constant 0 : i32
        %dma_start3A_1239 = tpu.memref_slice %arg8[%dma_start3A_1235, %dma_start3A_1236, %dma_start3A_1237, %dma_start3A_1238] : memref<2x16x128x32xbf16, #tpu.memory_space<vmem>> -> memref<1x1x128x32xbf16, #tpu.memory_space<vmem>>
        %dma_start3A_1240 = tpu.memref_squeeze %dma_start3A_1239 : memref<1x1x128x32xbf16, #tpu.memory_space<vmem>> -> memref<128x32xbf16, #tpu.memory_space<vmem>>
        %dma_start3A_1241 = arith.constant 0 : i32
        %dma_start3A_1242 = tpu.memref_slice %arg6[%dma_start3A_1233, %dma_start3A_1234, %dma_start3A_1241] : memref<2x16x128xi32, #tpu.memory_space<vmem>> -> memref<1x1x128xi32, #tpu.memory_space<vmem>>
        %dma_start3A_1243 = tpu.memref_squeeze %dma_start3A_1242 : memref<1x1x128xi32, #tpu.memory_space<vmem>> -> memref<128xi32, #tpu.memory_space<vmem>>
        %dma_start3A_1244 = arith.constant 0 : i32
        %dma_start3A_1245 = arith.constant 0 : i32
        %dma_start3A_1246 = tpu.memref_slice %arg2[%dma_start3A_1244, %dma_start3A_1245] : memref<100000x32xbf16, #tpu.memory_space<hbm>> -> memref<100000x32xbf16, #tpu.memory_space<hbm>>
        tpu.enqueue_indirect_dma source(%dma_start3A_1246 : memref<100000x32xbf16, #tpu.memory_space<hbm>>) target(%dma_start3A_1240 : memref<128x32xbf16, #tpu.memory_space<vmem>>) offsets(%dma_start3A_1243 : memref<128xi32, #tpu.memory_space<vmem>>) semaphore(%arg12 : memref<!tpu.dma_semaphore, #tpu.memory_space<semaphore_mem>>)
        %dma_start3A_1247 = arith.constant 1 : i32
        %dma_start3A_1248 = arith.constant 10 : i32
        %dma_start3A_1249 = arith.constant 1 : i32
        %dma_start3A_1250 = arith.constant 10 : i32
        %dma_start3A_1251 = arith.constant 0 : i32
        %dma_start3A_1252 = arith.constant 0 : i32
        %dma_start3A_1253 = tpu.memref_slice %arg8[%dma_start3A_1249, %dma_start3A_1250, %dma_start3A_1251, %dma_start3A_1252] : memref<2x16x128x32xbf16, #tpu.memory_space<vmem>> -> memref<1x1x128x32xbf16, #tpu.memory_space<vmem>>
        %dma_start3A_1254 = tpu.memref_squeeze %dma_start3A_1253 : memref<1x1x128x32xbf16, #tpu.memory_space<vmem>> -> memref<128x32xbf16, #tpu.memory_space<vmem>>
        %dma_start3A_1255 = arith.constant 0 : i32
        %dma_start3A_1256 = tpu.memref_slice %arg6[%dma_start3A_1247, %dma_start3A_1248, %dma_start3A_1255] : memref<2x16x128xi32, #tpu.memory_space<vmem>> -> memref<1x1x128xi32, #tpu.memory_space<vmem>>
        %dma_start3A_1257 = tpu.memref_squeeze %dma_start3A_1256 : memref<1x1x128xi32, #tpu.memory_space<vmem>> -> memref<128xi32, #tpu.memory_space<vmem>>
        %dma_start3A_1258 = arith.constant 0 : i32
        %dma_start3A_1259 = arith.constant 0 : i32
        %dma_start3A_1260 = tpu.memref_slice %arg2[%dma_start3A_1258, %dma_start3A_1259] : memref<100000x32xbf16, #tpu.memory_space<hbm>> -> memref<100000x32xbf16, #tpu.memory_space<hbm>>
        tpu.enqueue_indirect_dma source(%dma_start3A_1260 : memref<100000x32xbf16, #tpu.memory_space<hbm>>) target(%dma_start3A_1254 : memref<128x32xbf16, #tpu.memory_space<vmem>>) offsets(%dma_start3A_1257 : memref<128xi32, #tpu.memory_space<vmem>>) semaphore(%arg12 : memref<!tpu.dma_semaphore, #tpu.memory_space<semaphore_mem>>)
        %dma_start3A_1261 = arith.constant 1 : i32
        %dma_start3A_1262 = arith.constant 11 : i32
        %dma_start3A_1263 = arith.constant 1 : i32
        %dma_start3A_1264 = arith.constant 11 : i32
        %dma_start3A_1265 = arith.constant 0 : i32
        %dma_start3A_1266 = arith.constant 0 : i32
        %dma_start3A_1267 = tpu.memref_slice %arg8[%dma_start3A_1263, %dma_start3A_1264, %dma_start3A_1265, %dma_start3A_1266] : memref<2x16x128x32xbf16, #tpu.memory_space<vmem>> -> memref<1x1x128x32xbf16, #tpu.memory_space<vmem>>
        %dma_start3A_1268 = tpu.memref_squeeze %dma_start3A_1267 : memref<1x1x128x32xbf16, #tpu.memory_space<vmem>> -> memref<128x32xbf16, #tpu.memory_space<vmem>>
        %dma_start3A_1269 = arith.constant 0 : i32
        %dma_start3A_1270 = tpu.memref_slice %arg6[%dma_start3A_1261, %dma_start3A_1262, %dma_start3A_1269] : memref<2x16x128xi32, #tpu.memory_space<vmem>> -> memref<1x1x128xi32, #tpu.memory_space<vmem>>
        %dma_start3A_1271 = tpu.memref_squeeze %dma_start3A_1270 : memref<1x1x128xi32, #tpu.memory_space<vmem>> -> memref<128xi32, #tpu.memory_space<vmem>>
        %dma_start3A_1272 = arith.constant 0 : i32
        %dma_start3A_1273 = arith.constant 0 : i32
        %dma_start3A_1274 = tpu.memref_slice %arg2[%dma_start3A_1272, %dma_start3A_1273] : memref<100000x32xbf16, #tpu.memory_space<hbm>> -> memref<100000x32xbf16, #tpu.memory_space<hbm>>
        tpu.enqueue_indirect_dma source(%dma_start3A_1274 : memref<100000x32xbf16, #tpu.memory_space<hbm>>) target(%dma_start3A_1268 : memref<128x32xbf16, #tpu.memory_space<vmem>>) offsets(%dma_start3A_1271 : memref<128xi32, #tpu.memory_space<vmem>>) semaphore(%arg12 : memref<!tpu.dma_semaphore, #tpu.memory_space<semaphore_mem>>)
        %dma_start3A_1275 = arith.constant 1 : i32
        %dma_start3A_1276 = arith.constant 12 : i32
        %dma_start3A_1277 = arith.constant 1 : i32
        %dma_start3A_1278 = arith.constant 12 : i32
        %dma_start3A_1279 = arith.constant 0 : i32
        %dma_start3A_1280 = arith.constant 0 : i32
        %dma_start3A_1281 = tpu.memref_slice %arg8[%dma_start3A_1277, %dma_start3A_1278, %dma_start3A_1279, %dma_start3A_1280] : memref<2x16x128x32xbf16, #tpu.memory_space<vmem>> -> memref<1x1x128x32xbf16, #tpu.memory_space<vmem>>
        %dma_start3A_1282 = tpu.memref_squeeze %dma_start3A_1281 : memref<1x1x128x32xbf16, #tpu.memory_space<vmem>> -> memref<128x32xbf16, #tpu.memory_space<vmem>>
        %dma_start3A_1283 = arith.constant 0 : i32
        %dma_start3A_1284 = tpu.memref_slice %arg6[%dma_start3A_1275, %dma_start3A_1276, %dma_start3A_1283] : memref<2x16x128xi32, #tpu.memory_space<vmem>> -> memref<1x1x128xi32, #tpu.memory_space<vmem>>
        %dma_start3A_1285 = tpu.memref_squeeze %dma_start3A_1284 : memref<1x1x128xi32, #tpu.memory_space<vmem>> -> memref<128xi32, #tpu.memory_space<vmem>>
        %dma_start3A_1286 = arith.constant 0 : i32
        %dma_start3A_1287 = arith.constant 0 : i32
        %dma_start3A_1288 = tpu.memref_slice %arg2[%dma_start3A_1286, %dma_start3A_1287] : memref<100000x32xbf16, #tpu.memory_space<hbm>> -> memref<100000x32xbf16, #tpu.memory_space<hbm>>
        tpu.enqueue_indirect_dma source(%dma_start3A_1288 : memref<100000x32xbf16, #tpu.memory_space<hbm>>) target(%dma_start3A_1282 : memref<128x32xbf16, #tpu.memory_space<vmem>>) offsets(%dma_start3A_1285 : memref<128xi32, #tpu.memory_space<vmem>>) semaphore(%arg12 : memref<!tpu.dma_semaphore, #tpu.memory_space<semaphore_mem>>)
        %dma_start3A_1289 = arith.constant 1 : i32
        %dma_start3A_1290 = arith.constant 13 : i32
        %dma_start3A_1291 = arith.constant 1 : i32
        %dma_start3A_1292 = arith.constant 13 : i32
        %dma_start3A_1293 = arith.constant 0 : i32
        %dma_start3A_1294 = arith.constant 0 : i32
        %dma_start3A_1295 = tpu.memref_slice %arg8[%dma_start3A_1291, %dma_start3A_1292, %dma_start3A_1293, %dma_start3A_1294] : memref<2x16x128x32xbf16, #tpu.memory_space<vmem>> -> memref<1x1x128x32xbf16, #tpu.memory_space<vmem>>
        %dma_start3A_1296 = tpu.memref_squeeze %dma_start3A_1295 : memref<1x1x128x32xbf16, #tpu.memory_space<vmem>> -> memref<128x32xbf16, #tpu.memory_space<vmem>>
        %dma_start3A_1297 = arith.constant 0 : i32
        %dma_start3A_1298 = tpu.memref_slice %arg6[%dma_start3A_1289, %dma_start3A_1290, %dma_start3A_1297] : memref<2x16x128xi32, #tpu.memory_space<vmem>> -> memref<1x1x128xi32, #tpu.memory_space<vmem>>
        %dma_start3A_1299 = tpu.memref_squeeze %dma_start3A_1298 : memref<1x1x128xi32, #tpu.memory_space<vmem>> -> memref<128xi32, #tpu.memory_space<vmem>>
        %dma_start3A_1300 = arith.constant 0 : i32
        %dma_start3A_1301 = arith.constant 0 : i32
        %dma_start3A_1302 = tpu.memref_slice %arg2[%dma_start3A_1300, %dma_start3A_1301] : memref<100000x32xbf16, #tpu.memory_space<hbm>> -> memref<100000x32xbf16, #tpu.memory_space<hbm>>
        tpu.enqueue_indirect_dma source(%dma_start3A_1302 : memref<100000x32xbf16, #tpu.memory_space<hbm>>) target(%dma_start3A_1296 : memref<128x32xbf16, #tpu.memory_space<vmem>>) offsets(%dma_start3A_1299 : memref<128xi32, #tpu.memory_space<vmem>>) semaphore(%arg12 : memref<!tpu.dma_semaphore, #tpu.memory_space<semaphore_mem>>)
        %dma_start3A_1303 = arith.constant 1 : i32
        %dma_start3A_1304 = arith.constant 14 : i32
        %dma_start3A_1305 = arith.constant 1 : i32
        %dma_start3A_1306 = arith.constant 14 : i32
        %dma_start3A_1307 = arith.constant 0 : i32
        %dma_start3A_1308 = arith.constant 0 : i32
        %dma_start3A_1309 = tpu.memref_slice %arg8[%dma_start3A_1305, %dma_start3A_1306, %dma_start3A_1307, %dma_start3A_1308] : memref<2x16x128x32xbf16, #tpu.memory_space<vmem>> -> memref<1x1x128x32xbf16, #tpu.memory_space<vmem>>
        %dma_start3A_1310 = tpu.memref_squeeze %dma_start3A_1309 : memref<1x1x128x32xbf16, #tpu.memory_space<vmem>> -> memref<128x32xbf16, #tpu.memory_space<vmem>>
        %dma_start3A_1311 = arith.constant 0 : i32
        %dma_start3A_1312 = tpu.memref_slice %arg6[%dma_start3A_1303, %dma_start3A_1304, %dma_start3A_1311] : memref<2x16x128xi32, #tpu.memory_space<vmem>> -> memref<1x1x128xi32, #tpu.memory_space<vmem>>
        %dma_start3A_1313 = tpu.memref_squeeze %dma_start3A_1312 : memref<1x1x128xi32, #tpu.memory_space<vmem>> -> memref<128xi32, #tpu.memory_space<vmem>>
        %dma_start3A_1314 = arith.constant 0 : i32
        %dma_start3A_1315 = arith.constant 0 : i32
        %dma_start3A_1316 = tpu.memref_slice %arg2[%dma_start3A_1314, %dma_start3A_1315] : memref<100000x32xbf16, #tpu.memory_space<hbm>> -> memref<100000x32xbf16, #tpu.memory_space<hbm>>
        tpu.enqueue_indirect_dma source(%dma_start3A_1316 : memref<100000x32xbf16, #tpu.memory_space<hbm>>) target(%dma_start3A_1310 : memref<128x32xbf16, #tpu.memory_space<vmem>>) offsets(%dma_start3A_1313 : memref<128xi32, #tpu.memory_space<vmem>>) semaphore(%arg12 : memref<!tpu.dma_semaphore, #tpu.memory_space<semaphore_mem>>)
        %dma_start3A_1317 = arith.constant 1 : i32
        %dma_start3A_1318 = arith.constant 15 : i32
        %dma_start3A_1319 = arith.constant 1 : i32
        %dma_start3A_1320 = arith.constant 15 : i32
        %dma_start3A_1321 = arith.constant 0 : i32
        %dma_start3A_1322 = arith.constant 0 : i32
        %dma_start3A_1323 = tpu.memref_slice %arg8[%dma_start3A_1319, %dma_start3A_1320, %dma_start3A_1321, %dma_start3A_1322] : memref<2x16x128x32xbf16, #tpu.memory_space<vmem>> -> memref<1x1x128x32xbf16, #tpu.memory_space<vmem>>
        %dma_start3A_1324 = tpu.memref_squeeze %dma_start3A_1323 : memref<1x1x128x32xbf16, #tpu.memory_space<vmem>> -> memref<128x32xbf16, #tpu.memory_space<vmem>>
        %dma_start3A_1325 = arith.constant 0 : i32
        %dma_start3A_1326 = tpu.memref_slice %arg6[%dma_start3A_1317, %dma_start3A_1318, %dma_start3A_1325] : memref<2x16x128xi32, #tpu.memory_space<vmem>> -> memref<1x1x128xi32, #tpu.memory_space<vmem>>
        %dma_start3A_1327 = tpu.memref_squeeze %dma_start3A_1326 : memref<1x1x128xi32, #tpu.memory_space<vmem>> -> memref<128xi32, #tpu.memory_space<vmem>>
        %dma_start3A_1328 = arith.constant 0 : i32
        %dma_start3A_1329 = arith.constant 0 : i32
        %dma_start3A_1330 = tpu.memref_slice %arg2[%dma_start3A_1328, %dma_start3A_1329] : memref<100000x32xbf16, #tpu.memory_space<hbm>> -> memref<100000x32xbf16, #tpu.memory_space<hbm>>
        tpu.enqueue_indirect_dma source(%dma_start3A_1330 : memref<100000x32xbf16, #tpu.memory_space<hbm>>) target(%dma_start3A_1324 : memref<128x32xbf16, #tpu.memory_space<vmem>>) offsets(%dma_start3A_1327 : memref<128xi32, #tpu.memory_space<vmem>>) semaphore(%arg12 : memref<!tpu.dma_semaphore, #tpu.memory_space<semaphore_mem>>)
      } else {
      }
      %scan3A_1095 = arith.constant 0 : i32
      scf.yield %scan3A_1095 : i32
    }
    %scan3A_495 = arith.constant 13 : i32
    %barrier3A_496 = arith.constant 0 : index
    tpu.barrier barrier_id(%barrier3A_496)
    %mul3A_497 = arith.constant 50000 : i32
    %mul3A_498 = arith.muli %arg0, %mul3A_497 : i32
    %add3A = arith.addi %mul3A_498, %min3A_11 : i32
    "tpu.region"() ({
      %run_scoped3A_499 = tpu.sem_alloc : memref<!tpu.dma_semaphore, #tpu.memory_space<semaphore_mem>>
      %dma_start3A_500 = arith.constant 0 : i32
      %dma_start3A_501 = tpu.memref_slice %arg5[%add3A, %dma_start3A_500] : memref<100000x32xbf16, #tpu.memory_space<hbm>> -> memref<3128x32xbf16, #tpu.memory_space<hbm>>
      %dma_start3A_502 = arith.constant 0 : i32
      %dma_start3A_503 = tpu.memref_slice %arg10[%min3A_11, %dma_start3A_502] : memref<50008x32xbf16, #tpu.memory_space<vmem_shared>> -> memref<3128x32xbf16, #tpu.memory_space<vmem_shared>>
      tpu.enqueue_dma source(%dma_start3A_503 : memref<3128x32xbf16, #tpu.memory_space<vmem_shared>>) target(%dma_start3A_501 : memref<3128x32xbf16, #tpu.memory_space<hbm>>) target_semaphore(%run_scoped3A_499 : memref<!tpu.dma_semaphore, #tpu.memory_space<semaphore_mem>>)
      %dma_wait3A = arith.constant 0 : i32
      %dma_wait3A_504 = tpu.memref_slice %arg5[%add3A, %dma_wait3A] : memref<100000x32xbf16, #tpu.memory_space<hbm>> -> memref<3128x32xbf16, #tpu.memory_space<hbm>>
      %dma_wait3A_505 = arith.constant 0 : i32
      %dma_wait3A_506 = tpu.memref_slice %arg10[%min3A_11, %dma_wait3A_505] : memref<50008x32xbf16, #tpu.memory_space<vmem_shared>> -> memref<3128x32xbf16, #tpu.memory_space<vmem_shared>>
      tpu.wait_dma2 semaphore(%run_scoped3A_499 : memref<!tpu.dma_semaphore, #tpu.memory_space<semaphore_mem>>) src(%dma_wait3A_506 : memref<3128x32xbf16, #tpu.memory_space<vmem_shared>>) dst(%dma_wait3A_504 : memref<3128x32xbf16, #tpu.memory_space<hbm>>)
      tpu.yield
    }) : () -> ()
    return
  }
}

#map = affine_map<(d0, d1) -> (0, 0, 0, 0, 0)>
#map1 = affine_map<(d0, d1) -> (0, 0)>
module attributes {stable_mosaic.version = 14 : i64} {
  func.func @_deg_sc(%arg0: i32, %arg1: i32, %arg2: memref<2x16x26x16x128xi32, #tpu.memory_space<hbm>>, %arg3: memref<50000x16xf32, #tpu.memory_space<hbm>>, %arg4: memref<16x128xi32, #tpu.memory_space<vmem>>, %arg5: memref<128x16xf32, #tpu.memory_space<vmem>>, %arg6: memref<128x16xf32, #tpu.memory_space<vmem>>, %arg7: memref<25008x16xf32, #tpu.memory_space<vmem_shared>>) attributes {dimension_semantics = [#tpu.dimension_semantics<core_parallel>, #tpu.dimension_semantics<subcore_parallel>], iteration_bounds = array<i64: 2, 16>, scalar_prefetch = 0 : i64, scratch_operands = 4 : i64, tpu.core_type = #tpu.core_type<sc_vector_subcore>, window_params = [{transform_indices = #map}, {transform_indices = #map1}]} {
    %scan3A = arith.constant 0 : i32
    %scan3A_0 = arith.constant 0 : i32
    %scan3A_1 = arith.constant 128 : i32
    %scan3A_2 = arith.addi %scan3A_0, %scan3A_1 : i32
    %scan3A_3 = arith.constant 1 : i32
    %scan3A_4 = scf.for %scan3A_36 = %scan3A_0 to %scan3A_2 step %scan3A_3 iter_args(%scan3A_37 = %scan3A) -> (i32)  : i32 {
      %broadcast_in_dim3A = arith.constant 1.000000e+00 : f32
      %broadcast_in_dim3A_38 = vector.broadcast %broadcast_in_dim3A : f32 to vector<16xf32>
      %swap3A = arith.index_cast %scan3A_36 : i32 to index
      %swap3A_39 = arith.constant 0 : index
      %swap3A_40 = tpu.vector_load %arg5[%swap3A, %swap3A_39] {strides = array<i32>} : memref<128x16xf32, #tpu.memory_space<vmem>>, vector<1x16xf32>,
      %swap3A_41 = vector.shape_cast %swap3A_40 : vector<1x16xf32> to vector<16xf32>
      %swap3A_42 = vector.shape_cast %broadcast_in_dim3A_38 : vector<16xf32> to vector<1x16xf32>
      tpu.vector_store %arg5[%swap3A, %swap3A_39], %swap3A_42 {strides = array<i32>} : memref<128x16xf32, #tpu.memory_space<vmem>>, vector<1x16xf32>,
      %scan3A_43 = arith.constant 0 : i32
      scf.yield %scan3A_43 : i32
    }
    %scan3A_5 = arith.constant 128 : i32
    %scan3A_6 = arith.constant 0 : i32
    %scan3A_7 = arith.constant 0 : i32
    %scan3A_8 = arith.constant 128 : i32
    %scan3A_9 = arith.addi %scan3A_7, %scan3A_8 : i32
    %scan3A_10 = arith.constant 1 : i32
    %scan3A_11 = scf.for %scan3A_36 = %scan3A_7 to %scan3A_9 step %scan3A_10 iter_args(%scan3A_37 = %scan3A_6) -> (i32)  : i32 {
      %broadcast_in_dim3A = arith.constant 0.000000e+00 : f32
      %broadcast_in_dim3A_38 = vector.broadcast %broadcast_in_dim3A : f32 to vector<16xf32>
      %swap3A = arith.index_cast %scan3A_36 : i32 to index
      %swap3A_39 = arith.constant 0 : index
      %swap3A_40 = tpu.vector_load %arg6[%swap3A, %swap3A_39] {strides = array<i32>} : memref<128x16xf32, #tpu.memory_space<vmem>>, vector<1x16xf32>,
      %swap3A_41 = vector.shape_cast %swap3A_40 : vector<1x16xf32> to vector<16xf32>
      %swap3A_42 = vector.shape_cast %broadcast_in_dim3A_38 : vector<16xf32> to vector<1x16xf32>
      tpu.vector_store %arg6[%swap3A, %swap3A_39], %swap3A_42 {strides = array<i32>} : memref<128x16xf32, #tpu.memory_space<vmem>>, vector<1x16xf32>,
      %scan3A_43 = arith.constant 0 : i32
      scf.yield %scan3A_43 : i32
    }
    %scan3A_12 = arith.constant 128 : i32
    %mul3A = arith.constant 1568 : i32
    %mul3A_13 = arith.muli %arg1, %mul3A : i32
    %min3A = arith.constant 23344 : i32
    %min3A_14 = arith.minsi %mul3A_13, %min3A : i32
    %scan3A_15 = arith.constant 0 : i32
    %scan3A_16 = arith.constant 0 : i32
    %scan3A_17 = arith.constant 13 : i32
    %scan3A_18 = arith.addi %scan3A_16, %scan3A_17 : i32
    %scan3A_19 = arith.constant 1 : i32
    %scan3A_20 = scf.for %scan3A_36 = %scan3A_16 to %scan3A_18 step %scan3A_19 iter_args(%scan3A_37 = %scan3A_15) -> (i32)  : i32 {
      %mul3A_38 = arith.constant 128 : i32
      %mul3A_39 = arith.muli %scan3A_36, %mul3A_38 : i32
      %add3A_40 = arith.addi %min3A_14, %mul3A_39 : i32
      "tpu.region"() ({
        %run_scoped3A = tpu.sem_alloc : memref<!tpu.dma_semaphore, #tpu.memory_space<semaphore_mem>>
        %dma_start3A = arith.constant 0 : i32
        %dma_start3A_42 = tpu.memref_slice %arg7[%add3A_40, %dma_start3A] : memref<25008x16xf32, #tpu.memory_space<vmem_shared>> -> memref<128x16xf32, #tpu.memory_space<vmem_shared>>
        %dma_start3A_43 = arith.constant 0 : i32
        %dma_start3A_44 = tpu.memref_slice %arg7[%add3A_40, %dma_start3A_43] : memref<25008x16xf32, #tpu.memory_space<vmem_shared>> -> memref<128x16xf32, #tpu.memory_space<vmem_shared>>
        tpu.enqueue_dma source(%arg6 : memref<128x16xf32, #tpu.memory_space<vmem>>) target(%dma_start3A_44 : memref<128x16xf32, #tpu.memory_space<vmem_shared>>) target_semaphore(%run_scoped3A : memref<!tpu.dma_semaphore, #tpu.memory_space<semaphore_mem>>)
        %dma_wait3A = arith.constant 0 : i32
        %dma_wait3A_45 = tpu.memref_slice %arg7[%add3A_40, %dma_wait3A] : memref<25008x16xf32, #tpu.memory_space<vmem_shared>> -> memref<128x16xf32, #tpu.memory_space<vmem_shared>>
        %dma_wait3A_46 = arith.constant 0 : i32
        %dma_wait3A_47 = tpu.memref_slice %arg7[%add3A_40, %dma_wait3A_46] : memref<25008x16xf32, #tpu.memory_space<vmem_shared>> -> memref<128x16xf32, #tpu.memory_space<vmem_shared>>
        tpu.wait_dma2 semaphore(%run_scoped3A : memref<!tpu.dma_semaphore, #tpu.memory_space<semaphore_mem>>) src(%arg6 : memref<128x16xf32, #tpu.memory_space<vmem>>) dst(%dma_wait3A_47 : memref<128x16xf32, #tpu.memory_space<vmem_shared>>)
        tpu.yield
      }) : () -> ()
      %scan3A_41 = arith.constant 0 : i32
      scf.yield %scan3A_41 : i32
    }
    %scan3A_21 = arith.constant 13 : i32
    %barrier3A = arith.constant 0 : index
    tpu.barrier barrier_id(%barrier3A)
    %scan3A_22 = arith.constant 0 : i32
    %scan3A_23 = arith.constant 0 : i32
    %scan3A_24 = arith.constant 26 : i32
    %scan3A_25 = arith.addi %scan3A_23, %scan3A_24 : i32
    %scan3A_26 = arith.constant 1 : i32
    %scan3A_27 = scf.for %scan3A_36 = %scan3A_23 to %scan3A_25 step %scan3A_26 iter_args(%scan3A_37 = %scan3A_22) -> (i32)  : i32 {
      "tpu.region"() ({
        %run_scoped3A_54 = tpu.sem_alloc : memref<!tpu.dma_semaphore, #tpu.memory_space<semaphore_mem>>
        %dma_start3A = arith.constant 0 : i32
        %dma_start3A_55 = arith.constant 0 : i32
        %dma_start3A_56 = tpu.memref_slice %arg2[%arg0, %arg1, %scan3A_36, %dma_start3A, %dma_start3A_55] : memref<2x16x26x16x128xi32, #tpu.memory_space<hbm>> -> memref<1x1x1x16x128xi32, #tpu.memory_space<hbm>>
        %dma_start3A_57 = tpu.memref_squeeze %dma_start3A_56 : memref<1x1x1x16x128xi32, #tpu.memory_space<hbm>> -> memref<16x128xi32, #tpu.memory_space<hbm>>
        %dma_start3A_58 = arith.constant 0 : i32
        %dma_start3A_59 = arith.constant 0 : i32
        %dma_start3A_60 = tpu.memref_slice %arg2[%arg0, %arg1, %scan3A_36, %dma_start3A_58, %dma_start3A_59] : memref<2x16x26x16x128xi32, #tpu.memory_space<hbm>> -> memref<1x1x1x16x128xi32, #tpu.memory_space<hbm>>
        %dma_start3A_61 = tpu.memref_squeeze %dma_start3A_60 : memref<1x1x1x16x128xi32, #tpu.memory_space<hbm>> -> memref<16x128xi32, #tpu.memory_space<hbm>>
        tpu.enqueue_dma source(%dma_start3A_61 : memref<16x128xi32, #tpu.memory_space<hbm>>) target(%arg4 : memref<16x128xi32, #tpu.memory_space<vmem>>) target_semaphore(%run_scoped3A_54 : memref<!tpu.dma_semaphore, #tpu.memory_space<semaphore_mem>>)
        %dma_wait3A = arith.constant 0 : i32
        %dma_wait3A_62 = arith.constant 0 : i32
        %dma_wait3A_63 = tpu.memref_slice %arg2[%arg0, %arg1, %scan3A_36, %dma_wait3A, %dma_wait3A_62] : memref<2x16x26x16x128xi32, #tpu.memory_space<hbm>> -> memref<1x1x1x16x128xi32, #tpu.memory_space<hbm>>
        %dma_wait3A_64 = tpu.memref_squeeze %dma_wait3A_63 : memref<1x1x1x16x128xi32, #tpu.memory_space<hbm>> -> memref<16x128xi32, #tpu.memory_space<hbm>>
        %dma_wait3A_65 = arith.constant 0 : i32
        %dma_wait3A_66 = arith.constant 0 : i32
        %dma_wait3A_67 = tpu.memref_slice %arg2[%arg0, %arg1, %scan3A_36, %dma_wait3A_65, %dma_wait3A_66] : memref<2x16x26x16x128xi32, #tpu.memory_space<hbm>> -> memref<1x1x1x16x128xi32, #tpu.memory_space<hbm>>
        %dma_wait3A_68 = tpu.memref_squeeze %dma_wait3A_67 : memref<1x1x1x16x128xi32, #tpu.memory_space<hbm>> -> memref<16x128xi32, #tpu.memory_space<hbm>>
        tpu.wait_dma2 semaphore(%run_scoped3A_54 : memref<!tpu.dma_semaphore, #tpu.memory_space<semaphore_mem>>) src(%dma_wait3A_68 : memref<16x128xi32, #tpu.memory_space<hbm>>) dst(%arg4 : memref<16x128xi32, #tpu.memory_space<vmem>>)
        tpu.yield
      }) : () -> ()
      %run_scoped3A = arith.constant 0 : i32
      "tpu.region"() ({
        %run_scoped3A_54 = tpu.sem_alloc : memref<!tpu.dma_semaphore, #tpu.memory_space<semaphore_mem>>
        %dma_start3A = arith.constant 0 : i32
        %dma_start3A_55 = tpu.memref_slice %arg4[%run_scoped3A, %dma_start3A] : memref<16x128xi32, #tpu.memory_space<vmem>> -> memref<1x128xi32, #tpu.memory_space<vmem>>
        %dma_start3A_56 = tpu.memref_squeeze %dma_start3A_55 : memref<1x128xi32, #tpu.memory_space<vmem>> -> memref<128xi32, #tpu.memory_space<vmem>>
        %dma_start3A_57 = arith.constant 0 : i32
        %dma_start3A_58 = arith.constant 0 : i32
        %dma_start3A_59 = tpu.memref_slice %arg7[%dma_start3A_57, %dma_start3A_58] : memref<25008x16xf32, #tpu.memory_space<vmem_shared>> -> memref<25008x16xf32, #tpu.memory_space<vmem_shared>>
        tpu.enqueue_indirect_dma source(%arg5 : memref<128x16xf32, #tpu.memory_space<vmem>>) target(%dma_start3A_59 : memref<25008x16xf32, #tpu.memory_space<vmem_shared>>) offsets(%dma_start3A_56 : memref<128xi32, #tpu.memory_space<vmem>>) semaphore(%run_scoped3A_54 : memref<!tpu.dma_semaphore, #tpu.memory_space<semaphore_mem>>) {add = true}
        %dma_wait3A = arith.constant 0 : i32
        %dma_wait3A_60 = tpu.memref_slice %arg4[%run_scoped3A, %dma_wait3A] : memref<16x128xi32, #tpu.memory_space<vmem>> -> memref<1x128xi32, #tpu.memory_space<vmem>>
        %dma_wait3A_61 = tpu.memref_squeeze %dma_wait3A_60 : memref<1x128xi32, #tpu.memory_space<vmem>> -> memref<128xi32, #tpu.memory_space<vmem>>
        %dma_wait3A_62 = arith.constant 0 : i32
        %dma_wait3A_63 = arith.constant 0 : i32
        %dma_wait3A_64 = tpu.memref_slice %arg7[%dma_wait3A_62, %dma_wait3A_63] : memref<25008x16xf32, #tpu.memory_space<vmem_shared>> -> memref<25008x16xf32, #tpu.memory_space<vmem_shared>>
        tpu.wait_indirect_dma semaphore(%run_scoped3A_54 : memref<!tpu.dma_semaphore, #tpu.memory_space<semaphore_mem>>) src(%arg5 : memref<128x16xf32, #tpu.memory_space<vmem>>) dst(%dma_wait3A_64 : memref<25008x16xf32, #tpu.memory_space<vmem_shared>>)
        tpu.yield
      }) : () -> ()
      %run_scoped3A_38 = arith.constant 1 : i32
      "tpu.region"() ({
        %run_scoped3A_54 = tpu.sem_alloc : memref<!tpu.dma_semaphore, #tpu.memory_space<semaphore_mem>>
        %dma_start3A = arith.constant 0 : i32
        %dma_start3A_55 = tpu.memref_slice %arg4[%run_scoped3A_38, %dma_start3A] : memref<16x128xi32, #tpu.memory_space<vmem>> -> memref<1x128xi32, #tpu.memory_space<vmem>>
        %dma_start3A_56 = tpu.memref_squeeze %dma_start3A_55 : memref<1x128xi32, #tpu.memory_space<vmem>> -> memref<128xi32, #tpu.memory_space<vmem>>
        %dma_start3A_57 = arith.constant 0 : i32
        %dma_start3A_58 = arith.constant 0 : i32
        %dma_start3A_59 = tpu.memref_slice %arg7[%dma_start3A_57, %dma_start3A_58] : memref<25008x16xf32, #tpu.memory_space<vmem_shared>> -> memref<25008x16xf32, #tpu.memory_space<vmem_shared>>
        tpu.enqueue_indirect_dma source(%arg5 : memref<128x16xf32, #tpu.memory_space<vmem>>) target(%dma_start3A_59 : memref<25008x16xf32, #tpu.memory_space<vmem_shared>>) offsets(%dma_start3A_56 : memref<128xi32, #tpu.memory_space<vmem>>) semaphore(%run_scoped3A_54 : memref<!tpu.dma_semaphore, #tpu.memory_space<semaphore_mem>>) {add = true}
        %dma_wait3A = arith.constant 0 : i32
        %dma_wait3A_60 = tpu.memref_slice %arg4[%run_scoped3A_38, %dma_wait3A] : memref<16x128xi32, #tpu.memory_space<vmem>> -> memref<1x128xi32, #tpu.memory_space<vmem>>
        %dma_wait3A_61 = tpu.memref_squeeze %dma_wait3A_60 : memref<1x128xi32, #tpu.memory_space<vmem>> -> memref<128xi32, #tpu.memory_space<vmem>>
        %dma_wait3A_62 = arith.constant 0 : i32
        %dma_wait3A_63 = arith.constant 0 : i32
        %dma_wait3A_64 = tpu.memref_slice %arg7[%dma_wait3A_62, %dma_wait3A_63] : memref<25008x16xf32, #tpu.memory_space<vmem_shared>> -> memref<25008x16xf32, #tpu.memory_space<vmem_shared>>
        tpu.wait_indirect_dma semaphore(%run_scoped3A_54 : memref<!tpu.dma_semaphore, #tpu.memory_space<semaphore_mem>>) src(%arg5 : memref<128x16xf32, #tpu.memory_space<vmem>>) dst(%dma_wait3A_64 : memref<25008x16xf32, #tpu.memory_space<vmem_shared>>)
        tpu.yield
      }) : () -> ()
      %run_scoped3A_39 = arith.constant 2 : i32
      "tpu.region"() ({
        %run_scoped3A_54 = tpu.sem_alloc : memref<!tpu.dma_semaphore, #tpu.memory_space<semaphore_mem>>
        %dma_start3A = arith.constant 0 : i32
        %dma_start3A_55 = tpu.memref_slice %arg4[%run_scoped3A_39, %dma_start3A] : memref<16x128xi32, #tpu.memory_space<vmem>> -> memref<1x128xi32, #tpu.memory_space<vmem>>
        %dma_start3A_56 = tpu.memref_squeeze %dma_start3A_55 : memref<1x128xi32, #tpu.memory_space<vmem>> -> memref<128xi32, #tpu.memory_space<vmem>>
        %dma_start3A_57 = arith.constant 0 : i32
        %dma_start3A_58 = arith.constant 0 : i32
        %dma_start3A_59 = tpu.memref_slice %arg7[%dma_start3A_57, %dma_start3A_58] : memref<25008x16xf32, #tpu.memory_space<vmem_shared>> -> memref<25008x16xf32, #tpu.memory_space<vmem_shared>>
        tpu.enqueue_indirect_dma source(%arg5 : memref<128x16xf32, #tpu.memory_space<vmem>>) target(%dma_start3A_59 : memref<25008x16xf32, #tpu.memory_space<vmem_shared>>) offsets(%dma_start3A_56 : memref<128xi32, #tpu.memory_space<vmem>>) semaphore(%run_scoped3A_54 : memref<!tpu.dma_semaphore, #tpu.memory_space<semaphore_mem>>) {add = true}
        %dma_wait3A = arith.constant 0 : i32
        %dma_wait3A_60 = tpu.memref_slice %arg4[%run_scoped3A_39, %dma_wait3A] : memref<16x128xi32, #tpu.memory_space<vmem>> -> memref<1x128xi32, #tpu.memory_space<vmem>>
        %dma_wait3A_61 = tpu.memref_squeeze %dma_wait3A_60 : memref<1x128xi32, #tpu.memory_space<vmem>> -> memref<128xi32, #tpu.memory_space<vmem>>
        %dma_wait3A_62 = arith.constant 0 : i32
        %dma_wait3A_63 = arith.constant 0 : i32
        %dma_wait3A_64 = tpu.memref_slice %arg7[%dma_wait3A_62, %dma_wait3A_63] : memref<25008x16xf32, #tpu.memory_space<vmem_shared>> -> memref<25008x16xf32, #tpu.memory_space<vmem_shared>>
        tpu.wait_indirect_dma semaphore(%run_scoped3A_54 : memref<!tpu.dma_semaphore, #tpu.memory_space<semaphore_mem>>) src(%arg5 : memref<128x16xf32, #tpu.memory_space<vmem>>) dst(%dma_wait3A_64 : memref<25008x16xf32, #tpu.memory_space<vmem_shared>>)
        tpu.yield
      }) : () -> ()
      %run_scoped3A_40 = arith.constant 3 : i32
      "tpu.region"() ({
        %run_scoped3A_54 = tpu.sem_alloc : memref<!tpu.dma_semaphore, #tpu.memory_space<semaphore_mem>>
        %dma_start3A = arith.constant 0 : i32
        %dma_start3A_55 = tpu.memref_slice %arg4[%run_scoped3A_40, %dma_start3A] : memref<16x128xi32, #tpu.memory_space<vmem>> -> memref<1x128xi32, #tpu.memory_space<vmem>>
        %dma_start3A_56 = tpu.memref_squeeze %dma_start3A_55 : memref<1x128xi32, #tpu.memory_space<vmem>> -> memref<128xi32, #tpu.memory_space<vmem>>
        %dma_start3A_57 = arith.constant 0 : i32
        %dma_start3A_58 = arith.constant 0 : i32
        %dma_start3A_59 = tpu.memref_slice %arg7[%dma_start3A_57, %dma_start3A_58] : memref<25008x16xf32, #tpu.memory_space<vmem_shared>> -> memref<25008x16xf32, #tpu.memory_space<vmem_shared>>
        tpu.enqueue_indirect_dma source(%arg5 : memref<128x16xf32, #tpu.memory_space<vmem>>) target(%dma_start3A_59 : memref<25008x16xf32, #tpu.memory_space<vmem_shared>>) offsets(%dma_start3A_56 : memref<128xi32, #tpu.memory_space<vmem>>) semaphore(%run_scoped3A_54 : memref<!tpu.dma_semaphore, #tpu.memory_space<semaphore_mem>>) {add = true}
        %dma_wait3A = arith.constant 0 : i32
        %dma_wait3A_60 = tpu.memref_slice %arg4[%run_scoped3A_40, %dma_wait3A] : memref<16x128xi32, #tpu.memory_space<vmem>> -> memref<1x128xi32, #tpu.memory_space<vmem>>
        %dma_wait3A_61 = tpu.memref_squeeze %dma_wait3A_60 : memref<1x128xi32, #tpu.memory_space<vmem>> -> memref<128xi32, #tpu.memory_space<vmem>>
        %dma_wait3A_62 = arith.constant 0 : i32
        %dma_wait3A_63 = arith.constant 0 : i32
        %dma_wait3A_64 = tpu.memref_slice %arg7[%dma_wait3A_62, %dma_wait3A_63] : memref<25008x16xf32, #tpu.memory_space<vmem_shared>> -> memref<25008x16xf32, #tpu.memory_space<vmem_shared>>
        tpu.wait_indirect_dma semaphore(%run_scoped3A_54 : memref<!tpu.dma_semaphore, #tpu.memory_space<semaphore_mem>>) src(%arg5 : memref<128x16xf32, #tpu.memory_space<vmem>>) dst(%dma_wait3A_64 : memref<25008x16xf32, #tpu.memory_space<vmem_shared>>)
        tpu.yield
      }) : () -> ()
      %run_scoped3A_41 = arith.constant 4 : i32
      "tpu.region"() ({
        %run_scoped3A_54 = tpu.sem_alloc : memref<!tpu.dma_semaphore, #tpu.memory_space<semaphore_mem>>
        %dma_start3A = arith.constant 0 : i32
        %dma_start3A_55 = tpu.memref_slice %arg4[%run_scoped3A_41, %dma_start3A] : memref<16x128xi32, #tpu.memory_space<vmem>> -> memref<1x128xi32, #tpu.memory_space<vmem>>
        %dma_start3A_56 = tpu.memref_squeeze %dma_start3A_55 : memref<1x128xi32, #tpu.memory_space<vmem>> -> memref<128xi32, #tpu.memory_space<vmem>>
        %dma_start3A_57 = arith.constant 0 : i32
        %dma_start3A_58 = arith.constant 0 : i32
        %dma_start3A_59 = tpu.memref_slice %arg7[%dma_start3A_57, %dma_start3A_58] : memref<25008x16xf32, #tpu.memory_space<vmem_shared>> -> memref<25008x16xf32, #tpu.memory_space<vmem_shared>>
        tpu.enqueue_indirect_dma source(%arg5 : memref<128x16xf32, #tpu.memory_space<vmem>>) target(%dma_start3A_59 : memref<25008x16xf32, #tpu.memory_space<vmem_shared>>) offsets(%dma_start3A_56 : memref<128xi32, #tpu.memory_space<vmem>>) semaphore(%run_scoped3A_54 : memref<!tpu.dma_semaphore, #tpu.memory_space<semaphore_mem>>) {add = true}
        %dma_wait3A = arith.constant 0 : i32
        %dma_wait3A_60 = tpu.memref_slice %arg4[%run_scoped3A_41, %dma_wait3A] : memref<16x128xi32, #tpu.memory_space<vmem>> -> memref<1x128xi32, #tpu.memory_space<vmem>>
        %dma_wait3A_61 = tpu.memref_squeeze %dma_wait3A_60 : memref<1x128xi32, #tpu.memory_space<vmem>> -> memref<128xi32, #tpu.memory_space<vmem>>
        %dma_wait3A_62 = arith.constant 0 : i32
        %dma_wait3A_63 = arith.constant 0 : i32
        %dma_wait3A_64 = tpu.memref_slice %arg7[%dma_wait3A_62, %dma_wait3A_63] : memref<25008x16xf32, #tpu.memory_space<vmem_shared>> -> memref<25008x16xf32, #tpu.memory_space<vmem_shared>>
        tpu.wait_indirect_dma semaphore(%run_scoped3A_54 : memref<!tpu.dma_semaphore, #tpu.memory_space<semaphore_mem>>) src(%arg5 : memref<128x16xf32, #tpu.memory_space<vmem>>) dst(%dma_wait3A_64 : memref<25008x16xf32, #tpu.memory_space<vmem_shared>>)
        tpu.yield
      }) : () -> ()
      %run_scoped3A_42 = arith.constant 5 : i32
      "tpu.region"() ({
        %run_scoped3A_54 = tpu.sem_alloc : memref<!tpu.dma_semaphore, #tpu.memory_space<semaphore_mem>>
        %dma_start3A = arith.constant 0 : i32
        %dma_start3A_55 = tpu.memref_slice %arg4[%run_scoped3A_42, %dma_start3A] : memref<16x128xi32, #tpu.memory_space<vmem>> -> memref<1x128xi32, #tpu.memory_space<vmem>>
        %dma_start3A_56 = tpu.memref_squeeze %dma_start3A_55 : memref<1x128xi32, #tpu.memory_space<vmem>> -> memref<128xi32, #tpu.memory_space<vmem>>
        %dma_start3A_57 = arith.constant 0 : i32
        %dma_start3A_58 = arith.constant 0 : i32
        %dma_start3A_59 = tpu.memref_slice %arg7[%dma_start3A_57, %dma_start3A_58] : memref<25008x16xf32, #tpu.memory_space<vmem_shared>> -> memref<25008x16xf32, #tpu.memory_space<vmem_shared>>
        tpu.enqueue_indirect_dma source(%arg5 : memref<128x16xf32, #tpu.memory_space<vmem>>) target(%dma_start3A_59 : memref<25008x16xf32, #tpu.memory_space<vmem_shared>>) offsets(%dma_start3A_56 : memref<128xi32, #tpu.memory_space<vmem>>) semaphore(%run_scoped3A_54 : memref<!tpu.dma_semaphore, #tpu.memory_space<semaphore_mem>>) {add = true}
        %dma_wait3A = arith.constant 0 : i32
        %dma_wait3A_60 = tpu.memref_slice %arg4[%run_scoped3A_42, %dma_wait3A] : memref<16x128xi32, #tpu.memory_space<vmem>> -> memref<1x128xi32, #tpu.memory_space<vmem>>
        %dma_wait3A_61 = tpu.memref_squeeze %dma_wait3A_60 : memref<1x128xi32, #tpu.memory_space<vmem>> -> memref<128xi32, #tpu.memory_space<vmem>>
        %dma_wait3A_62 = arith.constant 0 : i32
        %dma_wait3A_63 = arith.constant 0 : i32
        %dma_wait3A_64 = tpu.memref_slice %arg7[%dma_wait3A_62, %dma_wait3A_63] : memref<25008x16xf32, #tpu.memory_space<vmem_shared>> -> memref<25008x16xf32, #tpu.memory_space<vmem_shared>>
        tpu.wait_indirect_dma semaphore(%run_scoped3A_54 : memref<!tpu.dma_semaphore, #tpu.memory_space<semaphore_mem>>) src(%arg5 : memref<128x16xf32, #tpu.memory_space<vmem>>) dst(%dma_wait3A_64 : memref<25008x16xf32, #tpu.memory_space<vmem_shared>>)
        tpu.yield
      }) : () -> ()
      %run_scoped3A_43 = arith.constant 6 : i32
      "tpu.region"() ({
        %run_scoped3A_54 = tpu.sem_alloc : memref<!tpu.dma_semaphore, #tpu.memory_space<semaphore_mem>>
        %dma_start3A = arith.constant 0 : i32
        %dma_start3A_55 = tpu.memref_slice %arg4[%run_scoped3A_43, %dma_start3A] : memref<16x128xi32, #tpu.memory_space<vmem>> -> memref<1x128xi32, #tpu.memory_space<vmem>>
        %dma_start3A_56 = tpu.memref_squeeze %dma_start3A_55 : memref<1x128xi32, #tpu.memory_space<vmem>> -> memref<128xi32, #tpu.memory_space<vmem>>
        %dma_start3A_57 = arith.constant 0 : i32
        %dma_start3A_58 = arith.constant 0 : i32
        %dma_start3A_59 = tpu.memref_slice %arg7[%dma_start3A_57, %dma_start3A_58] : memref<25008x16xf32, #tpu.memory_space<vmem_shared>> -> memref<25008x16xf32, #tpu.memory_space<vmem_shared>>
        tpu.enqueue_indirect_dma source(%arg5 : memref<128x16xf32, #tpu.memory_space<vmem>>) target(%dma_start3A_59 : memref<25008x16xf32, #tpu.memory_space<vmem_shared>>) offsets(%dma_start3A_56 : memref<128xi32, #tpu.memory_space<vmem>>) semaphore(%run_scoped3A_54 : memref<!tpu.dma_semaphore, #tpu.memory_space<semaphore_mem>>) {add = true}
        %dma_wait3A = arith.constant 0 : i32
        %dma_wait3A_60 = tpu.memref_slice %arg4[%run_scoped3A_43, %dma_wait3A] : memref<16x128xi32, #tpu.memory_space<vmem>> -> memref<1x128xi32, #tpu.memory_space<vmem>>
        %dma_wait3A_61 = tpu.memref_squeeze %dma_wait3A_60 : memref<1x128xi32, #tpu.memory_space<vmem>> -> memref<128xi32, #tpu.memory_space<vmem>>
        %dma_wait3A_62 = arith.constant 0 : i32
        %dma_wait3A_63 = arith.constant 0 : i32
        %dma_wait3A_64 = tpu.memref_slice %arg7[%dma_wait3A_62, %dma_wait3A_63] : memref<25008x16xf32, #tpu.memory_space<vmem_shared>> -> memref<25008x16xf32, #tpu.memory_space<vmem_shared>>
        tpu.wait_indirect_dma semaphore(%run_scoped3A_54 : memref<!tpu.dma_semaphore, #tpu.memory_space<semaphore_mem>>) src(%arg5 : memref<128x16xf32, #tpu.memory_space<vmem>>) dst(%dma_wait3A_64 : memref<25008x16xf32, #tpu.memory_space<vmem_shared>>)
        tpu.yield
      }) : () -> ()
      %run_scoped3A_44 = arith.constant 7 : i32
      "tpu.region"() ({
        %run_scoped3A_54 = tpu.sem_alloc : memref<!tpu.dma_semaphore, #tpu.memory_space<semaphore_mem>>
        %dma_start3A = arith.constant 0 : i32
        %dma_start3A_55 = tpu.memref_slice %arg4[%run_scoped3A_44, %dma_start3A] : memref<16x128xi32, #tpu.memory_space<vmem>> -> memref<1x128xi32, #tpu.memory_space<vmem>>
        %dma_start3A_56 = tpu.memref_squeeze %dma_start3A_55 : memref<1x128xi32, #tpu.memory_space<vmem>> -> memref<128xi32, #tpu.memory_space<vmem>>
        %dma_start3A_57 = arith.constant 0 : i32
        %dma_start3A_58 = arith.constant 0 : i32
        %dma_start3A_59 = tpu.memref_slice %arg7[%dma_start3A_57, %dma_start3A_58] : memref<25008x16xf32, #tpu.memory_space<vmem_shared>> -> memref<25008x16xf32, #tpu.memory_space<vmem_shared>>
        tpu.enqueue_indirect_dma source(%arg5 : memref<128x16xf32, #tpu.memory_space<vmem>>) target(%dma_start3A_59 : memref<25008x16xf32, #tpu.memory_space<vmem_shared>>) offsets(%dma_start3A_56 : memref<128xi32, #tpu.memory_space<vmem>>) semaphore(%run_scoped3A_54 : memref<!tpu.dma_semaphore, #tpu.memory_space<semaphore_mem>>) {add = true}
        %dma_wait3A = arith.constant 0 : i32
        %dma_wait3A_60 = tpu.memref_slice %arg4[%run_scoped3A_44, %dma_wait3A] : memref<16x128xi32, #tpu.memory_space<vmem>> -> memref<1x128xi32, #tpu.memory_space<vmem>>
        %dma_wait3A_61 = tpu.memref_squeeze %dma_wait3A_60 : memref<1x128xi32, #tpu.memory_space<vmem>> -> memref<128xi32, #tpu.memory_space<vmem>>
        %dma_wait3A_62 = arith.constant 0 : i32
        %dma_wait3A_63 = arith.constant 0 : i32
        %dma_wait3A_64 = tpu.memref_slice %arg7[%dma_wait3A_62, %dma_wait3A_63] : memref<25008x16xf32, #tpu.memory_space<vmem_shared>> -> memref<25008x16xf32, #tpu.memory_space<vmem_shared>>
        tpu.wait_indirect_dma semaphore(%run_scoped3A_54 : memref<!tpu.dma_semaphore, #tpu.memory_space<semaphore_mem>>) src(%arg5 : memref<128x16xf32, #tpu.memory_space<vmem>>) dst(%dma_wait3A_64 : memref<25008x16xf32, #tpu.memory_space<vmem_shared>>)
        tpu.yield
      }) : () -> ()
      %run_scoped3A_45 = arith.constant 8 : i32
      "tpu.region"() ({
        %run_scoped3A_54 = tpu.sem_alloc : memref<!tpu.dma_semaphore, #tpu.memory_space<semaphore_mem>>
        %dma_start3A = arith.constant 0 : i32
        %dma_start3A_55 = tpu.memref_slice %arg4[%run_scoped3A_45, %dma_start3A] : memref<16x128xi32, #tpu.memory_space<vmem>> -> memref<1x128xi32, #tpu.memory_space<vmem>>
        %dma_start3A_56 = tpu.memref_squeeze %dma_start3A_55 : memref<1x128xi32, #tpu.memory_space<vmem>> -> memref<128xi32, #tpu.memory_space<vmem>>
        %dma_start3A_57 = arith.constant 0 : i32
        %dma_start3A_58 = arith.constant 0 : i32
        %dma_start3A_59 = tpu.memref_slice %arg7[%dma_start3A_57, %dma_start3A_58] : memref<25008x16xf32, #tpu.memory_space<vmem_shared>> -> memref<25008x16xf32, #tpu.memory_space<vmem_shared>>
        tpu.enqueue_indirect_dma source(%arg5 : memref<128x16xf32, #tpu.memory_space<vmem>>) target(%dma_start3A_59 : memref<25008x16xf32, #tpu.memory_space<vmem_shared>>) offsets(%dma_start3A_56 : memref<128xi32, #tpu.memory_space<vmem>>) semaphore(%run_scoped3A_54 : memref<!tpu.dma_semaphore, #tpu.memory_space<semaphore_mem>>) {add = true}
        %dma_wait3A = arith.constant 0 : i32
        %dma_wait3A_60 = tpu.memref_slice %arg4[%run_scoped3A_45, %dma_wait3A] : memref<16x128xi32, #tpu.memory_space<vmem>> -> memref<1x128xi32, #tpu.memory_space<vmem>>
        %dma_wait3A_61 = tpu.memref_squeeze %dma_wait3A_60 : memref<1x128xi32, #tpu.memory_space<vmem>> -> memref<128xi32, #tpu.memory_space<vmem>>
        %dma_wait3A_62 = arith.constant 0 : i32
        %dma_wait3A_63 = arith.constant 0 : i32
        %dma_wait3A_64 = tpu.memref_slice %arg7[%dma_wait3A_62, %dma_wait3A_63] : memref<25008x16xf32, #tpu.memory_space<vmem_shared>> -> memref<25008x16xf32, #tpu.memory_space<vmem_shared>>
        tpu.wait_indirect_dma semaphore(%run_scoped3A_54 : memref<!tpu.dma_semaphore, #tpu.memory_space<semaphore_mem>>) src(%arg5 : memref<128x16xf32, #tpu.memory_space<vmem>>) dst(%dma_wait3A_64 : memref<25008x16xf32, #tpu.memory_space<vmem_shared>>)
        tpu.yield
      }) : () -> ()
      %run_scoped3A_46 = arith.constant 9 : i32
      "tpu.region"() ({
        %run_scoped3A_54 = tpu.sem_alloc : memref<!tpu.dma_semaphore, #tpu.memory_space<semaphore_mem>>
        %dma_start3A = arith.constant 0 : i32
        %dma_start3A_55 = tpu.memref_slice %arg4[%run_scoped3A_46, %dma_start3A] : memref<16x128xi32, #tpu.memory_space<vmem>> -> memref<1x128xi32, #tpu.memory_space<vmem>>
        %dma_start3A_56 = tpu.memref_squeeze %dma_start3A_55 : memref<1x128xi32, #tpu.memory_space<vmem>> -> memref<128xi32, #tpu.memory_space<vmem>>
        %dma_start3A_57 = arith.constant 0 : i32
        %dma_start3A_58 = arith.constant 0 : i32
        %dma_start3A_59 = tpu.memref_slice %arg7[%dma_start3A_57, %dma_start3A_58] : memref<25008x16xf32, #tpu.memory_space<vmem_shared>> -> memref<25008x16xf32, #tpu.memory_space<vmem_shared>>
        tpu.enqueue_indirect_dma source(%arg5 : memref<128x16xf32, #tpu.memory_space<vmem>>) target(%dma_start3A_59 : memref<25008x16xf32, #tpu.memory_space<vmem_shared>>) offsets(%dma_start3A_56 : memref<128xi32, #tpu.memory_space<vmem>>) semaphore(%run_scoped3A_54 : memref<!tpu.dma_semaphore, #tpu.memory_space<semaphore_mem>>) {add = true}
        %dma_wait3A = arith.constant 0 : i32
        %dma_wait3A_60 = tpu.memref_slice %arg4[%run_scoped3A_46, %dma_wait3A] : memref<16x128xi32, #tpu.memory_space<vmem>> -> memref<1x128xi32, #tpu.memory_space<vmem>>
        %dma_wait3A_61 = tpu.memref_squeeze %dma_wait3A_60 : memref<1x128xi32, #tpu.memory_space<vmem>> -> memref<128xi32, #tpu.memory_space<vmem>>
        %dma_wait3A_62 = arith.constant 0 : i32
        %dma_wait3A_63 = arith.constant 0 : i32
        %dma_wait3A_64 = tpu.memref_slice %arg7[%dma_wait3A_62, %dma_wait3A_63] : memref<25008x16xf32, #tpu.memory_space<vmem_shared>> -> memref<25008x16xf32, #tpu.memory_space<vmem_shared>>
        tpu.wait_indirect_dma semaphore(%run_scoped3A_54 : memref<!tpu.dma_semaphore, #tpu.memory_space<semaphore_mem>>) src(%arg5 : memref<128x16xf32, #tpu.memory_space<vmem>>) dst(%dma_wait3A_64 : memref<25008x16xf32, #tpu.memory_space<vmem_shared>>)
        tpu.yield
      }) : () -> ()
      %run_scoped3A_47 = arith.constant 10 : i32
      "tpu.region"() ({
        %run_scoped3A_54 = tpu.sem_alloc : memref<!tpu.dma_semaphore, #tpu.memory_space<semaphore_mem>>
        %dma_start3A = arith.constant 0 : i32
        %dma_start3A_55 = tpu.memref_slice %arg4[%run_scoped3A_47, %dma_start3A] : memref<16x128xi32, #tpu.memory_space<vmem>> -> memref<1x128xi32, #tpu.memory_space<vmem>>
        %dma_start3A_56 = tpu.memref_squeeze %dma_start3A_55 : memref<1x128xi32, #tpu.memory_space<vmem>> -> memref<128xi32, #tpu.memory_space<vmem>>
        %dma_start3A_57 = arith.constant 0 : i32
        %dma_start3A_58 = arith.constant 0 : i32
        %dma_start3A_59 = tpu.memref_slice %arg7[%dma_start3A_57, %dma_start3A_58] : memref<25008x16xf32, #tpu.memory_space<vmem_shared>> -> memref<25008x16xf32, #tpu.memory_space<vmem_shared>>
        tpu.enqueue_indirect_dma source(%arg5 : memref<128x16xf32, #tpu.memory_space<vmem>>) target(%dma_start3A_59 : memref<25008x16xf32, #tpu.memory_space<vmem_shared>>) offsets(%dma_start3A_56 : memref<128xi32, #tpu.memory_space<vmem>>) semaphore(%run_scoped3A_54 : memref<!tpu.dma_semaphore, #tpu.memory_space<semaphore_mem>>) {add = true}
        %dma_wait3A = arith.constant 0 : i32
        %dma_wait3A_60 = tpu.memref_slice %arg4[%run_scoped3A_47, %dma_wait3A] : memref<16x128xi32, #tpu.memory_space<vmem>> -> memref<1x128xi32, #tpu.memory_space<vmem>>
        %dma_wait3A_61 = tpu.memref_squeeze %dma_wait3A_60 : memref<1x128xi32, #tpu.memory_space<vmem>> -> memref<128xi32, #tpu.memory_space<vmem>>
        %dma_wait3A_62 = arith.constant 0 : i32
        %dma_wait3A_63 = arith.constant 0 : i32
        %dma_wait3A_64 = tpu.memref_slice %arg7[%dma_wait3A_62, %dma_wait3A_63] : memref<25008x16xf32, #tpu.memory_space<vmem_shared>> -> memref<25008x16xf32, #tpu.memory_space<vmem_shared>>
        tpu.wait_indirect_dma semaphore(%run_scoped3A_54 : memref<!tpu.dma_semaphore, #tpu.memory_space<semaphore_mem>>) src(%arg5 : memref<128x16xf32, #tpu.memory_space<vmem>>) dst(%dma_wait3A_64 : memref<25008x16xf32, #tpu.memory_space<vmem_shared>>)
        tpu.yield
      }) : () -> ()
      %run_scoped3A_48 = arith.constant 11 : i32
      "tpu.region"() ({
        %run_scoped3A_54 = tpu.sem_alloc : memref<!tpu.dma_semaphore, #tpu.memory_space<semaphore_mem>>
        %dma_start3A = arith.constant 0 : i32
        %dma_start3A_55 = tpu.memref_slice %arg4[%run_scoped3A_48, %dma_start3A] : memref<16x128xi32, #tpu.memory_space<vmem>> -> memref<1x128xi32, #tpu.memory_space<vmem>>
        %dma_start3A_56 = tpu.memref_squeeze %dma_start3A_55 : memref<1x128xi32, #tpu.memory_space<vmem>> -> memref<128xi32, #tpu.memory_space<vmem>>
        %dma_start3A_57 = arith.constant 0 : i32
        %dma_start3A_58 = arith.constant 0 : i32
        %dma_start3A_59 = tpu.memref_slice %arg7[%dma_start3A_57, %dma_start3A_58] : memref<25008x16xf32, #tpu.memory_space<vmem_shared>> -> memref<25008x16xf32, #tpu.memory_space<vmem_shared>>
        tpu.enqueue_indirect_dma source(%arg5 : memref<128x16xf32, #tpu.memory_space<vmem>>) target(%dma_start3A_59 : memref<25008x16xf32, #tpu.memory_space<vmem_shared>>) offsets(%dma_start3A_56 : memref<128xi32, #tpu.memory_space<vmem>>) semaphore(%run_scoped3A_54 : memref<!tpu.dma_semaphore, #tpu.memory_space<semaphore_mem>>) {add = true}
        %dma_wait3A = arith.constant 0 : i32
        %dma_wait3A_60 = tpu.memref_slice %arg4[%run_scoped3A_48, %dma_wait3A] : memref<16x128xi32, #tpu.memory_space<vmem>> -> memref<1x128xi32, #tpu.memory_space<vmem>>
        %dma_wait3A_61 = tpu.memref_squeeze %dma_wait3A_60 : memref<1x128xi32, #tpu.memory_space<vmem>> -> memref<128xi32, #tpu.memory_space<vmem>>
        %dma_wait3A_62 = arith.constant 0 : i32
        %dma_wait3A_63 = arith.constant 0 : i32
        %dma_wait3A_64 = tpu.memref_slice %arg7[%dma_wait3A_62, %dma_wait3A_63] : memref<25008x16xf32, #tpu.memory_space<vmem_shared>> -> memref<25008x16xf32, #tpu.memory_space<vmem_shared>>
        tpu.wait_indirect_dma semaphore(%run_scoped3A_54 : memref<!tpu.dma_semaphore, #tpu.memory_space<semaphore_mem>>) src(%arg5 : memref<128x16xf32, #tpu.memory_space<vmem>>) dst(%dma_wait3A_64 : memref<25008x16xf32, #tpu.memory_space<vmem_shared>>)
        tpu.yield
      }) : () -> ()
      %run_scoped3A_49 = arith.constant 12 : i32
      "tpu.region"() ({
        %run_scoped3A_54 = tpu.sem_alloc : memref<!tpu.dma_semaphore, #tpu.memory_space<semaphore_mem>>
        %dma_start3A = arith.constant 0 : i32
        %dma_start3A_55 = tpu.memref_slice %arg4[%run_scoped3A_49, %dma_start3A] : memref<16x128xi32, #tpu.memory_space<vmem>> -> memref<1x128xi32, #tpu.memory_space<vmem>>
        %dma_start3A_56 = tpu.memref_squeeze %dma_start3A_55 : memref<1x128xi32, #tpu.memory_space<vmem>> -> memref<128xi32, #tpu.memory_space<vmem>>
        %dma_start3A_57 = arith.constant 0 : i32
        %dma_start3A_58 = arith.constant 0 : i32
        %dma_start3A_59 = tpu.memref_slice %arg7[%dma_start3A_57, %dma_start3A_58] : memref<25008x16xf32, #tpu.memory_space<vmem_shared>> -> memref<25008x16xf32, #tpu.memory_space<vmem_shared>>
        tpu.enqueue_indirect_dma source(%arg5 : memref<128x16xf32, #tpu.memory_space<vmem>>) target(%dma_start3A_59 : memref<25008x16xf32, #tpu.memory_space<vmem_shared>>) offsets(%dma_start3A_56 : memref<128xi32, #tpu.memory_space<vmem>>) semaphore(%run_scoped3A_54 : memref<!tpu.dma_semaphore, #tpu.memory_space<semaphore_mem>>) {add = true}
        %dma_wait3A = arith.constant 0 : i32
        %dma_wait3A_60 = tpu.memref_slice %arg4[%run_scoped3A_49, %dma_wait3A] : memref<16x128xi32, #tpu.memory_space<vmem>> -> memref<1x128xi32, #tpu.memory_space<vmem>>
        %dma_wait3A_61 = tpu.memref_squeeze %dma_wait3A_60 : memref<1x128xi32, #tpu.memory_space<vmem>> -> memref<128xi32, #tpu.memory_space<vmem>>
        %dma_wait3A_62 = arith.constant 0 : i32
        %dma_wait3A_63 = arith.constant 0 : i32
        %dma_wait3A_64 = tpu.memref_slice %arg7[%dma_wait3A_62, %dma_wait3A_63] : memref<25008x16xf32, #tpu.memory_space<vmem_shared>> -> memref<25008x16xf32, #tpu.memory_space<vmem_shared>>
        tpu.wait_indirect_dma semaphore(%run_scoped3A_54 : memref<!tpu.dma_semaphore, #tpu.memory_space<semaphore_mem>>) src(%arg5 : memref<128x16xf32, #tpu.memory_space<vmem>>) dst(%dma_wait3A_64 : memref<25008x16xf32, #tpu.memory_space<vmem_shared>>)
        tpu.yield
      }) : () -> ()
      %run_scoped3A_50 = arith.constant 13 : i32
      "tpu.region"() ({
        %run_scoped3A_54 = tpu.sem_alloc : memref<!tpu.dma_semaphore, #tpu.memory_space<semaphore_mem>>
        %dma_start3A = arith.constant 0 : i32
        %dma_start3A_55 = tpu.memref_slice %arg4[%run_scoped3A_50, %dma_start3A] : memref<16x128xi32, #tpu.memory_space<vmem>> -> memref<1x128xi32, #tpu.memory_space<vmem>>
        %dma_start3A_56 = tpu.memref_squeeze %dma_start3A_55 : memref<1x128xi32, #tpu.memory_space<vmem>> -> memref<128xi32, #tpu.memory_space<vmem>>
        %dma_start3A_57 = arith.constant 0 : i32
        %dma_start3A_58 = arith.constant 0 : i32
        %dma_start3A_59 = tpu.memref_slice %arg7[%dma_start3A_57, %dma_start3A_58] : memref<25008x16xf32, #tpu.memory_space<vmem_shared>> -> memref<25008x16xf32, #tpu.memory_space<vmem_shared>>
        tpu.enqueue_indirect_dma source(%arg5 : memref<128x16xf32, #tpu.memory_space<vmem>>) target(%dma_start3A_59 : memref<25008x16xf32, #tpu.memory_space<vmem_shared>>) offsets(%dma_start3A_56 : memref<128xi32, #tpu.memory_space<vmem>>) semaphore(%run_scoped3A_54 : memref<!tpu.dma_semaphore, #tpu.memory_space<semaphore_mem>>) {add = true}
        %dma_wait3A = arith.constant 0 : i32
        %dma_wait3A_60 = tpu.memref_slice %arg4[%run_scoped3A_50, %dma_wait3A] : memref<16x128xi32, #tpu.memory_space<vmem>> -> memref<1x128xi32, #tpu.memory_space<vmem>>
        %dma_wait3A_61 = tpu.memref_squeeze %dma_wait3A_60 : memref<1x128xi32, #tpu.memory_space<vmem>> -> memref<128xi32, #tpu.memory_space<vmem>>
        %dma_wait3A_62 = arith.constant 0 : i32
        %dma_wait3A_63 = arith.constant 0 : i32
        %dma_wait3A_64 = tpu.memref_slice %arg7[%dma_wait3A_62, %dma_wait3A_63] : memref<25008x16xf32, #tpu.memory_space<vmem_shared>> -> memref<25008x16xf32, #tpu.memory_space<vmem_shared>>
        tpu.wait_indirect_dma semaphore(%run_scoped3A_54 : memref<!tpu.dma_semaphore, #tpu.memory_space<semaphore_mem>>) src(%arg5 : memref<128x16xf32, #tpu.memory_space<vmem>>) dst(%dma_wait3A_64 : memref<25008x16xf32, #tpu.memory_space<vmem_shared>>)
        tpu.yield
      }) : () -> ()
      %run_scoped3A_51 = arith.constant 14 : i32
      "tpu.region"() ({
        %run_scoped3A_54 = tpu.sem_alloc : memref<!tpu.dma_semaphore, #tpu.memory_space<semaphore_mem>>
        %dma_start3A = arith.constant 0 : i32
        %dma_start3A_55 = tpu.memref_slice %arg4[%run_scoped3A_51, %dma_start3A] : memref<16x128xi32, #tpu.memory_space<vmem>> -> memref<1x128xi32, #tpu.memory_space<vmem>>
        %dma_start3A_56 = tpu.memref_squeeze %dma_start3A_55 : memref<1x128xi32, #tpu.memory_space<vmem>> -> memref<128xi32, #tpu.memory_space<vmem>>
        %dma_start3A_57 = arith.constant 0 : i32
        %dma_start3A_58 = arith.constant 0 : i32
        %dma_start3A_59 = tpu.memref_slice %arg7[%dma_start3A_57, %dma_start3A_58] : memref<25008x16xf32, #tpu.memory_space<vmem_shared>> -> memref<25008x16xf32, #tpu.memory_space<vmem_shared>>
        tpu.enqueue_indirect_dma source(%arg5 : memref<128x16xf32, #tpu.memory_space<vmem>>) target(%dma_start3A_59 : memref<25008x16xf32, #tpu.memory_space<vmem_shared>>) offsets(%dma_start3A_56 : memref<128xi32, #tpu.memory_space<vmem>>) semaphore(%run_scoped3A_54 : memref<!tpu.dma_semaphore, #tpu.memory_space<semaphore_mem>>) {add = true}
        %dma_wait3A = arith.constant 0 : i32
        %dma_wait3A_60 = tpu.memref_slice %arg4[%run_scoped3A_51, %dma_wait3A] : memref<16x128xi32, #tpu.memory_space<vmem>> -> memref<1x128xi32, #tpu.memory_space<vmem>>
        %dma_wait3A_61 = tpu.memref_squeeze %dma_wait3A_60 : memref<1x128xi32, #tpu.memory_space<vmem>> -> memref<128xi32, #tpu.memory_space<vmem>>
        %dma_wait3A_62 = arith.constant 0 : i32
        %dma_wait3A_63 = arith.constant 0 : i32
        %dma_wait3A_64 = tpu.memref_slice %arg7[%dma_wait3A_62, %dma_wait3A_63] : memref<25008x16xf32, #tpu.memory_space<vmem_shared>> -> memref<25008x16xf32, #tpu.memory_space<vmem_shared>>
        tpu.wait_indirect_dma semaphore(%run_scoped3A_54 : memref<!tpu.dma_semaphore, #tpu.memory_space<semaphore_mem>>) src(%arg5 : memref<128x16xf32, #tpu.memory_space<vmem>>) dst(%dma_wait3A_64 : memref<25008x16xf32, #tpu.memory_space<vmem_shared>>)
        tpu.yield
      }) : () -> ()
      %run_scoped3A_52 = arith.constant 15 : i32
      "tpu.region"() ({
        %run_scoped3A_54 = tpu.sem_alloc : memref<!tpu.dma_semaphore, #tpu.memory_space<semaphore_mem>>
        %dma_start3A = arith.constant 0 : i32
        %dma_start3A_55 = tpu.memref_slice %arg4[%run_scoped3A_52, %dma_start3A] : memref<16x128xi32, #tpu.memory_space<vmem>> -> memref<1x128xi32, #tpu.memory_space<vmem>>
        %dma_start3A_56 = tpu.memref_squeeze %dma_start3A_55 : memref<1x128xi32, #tpu.memory_space<vmem>> -> memref<128xi32, #tpu.memory_space<vmem>>
        %dma_start3A_57 = arith.constant 0 : i32
        %dma_start3A_58 = arith.constant 0 : i32
        %dma_start3A_59 = tpu.memref_slice %arg7[%dma_start3A_57, %dma_start3A_58] : memref<25008x16xf32, #tpu.memory_space<vmem_shared>> -> memref<25008x16xf32, #tpu.memory_space<vmem_shared>>
        tpu.enqueue_indirect_dma source(%arg5 : memref<128x16xf32, #tpu.memory_space<vmem>>) target(%dma_start3A_59 : memref<25008x16xf32, #tpu.memory_space<vmem_shared>>) offsets(%dma_start3A_56 : memref<128xi32, #tpu.memory_space<vmem>>) semaphore(%run_scoped3A_54 : memref<!tpu.dma_semaphore, #tpu.memory_space<semaphore_mem>>) {add = true}
        %dma_wait3A = arith.constant 0 : i32
        %dma_wait3A_60 = tpu.memref_slice %arg4[%run_scoped3A_52, %dma_wait3A] : memref<16x128xi32, #tpu.memory_space<vmem>> -> memref<1x128xi32, #tpu.memory_space<vmem>>
        %dma_wait3A_61 = tpu.memref_squeeze %dma_wait3A_60 : memref<1x128xi32, #tpu.memory_space<vmem>> -> memref<128xi32, #tpu.memory_space<vmem>>
        %dma_wait3A_62 = arith.constant 0 : i32
        %dma_wait3A_63 = arith.constant 0 : i32
        %dma_wait3A_64 = tpu.memref_slice %arg7[%dma_wait3A_62, %dma_wait3A_63] : memref<25008x16xf32, #tpu.memory_space<vmem_shared>> -> memref<25008x16xf32, #tpu.memory_space<vmem_shared>>
        tpu.wait_indirect_dma semaphore(%run_scoped3A_54 : memref<!tpu.dma_semaphore, #tpu.memory_space<semaphore_mem>>) src(%arg5 : memref<128x16xf32, #tpu.memory_space<vmem>>) dst(%dma_wait3A_64 : memref<25008x16xf32, #tpu.memory_space<vmem_shared>>)
        tpu.yield
      }) : () -> ()
      %scan3A_53 = arith.constant 0 : i32
      scf.yield %scan3A_53 : i32
    }
    %scan3A_28 = arith.constant 26 : i32
    %barrier3A_29 = arith.constant 0 : index
    tpu.barrier barrier_id(%barrier3A_29)
    %mul3A_30 = arith.constant 1568 : i32
    %mul3A_31 = arith.muli %arg1, %mul3A_30 : i32
    %min3A_32 = arith.constant 23432 : i32
    %min3A_33 = arith.minsi %mul3A_31, %min3A_32 : i32
    %mul3A_34 = arith.constant 25000 : i32
    %mul3A_35 = arith.muli %arg0, %mul3A_34 : i32
    %add3A = arith.addi %mul3A_35, %min3A_33 : i32
    "tpu.region"() ({
      %run_scoped3A = tpu.sem_alloc : memref<!tpu.dma_semaphore, #tpu.memory_space<semaphore_mem>>
      %dma_start3A = arith.constant 0 : i32
      %dma_start3A_36 = tpu.memref_slice %arg3[%add3A, %dma_start3A] : memref<50000x16xf32, #tpu.memory_space<hbm>> -> memref<1568x16xf32, #tpu.memory_space<hbm>>
      %dma_start3A_37 = arith.constant 0 : i32
      %dma_start3A_38 = tpu.memref_slice %arg7[%min3A_33, %dma_start3A_37] : memref<25008x16xf32, #tpu.memory_space<vmem_shared>> -> memref<1568x16xf32, #tpu.memory_space<vmem_shared>>
      tpu.enqueue_dma source(%dma_start3A_38 : memref<1568x16xf32, #tpu.memory_space<vmem_shared>>) target(%dma_start3A_36 : memref<1568x16xf32, #tpu.memory_space<hbm>>) target_semaphore(%run_scoped3A : memref<!tpu.dma_semaphore, #tpu.memory_space<semaphore_mem>>)
      %dma_wait3A = arith.constant 0 : i32
      %dma_wait3A_39 = tpu.memref_slice %arg3[%add3A, %dma_wait3A] : memref<50000x16xf32, #tpu.memory_space<hbm>> -> memref<1568x16xf32, #tpu.memory_space<hbm>>
      %dma_wait3A_40 = arith.constant 0 : i32
      %dma_wait3A_41 = tpu.memref_slice %arg7[%min3A_33, %dma_wait3A_40] : memref<25008x16xf32, #tpu.memory_space<vmem_shared>> -> memref<1568x16xf32, #tpu.memory_space<vmem_shared>>
      tpu.wait_dma2 semaphore(%run_scoped3A : memref<!tpu.dma_semaphore, #tpu.memory_space<semaphore_mem>>) src(%dma_wait3A_41 : memref<1568x16xf32, #tpu.memory_space<vmem_shared>>) dst(%dma_wait3A_39 : memref<1568x16xf32, #tpu.memory_space<hbm>>)
      tpu.yield
    }) : () -> ()
    return
  }
}

module attributes {stable_mosaic.version = 14 : i64} {
  func.func @_mm_first_body(%arg0: i32, %arg1: memref<2000x64xf32, #tpu.memory_space<vmem>>, %arg2: memref<64x64xf32, #tpu.memory_space<vmem>>, %arg3: memref<64x64xf32, #tpu.memory_space<vmem>>, %arg4: memref<1x64xf32, #tpu.memory_space<vmem>>, %arg5: memref<2000x64xf32, #tpu.memory_space<vmem>>, %arg6: memref<2x2000x32xbf16, #tpu.memory_space<vmem>>) attributes {dimension_semantics = [#tpu.dimension_semantics<arbitrary>], iteration_bounds = array<i64: 25>, scalar_prefetch = 0 : i64, scratch_operands = 0 : i64, tpu.core_type = #tpu.core_type<tc>, window_params = [{transform_indices = @transform_0, window_bounds = array<i64: 2000, 64>}, {pipeline_mode = #tpu.pipeline_mode<synchronous>, transform_indices = @transform_1, window_bounds = array<i64: 64, 64>}, {pipeline_mode = #tpu.pipeline_mode<synchronous>, transform_indices = @transform_2, window_bounds = array<i64: 64, 64>}, {pipeline_mode = #tpu.pipeline_mode<synchronous>, transform_indices = @transform_3, window_bounds = array<i64: 1, 64>}, {transform_indices = @transform_4, window_bounds = array<i64: 2000, 64>}, {transform_indices = @transform_5, window_bounds = array<i64: 2, 2000, 32>}]} {
    %get3A = arith.constant 0 : index
    %get3A_0 = arith.constant 0 : index
    %get3A_1 = vector.load %arg1[%get3A, %get3A_0] : memref<2000x64xf32, #tpu.memory_space<vmem>>, vector<2000x64xf32>
    %get3A_2 = arith.constant 0 : index
    %get3A_3 = arith.constant 0 : index
    %get3A_4 = vector.load %arg2[%get3A_2, %get3A_3] : memref<64x64xf32, #tpu.memory_space<vmem>>, vector<64x64xf32>
    %dot_general3A = arith.constant dense<0.000000e+00> : vector<2000x64xf32>
    %dot_general3A_5 = tpu.matmul %get3A_1, %get3A_4, %dot_general3A {dimension_numbers = #tpu.dot_dimension_numbers<[1], [0], [0], [1], [0, 0, 1, 1], [], []>, transpose_lhs_hint = false} : vector<2000x64xf32>, vector<64x64xf32>, vector<2000x64xf32> -> vector<2000x64xf32>
    %get3A_6 = arith.constant 0 : index
    %get3A_7 = arith.constant 0 : index
    %get3A_8 = vector.load %arg4[%get3A_6, %get3A_7] : memref<1x64xf32, #tpu.memory_space<vmem>>, vector<1x64xf32>
    %add3A = vector.broadcast %get3A_8 : vector<1x64xf32> to vector<2000x64xf32>
    %add3A_9 = arith.addf %dot_general3A_5, %add3A : vector<2000x64xf32>
    %swap3A = arith.constant 0 : index
    %swap3A_10 = arith.constant 0 : index
    %swap3A_11 = vector.load %arg5[%swap3A, %swap3A_10] : memref<2000x64xf32, #tpu.memory_space<vmem>>, vector<2000x64xf32>
    tpu.vector_store %arg5[%swap3A, %swap3A_10], %add3A_9 {strides = array<i32>} : memref<2000x64xf32, #tpu.memory_space<vmem>>, vector<2000x64xf32>,
    %get3A_12 = arith.constant 0 : index
    %get3A_13 = arith.constant 0 : index
    %get3A_14 = vector.load %arg3[%get3A_12, %get3A_13] : memref<64x64xf32, #tpu.memory_space<vmem>>, vector<64x64xf32>
    %dot_general3A_15 = arith.constant dense<0.000000e+00> : vector<2000x64xf32>
    %dot_general3A_16 = tpu.matmul %get3A_1, %get3A_14, %dot_general3A_15 {dimension_numbers = #tpu.dot_dimension_numbers<[1], [0], [0], [1], [0, 0, 1, 1], [], []>, transpose_lhs_hint = false} : vector<2000x64xf32>, vector<64x64xf32>, vector<2000x64xf32> -> vector<2000x64xf32>
    %convert_element_type3A = arith.truncf %dot_general3A_16 : vector<2000x64xf32> to vector<2000x64xbf16>
    %slice3A = vector.extract_strided_slice %convert_element_type3A {offsets = [0, 0], sizes = [2000, 32], strides = [1, 1]} : vector<2000x64xbf16> to vector<2000x32xbf16>
    %swap3A_17 = arith.constant 0 : index
    %swap3A_18 = arith.constant 0 : index
    %swap3A_19 = arith.constant 0 : index
    %swap3A_20 = vector.load %arg6[%swap3A_17, %swap3A_18, %swap3A_19] : memref<2x2000x32xbf16, #tpu.memory_space<vmem>>, vector<1x2000x32xbf16>
    %swap3A_21 = vector.shape_cast %swap3A_20 : vector<1x2000x32xbf16> to vector<2000x32xbf16>
    %swap3A_22 = vector.shape_cast %slice3A : vector<2000x32xbf16> to vector<1x2000x32xbf16>
    tpu.vector_store %arg6[%swap3A_17, %swap3A_18, %swap3A_19], %swap3A_22 {strides = array<i32>} : memref<2x2000x32xbf16, #tpu.memory_space<vmem>>, vector<1x2000x32xbf16>,
    %slice3A_23 = vector.extract_strided_slice %convert_element_type3A {offsets = [0, 32], sizes = [2000, 32], strides = [1, 1]} : vector<2000x64xbf16> to vector<2000x32xbf16>
    %swap3A_24 = arith.constant 1 : index
    %swap3A_25 = arith.constant 0 : index
    %swap3A_26 = arith.constant 0 : index
    %swap3A_27 = vector.load %arg6[%swap3A_24, %swap3A_25, %swap3A_26] : memref<2x2000x32xbf16, #tpu.memory_space<vmem>>, vector<1x2000x32xbf16>
    %swap3A_28 = vector.shape_cast %swap3A_27 : vector<1x2000x32xbf16> to vector<2000x32xbf16>
    %swap3A_29 = vector.shape_cast %slice3A_23 : vector<2000x32xbf16> to vector<1x2000x32xbf16>
    tpu.vector_store %arg6[%swap3A_24, %swap3A_25, %swap3A_26], %swap3A_29 {strides = array<i32>} : memref<2x2000x32xbf16, #tpu.memory_space<vmem>>, vector<1x2000x32xbf16>,
    return
  }
  func.func @transform_0(%arg0: i32) -> (i32, i32) {
    %c0_i32 = arith.constant 0 : i32
    %c0_i32_0 = arith.constant 0 : i32
    return %arg0, %c0_i32 : i32, i32
  }
  func.func @transform_1(%arg0: i32) -> (i32, i32) {
    %c0_i32 = arith.constant 0 : i32
    %c0_i32_0 = arith.constant 0 : i32
    %c0_i32_1 = arith.constant 0 : i32
    return %c0_i32, %c0_i32_0 : i32, i32
  }
  func.func @transform_2(%arg0: i32) -> (i32, i32) {
    %c0_i32 = arith.constant 0 : i32
    %c0_i32_0 = arith.constant 0 : i32
    %c0_i32_1 = arith.constant 0 : i32
    return %c0_i32, %c0_i32_0 : i32, i32
  }
  func.func @transform_3(%arg0: i32) -> (i32, i32) {
    %c0_i32 = arith.constant 0 : i32
    %c0_i32_0 = arith.constant 0 : i32
    %c0_i32_1 = arith.constant 0 : i32
    return %c0_i32, %c0_i32_0 : i32, i32
  }
  func.func @transform_4(%arg0: i32) -> (i32, i32) {
    %c0_i32 = arith.constant 0 : i32
    %c0_i32_0 = arith.constant 0 : i32
    return %arg0, %c0_i32 : i32, i32
  }
  func.func @transform_5(%arg0: i32) -> (i32, i32, i32) {
    %c0_i32 = arith.constant 0 : i32
    %c0_i32_0 = arith.constant 0 : i32
    %c0_i32_1 = arith.constant 0 : i32
    return %c0_i32, %arg0, %c0_i32_0 : i32, i32, i32
  }
}

module attributes {stable_mosaic.version = 14 : i64} {
  func.func @_fuse_body(%arg0: i32, %arg1: memref<2000x64xf32, #tpu.memory_space<vmem>>, %arg2: memref<2x2000x32xbf16, #tpu.memory_space<vmem>>, %arg3: memref<2000x16xf32, #tpu.memory_space<vmem>>, %arg4: memref<64x64xf32, #tpu.memory_space<vmem>>, %arg5: memref<64x64xf32, #tpu.memory_space<vmem>>, %arg6: memref<1x64xf32, #tpu.memory_space<vmem>>, %arg7: memref<1x1xf32, #tpu.memory_space<vmem>>, %arg8: memref<2000x64xf32, #tpu.memory_space<vmem>>, %arg9: memref<2x2000x32xbf16, #tpu.memory_space<vmem>>) attributes {dimension_semantics = [#tpu.dimension_semantics<arbitrary>], iteration_bounds = array<i64: 25>, scalar_prefetch = 0 : i64, scratch_operands = 0 : i64, tpu.core_type = #tpu.core_type<tc>, window_params = [{transform_indices = @transform_0, window_bounds = array<i64: 2000, 64>}, {transform_indices = @transform_1, window_bounds = array<i64: 2, 2000, 32>}, {transform_indices = @transform_2, window_bounds = array<i64: 2000, 16>}, {pipeline_mode = #tpu.pipeline_mode<synchronous>, transform_indices = @transform_3, window_bounds = array<i64: 64, 64>}, {pipeline_mode = #tpu.pipeline_mode<synchronous>, transform_indices = @transform_4, window_bounds = array<i64: 64, 64>}, {pipeline_mode = #tpu.pipeline_mode<synchronous>, transform_indices = @transform_5, window_bounds = array<i64: 1, 64>}, {pipeline_mode = #tpu.pipeline_mode<synchronous>, transform_indices = @transform_6, window_bounds = array<i64: 1, 1>}, {transform_indices = @transform_7, window_bounds = array<i64: 2000, 64>}, {transform_indices = @transform_8, window_bounds = array<i64: 2, 2000, 32>}]} {
    %get3A = arith.constant 0 : index
    %get3A_0 = arith.constant 0 : index
    %get3A_1 = vector.load %arg1[%get3A, %get3A_0] : memref<2000x64xf32, #tpu.memory_space<vmem>>, vector<2000x64xf32>
    %get3A_2 = arith.constant 0 : index
    %get3A_3 = arith.constant 0 : index
    %get3A_4 = vector.load %arg3[%get3A_2, %get3A_3] : memref<2000x16xf32, #tpu.memory_space<vmem>>, vector<2000x1xf32>
    %max3A = arith.constant 1.000000e+00 : f32
    %max3A_5 = vector.broadcast %max3A : f32 to vector<2000x1xf32>
    %max3A_6 = arith.maximumf %get3A_4, %max3A_5 : vector<2000x1xf32>
    %get3A_7 = arith.constant 0 : index
    %get3A_8 = arith.constant 0 : index
    %get3A_9 = arith.constant 0 : index
    %get3A_10 = vector.load %arg2[%get3A_7, %get3A_8, %get3A_9] : memref<2x2000x32xbf16, #tpu.memory_space<vmem>>, vector<1x2000x32xbf16>
    %get3A_11 = vector.shape_cast %get3A_10 : vector<1x2000x32xbf16> to vector<2000x32xbf16>
    %get3A_12 = arith.constant 1 : index
    %get3A_13 = arith.constant 0 : index
    %get3A_14 = arith.constant 0 : index
    %get3A_15 = vector.load %arg2[%get3A_12, %get3A_13, %get3A_14] : memref<2x2000x32xbf16, #tpu.memory_space<vmem>>, vector<1x2000x32xbf16>
    %get3A_16 = vector.shape_cast %get3A_15 : vector<1x2000x32xbf16> to vector<2000x32xbf16>
    %concatenate3A = tpu.concatenate %get3A_11, %get3A_16 in 1 : vector<2000x32xbf16>, vector<2000x32xbf16> -> vector<2000x64xbf16>
    %convert_element_type3A = arith.extf %concatenate3A : vector<2000x64xbf16> to vector<2000x64xf32>
    %div3A = vector.broadcast %max3A_6 : vector<2000x1xf32> to vector<2000x64xf32>
    %div3A_17 = arith.divf %convert_element_type3A, %div3A : vector<2000x64xf32>
    %add3A = arith.addf %get3A_1, %div3A_17 : vector<2000x64xf32>
    %get3A_18 = arith.constant 0 : index
    %get3A_19 = arith.constant 0 : index
    %get3A_20 = vector.load %arg7[%get3A_18, %get3A_19] : memref<1x1xf32, #tpu.memory_space<vmem>>, vector<1x1xf32>
    %get3A_21 = vector.extract %get3A_20[0, 0] : f32 from vector<1x1xf32>
    %gt3A = arith.constant 0.000000e+00 : f32
    %gt3A_22 = arith.cmpf ogt, %get3A_21, %gt3A : f32
    %max3A_23 = arith.constant 0.000000e+00 : f32
    %max3A_24 = vector.broadcast %max3A_23 : f32 to vector<2000x64xf32>
    %max3A_25 = arith.maximumf %add3A, %max3A_24 : vector<2000x64xf32>
    %select_n3A = arith.select %gt3A_22, %max3A_25, %add3A : vector<2000x64xf32>
    %get3A_26 = arith.constant 0 : index
    %get3A_27 = arith.constant 0 : index
    %get3A_28 = vector.load %arg4[%get3A_26, %get3A_27] : memref<64x64xf32, #tpu.memory_space<vmem>>, vector<64x64xf32>
    %dot_general3A = arith.constant dense<0.000000e+00> : vector<2000x64xf32>
    %dot_general3A_29 = tpu.matmul %select_n3A, %get3A_28, %dot_general3A {dimension_numbers = #tpu.dot_dimension_numbers<[1], [0], [0], [1], [0, 0, 1, 1], [], []>, transpose_lhs_hint = false} : vector<2000x64xf32>, vector<64x64xf32>, vector<2000x64xf32> -> vector<2000x64xf32>
    %get3A_30 = arith.constant 0 : index
    %get3A_31 = arith.constant 0 : index
    %get3A_32 = vector.load %arg6[%get3A_30, %get3A_31] : memref<1x64xf32, #tpu.memory_space<vmem>>, vector<1x64xf32>
    %add3A_33 = vector.broadcast %get3A_32 : vector<1x64xf32> to vector<2000x64xf32>
    %add3A_34 = arith.addf %dot_general3A_29, %add3A_33 : vector<2000x64xf32>
    %swap3A = arith.constant 0 : index
    %swap3A_35 = arith.constant 0 : index
    %swap3A_36 = vector.load %arg8[%swap3A, %swap3A_35] : memref<2000x64xf32, #tpu.memory_space<vmem>>, vector<2000x64xf32>
    tpu.vector_store %arg8[%swap3A, %swap3A_35], %add3A_34 {strides = array<i32>} : memref<2000x64xf32, #tpu.memory_space<vmem>>, vector<2000x64xf32>,
    %get3A_37 = arith.constant 0 : index
    %get3A_38 = arith.constant 0 : index
    %get3A_39 = vector.load %arg5[%get3A_37, %get3A_38] : memref<64x64xf32, #tpu.memory_space<vmem>>, vector<64x64xf32>
    %dot_general3A_40 = arith.constant dense<0.000000e+00> : vector<2000x64xf32>
    %dot_general3A_41 = tpu.matmul %select_n3A, %get3A_39, %dot_general3A_40 {dimension_numbers = #tpu.dot_dimension_numbers<[1], [0], [0], [1], [0, 0, 1, 1], [], []>, transpose_lhs_hint = false} : vector<2000x64xf32>, vector<64x64xf32>, vector<2000x64xf32> -> vector<2000x64xf32>
    %convert_element_type3A_42 = arith.truncf %dot_general3A_41 : vector<2000x64xf32> to vector<2000x64xbf16>
    %slice3A = vector.extract_strided_slice %convert_element_type3A_42 {offsets = [0, 0], sizes = [2000, 32], strides = [1, 1]} : vector<2000x64xbf16> to vector<2000x32xbf16>
    %swap3A_43 = arith.constant 0 : index
    %swap3A_44 = arith.constant 0 : index
    %swap3A_45 = arith.constant 0 : index
    %swap3A_46 = vector.load %arg9[%swap3A_43, %swap3A_44, %swap3A_45] : memref<2x2000x32xbf16, #tpu.memory_space<vmem>>, vector<1x2000x32xbf16>
    %swap3A_47 = vector.shape_cast %swap3A_46 : vector<1x2000x32xbf16> to vector<2000x32xbf16>
    %swap3A_48 = vector.shape_cast %slice3A : vector<2000x32xbf16> to vector<1x2000x32xbf16>
    tpu.vector_store %arg9[%swap3A_43, %swap3A_44, %swap3A_45], %swap3A_48 {strides = array<i32>} : memref<2x2000x32xbf16, #tpu.memory_space<vmem>>, vector<1x2000x32xbf16>,
    %slice3A_49 = vector.extract_strided_slice %convert_element_type3A_42 {offsets = [0, 32], sizes = [2000, 32], strides = [1, 1]} : vector<2000x64xbf16> to vector<2000x32xbf16>
    %swap3A_50 = arith.constant 1 : index
    %swap3A_51 = arith.constant 0 : index
    %swap3A_52 = arith.constant 0 : index
    %swap3A_53 = vector.load %arg9[%swap3A_50, %swap3A_51, %swap3A_52] : memref<2x2000x32xbf16, #tpu.memory_space<vmem>>, vector<1x2000x32xbf16>
    %swap3A_54 = vector.shape_cast %swap3A_53 : vector<1x2000x32xbf16> to vector<2000x32xbf16>
    %swap3A_55 = vector.shape_cast %slice3A_49 : vector<2000x32xbf16> to vector<1x2000x32xbf16>
    tpu.vector_store %arg9[%swap3A_50, %swap3A_51, %swap3A_52], %swap3A_55 {strides = array<i32>} : memref<2x2000x32xbf16, #tpu.memory_space<vmem>>, vector<1x2000x32xbf16>,
    return
  }
  func.func @transform_0(%arg0: i32) -> (i32, i32) {
    %c0_i32 = arith.constant 0 : i32
    %c0_i32_0 = arith.constant 0 : i32
    return %arg0, %c0_i32 : i32, i32
  }
  func.func @transform_1(%arg0: i32) -> (i32, i32, i32) {
    %c0_i32 = arith.constant 0 : i32
    %c0_i32_0 = arith.constant 0 : i32
    %c0_i32_1 = arith.constant 0 : i32
    return %c0_i32, %arg0, %c0_i32_0 : i32, i32, i32
  }
  func.func @transform_2(%arg0: i32) -> (i32, i32) {
    %c0_i32 = arith.constant 0 : i32
    %c0_i32_0 = arith.constant 0 : i32
    return %arg0, %c0_i32 : i32, i32
  }
  func.func @transform_3(%arg0: i32) -> (i32, i32) {
    %c0_i32 = arith.constant 0 : i32
    %c0_i32_0 = arith.constant 0 : i32
    %c0_i32_1 = arith.constant 0 : i32
    return %c0_i32, %c0_i32_0 : i32, i32
  }
  func.func @transform_4(%arg0: i32) -> (i32, i32) {
    %c0_i32 = arith.constant 0 : i32
    %c0_i32_0 = arith.constant 0 : i32
    %c0_i32_1 = arith.constant 0 : i32
    return %c0_i32, %c0_i32_0 : i32, i32
  }
  func.func @transform_5(%arg0: i32) -> (i32, i32) {
    %c0_i32 = arith.constant 0 : i32
    %c0_i32_0 = arith.constant 0 : i32
    %c0_i32_1 = arith.constant 0 : i32
    return %c0_i32, %c0_i32_0 : i32, i32
  }
  func.func @transform_6(%arg0: i32) -> (i32, i32) {
    %c0_i32 = arith.constant 0 : i32
    %c0_i32_0 = arith.constant 0 : i32
    %c0_i32_1 = arith.constant 0 : i32
    return %c0_i32, %c0_i32_0 : i32, i32
  }
  func.func @transform_7(%arg0: i32) -> (i32, i32) {
    %c0_i32 = arith.constant 0 : i32
    %c0_i32_0 = arith.constant 0 : i32
    return %arg0, %c0_i32 : i32, i32
  }
  func.func @transform_8(%arg0: i32) -> (i32, i32, i32) {
    %c0_i32 = arith.constant 0 : i32
    %c0_i32_0 = arith.constant 0 : i32
    %c0_i32_1 = arith.constant 0 : i32
    return %c0_i32, %arg0, %c0_i32_0 : i32, i32, i32
  }
}

</mosaic_0001>

<sc_bundles>
// kernel: closed_call.24.cloned.1.call-start
scs
__scs_entry_jumppad:
0x0: {  	(pc) =	sbr.rel $0x88, $3  }
0x1: {  	(tag) =	ssettag $0x0;
	lr =	simm.s32 $0x1  }
0x2: {  	[smem:$0x3F9C] =	sst lr;
	_ =	strace $0xD0000000  }
0x3: {  	_ = 	snop  }
0x4: {  	_ = 	snop  }
0x5: {  	_ = 	snop  }
0x6: {  	_ = 	snop  }
0x7: {  	_ = 	snop  }
__scs_overlays_trampoline_lowered:
0x8: {  	[smem:$0x3FAB] =	sst s0  }
0x9: {  	[smem:$0x3FAC] =	sst s1  }
0xa: {  	[smem:$0x3FAD] =	sst s2  }
0xb: {  	[smem:$0x3FAE] =	sst s3  }
0xc: {  	[smem:$0x3FAF] =	sst s4  }
0xd: {  	[smem:$0x3FB0] =	sst s5  }
0xe: {  	[smem:$0x3FB1] =	sst s6  }
0xf: {  	[smem:$0x3FB2] =	sst s7  }
0x10: {  	[smem:$0x3FB3] =	sst s8  }
0x11: {  	[smem:$0x3FB4] =	sst s9;
	s0 =	simm.s32 @!p0 $0x0  }
0x12: {  	s1 =	sld [smem:$0x3F9A];
	s0 =	simm.s32 @p0 $0x1  }
0x13: {  	[smem:$0x3FB5] =	sst s0;
	s0 =	simm.s32 @!p1 $0x0  }
0x14: {  	s2 =	sld [smem:$0x3F99];
	s0 =	simm.s32 @p1 $0x1  }
0x15: {  	[smem:$0x3FB6] =	sst s0;
	s0 =	simm.s32 @!p2 $0x0  }
0x16: {  	s3 =	sld [smem:$0x3FDB];
	s0 =	simm.s32 @p2 $0x1  }
0x17: {  	s4 =	simm.s32 $0x1BF5;
	[smem:$0x3FB8] =	sst s0  }
0x18: {  	s0 =	sld [smem:$0x3F9B];
	_ =	swait.ge [sflag:s4], $0x0  }
0x19: {  	s7 =	sld [smem:$0x3F9C]  }
0x1a: {  	s8 =	sadd.s32 $0xFFFFE003, lr  }
0x1b: {  	s9 =	sadd.s32 $0xFFFFFEF7, lr;
	s5 =	simm.s32 $0xFFFFFFFF;
	p2 =	slt.u32 s8, $0xFFFFF086  }
0x1c: {  	p1 =	slt.u32 s9, $0xF7A;
	s5 =	simm.s32 @!p2 $0x0  }
0x1d: {  	s5 =	simm.s32 @p1 $0x1;
	p0 =	seq.s32 s7, s2  }
0x1e: {  	s7 =	smul.u32 @!p0 $0xF7A, s2;
	p2 =	seq.s32 @!p0 s5, $0x0  }
0x1f: {  	s9 =	smul.u32 $0xF7A, s1;
	s8 =	simm.s32 @!p0 $0x1BF5;
	p2 =	por !p2, p0  }
0x20: {  	[sflag:s8] =	ssyncset.s32 @!p0 $0xFFFFF086;
	s6 =	sadd.s32 @!p0 s3, s7;
	s7 =	simm.s32 @!p0 $0x108  }
0x21: {  	s3 =	sadd.s32 s3, s9;
	s6 =	sadd.s32 @!p0 $0x88, s6;
	s7 =	simm.s32 @p2 $0x1082  }
0x22: {  	[simem:s7], [sflag:s8] =	dma.local @!p0 [hbm:s6], $0xF7A  }
0x23: {  	s9 =	sor.u32 $0xD0000000, s2;
	s6 =	simm.s32 $0x108;
	_ =	swait.ge @!p0 [sflag:s8], $0x0  }
0x24: {  	s3 =	sadd.s32 $0x88, s3;
	s6 =	simm.s32 @!p1 $0x1082;
	[sflag:s4] =	ssyncset.s32 $0xFFFFF086  }
0x25: {  	[simem:s6], [sflag:s4] =	dma.local [hbm:s3], $0xF7A  }
0x26: {  	[smem:$0x3F9C] =	sst s1;
	(tag) =	ssettag s2;
	_ =	strace s9  }
0x27: {  	s1 =	sld [smem:$0x3FAC]  }
0x28: {  	s2 =	sld [smem:$0x3FAD]  }
0x29: {  	s4 =	sld [smem:$0x3FAF]  }
0x2a: {  	p0 =	seq.s32 s5, $0x0;
	s5 =	sld [smem:$0x3FB0]  }
0x2b: {  	s6 =	sld [smem:$0x3FB1]  }
0x2c: {  	s7 =	sld [smem:$0x3FB2]  }
0x2d: {  	s3 =	simm.s32 $0x108;
	s8 =	sld [smem:$0x3FB3]  }
0x2e: {  	s3 =	simm.s32 @!p0 $0x1082;
	s9 =	sld [smem:$0x3FB4]  }
0x2f: {  	lr =	sadd.s32 s0, s3;
	s0 =	sld [smem:$0x3FAB]  }
0x30: {  	s3 =	sld [smem:$0x3FAE]  }
0x31: {  	[smem:$0x3FB7] =	sst s10  }
0x32: {  	s10 =	sld [smem:$0x3FB5];
	_ =	sdelay $0x3  }
0x33: {  	p0 =	seq.s32 s10, $0x1;
	s10 =	sld [smem:$0x3FB7];
	_ =	sdelay $0x3  }
0x34: {  	[smem:$0x3FB7] =	sst s10  }
0x35: {  	s10 =	sld [smem:$0x3FB6];
	_ =	sdelay $0x3  }
0x36: {  	p1 =	seq.s32 s10, $0x1;
	s10 =	sld [smem:$0x3FB7];
	_ =	sdelay $0x3  }
0x37: {  	[smem:$0x3FB7] =	sst s10  }
0x38: {  	s10 =	sld [smem:$0x3FB8]  }
0x39: {  	_ = 	snop;
	(pc) =	sbr.ind lr, $3  }
0x3a: {  	_ = 	snop  }
0x3b: {  	_ = 	snop  }
0x3c: {  	p2 =	seq.s32 s10, $0x1;
	s10 =	sld [smem:$0x3FB7]  }
0x3d: {  	_ =	shalt  }
0x3e: {  	_ =	shalt  }
0x3f: {  	_ =	shalt  }
0x40: {  	_ =	shalt  }
0x41: {  	_ =	shalt  }
0x42: {  	_ =	shalt  }
0x43: {  	_ =	shalt  }
0x44: {  	_ =	shalt  }
0x45: {  	_ =	shalt  }
0x46: {  	_ =	shalt  }
0x47: {  	_ =	shalt  }
0x48: {  	_ =	shalt  }
0x49: {  	_ =	shalt  }
0x4a: {  	_ =	shalt  }
0x4b: {  	_ =	shalt  }
0x4c: {  	_ =	shalt  }
0x4d: {  	_ =	shalt  }
0x4e: {  	_ =	shalt  }
0x4f: {  	_ =	shalt  }
0x50: {  	_ =	shalt  }
0x51: {  	_ =	shalt  }
0x52: {  	_ =	shalt  }
0x53: {  	_ =	shalt  }
0x54: {  	_ =	shalt  }
0x55: {  	_ =	shalt  }
0x56: {  	_ =	shalt  }
0x57: {  	_ =	shalt  }
0x58: {  	_ =	shalt  }
0x59: {  	_ =	shalt  }
0x5a: {  	_ =	shalt  }
0x5b: {  	_ =	shalt  }
0x5c: {  	_ =	shalt  }
0x5d: {  	_ =	shalt  }
0x5e: {  	_ =	shalt  }
0x5f: {  	_ =	shalt  }
0x60: {  	_ =	shalt  }
0x61: {  	_ =	shalt  }
0x62: {  	_ =	shalt  }
0x63: {  	_ =	shalt  }
0x64: {  	_ =	shalt  }
0x65: {  	_ =	shalt  }
0x66: {  	_ =	shalt  }
0x67: {  	_ =	shalt  }
0x68: {  	_ =	shalt  }
0x69: {  	_ =	shalt  }
0x6a: {  	_ =	shalt  }
0x6b: {  	_ =	shalt  }
0x6c: {  	_ =	shalt  }
0x6d: {  	_ =	shalt  }
0x6e: {  	_ =	shalt  }
0x6f: {  	_ =	shalt  }
0x70: {  	_ =	shalt  }
0x71: {  	_ =	shalt  }
0x72: {  	_ =	shalt  }
0x73: {  	_ =	shalt  }
0x74: {  	_ =	shalt  }
0x75: {  	_ =	shalt  }
0x76: {  	_ =	shalt  }
0x77: {  	_ =	shalt  }
0x78: {  	_ =	shalt  }
0x79: {  	_ =	shalt  }
0x7a: {  	_ =	shalt  }
0x7b: {  	_ =	shalt  }
0x7c: {  	_ =	shalt  }
0x7d: {  	_ =	shalt  }
0x7e: {  	_ =	shalt  }
0x7f: {  	_ =	shalt  }
0x80: {  	_ =	shalt  }
0x81: {  	_ =	shalt  }
0x82: {  	_ =	shalt  }
0x83: {  	_ =	shalt  }
0x84: {  	_ =	shalt  }
0x85: {  	_ =	shalt  }
0x86: {  	_ =	shalt  }
0x87: {  	_ =	shalt  }
.Lfunc_end0:
.L_simem_size_0:
called_computation_lowered:
.L_overlay_start_0:
0x88: {  	s2 =	sld [smem:$0x3FD9]  }
0x89: {  	s3 =	sld [smem:$0x3FFE];
	_ =	sdelay $0x1  }
0x8a: {  	s1 =	srdreg.scid  }
0x8b: {  	s0 =	sand.u32 $0x1, s1  }
0x8c: {  	s17 =	sshll.u32 s0, $0xA;
	s2 =	sadd.s32 s3, s2  }
0x8d: {  	s2 =	sadd.s32 s2, s17  }
0x8e: {  	[smem:$0x3FC3] =	sst s2  }
0x8f: {  	_ = 	snop  }
0x90: {  	s2 =	sld [smem:$0x3FD0];
	(tm) =	ssettm $0x1  }
0x91: {  	s18 =	sld [smem:$0x3FFB];
	_ =	sdelay $0x3  }
0x92: {  	_ =	strace s18  }
0x93: {  	s3 =	sld [smem:$0x3FFC];
	_ =	sdelay $0x3  }
0x94: {  	_ =	strace s3  }
0x95: {  	s3 =	sld [smem:$0x3FFD];
	_ =	sdelay $0x3  }
0x96: {  	_ =	strace s3  }
0x97: {  	_ =	strace $0x8FFFFFFF  }
0x98: {  	s19 =	sld [smem:$0x3FDB];
	_ =	sdelay $0x1  }
0x99: {  	s4 =	simm.s32 $_scs_section_size  }
0x9a: {  	s5 =	simm.s32 $_size__tile_overlayer_lowered;
	s6 =	simm.s32 $_tile_overlayer_lowered  }
0x9b: {  	s22 =	simm.s32 $0x1BFF;
	s21 =	sshll.u32 s6, $0x1;
	s3 =	sadd.s32 s4, s19  }
0x9c: {  	s7 =	simm.s32 $0x0;
	s20 =	sshll.u32 s5, $0x1;
	s5 =	sadd.s32 s21, s3  }
0x9d: {  	[timem:s7], [sflag:s22] =	dma.local [hbm:s5], s20  }
0x9e: {  	_ =	swait.ge [sflag:s22], s20  }
0x9f: {  	s4 =	ssub.s32 $0x0, s20;
	[sflag:s22] =	ssyncset.done $0x0  }
0xa0: {  	[sflag:s22] =	ssyncadd.s32 s4;
	_ =	sdelay $0x1  }
0xa1: {  	s23 =	simm.s32 $0x1B8B  }
0xa2: {  	_ =	swait.ge [sflag:s23], $0x1  }
0xa3: {  	[sflag:s23] =	ssyncset.done $0x0  }
0xa4: {  	s25 =	simm.s32 $0x1B8E;
	s24 =	sld [smem:$0x3FFE];
	[sflag:s23] =	ssyncadd.s32 $0xFFFFFFFF  }
0xa5: {  	s26 =	simm.s32 $execute0_lowered;
	[smem:$0x3FD2] =	sst s25  }
0xa6: {  	s5 =	sshll.u32 s26, $0x1;
	_ =	strace $0x80000049;
	[dreg:$0x1] =	wrdreg $0xFFFFFFFF  }
0xa7: {  	s28 =	simm.s32 $_size_execute0_lowered;
	s3 =	sadd.s32 s3, s5;
	[dreg:$0x0] =	wrdreg $0x0  }
0xa8: {  	s5 =	sshll.u32 s28, $0x1;
	[dreg:$0x2] =	wrdreg s3  }
0xa9: {  	[dreg:$0x3] =	wrdreg s5  }
0xaa: {  	[dreg:$0x4] =	wrdreg $0xC0  }
0xab: {  	_ =	task [dreg:s7], $0x5FFFF  }
0xac: {  	[dreg:$0x1] =	wrdreg $0xFFFFFFFF  }
0xad: {  	[dreg:$0x0] =	wrdreg $0x60  }
0xae: {  	[dreg:$0x2] =	wrdreg s2  }
0xaf: {  	[dreg:$0x3] =	wrdreg s24  }
0xb0: {  	[dreg:$0x4] =	wrdreg $0x128000  }
0xb1: {  	[dreg:$0x5] =	wrdreg $0x9  }
0xb2: {  	_ =	task.clear_ibuf [dreg:s7], $0x6FFFF;
	_ =	strace $0x90000049  }
0xb3: {  	s29 =	simm.s32 $0x9;
	_ =	strace $0x8000004B  }
0xb4: {  	_ =	swait.ge [sflag:s29], $0x1  }
0xb5: {  	[sflag:s29] =	ssyncadd.s32 $0xFFFFFFFF  }
0xb6: {  	_ =	strace $0x9000004B  }
0xb7: {  	_ =	sfence  }
0xb8: {  	s30 =	sld [smem:$0x0];
	_ =	sdelay $0x2  }
0xb9: {  	s31 =	sshll.u32 s1, $0xD;
	s1 =	sshrl.u32 s1, $0x2  }
0xba: {  	s3 =	sand.u32 $0x4000, s31;
	s1 =	sadd.s32 s1, s30  }
0xbb: {  	s0 =	sor.u32 s3, s0;
	s1 =	sshll.u32 s1, $0x11  }
0xbc: {  	s0 =	sor.u32 s1, s0  }
0xbd: {  	s0 =	sadd.s32 $0x8F2B, s0  }
0xbe: {  	[sflag:s0] =	ssyncadd.remote.s32 $0x1  }
0xbf: {  	_ =	sfence.sel $0xFFFF  }
0xc0: {  	[dreg:$0x0] =	wrdreg $0xFFFFFFFF;
	(pc) =	sbr.abs _section_cstart, $3  }
0xc1: {  	[dreg:$0x1] =	wrdreg $0xFFFFFFFF  }
0xc2: {  	_ =	task.clear_ibuf [dreg:s7], $0x2FFFF;
	_ =	strace $0x9FFFFFFF  }
0xc3: {  	(tm) =	ssettm $0x7FFFFFFF  }
tec
execute0_lowered:
.L_overlay_start_1:
0x0: {  	(tag) =	ssettag $0x1  }
0x1: {  	s1 =	rddreg [dreg:$0x0]  }
0x2: {  	s0 =	rddreg [dreg:$0x1]  }
0x3: {  	s3 =	rddreg [dreg:$0x2];
	s2 =	srdreg.scid  }
0x4: {  	s9 =	stileid.u32;
	s5 =	simm.s32 $0x0;
	s16 =	simm.s32 $0x12000  }
0x5: {  	s17 =	simm.s32 $0x3;
	s19 =	simm.s32 $0x80;
	s28 =	simm.s32 $0x2000  }
0x6: {  	s12 =	simm.s32 $0xA800;
	s18 =	simm.s32 $0xB800;
	s29 =	simm.s32 $0xE000  }
0x7: {  	s31 =	simm.s32 $0xE800;
	s15 =	simm.s32 $0x10800;
	s4 =	smul.u32 $0xC38, s9  }
0x8: {  	s30 =	simm.s32 $0x1;
	s2 =	sand.u32 $0x1, s2;
	s8 =	smul.u32 $0xC80, s9  }
0x9: {  	[smem:$0x7FF] =	sst s5;
	s5 =	sadd.s32 $0x35A00, s0;
	s9 =	smul.u32 $0xD000, s9  }
0xa: {  	s6 =	sadd.s32 $0x1BA00, s0;
	s14 =	smul.u32 $0xC350, s2;
	_ =	strace $0x8000004A  }
0xb: {  	s2 =	ssub.s32 $0x2, s2;
	s4 =	smin.u32 s4, $0xB718;
	s20 =	smin.u32 s8, $0xB6D8  }
0xc: {  	s21 =	sshrl.u32 s2, $0x1;
	s10 =	sshrl.u32 s9, $0x3;
	s24 =	sadd.s32 $0x1000, s9  }
0xd: {  	s25 =	sadd.s32 $0x1800, s9;
	s9 =	simm.s32 $0xF800;
	s7 =	sadd.s32 s14, s4  }
0xe: {  	s2 =	ssub.s32 s2, s21;
	s22 =	sor.u32 $0x100, s10;
	s11 =	sadd.s32 s5, s10  }
0xf: {  	s10 =	sadd.s32 s6, s10;
	[dreg:$0x8] =	wrdreg s24;
	s4 =	sshll.u32 s4, $0x4  }
0x10: {  	[dreg:$0x9] =	wrdreg s25;
	s24 =	simm.s32 $0xB000;
	s21 =	simm.s32 $0xC800  }
0x11: {  	s25 =	simm.s32 $0x11800;
	s7 =	sshll.u32 s7, $0x1;
	[dreg:$0x4] =	wrdreg s11  }
0x12: {  	[dreg:$0x5] =	wrdreg s10;
	s23 =	sadd.s32 s5, s22;
	s8 =	sadd.s32 s6, s22  }
0x13: {  	s26 =	sadd.s32 s4, s3;
	s2 =	smax.u32 s2, $0x1;
	s11 =	simm.s32 $0x10000  }
0x14: {  	s4 =	simm.s32 $0x11000;
	s10 =	simm.s32 $0x0;
	[dreg:$0x6] =	wrdreg s23  }
.Ltmp0:
0x15: {  	s0 =	sadd.s32 s7, s0;
	[dreg:$0x7] =	wrdreg s8;
	(pc) =	sbr.rel .LBB2_1-.Ltmp0, $4  }
0x16: {  	s7 =	sshll.u32 s20, $0x4;
	[dreg:$0xb] =	wrdreg s2;
	s20 =	simm.s32 $0xC000  }
0x17: {  	s23 =	simm.s32 $0xD000;
	s2 =	simm.s32 $0xF000;
	s0 =	sadd.s32 $0x4FA00, s0  }
0x18: {  	s8 =	simm.s32 $0x2;
	[dreg:$0xa] =	wrdreg s0;
	s0 =	sshrl.u32 s26, $0x3  }
0x19: {  	v1 =	vimm.bf16 $0.0e+00;
	v0 =	vmov s14;
	s7 =	sadd.s32 s7, s3;
	s26 =	simm.s32 $0xD800;
	[dreg:$0xc] =	wrdreg s0  }
.LBB2_18:
0x1a: {  	s0 =	stileid.u32;
	[bflag:$0x0] =	sbarrier.arrive $0xFFFF  }
0x1b: {  	s0 =	sshll.u32 s0, $0x6;
	s13 =	rddreg [dreg:$0xa]  }
0x1c: {  	s14 =	rddreg [dreg:$0xc];
	s0 =	sor.u32 $0x1C03, s0  }
0x1d: {  	[hbm:s13], [sflag:s0] =	dma.local [spmem:s14], $0x1870  }
0x1e: {  	_ =	swait.ge [sflag:s17], $0x1870  }
0x1f: {  	s10 =	rddreg [dreg:$0xd]  }
0x20: {  	s22 =	rddreg [dreg:$0xb];
	s10 =	sadd.s32 $0x1, s10  }
0x21: {  	p0 =	sne.s32 s10, s22  }
.Ltmp1:
0x22: {  	_ = 	snop;
	(pc) =	sbr.rel @!p0 .LBB2_19-.Ltmp1, $3  }
0x23: {  	_ =	sdelay $0x1  }
0x24: {  	[sflag:s17] =	ssyncset.done $0x0  }
0x25: {  	[sflag:s17] =	ssyncadd.s32 $0xFFFFE790  }
.LBB2_1:
0x26: {  	s13 =	simm.s32 $0x0  }
.LBB2_2:
0x27: {  	p0 =	sne.s32 s13, $0x1FC0  }
.Ltmp2:
0x28: {  	_ = 	snop;
	(pc) =	sbr.rel @p0 .LBB2_2-.Ltmp2, $3  }
0x29: {  	_ =	sdelay $0x1  }
0x2a: {  	s14 =	sshra.s32 s13, $0x2  }
0x2b: {  	s13 =	sadd.s32 $0x40, s13;
	[tilespmem:s14+$0x12000] =	vst v1  }
0x2c: {  	s13 =	sadd.s32 $0x0, s7  }
0x2d: {  	[spmem:s13] =	stream.linear.scatter [tilespmem:s16], [sflag:$0x3], $0x800, $0x38;
	[tilespmem:$0x1EB58] =	vst v63  }
0x2e: {  	s13 =	simm.s32 $0x2000;
	_ =	swait.ge [sflag:s17], $0x800  }
.LBB2_4:
0x2f: {  	s14 =	sshra.s32 s13, $0x2;
	[sflag:s17] =	ssyncset.done $0x0;
	p0 =	sne.s32 s13, $0x30000  }
.Ltmp3:
0x30: {  	s14 =	sadd.s32 s14, s7;
	[sflag:s17] =	ssyncadd.s32 $0xFFFFF800;
	(pc) =	sbr.rel @p0 .LBB2_4-.Ltmp3, $3  }
0x31: {  	[spmem:s14] =	stream.linear.scatter [tilespmem:s16], [sflag:$0x3], $0x800, $0x38;
	[tilespmem:$0x1EB58] =	vst v63  }
0x32: {  	s13 =	sadd.s32 $0x2000, s13;
	_ =	sdelay $0x1  }
0x33: {  	_ =	swait.ge [sflag:s17], $0x800  }
0x34: {  	[sflag:s17] =	ssyncset.done $0x0  }
0x35: {  	[dreg:$0xd] =	wrdreg s10;
	[sflag:s17] =	ssyncadd.s32 $0xFFFFF800  }
0x36: {  	[bflag:$0x0] =	sbarrier.arrive $0xFFFF  }
0x37: {  	s13 =	simm.s32 $0x0;
	s0 =	rddreg [dreg:$0x4]  }
0x38: {  	[tilespmem:s13], [sflag:$0x3] =	stream.linear.gather [hbm4b:s0+s13], $0x800, $0x38;
	[tilespmem:$0x1EB58] =	vst v63  }
0x39: {  	_ =	swait.ge [sflag:s17], $0x800  }
0x3a: {  	[sflag:s17] =	ssyncset.done $0x0  }
0x3b: {  	s14 =	simm.s32 $0x1000;
	s22 =	rddreg [dreg:$0x5];
	[sflag:s17] =	ssyncadd.s32 $0xFFFFF800  }
0x3c: {  	[tilespmem:s14], [sflag:$0x3] =	stream.linear.gather [hbm4b:s22+s13], $0x800, $0x38;
	[tilespmem:$0x1EB58] =	vst v63  }
0x3d: {  	_ =	swait.ge [sflag:s17], $0x800  }
0x3e: {  	[sflag:s17] =	ssyncset.done $0x0  }
0x3f: {  	s14 =	simm.s32 $0x0;
	[sflag:s17] =	ssyncadd.s32 $0xFFFFF800  }
0x40: {  	v4 =	vld [tilespmem:s14+$0x0]  }
0x41: {  	v6 =	vld [tilespmem:s14+$0x10]  }
0x42: {  	v5 =	vld [tilespmem:s14+$0x20]  }
0x43: {  	v3 =	vld [tilespmem:s14+$0x30]  }
0x44: {  	v2 =	vld [tilespmem:s14+$0x40]  }
0x45: {  	v7 =	vadd.s32 v0, v4;
	v4 =	vld [tilespmem:s14+$0x50]  }
0x46: {  	s13 =	simm.s32 $0x200;
	[tilespmem:s14+$0x0] =	vst v7;
	v7 =	vadd.s32 v0, v6;
	v6 =	vld [tilespmem:s14+$0x60]  }
.LBB2_6:
0x47: {  	s22 =	sshra.s32 s13, $0x2;
	p0 =	sne.s32 s13, $0x1E00;
	[tilespmem:s14+$0x10] =	vst v7;
	v5 =	vadd.s32 v0, v5;
	v7 =	vld [tilespmem:s14+$0x70]  }
0x48: {  	v8 =	vld [tilespmem:s22+$0x0];
	[tilespmem:s14+$0x20] =	vst v5;
	v3 =	vadd.s32 v0, v3  }
0x49: {  	v9 =	vld [tilespmem:s22+$0x10];
	[tilespmem:s14+$0x30] =	vst v3;
	v2 =	vadd.s32 v0, v2  }
.Ltmp4:
0x4a: {  	v5 =	vld [tilespmem:s22+$0x20];
	[tilespmem:s14+$0x40] =	vst v2;
	v2 =	vadd.s32 v0, v4;
	(pc) =	sbr.rel @p0 .LBB2_6-.Ltmp4, $4  }
0x4b: {  	v3 =	vld [tilespmem:s22+$0x30];
	[tilespmem:s14+$0x50] =	vst v2;
	v4 =	vadd.s32 v0, v6  }
0x4c: {  	v2 =	vld [tilespmem:s22+$0x40];
	[tilespmem:s14+$0x60] =	vst v4;
	v6 =	vadd.s32 v0, v7  }
0x4d: {  	v7 =	vadd.s32 v0, v8;
	v4 =	vld [tilespmem:s22+$0x50];
	[tilespmem:s14+$0x70] =	vst v6;
	s14 =	smov.u32 s22  }
0x4e: {  	s13 =	sadd.s32 $0x200, s13;
	[tilespmem:s14+$0x0] =	vst v7;
	v7 =	vadd.s32 v0, v9;
	v6 =	vld [tilespmem:s14+$0x60]  }
0x4f: {  	[tilespmem:s14+$0x10] =	vst v7;
	v5 =	vadd.s32 v0, v5;
	v7 =	vld [tilespmem:s14+$0x70]  }
0x50: {  	[tilespmem:s14+$0x20] =	vst v5;
	v3 =	vadd.s32 v0, v3  }
0x51: {  	[tilespmem:s14+$0x30] =	vst v3;
	v2 =	vadd.s32 v0, v2  }
0x52: {  	[tilespmem:s14+$0x40] =	vst v2;
	v2 =	vadd.s32 v0, v4  }
0x53: {  	[tilespmem:s14+$0x50] =	vst v2;
	v2 =	vadd.s32 v0, v6  }
0x54: {  	[tilespmem:s14+$0x60] =	vst v2;
	v2 =	vadd.s32 v0, v7  }
0x55: {  	s13 =	simm.s32 $0x0;
	[tilespmem:s14+$0x70] =	vst v2  }
0x56: {  	[tilespmem:s28], [sflag:$0x1] =	stream.indirect.gather [hbm4b:s1+s19], $0x10, s13, s19, $0xb8;
	[tilespmem:$0x1EB58] =	vst v63  }
0x57: {  	s0 =	simm.s32 $0x2800  }
0x58: {  	[tilespmem:s0], [sflag:$0x1] =	stream.indirect.gather [hbm4b:s1+s19], $0x10, s19, s19, $0xb8;
	[tilespmem:$0x1EB58] =	vst v63  }
0x59: {  	s22 =	simm.s32 $0x100;
	s10 =	simm.s32 $0x3000  }
0x5a: {  	[tilespmem:s10], [sflag:$0x1] =	stream.indirect.gather [hbm4b:s1+s19], $0x10, s22, s19, $0xb8;
	[tilespmem:$0x1EB58] =	vst v63  }
0x5b: {  	s22 =	simm.s32 $0x180;
	s10 =	simm.s32 $0x3800  }
0x5c: {  	[tilespmem:s10], [sflag:$0x1] =	stream.indirect.gather [hbm4b:s1+s19], $0x10, s22, s19, $0xb8;
	[tilespmem:$0x1EB58] =	vst v63  }
0x5d: {  	s22 =	simm.s32 $0x200;
	s10 =	simm.s32 $0x4000  }
0x5e: {  	[tilespmem:s10], [sflag:$0x1] =	stream.indirect.gather [hbm4b:s1+s19], $0x10, s22, s19, $0xb8;
	[tilespmem:$0x1EB58] =	vst v63  }
0x5f: {  	s22 =	simm.s32 $0x280;
	s10 =	simm.s32 $0x4800  }
0x60: {  	[tilespmem:s10], [sflag:$0x1] =	stream.indirect.gather [hbm4b:s1+s19], $0x10, s22, s19, $0xb8;
	[tilespmem:$0x1EB58] =	vst v63  }
0x61: {  	s22 =	simm.s32 $0x300;
	s10 =	simm.s32 $0x5000  }
0x62: {  	[tilespmem:s10], [sflag:$0x1] =	stream.indirect.gather [hbm4b:s1+s19], $0x10, s22, s19, $0xb8;
	[tilespmem:$0x1EB58] =	vst v63  }
0x63: {  	s22 =	simm.s32 $0x380;
	s10 =	simm.s32 $0x5800  }
0x64: {  	[tilespmem:s10], [sflag:$0x1] =	stream.indirect.gather [hbm4b:s1+s19], $0x10, s22, s19, $0xb8;
	[tilespmem:$0x1EB58] =	vst v63  }
0x65: {  	s22 =	simm.s32 $0x400;
	s10 =	simm.s32 $0x6000  }
0x66: {  	[tilespmem:s10], [sflag:$0x1] =	stream.indirect.gather [hbm4b:s1+s19], $0x10, s22, s19, $0xb8;
	[tilespmem:$0x1EB58] =	vst v63  }
0x67: {  	s22 =	simm.s32 $0x480;
	s10 =	simm.s32 $0x6800  }
0x68: {  	[tilespmem:s10], [sflag:$0x1] =	stream.indirect.gather [hbm4b:s1+s19], $0x10, s22, s19, $0xb8;
	[tilespmem:$0x1EB58] =	vst v63  }
0x69: {  	s22 =	simm.s32 $0x500;
	s10 =	simm.s32 $0x7000  }
0x6a: {  	[tilespmem:s10], [sflag:$0x1] =	stream.indirect.gather [hbm4b:s1+s19], $0x10, s22, s19, $0xb8;
	[tilespmem:$0x1EB58] =	vst v63  }
0x6b: {  	s22 =	simm.s32 $0x580;
	s10 =	simm.s32 $0x7800  }
0x6c: {  	[tilespmem:s10], [sflag:$0x1] =	stream.indirect.gather [hbm4b:s1+s19], $0x10, s22, s19, $0xb8;
	[tilespmem:$0x1EB58] =	vst v63  }
0x6d: {  	s22 =	simm.s32 $0x600;
	s10 =	simm.s32 $0x8000  }
0x6e: {  	[tilespmem:s10], [sflag:$0x1] =	stream.indirect.gather [hbm4b:s1+s19], $0x10, s22, s19, $0xb8;
	[tilespmem:$0x1EB58] =	vst v63  }
0x6f: {  	s22 =	simm.s32 $0x680;
	s10 =	simm.s32 $0x8800  }
0x70: {  	[tilespmem:s10], [sflag:$0x1] =	stream.indirect.gather [hbm4b:s1+s19], $0x10, s22, s19, $0xb8;
	[tilespmem:$0x1EB58] =	vst v63  }
0x71: {  	s22 =	simm.s32 $0x700;
	s10 =	simm.s32 $0x9000  }
0x72: {  	[tilespmem:s10], [sflag:$0x1] =	stream.indirect.gather [hbm4b:s1+s19], $0x10, s22, s19, $0xb8;
	[tilespmem:$0x1EB58] =	vst v63  }
0x73: {  	s22 =	simm.s32 $0x780;
	s10 =	simm.s32 $0x9800  }
0x74: {  	[tilespmem:s10], [sflag:$0x1] =	stream.indirect.gather [hbm4b:s1+s19], $0x10, s22, s19, $0xb8;
	[tilespmem:$0x1EB58] =	vst v63  }
0x75: {  	s14 =	rddreg [dreg:$0x6];
	s10 =	simm.s32 $0x800  }
0x76: {  	[tilespmem:s10], [sflag:$0x3] =	stream.linear.gather [hbm4b:s14+s13], $0x800, $0x38;
	[tilespmem:$0x1EB58] =	vst v63  }
0x77: {  	_ =	swait.ge [sflag:s17], $0x800  }
0x78: {  	[sflag:s17] =	ssyncset.done $0x0  }
0x79: {  	s10 =	simm.s32 $0x1800;
	s22 =	rddreg [dreg:$0x7];
	[sflag:s17] =	ssyncadd.s32 $0xFFFFF800  }
0x7a: {  	[tilespmem:s10], [sflag:$0x3] =	stream.linear.gather [hbm4b:s22+s13], $0x800, $0x38;
	[tilespmem:$0x1EB58] =	vst v63  }
0x7b: {  	_ =	swait.ge [sflag:s17], $0x800  }
0x7c: {  	[sflag:s17] =	ssyncset.done $0x0  }
0x7d: {  	s14 =	simm.s32 $0x0;
	[sflag:s17] =	ssyncadd.s32 $0xFFFFF800  }
0x7e: {  	v4 =	vld [tilespmem:s14+$0x800]  }
0x7f: {  	v6 =	vld [tilespmem:s14+$0x810]  }
0x80: {  	v5 =	vld [tilespmem:s14+$0x820]  }
0x81: {  	v3 =	vld [tilespmem:s14+$0x830]  }
0x82: {  	v2 =	vld [tilespmem:s14+$0x840]  }
0x83: {  	v7 =	vadd.s32 v0, v4;
	v4 =	vld [tilespmem:s14+$0x850]  }
0x84: {  	s13 =	simm.s32 $0x200;
	[tilespmem:s14+$0x800] =	vst v7;
	v7 =	vadd.s32 v0, v6;
	v6 =	vld [tilespmem:s14+$0x860]  }
.LBB2_8:
0x85: {  	s22 =	sshra.s32 s13, $0x2;
	p0 =	sne.s32 s13, $0x1E00;
	[tilespmem:s14+$0x810] =	vst v7;
	v5 =	vadd.s32 v0, v5;
	v7 =	vld [tilespmem:s14+$0x870]  }
0x86: {  	v8 =	vld [tilespmem:s22+$0x800];
	[tilespmem:s14+$0x820] =	vst v5;
	v3 =	vadd.s32 v0, v3  }
0x87: {  	v9 =	vld [tilespmem:s22+$0x810];
	[tilespmem:s14+$0x830] =	vst v3;
	v2 =	vadd.s32 v0, v2  }
.Ltmp5:
0x88: {  	v5 =	vld [tilespmem:s22+$0x820];
	[tilespmem:s14+$0x840] =	vst v2;
	v2 =	vadd.s32 v0, v4;
	(pc) =	sbr.rel @p0 .LBB2_8-.Ltmp5, $4  }
0x89: {  	v3 =	vld [tilespmem:s22+$0x830];
	[tilespmem:s14+$0x850] =	vst v2;
	v4 =	vadd.s32 v0, v6  }
0x8a: {  	v2 =	vld [tilespmem:s22+$0x840];
	[tilespmem:s14+$0x860] =	vst v4;
	v6 =	vadd.s32 v0, v7  }
0x8b: {  	v7 =	vadd.s32 v0, v8;
	v4 =	vld [tilespmem:s22+$0x850];
	[tilespmem:s14+$0x870] =	vst v6;
	s14 =	smov.u32 s22  }
0x8c: {  	s13 =	sadd.s32 $0x200, s13;
	[tilespmem:s14+$0x800] =	vst v7;
	v7 =	vadd.s32 v0, v9;
	v6 =	vld [tilespmem:s14+$0x860]  }
0x8d: {  	[tilespmem:s14+$0x810] =	vst v7;
	v5 =	vadd.s32 v0, v5;
	v63 =	vld [tilespmem:s14+$0x870]  }
0x8e: {  	[tilespmem:s14+$0x820] =	vst v5;
	v3 =	vadd.s32 v0, v3  }
0x8f: {  	[tilespmem:s14+$0x830] =	vst v3;
	v2 =	vadd.s32 v0, v2  }
0x90: {  	[tilespmem:s14+$0x840] =	vst v2;
	v2 =	vadd.s32 v0, v4  }
0x91: {  	[tilespmem:s14+$0x850] =	vst v2;
	v2 =	vadd.s32 v0, v6  }
0x92: {  	[tilespmem:s14+$0x860] =	vst v2;
	v2 =	vadd.s32 v0, v63  }
0x93: {  	s0 =	simm.s32 $0x800;
	s13 =	simm.s32 $0xA000;
	[tilespmem:s14+$0x870] =	vst v2  }
0x94: {  	[tilespmem:s13], [sflag:$0x2] =	stream.indirect.gather [hbm4b:s1+s19], $0x10, s0, s19, $0xb8;
	[tilespmem:$0x1EB58] =	vst v63  }
0x95: {  	s13 =	simm.s32 $0x880  }
0x96: {  	[tilespmem:s12], [sflag:$0x2] =	stream.indirect.gather [hbm4b:s1+s19], $0x10, s13, s19, $0xb8;
	[tilespmem:$0x1EB58] =	vst v63  }
0x97: {  	s14 =	simm.s32 $0x900  }
0x98: {  	[tilespmem:s24], [sflag:$0x2] =	stream.indirect.gather [hbm4b:s1+s19], $0x10, s14, s19, $0xb8;
	[tilespmem:$0x1EB58] =	vst v63  }
0x99: {  	s22 =	simm.s32 $0x980  }
0x9a: {  	[tilespmem:s18], [sflag:$0x2] =	stream.indirect.gather [hbm4b:s1+s19], $0x10, s22, s19, $0xb8;
	[tilespmem:$0x1EB58] =	vst v63  }
0x9b: {  	s13 =	simm.s32 $0xA00  }
0x9c: {  	[tilespmem:s20], [sflag:$0x2] =	stream.indirect.gather [hbm4b:s1+s19], $0x10, s13, s19, $0xb8;
	[tilespmem:$0x1EB58] =	vst v63  }
0x9d: {  	s14 =	simm.s32 $0xA80  }
0x9e: {  	[tilespmem:s21], [sflag:$0x2] =	stream.indirect.gather [hbm4b:s1+s19], $0x10, s14, s19, $0xb8;
	[tilespmem:$0x1EB58] =	vst v63  }
0x9f: {  	s22 =	simm.s32 $0xB00  }
0xa0: {  	[tilespmem:s23], [sflag:$0x2] =	stream.indirect.gather [hbm4b:s1+s19], $0x10, s22, s19, $0xb8;
	[tilespmem:$0x1EB58] =	vst v63  }
0xa1: {  	s13 =	simm.s32 $0xB80  }
0xa2: {  	[tilespmem:s26], [sflag:$0x2] =	stream.indirect.gather [hbm4b:s1+s19], $0x10, s13, s19, $0xb8;
	[tilespmem:$0x1EB58] =	vst v63  }
0xa3: {  	s14 =	simm.s32 $0xC00  }
0xa4: {  	[tilespmem:s29], [sflag:$0x2] =	stream.indirect.gather [hbm4b:s1+s19], $0x10, s14, s19, $0xb8;
	[tilespmem:$0x1EB58] =	vst v63  }
0xa5: {  	s22 =	simm.s32 $0xC80  }
0xa6: {  	[tilespmem:s31], [sflag:$0x2] =	stream.indirect.gather [hbm4b:s1+s19], $0x10, s22, s19, $0xb8;
	[tilespmem:$0x1EB58] =	vst v63  }
0xa7: {  	s13 =	simm.s32 $0xD00  }
0xa8: {  	[tilespmem:s2], [sflag:$0x2] =	stream.indirect.gather [hbm4b:s1+s19], $0x10, s13, s19, $0xb8;
	[tilespmem:$0x1EB58] =	vst v63  }
0xa9: {  	s14 =	simm.s32 $0xD80  }
0xaa: {  	[tilespmem:s9], [sflag:$0x2] =	stream.indirect.gather [hbm4b:s1+s19], $0x10, s14, s19, $0xb8;
	[tilespmem:$0x1EB58] =	vst v63  }
0xab: {  	s22 =	simm.s32 $0xE00  }
0xac: {  	[tilespmem:s11], [sflag:$0x2] =	stream.indirect.gather [hbm4b:s1+s19], $0x10, s22, s19, $0xb8;
	[tilespmem:$0x1EB58] =	vst v63  }
0xad: {  	s13 =	simm.s32 $0xE80  }
0xae: {  	[tilespmem:s15], [sflag:$0x2] =	stream.indirect.gather [hbm4b:s1+s19], $0x10, s13, s19, $0xb8;
	[tilespmem:$0x1EB58] =	vst v63  }
0xaf: {  	s14 =	simm.s32 $0xF00  }
0xb0: {  	[tilespmem:s4], [sflag:$0x2] =	stream.indirect.gather [hbm4b:s1+s19], $0x10, s14, s19, $0xb8;
	[tilespmem:$0x1EB58] =	vst v63  }
0xb1: {  	s22 =	simm.s32 $0xF80;
	s14 =	simm.s32 $0x0  }
0xb2: {  	[tilespmem:s25], [sflag:$0x2] =	stream.indirect.gather [hbm4b:s1+s19], $0x10, s22, s19, $0xb8;
	[tilespmem:$0x1EB58] =	vst v63  }
.LBB2_10:
0xb3: {  	_ =	swait.ge [sflag:s30], $0x800  }
0xb4: {  	[sflag:s30] =	ssyncset.done $0x0  }
0xb5: {  	[sflag:s30] =	ssyncadd.s32 $0xFFFFF800  }
0xb6: {  	_ =	swait.ge [sflag:s30], $0x800  }
0xb7: {  	[sflag:s30] =	ssyncset.done $0x0  }
0xb8: {  	[sflag:s30] =	ssyncadd.s32 $0xFFFFF800  }
0xb9: {  	_ =	swait.ge [sflag:s30], $0x800  }
0xba: {  	[sflag:s30] =	ssyncset.done $0x0  }
0xbb: {  	[sflag:s30] =	ssyncadd.s32 $0xFFFFF800  }
0xbc: {  	_ =	swait.ge [sflag:s30], $0x800  }
0xbd: {  	[sflag:s30] =	ssyncset.done $0x0  }
0xbe: {  	[sflag:s30] =	ssyncadd.s32 $0xFFFFF800  }
0xbf: {  	_ =	swait.ge [sflag:s30], $0x800  }
0xc0: {  	[sflag:s30] =	ssyncset.done $0x0  }
0xc1: {  	[sflag:s30] =	ssyncadd.s32 $0xFFFFF800  }
0xc2: {  	_ =	swait.ge [sflag:s30], $0x800  }
0xc3: {  	[sflag:s30] =	ssyncset.done $0x0  }
0xc4: {  	[sflag:s30] =	ssyncadd.s32 $0xFFFFF800  }
0xc5: {  	_ =	swait.ge [sflag:s30], $0x800  }
0xc6: {  	[sflag:s30] =	ssyncset.done $0x0  }
0xc7: {  	[sflag:s30] =	ssyncadd.s32 $0xFFFFF800  }
0xc8: {  	_ =	swait.ge [sflag:s30], $0x800  }
0xc9: {  	[sflag:s30] =	ssyncset.done $0x0  }
0xca: {  	[sflag:s30] =	ssyncadd.s32 $0xFFFFF800  }
0xcb: {  	_ =	swait.ge [sflag:s30], $0x800  }
0xcc: {  	[sflag:s30] =	ssyncset.done $0x0  }
0xcd: {  	[sflag:s30] =	ssyncadd.s32 $0xFFFFF800  }
0xce: {  	_ =	swait.ge [sflag:s30], $0x800  }
0xcf: {  	[sflag:s30] =	ssyncset.done $0x0  }
0xd0: {  	[sflag:s30] =	ssyncadd.s32 $0xFFFFF800  }
0xd1: {  	_ =	swait.ge [sflag:s30], $0x800  }
0xd2: {  	[sflag:s30] =	ssyncset.done $0x0  }
0xd3: {  	[sflag:s30] =	ssyncadd.s32 $0xFFFFF800  }
0xd4: {  	_ =	swait.ge [sflag:s30], $0x800  }
0xd5: {  	[sflag:s30] =	ssyncset.done $0x0  }
0xd6: {  	[sflag:s30] =	ssyncadd.s32 $0xFFFFF800  }
0xd7: {  	_ =	swait.ge [sflag:s30], $0x800  }
0xd8: {  	[sflag:s30] =	ssyncset.done $0x0  }
0xd9: {  	[sflag:s30] =	ssyncadd.s32 $0xFFFFF800  }
0xda: {  	_ =	swait.ge [sflag:s30], $0x800  }
0xdb: {  	[sflag:s30] =	ssyncset.done $0x0  }
0xdc: {  	[sflag:s30] =	ssyncadd.s32 $0xFFFFF800  }
0xdd: {  	_ =	swait.ge [sflag:s30], $0x800  }
0xde: {  	[sflag:s30] =	ssyncset.done $0x0  }
0xdf: {  	[sflag:s30] =	ssyncadd.s32 $0xFFFFF800  }
0xe0: {  	_ =	swait.ge [sflag:s30], $0x800  }
0xe1: {  	[sflag:s30] =	ssyncset.done $0x0  }
0xe2: {  	s0 =	simm.s32 $0x1000;
	[sflag:s30] =	ssyncadd.s32 $0xFFFFF800  }
0xe3: {  	[spmem:s3] =	stream.indirect.scatter.add.bf16 [tilespmem:s28], [sflag:$0x3], $0x10, s0, s19, $0xb8;
	[tilespmem:$0x1EB58] =	vst v63  }
0xe4: {  	_ =	swait.ge [sflag:s17], $0x800  }
0xe5: {  	[sflag:s17] =	ssyncset.done $0x0  }
0xe6: {  	s22 =	simm.s32 $0x2800;
	s13 =	simm.s32 $0x1080;
	[sflag:s17] =	ssyncadd.s32 $0xFFFFF800  }
0xe7: {  	[spmem:s3] =	stream.indirect.scatter.add.bf16 [tilespmem:s22], [sflag:$0x3], $0x10, s13, s19, $0xb8;
	[tilespmem:$0x1EB58] =	vst v63  }
0xe8: {  	_ =	swait.ge [sflag:s17], $0x800  }
0xe9: {  	[sflag:s17] =	ssyncset.done $0x0  }
0xea: {  	s13 =	simm.s32 $0x3000;
	s22 =	simm.s32 $0x1100;
	[sflag:s17] =	ssyncadd.s32 $0xFFFFF800  }
0xeb: {  	[spmem:s3] =	stream.indirect.scatter.add.bf16 [tilespmem:s13], [sflag:$0x3], $0x10, s22, s19, $0xb8;
	[tilespmem:$0x1EB58] =	vst v63  }
0xec: {  	_ =	swait.ge [sflag:s17], $0x800  }
0xed: {  	[sflag:s17] =	ssyncset.done $0x0  }
0xee: {  	s13 =	simm.s32 $0x3800;
	s22 =	simm.s32 $0x1180;
	[sflag:s17] =	ssyncadd.s32 $0xFFFFF800  }
0xef: {  	[spmem:s3] =	stream.indirect.scatter.add.bf16 [tilespmem:s13], [sflag:$0x3], $0x10, s22, s19, $0xb8;
	[tilespmem:$0x1EB58] =	vst v63  }
0xf0: {  	_ =	swait.ge [sflag:s17], $0x800  }
0xf1: {  	[sflag:s17] =	ssyncset.done $0x0  }
0xf2: {  	s13 =	simm.s32 $0x4000;
	s22 =	simm.s32 $0x1200;
	[sflag:s17] =	ssyncadd.s32 $0xFFFFF800  }
0xf3: {  	[spmem:s3] =	stream.indirect.scatter.add.bf16 [tilespmem:s13], [sflag:$0x3], $0x10, s22, s19, $0xb8;
	[tilespmem:$0x1EB58] =	vst v63  }
0xf4: {  	_ =	swait.ge [sflag:s17], $0x800  }
0xf5: {  	[sflag:s17] =	ssyncset.done $0x0  }
0xf6: {  	s13 =	simm.s32 $0x4800;
	s22 =	simm.s32 $0x1280;
	[sflag:s17] =	ssyncadd.s32 $0xFFFFF800  }
0xf7: {  	[spmem:s3] =	stream.indirect.scatter.add.bf16 [tilespmem:s13], [sflag:$0x3], $0x10, s22, s19, $0xb8;
	[tilespmem:$0x1EB58] =	vst v63  }
0xf8: {  	_ =	swait.ge [sflag:s17], $0x800  }
0xf9: {  	[sflag:s17] =	ssyncset.done $0x0  }
0xfa: {  	s13 =	simm.s32 $0x5000;
	s22 =	simm.s32 $0x1300;
	[sflag:s17] =	ssyncadd.s32 $0xFFFFF800  }
0xfb: {  	[spmem:s3] =	stream.indirect.scatter.add.bf16 [tilespmem:s13], [sflag:$0x3], $0x10, s22, s19, $0xb8;
	[tilespmem:$0x1EB58] =	vst v63  }
0xfc: {  	_ =	swait.ge [sflag:s17], $0x800  }
0xfd: {  	[sflag:s17] =	ssyncset.done $0x0  }
0xfe: {  	s13 =	simm.s32 $0x5800;
	s22 =	simm.s32 $0x1380;
	[sflag:s17] =	ssyncadd.s32 $0xFFFFF800  }
0xff: {  	[spmem:s3] =	stream.indirect.scatter.add.bf16 [tilespmem:s13], [sflag:$0x3], $0x10, s22, s19, $0xb8;
	[tilespmem:$0x1EB58] =	vst v63  }
0x100: {  	_ =	swait.ge [sflag:s17], $0x800  }
0x101: {  	[sflag:s17] =	ssyncset.done $0x0  }
0x102: {  	s13 =	simm.s32 $0x6000;
	s22 =	simm.s32 $0x1400;
	[sflag:s17] =	ssyncadd.s32 $0xFFFFF800  }
0x103: {  	[spmem:s3] =	stream.indirect.scatter.add.bf16 [tilespmem:s13], [sflag:$0x3], $0x10, s22, s19, $0xb8;
	[tilespmem:$0x1EB58] =	vst v63  }
0x104: {  	_ =	swait.ge [sflag:s17], $0x800  }
0x105: {  	[sflag:s17] =	ssyncset.done $0x0  }
0x106: {  	s13 =	simm.s32 $0x6800;
	s22 =	simm.s32 $0x1480;
	[sflag:s17] =	ssyncadd.s32 $0xFFFFF800  }
0x107: {  	[spmem:s3] =	stream.indirect.scatter.add.bf16 [tilespmem:s13], [sflag:$0x3], $0x10, s22, s19, $0xb8;
	[tilespmem:$0x1EB58] =	vst v63  }
0x108: {  	_ =	swait.ge [sflag:s17], $0x800  }
0x109: {  	[sflag:s17] =	ssyncset.done $0x0  }
0x10a: {  	s13 =	simm.s32 $0x7000;
	s22 =	simm.s32 $0x1500;
	[sflag:s17] =	ssyncadd.s32 $0xFFFFF800  }
0x10b: {  	[spmem:s3] =	stream.indirect.scatter.add.bf16 [tilespmem:s13], [sflag:$0x3], $0x10, s22, s19, $0xb8;
	[tilespmem:$0x1EB58] =	vst v63  }
0x10c: {  	_ =	swait.ge [sflag:s17], $0x800  }
0x10d: {  	[sflag:s17] =	ssyncset.done $0x0  }
0x10e: {  	s13 =	simm.s32 $0x7800;
	s22 =	simm.s32 $0x1580;
	[sflag:s17] =	ssyncadd.s32 $0xFFFFF800  }
0x10f: {  	[spmem:s3] =	stream.indirect.scatter.add.bf16 [tilespmem:s13], [sflag:$0x3], $0x10, s22, s19, $0xb8;
	[tilespmem:$0x1EB58] =	vst v63  }
0x110: {  	_ =	swait.ge [sflag:s17], $0x800  }
0x111: {  	[sflag:s17] =	ssyncset.done $0x0  }
0x112: {  	s13 =	simm.s32 $0x8000;
	s22 =	simm.s32 $0x1600;
	[sflag:s17] =	ssyncadd.s32 $0xFFFFF800  }
0x113: {  	[spmem:s3] =	stream.indirect.scatter.add.bf16 [tilespmem:s13], [sflag:$0x3], $0x10, s22, s19, $0xb8;
	[tilespmem:$0x1EB58] =	vst v63  }
0x114: {  	_ =	swait.ge [sflag:s17], $0x800  }
0x115: {  	[sflag:s17] =	ssyncset.done $0x0  }
0x116: {  	s13 =	simm.s32 $0x8800;
	s22 =	simm.s32 $0x1680;
	[sflag:s17] =	ssyncadd.s32 $0xFFFFF800  }
0x117: {  	[spmem:s3] =	stream.indirect.scatter.add.bf16 [tilespmem:s13], [sflag:$0x3], $0x10, s22, s19, $0xb8;
	[tilespmem:$0x1EB58] =	vst v63  }
0x118: {  	_ =	swait.ge [sflag:s17], $0x800  }
0x119: {  	[sflag:s17] =	ssyncset.done $0x0  }
0x11a: {  	s13 =	simm.s32 $0x9000;
	s22 =	simm.s32 $0x1700;
	[sflag:s17] =	ssyncadd.s32 $0xFFFFF800  }
0x11b: {  	[spmem:s3] =	stream.indirect.scatter.add.bf16 [tilespmem:s13], [sflag:$0x3], $0x10, s22, s19, $0xb8;
	[tilespmem:$0x1EB58] =	vst v63  }
0x11c: {  	_ =	swait.ge [sflag:s17], $0x800  }
0x11d: {  	p0 =	seq.s32 s14, $0xC;
	s13 =	simm.s32 $0x9800;
	[sflag:s17] =	ssyncset.done $0x0  }
.Ltmp6:
0x11e: {  	s22 =	simm.s32 $0x1780;
	[sflag:s17] =	ssyncadd.s32 $0xFFFFF800;
	(pc) =	sbr.rel @p0 .LBB2_14-.Ltmp6, $4  }
0x11f: {  	[spmem:s3] =	stream.indirect.scatter.add.bf16 [tilespmem:s13], [sflag:$0x3], $0x10, s22, s19, $0xb8;
	[tilespmem:$0x1EB58] =	vst v63  }
0x120: {  	_ =	swait.ge [sflag:s17], $0x800  }
0x121: {  	[sflag:s17] =	ssyncset.done $0x0  }
0x122: {  	s22 =	sshll.u32 s14, $0xC;
	[sflag:s17] =	ssyncadd.s32 $0xFFFFF800  }
0x123: {  	s0 =	rddreg [dreg:$0x8]  }
0x124: {  	s13 =	sadd.s32 s22, s0  }
0x125: {  	s13 =	sshrl.u32 s13, $0x3  }
0x126: {  	s0 =	simm.s32 $0x0;
	s28 =	sadd.s32 s5, s13  }
0x127: {  	[tilespmem:s0], [sflag:$0x3] =	stream.linear.gather [hbm4b:s28+s0], $0x800, $0x38;
	[tilespmem:$0x1EB58] =	vst v63  }
0x128: {  	_ =	swait.ge [sflag:s17], $0x800  }
0x129: {  	[sflag:s17] =	ssyncset.done $0x0  }
0x12a: {  	s13 =	sadd.s32 s6, s13;
	s28 =	simm.s32 $0x1000;
	[sflag:s17] =	ssyncadd.s32 $0xFFFFF800  }
0x12b: {  	[tilespmem:s28], [sflag:$0x3] =	stream.linear.gather [hbm4b:s13+s0], $0x800, $0x38;
	[tilespmem:$0x1EB58] =	vst v63  }
0x12c: {  	_ =	swait.ge [sflag:s17], $0x800  }
0x12d: {  	[sflag:s17] =	ssyncset.done $0x0  }
0x12e: {  	s13 =	simm.s32 $0x0;
	[sflag:s17] =	ssyncadd.s32 $0xFFFFF800  }
0x12f: {  	v4 =	vld [tilespmem:s13+$0x0]  }
0x130: {  	v6 =	vld [tilespmem:s13+$0x10]  }
0x131: {  	v5 =	vld [tilespmem:s13+$0x20]  }
0x132: {  	v3 =	vld [tilespmem:s13+$0x30]  }
0x133: {  	v2 =	vld [tilespmem:s13+$0x40]  }
0x134: {  	v7 =	vadd.s32 v0, v4;
	v4 =	vld [tilespmem:s13+$0x50]  }
0x135: {  	s28 =	simm.s32 $0x200;
	[tilespmem:s13+$0x0] =	vst v7;
	v7 =	vadd.s32 v0, v6;
	v6 =	vld [tilespmem:s13+$0x60]  }
.LBB2_12:
0x136: {  	s0 =	sshra.s32 s28, $0x2;
	p1 =	sne.s32 s28, $0x1E00;
	[tilespmem:s13+$0x10] =	vst v7;
	v5 =	vadd.s32 v0, v5;
	v7 =	vld [tilespmem:s13+$0x70]  }
0x137: {  	v8 =	vld [tilespmem:s0+$0x0];
	[tilespmem:s13+$0x20] =	vst v5;
	v3 =	vadd.s32 v0, v3  }
0x138: {  	v9 =	vld [tilespmem:s0+$0x10];
	[tilespmem:s13+$0x30] =	vst v3;
	v2 =	vadd.s32 v0, v2  }
.Ltmp7:
0x139: {  	v5 =	vld [tilespmem:s0+$0x20];
	[tilespmem:s13+$0x40] =	vst v2;
	v2 =	vadd.s32 v0, v4;
	(pc) =	sbr.rel @p1 .LBB2_12-.Ltmp7, $4  }
0x13a: {  	v3 =	vld [tilespmem:s0+$0x30];
	[tilespmem:s13+$0x50] =	vst v2;
	v4 =	vadd.s32 v0, v6  }
0x13b: {  	v2 =	vld [tilespmem:s0+$0x40];
	[tilespmem:s13+$0x60] =	vst v4;
	v6 =	vadd.s32 v0, v7  }
0x13c: {  	v7 =	vadd.s32 v0, v8;
	v4 =	vld [tilespmem:s0+$0x50];
	[tilespmem:s13+$0x70] =	vst v6;
	s13 =	smov.u32 s0  }
0x13d: {  	s28 =	sadd.s32 $0x200, s28;
	[tilespmem:s13+$0x0] =	vst v7;
	v7 =	vadd.s32 v0, v9;
	v6 =	vld [tilespmem:s13+$0x60]  }
0x13e: {  	[tilespmem:s13+$0x10] =	vst v7;
	v5 =	vadd.s32 v0, v5;
	v63 =	vld [tilespmem:s13+$0x70]  }
0x13f: {  	[tilespmem:s13+$0x20] =	vst v5;
	v3 =	vadd.s32 v0, v3  }
0x140: {  	[tilespmem:s13+$0x30] =	vst v3;
	v2 =	vadd.s32 v0, v2  }
0x141: {  	[tilespmem:s13+$0x40] =	vst v2;
	v2 =	vadd.s32 v0, v4  }
0x142: {  	[tilespmem:s13+$0x50] =	vst v2;
	v2 =	vadd.s32 v0, v6  }
0x143: {  	[tilespmem:s13+$0x60] =	vst v2;
	v2 =	vadd.s32 v0, v63  }
0x144: {  	s0 =	simm.s32 $0x0;
	s28 =	simm.s32 $0x2000;
	[tilespmem:s13+$0x70] =	vst v2  }
0x145: {  	[tilespmem:s28], [sflag:$0x1] =	stream.indirect.gather [hbm4b:s1+s19], $0x10, s0, s19, $0xb8;
	[tilespmem:$0x1EB58] =	vst v63  }
0x146: {  	s13 =	simm.s32 $0x2800  }
0x147: {  	[tilespmem:s13], [sflag:$0x1] =	stream.indirect.gather [hbm4b:s1+s19], $0x10, s19, s19, $0xb8;
	[tilespmem:$0x1EB58] =	vst v63  }
0x148: {  	s0 =	simm.s32 $0x100;
	s13 =	simm.s32 $0x3000  }
0x149: {  	[tilespmem:s13], [sflag:$0x1] =	stream.indirect.gather [hbm4b:s1+s19], $0x10, s0, s19, $0xb8;
	[tilespmem:$0x1EB58] =	vst v63  }
0x14a: {  	s0 =	simm.s32 $0x180;
	s13 =	simm.s32 $0x3800  }
0x14b: {  	[tilespmem:s13], [sflag:$0x1] =	stream.indirect.gather [hbm4b:s1+s19], $0x10, s0, s19, $0xb8;
	[tilespmem:$0x1EB58] =	vst v63  }
0x14c: {  	s0 =	simm.s32 $0x200;
	s13 =	simm.s32 $0x4000  }
0x14d: {  	[tilespmem:s13], [sflag:$0x1] =	stream.indirect.gather [hbm4b:s1+s19], $0x10, s0, s19, $0xb8;
	[tilespmem:$0x1EB58] =	vst v63  }
0x14e: {  	s0 =	simm.s32 $0x280;
	s13 =	simm.s32 $0x4800  }
0x14f: {  	[tilespmem:s13], [sflag:$0x1] =	stream.indirect.gather [hbm4b:s1+s19], $0x10, s0, s19, $0xb8;
	[tilespmem:$0x1EB58] =	vst v63  }
0x150: {  	s0 =	simm.s32 $0x300;
	s13 =	simm.s32 $0x5000  }
0x151: {  	[tilespmem:s13], [sflag:$0x1] =	stream.indirect.gather [hbm4b:s1+s19], $0x10, s0, s19, $0xb8;
	[tilespmem:$0x1EB58] =	vst v63  }
0x152: {  	s0 =	simm.s32 $0x380;
	s13 =	simm.s32 $0x5800  }
0x153: {  	[tilespmem:s13], [sflag:$0x1] =	stream.indirect.gather [hbm4b:s1+s19], $0x10, s0, s19, $0xb8;
	[tilespmem:$0x1EB58] =	vst v63  }
0x154: {  	s0 =	simm.s32 $0x400;
	s13 =	simm.s32 $0x6000  }
0x155: {  	[tilespmem:s13], [sflag:$0x1] =	stream.indirect.gather [hbm4b:s1+s19], $0x10, s0, s19, $0xb8;
	[tilespmem:$0x1EB58] =	vst v63  }
0x156: {  	s0 =	simm.s32 $0x480;
	s13 =	simm.s32 $0x6800  }
0x157: {  	[tilespmem:s13], [sflag:$0x1] =	stream.indirect.gather [hbm4b:s1+s19], $0x10, s0, s19, $0xb8;
	[tilespmem:$0x1EB58] =	vst v63  }
0x158: {  	s0 =	simm.s32 $0x500;
	s13 =	simm.s32 $0x7000  }
0x159: {  	[tilespmem:s13], [sflag:$0x1] =	stream.indirect.gather [hbm4b:s1+s19], $0x10, s0, s19, $0xb8;
	[tilespmem:$0x1EB58] =	vst v63  }
0x15a: {  	s0 =	simm.s32 $0x580;
	s13 =	simm.s32 $0x7800  }
0x15b: {  	[tilespmem:s13], [sflag:$0x1] =	stream.indirect.gather [hbm4b:s1+s19], $0x10, s0, s19, $0xb8;
	[tilespmem:$0x1EB58] =	vst v63  }
0x15c: {  	s0 =	simm.s32 $0x600;
	s13 =	simm.s32 $0x8000  }
0x15d: {  	[tilespmem:s13], [sflag:$0x1] =	stream.indirect.gather [hbm4b:s1+s19], $0x10, s0, s19, $0xb8;
	[tilespmem:$0x1EB58] =	vst v63  }
0x15e: {  	s0 =	simm.s32 $0x680;
	s13 =	simm.s32 $0x8800  }
0x15f: {  	[tilespmem:s13], [sflag:$0x1] =	stream.indirect.gather [hbm4b:s1+s19], $0x10, s0, s19, $0xb8;
	[tilespmem:$0x1EB58] =	vst v63  }
0x160: {  	s0 =	simm.s32 $0x700;
	s13 =	simm.s32 $0x9000  }
0x161: {  	[tilespmem:s13], [sflag:$0x1] =	stream.indirect.gather [hbm4b:s1+s19], $0x10, s0, s19, $0xb8;
	[tilespmem:$0x1EB58] =	vst v63  }
0x162: {  	s0 =	simm.s32 $0x780;
	s13 =	simm.s32 $0x9800  }
0x163: {  	[tilespmem:s13], [sflag:$0x1] =	stream.indirect.gather [hbm4b:s1+s19], $0x10, s0, s19, $0xb8;
	[tilespmem:$0x1EB58] =	vst v63  }
.LBB2_14:
0x164: {  	_ =	swait.ge [sflag:s8], $0x800  }
0x165: {  	[sflag:s8] =	ssyncset.done $0x0  }
0x166: {  	[sflag:s8] =	ssyncadd.s32 $0xFFFFF800  }
0x167: {  	_ =	swait.ge [sflag:s8], $0x800  }
0x168: {  	[sflag:s8] =	ssyncset.done $0x0  }
0x169: {  	[sflag:s8] =	ssyncadd.s32 $0xFFFFF800  }
0x16a: {  	_ =	swait.ge [sflag:s8], $0x800  }
0x16b: {  	[sflag:s8] =	ssyncset.done $0x0  }
0x16c: {  	[sflag:s8] =	ssyncadd.s32 $0xFFFFF800  }
0x16d: {  	_ =	swait.ge [sflag:s8], $0x800  }
0x16e: {  	[sflag:s8] =	ssyncset.done $0x0  }
0x16f: {  	[sflag:s8] =	ssyncadd.s32 $0xFFFFF800  }
0x170: {  	_ =	swait.ge [sflag:s8], $0x800  }
0x171: {  	[sflag:s8] =	ssyncset.done $0x0  }
0x172: {  	[sflag:s8] =	ssyncadd.s32 $0xFFFFF800  }
0x173: {  	_ =	swait.ge [sflag:s8], $0x800  }
0x174: {  	[sflag:s8] =	ssyncset.done $0x0  }
0x175: {  	[sflag:s8] =	ssyncadd.s32 $0xFFFFF800  }
0x176: {  	_ =	swait.ge [sflag:s8], $0x800  }
0x177: {  	[sflag:s8] =	ssyncset.done $0x0  }
0x178: {  	[sflag:s8] =	ssyncadd.s32 $0xFFFFF800  }
0x179: {  	_ =	swait.ge [sflag:s8], $0x800  }
0x17a: {  	[sflag:s8] =	ssyncset.done $0x0  }
0x17b: {  	[sflag:s8] =	ssyncadd.s32 $0xFFFFF800  }
0x17c: {  	_ =	swait.ge [sflag:s8], $0x800  }
0x17d: {  	[sflag:s8] =	ssyncset.done $0x0  }
0x17e: {  	[sflag:s8] =	ssyncadd.s32 $0xFFFFF800  }
0x17f: {  	_ =	swait.ge [sflag:s8], $0x800  }
0x180: {  	[sflag:s8] =	ssyncset.done $0x0  }
0x181: {  	[sflag:s8] =	ssyncadd.s32 $0xFFFFF800  }
0x182: {  	_ =	swait.ge [sflag:s8], $0x800  }
0x183: {  	[sflag:s8] =	ssyncset.done $0x0  }
0x184: {  	[sflag:s8] =	ssyncadd.s32 $0xFFFFF800  }
0x185: {  	_ =	swait.ge [sflag:s8], $0x800  }
0x186: {  	[sflag:s8] =	ssyncset.done $0x0  }
0x187: {  	[sflag:s8] =	ssyncadd.s32 $0xFFFFF800  }
0x188: {  	_ =	swait.ge [sflag:s8], $0x800  }
0x189: {  	[sflag:s8] =	ssyncset.done $0x0  }
0x18a: {  	[sflag:s8] =	ssyncadd.s32 $0xFFFFF800  }
0x18b: {  	_ =	swait.ge [sflag:s8], $0x800  }
0x18c: {  	[sflag:s8] =	ssyncset.done $0x0  }
0x18d: {  	[sflag:s8] =	ssyncadd.s32 $0xFFFFF800  }
0x18e: {  	_ =	swait.ge [sflag:s8], $0x800  }
0x18f: {  	[sflag:s8] =	ssyncset.done $0x0  }
0x190: {  	[sflag:s8] =	ssyncadd.s32 $0xFFFFF800  }
0x191: {  	_ =	swait.ge [sflag:s8], $0x800  }
0x192: {  	[sflag:s8] =	ssyncset.done $0x0  }
0x193: {  	s0 =	simm.s32 $0xA000;
	[sflag:s8] =	ssyncadd.s32 $0xFFFFF800  }
0x194: {  	[spmem:s3] =	stream.indirect.scatter.add.bf16 [tilespmem:s0], [sflag:$0x3], $0x10, s10, s19, $0xb8;
	[tilespmem:$0x1EB58] =	vst v63  }
0x195: {  	_ =	swait.ge [sflag:s17], $0x800  }
0x196: {  	[sflag:s17] =	ssyncset.done $0x0  }
0x197: {  	s13 =	simm.s32 $0x1880;
	[sflag:s17] =	ssyncadd.s32 $0xFFFFF800  }
0x198: {  	[spmem:s3] =	stream.indirect.scatter.add.bf16 [tilespmem:s12], [sflag:$0x3], $0x10, s13, s19, $0xb8;
	[tilespmem:$0x1EB58] =	vst v63  }
0x199: {  	_ =	swait.ge [sflag:s17], $0x800  }
0x19a: {  	[sflag:s17] =	ssyncset.done $0x0  }
0x19b: {  	s10 =	simm.s32 $0x1900;
	[sflag:s17] =	ssyncadd.s32 $0xFFFFF800  }
0x19c: {  	[spmem:s3] =	stream.indirect.scatter.add.bf16 [tilespmem:s24], [sflag:$0x3], $0x10, s10, s19, $0xb8;
	[tilespmem:$0x1EB58] =	vst v63  }
0x19d: {  	_ =	swait.ge [sflag:s17], $0x800  }
0x19e: {  	[sflag:s17] =	ssyncset.done $0x0  }
0x19f: {  	s13 =	simm.s32 $0x1980;
	[sflag:s17] =	ssyncadd.s32 $0xFFFFF800  }
0x1a0: {  	[spmem:s3] =	stream.indirect.scatter.add.bf16 [tilespmem:s18], [sflag:$0x3], $0x10, s13, s19, $0xb8;
	[tilespmem:$0x1EB58] =	vst v63  }
0x1a1: {  	_ =	swait.ge [sflag:s17], $0x800  }
0x1a2: {  	[sflag:s17] =	ssyncset.done $0x0  }
0x1a3: {  	s10 =	simm.s32 $0x1A00;
	[sflag:s17] =	ssyncadd.s32 $0xFFFFF800  }
0x1a4: {  	[spmem:s3] =	stream.indirect.scatter.add.bf16 [tilespmem:s20], [sflag:$0x3], $0x10, s10, s19, $0xb8;
	[tilespmem:$0x1EB58] =	vst v63  }
0x1a5: {  	_ =	swait.ge [sflag:s17], $0x800  }
0x1a6: {  	[sflag:s17] =	ssyncset.done $0x0  }
0x1a7: {  	s13 =	simm.s32 $0x1A80;
	[sflag:s17] =	ssyncadd.s32 $0xFFFFF800  }
0x1a8: {  	[spmem:s3] =	stream.indirect.scatter.add.bf16 [tilespmem:s21], [sflag:$0x3], $0x10, s13, s19, $0xb8;
	[tilespmem:$0x1EB58] =	vst v63  }
0x1a9: {  	_ =	swait.ge [sflag:s17], $0x800  }
0x1aa: {  	[sflag:s17] =	ssyncset.done $0x0  }
0x1ab: {  	s10 =	simm.s32 $0x1B00;
	[sflag:s17] =	ssyncadd.s32 $0xFFFFF800  }
0x1ac: {  	[spmem:s3] =	stream.indirect.scatter.add.bf16 [tilespmem:s23], [sflag:$0x3], $0x10, s10, s19, $0xb8;
	[tilespmem:$0x1EB58] =	vst v63  }
0x1ad: {  	_ =	swait.ge [sflag:s17], $0x800  }
0x1ae: {  	[sflag:s17] =	ssyncset.done $0x0  }
0x1af: {  	s13 =	simm.s32 $0x1B80;
	[sflag:s17] =	ssyncadd.s32 $0xFFFFF800  }
0x1b0: {  	[spmem:s3] =	stream.indirect.scatter.add.bf16 [tilespmem:s26], [sflag:$0x3], $0x10, s13, s19, $0xb8;
	[tilespmem:$0x1EB58] =	vst v63  }
0x1b1: {  	_ =	swait.ge [sflag:s17], $0x800  }
0x1b2: {  	[sflag:s17] =	ssyncset.done $0x0  }
0x1b3: {  	s10 =	simm.s32 $0x1C00;
	[sflag:s17] =	ssyncadd.s32 $0xFFFFF800  }
0x1b4: {  	[spmem:s3] =	stream.indirect.scatter.add.bf16 [tilespmem:s29], [sflag:$0x3], $0x10, s10, s19, $0xb8;
	[tilespmem:$0x1EB58] =	vst v63  }
0x1b5: {  	_ =	swait.ge [sflag:s17], $0x800  }
0x1b6: {  	[sflag:s17] =	ssyncset.done $0x0  }
0x1b7: {  	s13 =	simm.s32 $0x1C80;
	[sflag:s17] =	ssyncadd.s32 $0xFFFFF800  }
0x1b8: {  	[spmem:s3] =	stream.indirect.scatter.add.bf16 [tilespmem:s31], [sflag:$0x3], $0x10, s13, s19, $0xb8;
	[tilespmem:$0x1EB58] =	vst v63  }
0x1b9: {  	_ =	swait.ge [sflag:s17], $0x800  }
0x1ba: {  	[sflag:s17] =	ssyncset.done $0x0  }
0x1bb: {  	s10 =	simm.s32 $0x1D00;
	[sflag:s17] =	ssyncadd.s32 $0xFFFFF800  }
0x1bc: {  	[spmem:s3] =	stream.indirect.scatter.add.bf16 [tilespmem:s2], [sflag:$0x3], $0x10, s10, s19, $0xb8;
	[tilespmem:$0x1EB58] =	vst v63  }
0x1bd: {  	_ =	swait.ge [sflag:s17], $0x800  }
0x1be: {  	[sflag:s17] =	ssyncset.done $0x0  }
0x1bf: {  	s13 =	simm.s32 $0x1D80;
	[sflag:s17] =	ssyncadd.s32 $0xFFFFF800  }
0x1c0: {  	[spmem:s3] =	stream.indirect.scatter.add.bf16 [tilespmem:s9], [sflag:$0x3], $0x10, s13, s19, $0xb8;
	[tilespmem:$0x1EB58] =	vst v63  }
0x1c1: {  	_ =	swait.ge [sflag:s17], $0x800  }
0x1c2: {  	[sflag:s17] =	ssyncset.done $0x0  }
0x1c3: {  	s10 =	simm.s32 $0x1E00;
	[sflag:s17] =	ssyncadd.s32 $0xFFFFF800  }
0x1c4: {  	[spmem:s3] =	stream.indirect.scatter.add.bf16 [tilespmem:s11], [sflag:$0x3], $0x10, s10, s19, $0xb8;
	[tilespmem:$0x1EB58] =	vst v63  }
0x1c5: {  	_ =	swait.ge [sflag:s17], $0x800  }
0x1c6: {  	[sflag:s17] =	ssyncset.done $0x0  }
0x1c7: {  	s13 =	simm.s32 $0x1E80;
	[sflag:s17] =	ssyncadd.s32 $0xFFFFF800  }
0x1c8: {  	[spmem:s3] =	stream.indirect.scatter.add.bf16 [tilespmem:s15], [sflag:$0x3], $0x10, s13, s19, $0xb8;
	[tilespmem:$0x1EB58] =	vst v63  }
0x1c9: {  	_ =	swait.ge [sflag:s17], $0x800  }
0x1ca: {  	[sflag:s17] =	ssyncset.done $0x0  }
0x1cb: {  	s10 =	simm.s32 $0x1F00;
	[sflag:s17] =	ssyncadd.s32 $0xFFFFF800  }
0x1cc: {  	[spmem:s3] =	stream.indirect.scatter.add.bf16 [tilespmem:s4], [sflag:$0x3], $0x10, s10, s19, $0xb8;
	[tilespmem:$0x1EB58] =	vst v63  }
0x1cd: {  	_ =	swait.ge [sflag:s17], $0x800  }
0x1ce: {  	[sflag:s17] =	ssyncset.done $0x0  }
.Ltmp8:
0x1cf: {  	s13 =	simm.s32 $0x1F80;
	[sflag:s17] =	ssyncadd.s32 $0xFFFFF800;
	(pc) =	sbr.rel @p0 .LBB2_18-.Ltmp8, $4  }
0x1d0: {  	[spmem:s3] =	stream.indirect.scatter.add.bf16 [tilespmem:s25], [sflag:$0x3], $0x10, s13, s19, $0xb8;
	[tilespmem:$0x1EB58] =	vst v63  }
0x1d1: {  	_ =	swait.ge [sflag:s17], $0x800  }
0x1d2: {  	[sflag:s17] =	ssyncset.done $0x0  }
0x1d3: {  	[sflag:s17] =	ssyncadd.s32 $0xFFFFF800  }
0x1d4: {  	s0 =	rddreg [dreg:$0x9]  }
0x1d5: {  	s0 =	sadd.s32 s22, s0  }
0x1d6: {  	s0 =	sshrl.u32 s0, $0x3  }
0x1d7: {  	s10 =	simm.s32 $0x800;
	s22 =	simm.s32 $0x0;
	s13 =	sadd.s32 s5, s0  }
0x1d8: {  	[tilespmem:s10], [sflag:$0x3] =	stream.linear.gather [hbm4b:s13+s22], $0x800, $0x38;
	[tilespmem:$0x1EB58] =	vst v63  }
0x1d9: {  	_ =	swait.ge [sflag:s17], $0x800  }
0x1da: {  	[sflag:s17] =	ssyncset.done $0x0  }
0x1db: {  	s0 =	sadd.s32 s6, s0;
	s10 =	simm.s32 $0x1800;
	[sflag:s17] =	ssyncadd.s32 $0xFFFFF800  }
0x1dc: {  	[tilespmem:s10], [sflag:$0x3] =	stream.linear.gather [hbm4b:s0+s22], $0x800, $0x38;
	[tilespmem:$0x1EB58] =	vst v63  }
0x1dd: {  	_ =	swait.ge [sflag:s17], $0x800  }
0x1de: {  	[sflag:s17] =	ssyncset.done $0x0  }
0x1df: {  	s13 =	simm.s32 $0x0;
	[sflag:s17] =	ssyncadd.s32 $0xFFFFF800  }
0x1e0: {  	v4 =	vld [tilespmem:s13+$0x800]  }
0x1e1: {  	v6 =	vld [tilespmem:s13+$0x810]  }
0x1e2: {  	v5 =	vld [tilespmem:s13+$0x820]  }
0x1e3: {  	v3 =	vld [tilespmem:s13+$0x830]  }
0x1e4: {  	v2 =	vld [tilespmem:s13+$0x840]  }
0x1e5: {  	v7 =	vadd.s32 v0, v4;
	v4 =	vld [tilespmem:s13+$0x850]  }
0x1e6: {  	s22 =	simm.s32 $0x200;
	[tilespmem:s13+$0x800] =	vst v7;
	v7 =	vadd.s32 v0, v6;
	v6 =	vld [tilespmem:s13+$0x860]  }
.LBB2_16:
0x1e7: {  	s0 =	sshra.s32 s22, $0x2;
	p0 =	sne.s32 s22, $0x1E00;
	[tilespmem:s13+$0x810] =	vst v7;
	v5 =	vadd.s32 v0, v5;
	v7 =	vld [tilespmem:s13+$0x870]  }
0x1e8: {  	v8 =	vld [tilespmem:s0+$0x800];
	[tilespmem:s13+$0x820] =	vst v5;
	v3 =	vadd.s32 v0, v3  }
0x1e9: {  	v9 =	vld [tilespmem:s0+$0x810];
	[tilespmem:s13+$0x830] =	vst v3;
	v2 =	vadd.s32 v0, v2  }
.Ltmp9:
0x1ea: {  	v5 =	vld [tilespmem:s0+$0x820];
	[tilespmem:s13+$0x840] =	vst v2;
	v2 =	vadd.s32 v0, v4;
	(pc) =	sbr.rel @p0 .LBB2_16-.Ltmp9, $4  }
0x1eb: {  	v3 =	vld [tilespmem:s0+$0x830];
	[tilespmem:s13+$0x850] =	vst v2;
	v4 =	vadd.s32 v0, v6  }
0x1ec: {  	v2 =	vld [tilespmem:s0+$0x840];
	[tilespmem:s13+$0x860] =	vst v4;
	v6 =	vadd.s32 v0, v7  }
0x1ed: {  	v7 =	vadd.s32 v0, v8;
	v4 =	vld [tilespmem:s0+$0x850];
	[tilespmem:s13+$0x870] =	vst v6;
	s13 =	smov.u32 s0  }
0x1ee: {  	s22 =	sadd.s32 $0x200, s22;
	[tilespmem:s13+$0x800] =	vst v7;
	v7 =	vadd.s32 v0, v9;
	v6 =	vld [tilespmem:s13+$0x860]  }
0x1ef: {  	[tilespmem:s13+$0x810] =	vst v7;
	v5 =	vadd.s32 v0, v5;
	v63 =	vld [tilespmem:s13+$0x870]  }
0x1f0: {  	[tilespmem:s13+$0x820] =	vst v5;
	v3 =	vadd.s32 v0, v3  }
0x1f1: {  	[tilespmem:s13+$0x830] =	vst v3;
	v2 =	vadd.s32 v0, v2  }
0x1f2: {  	[tilespmem:s13+$0x840] =	vst v2;
	v2 =	vadd.s32 v0, v4  }
0x1f3: {  	[tilespmem:s13+$0x850] =	vst v2;
	v2 =	vadd.s32 v0, v6  }
0x1f4: {  	[tilespmem:s13+$0x860] =	vst v2;
	v2 =	vadd.s32 v0, v63  }
0x1f5: {  	s0 =	simm.s32 $0x800;
	s22 =	simm.s32 $0xA000;
	[tilespmem:s13+$0x870] =	vst v2  }
0x1f6: {  	[tilespmem:s22], [sflag:$0x2] =	stream.indirect.gather [hbm4b:s1+s19], $0x10, s0, s19, $0xb8;
	[tilespmem:$0x1EB58] =	vst v63  }
0x1f7: {  	s22 =	simm.s32 $0x880  }
0x1f8: {  	[tilespmem:s12], [sflag:$0x2] =	stream.indirect.gather [hbm4b:s1+s19], $0x10, s22, s19, $0xb8;
	[tilespmem:$0x1EB58] =	vst v63  }
0x1f9: {  	s13 =	simm.s32 $0x900  }
0x1fa: {  	[tilespmem:s24], [sflag:$0x2] =	stream.indirect.gather [hbm4b:s1+s19], $0x10, s13, s19, $0xb8;
	[tilespmem:$0x1EB58] =	vst v63  }
0x1fb: {  	s22 =	simm.s32 $0x980  }
0x1fc: {  	[tilespmem:s18], [sflag:$0x2] =	stream.indirect.gather [hbm4b:s1+s19], $0x10, s22, s19, $0xb8;
	[tilespmem:$0x1EB58] =	vst v63  }
0x1fd: {  	s13 =	simm.s32 $0xA00  }
0x1fe: {  	[tilespmem:s20], [sflag:$0x2] =	stream.indirect.gather [hbm4b:s1+s19], $0x10, s13, s19, $0xb8;
	[tilespmem:$0x1EB58] =	vst v63  }
0x1ff: {  	s22 =	simm.s32 $0xA80  }
0x200: {  	[tilespmem:s21], [sflag:$0x2] =	stream.indirect.gather [hbm4b:s1+s19], $0x10, s22, s19, $0xb8;
	[tilespmem:$0x1EB58] =	vst v63  }
0x201: {  	s13 =	simm.s32 $0xB00  }
0x202: {  	[tilespmem:s23], [sflag:$0x2] =	stream.indirect.gather [hbm4b:s1+s19], $0x10, s13, s19, $0xb8;
	[tilespmem:$0x1EB58] =	vst v63  }
0x203: {  	s22 =	simm.s32 $0xB80  }
0x204: {  	[tilespmem:s26], [sflag:$0x2] =	stream.indirect.gather [hbm4b:s1+s19], $0x10, s22, s19, $0xb8;
	[tilespmem:$0x1EB58] =	vst v63  }
0x205: {  	s13 =	simm.s32 $0xC00  }
0x206: {  	[tilespmem:s29], [sflag:$0x2] =	stream.indirect.gather [hbm4b:s1+s19], $0x10, s13, s19, $0xb8;
	[tilespmem:$0x1EB58] =	vst v63  }
0x207: {  	s22 =	simm.s32 $0xC80  }
0x208: {  	[tilespmem:s31], [sflag:$0x2] =	stream.indirect.gather [hbm4b:s1+s19], $0x10, s22, s19, $0xb8;
	[tilespmem:$0x1EB58] =	vst v63  }
0x209: {  	s13 =	simm.s32 $0xD00  }
0x20a: {  	[tilespmem:s2], [sflag:$0x2] =	stream.indirect.gather [hbm4b:s1+s19], $0x10, s13, s19, $0xb8;
	[tilespmem:$0x1EB58] =	vst v63  }
0x20b: {  	s22 =	simm.s32 $0xD80  }
0x20c: {  	[tilespmem:s9], [sflag:$0x2] =	stream.indirect.gather [hbm4b:s1+s19], $0x10, s22, s19, $0xb8;
	[tilespmem:$0x1EB58] =	vst v63  }
0x20d: {  	s13 =	simm.s32 $0xE00  }
0x20e: {  	[tilespmem:s11], [sflag:$0x2] =	stream.indirect.gather [hbm4b:s1+s19], $0x10, s13, s19, $0xb8;
	[tilespmem:$0x1EB58] =	vst v63  }
0x20f: {  	s22 =	simm.s32 $0xE80  }
0x210: {  	[tilespmem:s15], [sflag:$0x2] =	stream.indirect.gather [hbm4b:s1+s19], $0x10, s22, s19, $0xb8;
	[tilespmem:$0x1EB58] =	vst v63  }
.Ltmp10:
0x211: {  	_ = 	snop;
	(pc) =	sbr.rel .LBB2_10-.Ltmp10, $4  }
0x212: {  	s13 =	simm.s32 $0xF00  }
0x213: {  	[tilespmem:s4], [sflag:$0x2] =	stream.indirect.gather [hbm4b:s1+s19], $0x10, s13, s19, $0xb8;
	[tilespmem:$0x1EB58] =	vst v63  }
0x214: {  	s14 =	sadd.s32 $0x1, s14;
	s22 =	simm.s32 $0xF80  }
0x215: {  	[tilespmem:s25], [sflag:$0x2] =	stream.indirect.gather [hbm4b:s1+s19], $0x10, s22, s19, $0xb8;
	[tilespmem:$0x1EB58] =	vst v63  }
.LBB2_19:
0x216: {  	_ =	sfence.sel $0x180000  }
0x217: {  	[bflag:$0x0] =	sbarrier.arrive $0xFFFF  }
0x218: {  	_ =	strace $0x9000004A  }
0x219: {  	s0 =	stileid.u32;
	[bflag:$0x2] =	sbarrier.arrive $0xFFFF  }
0x21a: {  	p0 =	sne.s32 s0, $0x0;
	s0 =	rddreg [dreg:$0x3]  }
0x21b: {  	s0 =	sadd.s32 @!p0 $0x100000, s0  }
0x21c: {  	[sflag:s0] =	ssyncadd.tile.s32 @!p0 $0x1;
	_ =	shalt  }
.Lfunc_end2:
_tile_overlayer_lowered:
.L_overlay_start_2:
0x21d: {  	(tag) =	ssettag $0x2  }
0x21e: {  	s0 =	rddreg [dreg:$0x0];
	s2 =	stileid.u32  }
0x21f: {  	s1 =	rddreg [dreg:$0x1];
	p0 =	sne.s32 s2, $0x0  }
0x220: {  	s3 =	rddreg [dreg:$0x2];
	[bflag:$0x3] =	sbarrier.arrive $0xFFFF;
	s2 =	simm.s32 @!p0 $0x1C03  }
0x221: {  	[timem:s3], [sflag:s2] =	dma.local @!p0 [hbm:s0], s1  }
0x222: {  	s0 =	simm.s32 @!p0 $0x3  }
0x223: {  	_ =	swait.ge @!p0 [sflag:s0], s1  }
0x224: {  	s1 =	ssub.s32 @!p0 $0x0, s1;
	[sflag:s0] =	ssyncset.done @!p0 $0x0  }
0x225: {  	[sflag:s0] =	ssyncadd.s32 @!p0 s1  }
0x226: {  	[bflag:$0x3] =	sbarrier.arrive $0xFFFF  }
0x227: {  	_ =	shalt  }

// kernel: kernel.4.cloned.1.call-start
scs
__scs_entry_jumppad:
0x0: {  	(pc) =	sbr.rel $0x88, $3  }
0x1: {  	(tag) =	ssettag $0x0;
	lr =	simm.s32 $0x1  }
0x2: {  	[smem:$0x3F9C] =	sst lr;
	_ =	strace $0xD0000000  }
0x3: {  	_ = 	snop  }
0x4: {  	_ = 	snop  }
0x5: {  	_ = 	snop  }
0x6: {  	_ = 	snop  }
0x7: {  	_ = 	snop  }
__scs_overlays_trampoline_lowered:
0x8: {  	[smem:$0x3FAB] =	sst s0  }
0x9: {  	[smem:$0x3FAC] =	sst s1  }
0xa: {  	[smem:$0x3FAD] =	sst s2  }
0xb: {  	[smem:$0x3FAE] =	sst s3  }
0xc: {  	[smem:$0x3FAF] =	sst s4  }
0xd: {  	[smem:$0x3FB0] =	sst s5  }
0xe: {  	[smem:$0x3FB1] =	sst s6  }
0xf: {  	[smem:$0x3FB2] =	sst s7  }
0x10: {  	[smem:$0x3FB3] =	sst s8  }
0x11: {  	[smem:$0x3FB4] =	sst s9;
	s0 =	simm.s32 @!p0 $0x0  }
0x12: {  	s1 =	sld [smem:$0x3F9A];
	s0 =	simm.s32 @p0 $0x1  }
0x13: {  	[smem:$0x3FB5] =	sst s0;
	s0 =	simm.s32 @!p1 $0x0  }
0x14: {  	s2 =	sld [smem:$0x3F99];
	s0 =	simm.s32 @p1 $0x1  }
0x15: {  	[smem:$0x3FB6] =	sst s0;
	s0 =	simm.s32 @!p2 $0x0  }
0x16: {  	s3 =	sld [smem:$0x3FDB];
	s0 =	simm.s32 @p2 $0x1  }
0x17: {  	s4 =	simm.s32 $0x1BF5;
	[smem:$0x3FB8] =	sst s0  }
0x18: {  	s0 =	sld [smem:$0x3F9B];
	_ =	swait.ge [sflag:s4], $0x0  }
0x19: {  	s7 =	sld [smem:$0x3F9C]  }
0x1a: {  	s8 =	sadd.s32 $0xFFFFE003, lr  }
0x1b: {  	s9 =	sadd.s32 $0xFFFFFEF7, lr;
	s5 =	simm.s32 $0xFFFFFFFF;
	p2 =	slt.u32 s8, $0xFFFFF086  }
0x1c: {  	p1 =	slt.u32 s9, $0xF7A;
	s5 =	simm.s32 @!p2 $0x0  }
0x1d: {  	s5 =	simm.s32 @p1 $0x1;
	p0 =	seq.s32 s7, s2  }
0x1e: {  	s7 =	smul.u32 @!p0 $0xF7A, s2;
	p2 =	seq.s32 @!p0 s5, $0x0  }
0x1f: {  	s9 =	smul.u32 $0xF7A, s1;
	s8 =	simm.s32 @!p0 $0x1BF5;
	p2 =	por !p2, p0  }
0x20: {  	[sflag:s8] =	ssyncset.s32 @!p0 $0xFFFFF086;
	s6 =	sadd.s32 @!p0 s3, s7;
	s7 =	simm.s32 @!p0 $0x108  }
0x21: {  	s3 =	sadd.s32 s3, s9;
	s6 =	sadd.s32 @!p0 $0x88, s6;
	s7 =	simm.s32 @p2 $0x1082  }
0x22: {  	[simem:s7], [sflag:s8] =	dma.local @!p0 [hbm:s6], $0xF7A  }
0x23: {  	s9 =	sor.u32 $0xD0000000, s2;
	s6 =	simm.s32 $0x108;
	_ =	swait.ge @!p0 [sflag:s8], $0x0  }
0x24: {  	s3 =	sadd.s32 $0x88, s3;
	s6 =	simm.s32 @!p1 $0x1082;
	[sflag:s4] =	ssyncset.s32 $0xFFFFF086  }
0x25: {  	[simem:s6], [sflag:s4] =	dma.local [hbm:s3], $0xF7A  }
0x26: {  	[smem:$0x3F9C] =	sst s1;
	(tag) =	ssettag s2;
	_ =	strace s9  }
0x27: {  	s1 =	sld [smem:$0x3FAC]  }
0x28: {  	s2 =	sld [smem:$0x3FAD]  }
0x29: {  	s4 =	sld [smem:$0x3FAF]  }
0x2a: {  	p0 =	seq.s32 s5, $0x0;
	s5 =	sld [smem:$0x3FB0]  }
0x2b: {  	s6 =	sld [smem:$0x3FB1]  }
0x2c: {  	s7 =	sld [smem:$0x3FB2]  }
0x2d: {  	s3 =	simm.s32 $0x108;
	s8 =	sld [smem:$0x3FB3]  }
0x2e: {  	s3 =	simm.s32 @!p0 $0x1082;
	s9 =	sld [smem:$0x3FB4]  }
0x2f: {  	lr =	sadd.s32 s0, s3;
	s0 =	sld [smem:$0x3FAB]  }
0x30: {  	s3 =	sld [smem:$0x3FAE]  }
0x31: {  	[smem:$0x3FB7] =	sst s10  }
0x32: {  	s10 =	sld [smem:$0x3FB5];
	_ =	sdelay $0x3  }
0x33: {  	p0 =	seq.s32 s10, $0x1;
	s10 =	sld [smem:$0x3FB7];
	_ =	sdelay $0x3  }
0x34: {  	[smem:$0x3FB7] =	sst s10  }
0x35: {  	s10 =	sld [smem:$0x3FB6];
	_ =	sdelay $0x3  }
0x36: {  	p1 =	seq.s32 s10, $0x1;
	s10 =	sld [smem:$0x3FB7];
	_ =	sdelay $0x3  }
0x37: {  	[smem:$0x3FB7] =	sst s10  }
0x38: {  	s10 =	sld [smem:$0x3FB8]  }
0x39: {  	_ = 	snop;
	(pc) =	sbr.ind lr, $3  }
0x3a: {  	_ = 	snop  }
0x3b: {  	_ = 	snop  }
0x3c: {  	p2 =	seq.s32 s10, $0x1;
	s10 =	sld [smem:$0x3FB7]  }
0x3d: {  	_ =	shalt  }
0x3e: {  	_ =	shalt  }
0x3f: {  	_ =	shalt  }
0x40: {  	_ =	shalt  }
0x41: {  	_ =	shalt  }
0x42: {  	_ =	shalt  }
0x43: {  	_ =	shalt  }
0x44: {  	_ =	shalt  }
0x45: {  	_ =	shalt  }
0x46: {  	_ =	shalt  }
0x47: {  	_ =	shalt  }
0x48: {  	_ =	shalt  }
0x49: {  	_ =	shalt  }
0x4a: {  	_ =	shalt  }
0x4b: {  	_ =	shalt  }
0x4c: {  	_ =	shalt  }
0x4d: {  	_ =	shalt  }
0x4e: {  	_ =	shalt  }
0x4f: {  	_ =	shalt  }
0x50: {  	_ =	shalt  }
0x51: {  	_ =	shalt  }
0x52: {  	_ =	shalt  }
0x53: {  	_ =	shalt  }
0x54: {  	_ =	shalt  }
0x55: {  	_ =	shalt  }
0x56: {  	_ =	shalt  }
0x57: {  	_ =	shalt  }
0x58: {  	_ =	shalt  }
0x59: {  	_ =	shalt  }
0x5a: {  	_ =	shalt  }
0x5b: {  	_ =	shalt  }
0x5c: {  	_ =	shalt  }
0x5d: {  	_ =	shalt  }
0x5e: {  	_ =	shalt  }
0x5f: {  	_ =	shalt  }
0x60: {  	_ =	shalt  }
0x61: {  	_ =	shalt  }
0x62: {  	_ =	shalt  }
0x63: {  	_ =	shalt  }
0x64: {  	_ =	shalt  }
0x65: {  	_ =	shalt  }
0x66: {  	_ =	shalt  }
0x67: {  	_ =	shalt  }
0x68: {  	_ =	shalt  }
0x69: {  	_ =	shalt  }
0x6a: {  	_ =	shalt  }
0x6b: {  	_ =	shalt  }
0x6c: {  	_ =	shalt  }
0x6d: {  	_ =	shalt  }
0x6e: {  	_ =	shalt  }
0x6f: {  	_ =	shalt  }
0x70: {  	_ =	shalt  }
0x71: {  	_ =	shalt  }
0x72: {  	_ =	shalt  }
0x73: {  	_ =	shalt  }
0x74: {  	_ =	shalt  }
0x75: {  	_ =	shalt  }
0x76: {  	_ =	shalt  }
0x77: {  	_ =	shalt  }
0x78: {  	_ =	shalt  }
0x79: {  	_ =	shalt  }
0x7a: {  	_ =	shalt  }
0x7b: {  	_ =	shalt  }
0x7c: {  	_ =	shalt  }
0x7d: {  	_ =	shalt  }
0x7e: {  	_ =	shalt  }
0x7f: {  	_ =	shalt  }
0x80: {  	_ =	shalt  }
0x81: {  	_ =	shalt  }
0x82: {  	_ =	shalt  }
0x83: {  	_ =	shalt  }
0x84: {  	_ =	shalt  }
0x85: {  	_ =	shalt  }
0x86: {  	_ =	shalt  }
0x87: {  	_ =	shalt  }
.Lfunc_end0:
.L_simem_size_0:
called_computation.1_lowered:
.L_overlay_start_0:
0x88: {  	s2 =	sld [smem:$0x3FD9]  }
0x89: {  	s3 =	sld [smem:$0x3FFE];
	_ =	sdelay $0x1  }
0x8a: {  	s1 =	srdreg.scid  }
0x8b: {  	s0 =	sand.u32 $0x1, s1  }
0x8c: {  	s17 =	sshll.u32 s0, $0xA;
	s2 =	sadd.s32 s3, s2  }
0x8d: {  	s2 =	sadd.s32 s2, s17  }
0x8e: {  	[smem:$0x3FC3] =	sst s2  }
0x8f: {  	_ = 	snop  }
0x90: {  	s2 =	sld [smem:$0x3FD0];
	(tm) =	ssettm $0x1  }
0x91: {  	s18 =	sld [smem:$0x3FFB];
	_ =	sdelay $0x3  }
0x92: {  	_ =	strace s18  }
0x93: {  	s3 =	sld [smem:$0x3FFC];
	_ =	sdelay $0x3  }
0x94: {  	_ =	strace s3  }
0x95: {  	s3 =	sld [smem:$0x3FFD];
	_ =	sdelay $0x3  }
0x96: {  	_ =	strace s3  }
0x97: {  	_ =	strace $0x8FFFFFFF  }
0x98: {  	s19 =	sld [smem:$0x3FDB];
	_ =	sdelay $0x1  }
0x99: {  	s4 =	simm.s32 $_scs_section_size  }
0x9a: {  	s5 =	simm.s32 $_size__tile_overlayer_lowered;
	s6 =	simm.s32 $_tile_overlayer_lowered  }
0x9b: {  	s22 =	simm.s32 $0x1BFF;
	s21 =	sshll.u32 s6, $0x1;
	s3 =	sadd.s32 s4, s19  }
0x9c: {  	s7 =	simm.s32 $0x0;
	s20 =	sshll.u32 s5, $0x1;
	s5 =	sadd.s32 s21, s3  }
0x9d: {  	[timem:s7], [sflag:s22] =	dma.local [hbm:s5], s20  }
0x9e: {  	_ =	swait.ge [sflag:s22], s20  }
0x9f: {  	s4 =	ssub.s32 $0x0, s20;
	[sflag:s22] =	ssyncset.done $0x0  }
0xa0: {  	[sflag:s22] =	ssyncadd.s32 s4;
	_ =	sdelay $0x1  }
0xa1: {  	s23 =	simm.s32 $0x1B8B  }
0xa2: {  	_ =	swait.ge [sflag:s23], $0x1  }
0xa3: {  	[sflag:s23] =	ssyncset.done $0x0  }
0xa4: {  	s25 =	simm.s32 $0x1B8E;
	s24 =	sld [smem:$0x3FFE];
	[sflag:s23] =	ssyncadd.s32 $0xFFFFFFFF  }
0xa5: {  	s26 =	simm.s32 $execute0_lowered;
	[smem:$0x3FD2] =	sst s25  }
0xa6: {  	s5 =	sshll.u32 s26, $0x1;
	_ =	strace $0x80000046;
	[dreg:$0x1] =	wrdreg $0xFFFFFFFF  }
0xa7: {  	s28 =	simm.s32 $_size_execute0_lowered;
	s3 =	sadd.s32 s3, s5;
	[dreg:$0x0] =	wrdreg $0x0  }
0xa8: {  	s5 =	sshll.u32 s28, $0x1;
	[dreg:$0x2] =	wrdreg s3  }
0xa9: {  	[dreg:$0x3] =	wrdreg s5  }
0xaa: {  	[dreg:$0x4] =	wrdreg $0xC0  }
0xab: {  	_ =	task [dreg:s7], $0x5FFFF  }
0xac: {  	[dreg:$0x1] =	wrdreg $0xFFFFFFFF  }
0xad: {  	[dreg:$0x0] =	wrdreg $0x60  }
0xae: {  	[dreg:$0x2] =	wrdreg s2  }
0xaf: {  	[dreg:$0x3] =	wrdreg s24  }
0xb0: {  	[dreg:$0x4] =	wrdreg $0x18000  }
0xb1: {  	[dreg:$0x5] =	wrdreg $0x9  }
0xb2: {  	_ =	task.clear_ibuf [dreg:s7], $0x6FFFF;
	_ =	strace $0x90000046  }
0xb3: {  	s29 =	simm.s32 $0x9;
	_ =	strace $0x80000048  }
0xb4: {  	_ =	swait.ge [sflag:s29], $0x1  }
0xb5: {  	[sflag:s29] =	ssyncadd.s32 $0xFFFFFFFF  }
0xb6: {  	_ =	strace $0x90000048  }
0xb7: {  	_ =	sfence  }
0xb8: {  	s30 =	sld [smem:$0x0];
	_ =	sdelay $0x2  }
0xb9: {  	s31 =	sshll.u32 s1, $0xD;
	s1 =	sshrl.u32 s1, $0x2  }
0xba: {  	s3 =	sand.u32 $0x4000, s31;
	s1 =	sadd.s32 s1, s30  }
0xbb: {  	s0 =	sor.u32 s3, s0;
	s1 =	sshll.u32 s1, $0x11  }
0xbc: {  	s0 =	sor.u32 s1, s0  }
0xbd: {  	s0 =	sadd.s32 $0x8F2B, s0  }
0xbe: {  	[sflag:s0] =	ssyncadd.remote.s32 $0x1  }
0xbf: {  	_ =	sfence.sel $0xFFFF  }
0xc0: {  	[dreg:$0x0] =	wrdreg $0xFFFFFFFF;
	(pc) =	sbr.abs _section_cstart, $3  }
0xc1: {  	[dreg:$0x1] =	wrdreg $0xFFFFFFFF  }
0xc2: {  	_ =	task.clear_ibuf [dreg:s7], $0x2FFFF;
	_ =	strace $0x9FFFFFFF  }
0xc3: {  	(tm) =	ssettm $0x7FFFFFFF  }
tec
execute0_lowered:
.L_overlay_start_1:
0x0: {  	(tag) =	ssettag $0x1  }
0x1: {  	s0 =	rddreg [dreg:$0x0]  }
0x2: {  	s1 =	rddreg [dreg:$0x1]  }
0x3: {  	s3 =	srdreg.scid;
	s10 =	stileid.u32  }
0x4: {  	s2 =	rddreg [dreg:$0x2];
	s28 =	simm.s32 $0x200;
	s29 =	simm.s32 $0x280  }
0x5: {  	s30 =	simm.s32 $0x300;
	s31 =	simm.s32 $0x380;
	s4 =	smul.u32 $0x620, s10  }
0x6: {  	s11 =	simm.s32 $0x0;
	s5 =	sand.u32 $0x1, s3;
	s14 =	smul.u32 $0xD000, s10  }
0x7: {  	s3 =	simm.s32 $0x0;
	s10 =	simm.s32 $0x780;
	s6 =	smul.u32 $0x61A8, s5  }
0x8: {  	[smem:$0x7FF] =	sst s3;
	s8 =	ssub.s32 $0x2, s5;
	s5 =	smul.u32 $0xD0000, s5  }
0x9: {  	s7 =	smin.u32 s4, $0x5B88;
	_ =	strace $0x80000047;
	s9 =	sshrl.u32 s8, $0x1  }
0xa: {  	s4 =	smin.u32 s4, $0x5B30;
	s6 =	sadd.s32 s6, s7;
	s13 =	ssub.s32 s8, s9  }
0xb: {  	s4 =	sshll.u32 s4, $0x4;
	s7 =	sshll.u32 s7, $0x4;
	s6 =	sshll.u32 s6, $0x1  }
0xc: {  	s4 =	sadd.s32 s4, s2;
	s1 =	sadd.s32 s6, s1;
	s6 =	smax.u32 s13, $0x1  }
0xd: {  	s5 =	sadd.s32 s14, s5;
	s18 =	sadd.s32 $0x800, s4;
	[dreg:$0x5] =	wrdreg s6  }
0xe: {  	s8 =	simm.s32 $0x680;
	s19 =	sadd.s32 $0x1000, s4;
	[dreg:$0x6] =	wrdreg s18  }
0xf: {  	s9 =	simm.s32 $0x700;
	s20 =	sadd.s32 $0x1800, s4;
	[dreg:$0x7] =	wrdreg s19  }
0x10: {  	s15 =	sadd.s32 s7, s2;
	s21 =	sadd.s32 $0x2000, s4;
	[dreg:$0x8] =	wrdreg s20  }
0x11: {  	s5 =	sshrl.u32 s5, $0x3;
	s22 =	sadd.s32 $0x2800, s4;
	[dreg:$0x9] =	wrdreg s21  }
0x12: {  	s7 =	simm.s32 $0x600;
	s23 =	sadd.s32 $0x3000, s4;
	[dreg:$0xa] =	wrdreg s22  }
0x13: {  	s24 =	sadd.s32 $0x3800, s4;
	s25 =	sadd.s32 $0x4000, s4;
	[dreg:$0xb] =	wrdreg s23  }
0x14: {  	s26 =	sadd.s32 $0x4800, s4;
	s16 =	sadd.s32 $0x5000, s4;
	[dreg:$0xc] =	wrdreg s24  }
0x15: {  	s17 =	sadd.s32 $0x5800, s4;
	s1 =	sadd.s32 $0x3000, s1;
	[dreg:$0xd] =	wrdreg s25  }
0x16: {  	[dreg:$0xe] =	wrdreg s26;
	s18 =	sadd.s32 $0x6000, s4;
	s19 =	sadd.s32 s5, s0  }
0x17: {  	s20 =	simm.s32 $0x1000;
	s21 =	simm.s32 $0x1;
	s22 =	simm.s32 $0x80  }
0x18: {  	s23 =	simm.s32 $0x800;
	s24 =	simm.s32 $0x100;
	s25 =	sshrl.u32 s15, $0x3  }
0x19: {  	s26 =	simm.s32 $0x180;
	s0 =	simm.s32 $0x480;
	s5 =	simm.s32 $0x500  }
0x1a: {  	v0 =	vimm.f32 $1.000000000e+00;
	v1 =	vimm.f32 $0.0e+00;
	s6 =	simm.s32 $0x580;
	[dreg:$0x4] =	wrdreg s1;
	s1 =	simm.s32 $0x400  }
.LBB2_1:
0x1b: {  	s12 =	simm.s32 $0x0  }
.LBB2_2:
0x1c: {  	p0 =	sne.s32 s12, $0x1FC0  }
.Ltmp0:
0x1d: {  	_ = 	snop;
	(pc) =	sbr.rel @p0 .LBB2_2-.Ltmp0, $3  }
0x1e: {  	_ =	sdelay $0x1  }
0x1f: {  	s13 =	sshra.s32 s12, $0x2  }
0x20: {  	s12 =	sadd.s32 $0x40, s12;
	[tilespmem:s13+$0x800] =	vst v0  }
0x21: {  	s12 =	simm.s32 $0x40;
	s13 =	simm.s32 $0x0  }
.LBB2_4:
0x22: {  	p0 =	sne.s32 s12, $0x1FC0;
	[tilespmem:s13+$0x1000] =	vst v1;
	s13 =	smov.u32 s12;
	s12 =	sadd.s32 $0x40, s12  }
.Ltmp1:
0x23: {  	(pc) =	sbr.rel @p0 .LBB2_4-.Ltmp1, $2  }
0x24: {  	_ =	sdelay $0x2  }
0x25: {  	s13 =	sshra.s32 s13, $0x2  }
0x26: {  	[tilespmem:s13+$0x1000] =	vst v1  }
0x27: {  	[spmem:s4] =	stream.linear.scatter [tilespmem:s20], [sflag:$0x1], $0x800, $0x38;
	[tilespmem:$0x79B0] =	vst v63  }
0x28: {  	_ =	swait.ge [sflag:s21], $0x800  }
0x29: {  	[sflag:s21] =	ssyncset.done $0x0  }
0x2a: {  	s12 =	rddreg [dreg:$0x6];
	[sflag:s21] =	ssyncadd.s32 $0xFFFFF800  }
0x2b: {  	[spmem:s12] =	stream.linear.scatter [tilespmem:s20], [sflag:$0x1], $0x800, $0x38;
	[tilespmem:$0x79B0] =	vst v63  }
0x2c: {  	_ =	swait.ge [sflag:s21], $0x800  }
0x2d: {  	[sflag:s21] =	ssyncset.done $0x0  }
0x2e: {  	s13 =	rddreg [dreg:$0x7];
	[sflag:s21] =	ssyncadd.s32 $0xFFFFF800  }
0x2f: {  	[spmem:s13] =	stream.linear.scatter [tilespmem:s20], [sflag:$0x1], $0x800, $0x38;
	[tilespmem:$0x79B0] =	vst v63  }
0x30: {  	_ =	swait.ge [sflag:s21], $0x800  }
0x31: {  	[sflag:s21] =	ssyncset.done $0x0  }
0x32: {  	s14 =	rddreg [dreg:$0x8];
	[sflag:s21] =	ssyncadd.s32 $0xFFFFF800  }
0x33: {  	[spmem:s14] =	stream.linear.scatter [tilespmem:s20], [sflag:$0x1], $0x800, $0x38;
	[tilespmem:$0x79B0] =	vst v63  }
0x34: {  	_ =	swait.ge [sflag:s21], $0x800  }
0x35: {  	[sflag:s21] =	ssyncset.done $0x0  }
0x36: {  	s15 =	rddreg [dreg:$0x9];
	[sflag:s21] =	ssyncadd.s32 $0xFFFFF800  }
0x37: {  	[spmem:s15] =	stream.linear.scatter [tilespmem:s20], [sflag:$0x1], $0x800, $0x38;
	[tilespmem:$0x79B0] =	vst v63  }
0x38: {  	_ =	swait.ge [sflag:s21], $0x800  }
0x39: {  	[sflag:s21] =	ssyncset.done $0x0  }
0x3a: {  	s13 =	rddreg [dreg:$0xa];
	[sflag:s21] =	ssyncadd.s32 $0xFFFFF800  }
0x3b: {  	[spmem:s13] =	stream.linear.scatter [tilespmem:s20], [sflag:$0x1], $0x800, $0x38;
	[tilespmem:$0x79B0] =	vst v63  }
0x3c: {  	_ =	swait.ge [sflag:s21], $0x800  }
0x3d: {  	[sflag:s21] =	ssyncset.done $0x0  }
0x3e: {  	s14 =	rddreg [dreg:$0xb];
	[sflag:s21] =	ssyncadd.s32 $0xFFFFF800  }
0x3f: {  	[spmem:s14] =	stream.linear.scatter [tilespmem:s20], [sflag:$0x1], $0x800, $0x38;
	[tilespmem:$0x79B0] =	vst v63  }
0x40: {  	_ =	swait.ge [sflag:s21], $0x800  }
0x41: {  	[sflag:s21] =	ssyncset.done $0x0  }
0x42: {  	s15 =	rddreg [dreg:$0xc];
	[sflag:s21] =	ssyncadd.s32 $0xFFFFF800  }
0x43: {  	[spmem:s15] =	stream.linear.scatter [tilespmem:s20], [sflag:$0x1], $0x800, $0x38;
	[tilespmem:$0x79B0] =	vst v63  }
0x44: {  	_ =	swait.ge [sflag:s21], $0x800  }
0x45: {  	[sflag:s21] =	ssyncset.done $0x0  }
0x46: {  	s13 =	rddreg [dreg:$0xd];
	[sflag:s21] =	ssyncadd.s32 $0xFFFFF800  }
0x47: {  	[spmem:s13] =	stream.linear.scatter [tilespmem:s20], [sflag:$0x1], $0x800, $0x38;
	[tilespmem:$0x79B0] =	vst v63  }
0x48: {  	_ =	swait.ge [sflag:s21], $0x800  }
0x49: {  	[sflag:s21] =	ssyncset.done $0x0  }
0x4a: {  	s14 =	rddreg [dreg:$0xe];
	[sflag:s21] =	ssyncadd.s32 $0xFFFFF800  }
0x4b: {  	[spmem:s14] =	stream.linear.scatter [tilespmem:s20], [sflag:$0x1], $0x800, $0x38;
	[tilespmem:$0x79B0] =	vst v63  }
0x4c: {  	_ =	swait.ge [sflag:s21], $0x800  }
0x4d: {  	[sflag:s21] =	ssyncset.done $0x0  }
0x4e: {  	[sflag:s21] =	ssyncadd.s32 $0xFFFFF800  }
0x4f: {  	[spmem:s16] =	stream.linear.scatter [tilespmem:s20], [sflag:$0x1], $0x800, $0x38;
	[tilespmem:$0x79B0] =	vst v63  }
0x50: {  	_ =	swait.ge [sflag:s21], $0x800  }
0x51: {  	[sflag:s21] =	ssyncset.done $0x0  }
0x52: {  	[sflag:s21] =	ssyncadd.s32 $0xFFFFF800  }
0x53: {  	[spmem:s17] =	stream.linear.scatter [tilespmem:s20], [sflag:$0x1], $0x800, $0x38;
	[tilespmem:$0x79B0] =	vst v63  }
0x54: {  	_ =	swait.ge [sflag:s21], $0x800  }
0x55: {  	[sflag:s21] =	ssyncset.done $0x0  }
0x56: {  	[sflag:s21] =	ssyncadd.s32 $0xFFFFF800  }
0x57: {  	[spmem:s18] =	stream.linear.scatter [tilespmem:s20], [sflag:$0x1], $0x800, $0x38;
	[tilespmem:$0x79B0] =	vst v63  }
0x58: {  	_ =	swait.ge [sflag:s21], $0x800  }
0x59: {  	[sflag:s21] =	ssyncset.done $0x0  }
0x5a: {  	[sflag:s21] =	ssyncadd.s32 $0xFFFFF800  }
0x5b: {  	s15 =	sadd.s32 $0x0, s19;
	[bflag:$0x0] =	sbarrier.arrive $0xFFFF  }
0x5c: {  	[tilespmem:s3], [sflag:$0x1] =	stream.linear.gather [hbm4b:s15+s3], $0x800, $0x38;
	[tilespmem:$0x79B0] =	vst v63  }
0x5d: {  	_ =	swait.ge [sflag:s21], $0x800  }
0x5e: {  	[sflag:s21] =	ssyncset.done $0x0  }
0x5f: {  	[sflag:s21] =	ssyncadd.s32 $0xFFFFF800  }
0x60: {  	[spmem:s2] =	stream.indirect.scatter.add.f32 [tilespmem:s23], [sflag:$0x1], $0x10, s3, s22, $0xb8;
	[tilespmem:$0x79B0] =	vst v63  }
0x61: {  	_ =	swait.ge [sflag:s21], $0x800  }
0x62: {  	[sflag:s21] =	ssyncset.done $0x0  }
0x63: {  	[sflag:s21] =	ssyncadd.s32 $0xFFFFF800  }
0x64: {  	[spmem:s2] =	stream.indirect.scatter.add.f32 [tilespmem:s23], [sflag:$0x1], $0x10, s22, s22, $0xb8;
	[tilespmem:$0x79B0] =	vst v63  }
0x65: {  	_ =	swait.ge [sflag:s21], $0x800  }
0x66: {  	[sflag:s21] =	ssyncset.done $0x0  }
0x67: {  	[sflag:s21] =	ssyncadd.s32 $0xFFFFF800  }
0x68: {  	[spmem:s2] =	stream.indirect.scatter.add.f32 [tilespmem:s23], [sflag:$0x1], $0x10, s24, s22, $0xb8;
	[tilespmem:$0x79B0] =	vst v63  }
0x69: {  	_ =	swait.ge [sflag:s21], $0x800  }
0x6a: {  	[sflag:s21] =	ssyncset.done $0x0  }
0x6b: {  	[sflag:s21] =	ssyncadd.s32 $0xFFFFF800  }
0x6c: {  	[spmem:s2] =	stream.indirect.scatter.add.f32 [tilespmem:s23], [sflag:$0x1], $0x10, s26, s22, $0xb8;
	[tilespmem:$0x79B0] =	vst v63  }
0x6d: {  	_ =	swait.ge [sflag:s21], $0x800  }
0x6e: {  	[sflag:s21] =	ssyncset.done $0x0  }
0x6f: {  	[sflag:s21] =	ssyncadd.s32 $0xFFFFF800  }
0x70: {  	[spmem:s2] =	stream.indirect.scatter.add.f32 [tilespmem:s23], [sflag:$0x1], $0x10, s28, s22, $0xb8;
	[tilespmem:$0x79B0] =	vst v63  }
0x71: {  	_ =	swait.ge [sflag:s21], $0x800  }
0x72: {  	[sflag:s21] =	ssyncset.done $0x0  }
0x73: {  	[sflag:s21] =	ssyncadd.s32 $0xFFFFF800  }
0x74: {  	[spmem:s2] =	stream.indirect.scatter.add.f32 [tilespmem:s23], [sflag:$0x1], $0x10, s29, s22, $0xb8;
	[tilespmem:$0x79B0] =	vst v63  }
0x75: {  	_ =	swait.ge [sflag:s21], $0x800  }
0x76: {  	[sflag:s21] =	ssyncset.done $0x0  }
0x77: {  	[sflag:s21] =	ssyncadd.s32 $0xFFFFF800  }
0x78: {  	[spmem:s2] =	stream.indirect.scatter.add.f32 [tilespmem:s23], [sflag:$0x1], $0x10, s30, s22, $0xb8;
	[tilespmem:$0x79B0] =	vst v63  }
0x79: {  	_ =	swait.ge [sflag:s21], $0x800  }
0x7a: {  	[sflag:s21] =	ssyncset.done $0x0  }
0x7b: {  	[sflag:s21] =	ssyncadd.s32 $0xFFFFF800  }
0x7c: {  	[spmem:s2] =	stream.indirect.scatter.add.f32 [tilespmem:s23], [sflag:$0x1], $0x10, s31, s22, $0xb8;
	[tilespmem:$0x79B0] =	vst v63  }
0x7d: {  	_ =	swait.ge [sflag:s21], $0x800  }
0x7e: {  	[sflag:s21] =	ssyncset.done $0x0  }
0x7f: {  	[sflag:s21] =	ssyncadd.s32 $0xFFFFF800  }
0x80: {  	[spmem:s2] =	stream.indirect.scatter.add.f32 [tilespmem:s23], [sflag:$0x1], $0x10, s1, s22, $0xb8;
	[tilespmem:$0x79B0] =	vst v63  }
0x81: {  	_ =	swait.ge [sflag:s21], $0x800  }
0x82: {  	[sflag:s21] =	ssyncset.done $0x0  }
0x83: {  	[sflag:s21] =	ssyncadd.s32 $0xFFFFF800  }
0x84: {  	[spmem:s2] =	stream.indirect.scatter.add.f32 [tilespmem:s23], [sflag:$0x1], $0x10, s0, s22, $0xb8;
	[tilespmem:$0x79B0] =	vst v63  }
0x85: {  	_ =	swait.ge [sflag:s21], $0x800  }
0x86: {  	[sflag:s21] =	ssyncset.done $0x0  }
0x87: {  	[sflag:s21] =	ssyncadd.s32 $0xFFFFF800  }
0x88: {  	[spmem:s2] =	stream.indirect.scatter.add.f32 [tilespmem:s23], [sflag:$0x1], $0x10, s5, s22, $0xb8;
	[tilespmem:$0x79B0] =	vst v63  }
0x89: {  	_ =	swait.ge [sflag:s21], $0x800  }
0x8a: {  	[sflag:s21] =	ssyncset.done $0x0  }
0x8b: {  	[sflag:s21] =	ssyncadd.s32 $0xFFFFF800  }
0x8c: {  	[spmem:s2] =	stream.indirect.scatter.add.f32 [tilespmem:s23], [sflag:$0x1], $0x10, s6, s22, $0xb8;
	[tilespmem:$0x79B0] =	vst v63  }
0x8d: {  	_ =	swait.ge [sflag:s21], $0x800  }
0x8e: {  	[sflag:s21] =	ssyncset.done $0x0  }
0x8f: {  	[sflag:s21] =	ssyncadd.s32 $0xFFFFF800  }
0x90: {  	[spmem:s2] =	stream.indirect.scatter.add.f32 [tilespmem:s23], [sflag:$0x1], $0x10, s7, s22, $0xb8;
	[tilespmem:$0x79B0] =	vst v63  }
0x91: {  	_ =	swait.ge [sflag:s21], $0x800  }
0x92: {  	[sflag:s21] =	ssyncset.done $0x0  }
0x93: {  	[sflag:s21] =	ssyncadd.s32 $0xFFFFF800  }
0x94: {  	[spmem:s2] =	stream.indirect.scatter.add.f32 [tilespmem:s23], [sflag:$0x1], $0x10, s8, s22, $0xb8;
	[tilespmem:$0x79B0] =	vst v63  }
0x95: {  	_ =	swait.ge [sflag:s21], $0x800  }
0x96: {  	[sflag:s21] =	ssyncset.done $0x0  }
0x97: {  	[sflag:s21] =	ssyncadd.s32 $0xFFFFF800  }
0x98: {  	[spmem:s2] =	stream.indirect.scatter.add.f32 [tilespmem:s23], [sflag:$0x1], $0x10, s9, s22, $0xb8;
	[tilespmem:$0x79B0] =	vst v63  }
0x99: {  	_ =	swait.ge [sflag:s21], $0x800  }
0x9a: {  	[sflag:s21] =	ssyncset.done $0x0  }
0x9b: {  	[sflag:s21] =	ssyncadd.s32 $0xFFFFF800  }
0x9c: {  	[spmem:s2] =	stream.indirect.scatter.add.f32 [tilespmem:s23], [sflag:$0x1], $0x10, s10, s22, $0xb8;
	[tilespmem:$0x79B0] =	vst v63  }
0x9d: {  	_ =	swait.ge [sflag:s21], $0x800  }
0x9e: {  	s12 =	simm.s32 $0x100;
	s13 =	simm.s32 $0x200;
	[sflag:s21] =	ssyncset.done $0x0  }
.LBB2_6:
0x9f: {  	s15 =	sadd.s32 s12, s19  }
0xa0: {  	[sflag:s21] =	ssyncadd.s32 $0xFFFFF800;
	s12 =	smov.u32 s13;
	s14 =	sadd.s32 $0x100, s13  }
0xa1: {  	[tilespmem:s3], [sflag:$0x1] =	stream.linear.gather [hbm4b:s15+s3], $0x800, $0x38;
	[tilespmem:$0x79B0] =	vst v63  }
0xa2: {  	p0 =	sne.s32 s13, $0x1900;
	_ =	swait.ge [sflag:s21], $0x800  }
0xa3: {  	[sflag:s21] =	ssyncset.done $0x0  }
0xa4: {  	[sflag:s21] =	ssyncadd.s32 $0xFFFFF800  }
0xa5: {  	[spmem:s2] =	stream.indirect.scatter.add.f32 [tilespmem:s23], [sflag:$0x1], $0x10, s3, s22, $0xb8;
	[tilespmem:$0x79B0] =	vst v63  }
0xa6: {  	_ =	swait.ge [sflag:s21], $0x800  }
0xa7: {  	[sflag:s21] =	ssyncset.done $0x0  }
0xa8: {  	[sflag:s21] =	ssyncadd.s32 $0xFFFFF800  }
0xa9: {  	[spmem:s2] =	stream.indirect.scatter.add.f32 [tilespmem:s23], [sflag:$0x1], $0x10, s22, s22, $0xb8;
	[tilespmem:$0x79B0] =	vst v63  }
0xaa: {  	_ =	swait.ge [sflag:s21], $0x800  }
0xab: {  	[sflag:s21] =	ssyncset.done $0x0  }
0xac: {  	[sflag:s21] =	ssyncadd.s32 $0xFFFFF800  }
0xad: {  	[spmem:s2] =	stream.indirect.scatter.add.f32 [tilespmem:s23], [sflag:$0x1], $0x10, s24, s22, $0xb8;
	[tilespmem:$0x79B0] =	vst v63  }
0xae: {  	_ =	swait.ge [sflag:s21], $0x800  }
0xaf: {  	[sflag:s21] =	ssyncset.done $0x0  }
0xb0: {  	[sflag:s21] =	ssyncadd.s32 $0xFFFFF800  }
0xb1: {  	[spmem:s2] =	stream.indirect.scatter.add.f32 [tilespmem:s23], [sflag:$0x1], $0x10, s26, s22, $0xb8;
	[tilespmem:$0x79B0] =	vst v63  }
0xb2: {  	_ =	swait.ge [sflag:s21], $0x800  }
0xb3: {  	[sflag:s21] =	ssyncset.done $0x0  }
0xb4: {  	[sflag:s21] =	ssyncadd.s32 $0xFFFFF800  }
0xb5: {  	[spmem:s2] =	stream.indirect.scatter.add.f32 [tilespmem:s23], [sflag:$0x1], $0x10, s28, s22, $0xb8;
	[tilespmem:$0x79B0] =	vst v63  }
0xb6: {  	_ =	swait.ge [sflag:s21], $0x800  }
0xb7: {  	[sflag:s21] =	ssyncset.done $0x0  }
0xb8: {  	[sflag:s21] =	ssyncadd.s32 $0xFFFFF800  }
0xb9: {  	[spmem:s2] =	stream.indirect.scatter.add.f32 [tilespmem:s23], [sflag:$0x1], $0x10, s29, s22, $0xb8;
	[tilespmem:$0x79B0] =	vst v63  }
0xba: {  	_ =	swait.ge [sflag:s21], $0x800  }
0xbb: {  	[sflag:s21] =	ssyncset.done $0x0  }
0xbc: {  	[sflag:s21] =	ssyncadd.s32 $0xFFFFF800  }
0xbd: {  	[spmem:s2] =	stream.indirect.scatter.add.f32 [tilespmem:s23], [sflag:$0x1], $0x10, s30, s22, $0xb8;
	[tilespmem:$0x79B0] =	vst v63  }
0xbe: {  	_ =	swait.ge [sflag:s21], $0x800  }
0xbf: {  	[sflag:s21] =	ssyncset.done $0x0  }
0xc0: {  	[sflag:s21] =	ssyncadd.s32 $0xFFFFF800  }
0xc1: {  	[spmem:s2] =	stream.indirect.scatter.add.f32 [tilespmem:s23], [sflag:$0x1], $0x10, s31, s22, $0xb8;
	[tilespmem:$0x79B0] =	vst v63  }
0xc2: {  	_ =	swait.ge [sflag:s21], $0x800  }
0xc3: {  	[sflag:s21] =	ssyncset.done $0x0  }
0xc4: {  	[sflag:s21] =	ssyncadd.s32 $0xFFFFF800  }
0xc5: {  	[spmem:s2] =	stream.indirect.scatter.add.f32 [tilespmem:s23], [sflag:$0x1], $0x10, s1, s22, $0xb8;
	[tilespmem:$0x79B0] =	vst v63  }
0xc6: {  	_ =	swait.ge [sflag:s21], $0x800  }
0xc7: {  	[sflag:s21] =	ssyncset.done $0x0  }
0xc8: {  	[sflag:s21] =	ssyncadd.s32 $0xFFFFF800  }
0xc9: {  	[spmem:s2] =	stream.indirect.scatter.add.f32 [tilespmem:s23], [sflag:$0x1], $0x10, s0, s22, $0xb8;
	[tilespmem:$0x79B0] =	vst v63  }
0xca: {  	_ =	swait.ge [sflag:s21], $0x800  }
0xcb: {  	[sflag:s21] =	ssyncset.done $0x0  }
0xcc: {  	[sflag:s21] =	ssyncadd.s32 $0xFFFFF800  }
0xcd: {  	[spmem:s2] =	stream.indirect.scatter.add.f32 [tilespmem:s23], [sflag:$0x1], $0x10, s5, s22, $0xb8;
	[tilespmem:$0x79B0] =	vst v63  }
0xce: {  	_ =	swait.ge [sflag:s21], $0x800  }
0xcf: {  	[sflag:s21] =	ssyncset.done $0x0  }
0xd0: {  	[sflag:s21] =	ssyncadd.s32 $0xFFFFF800  }
0xd1: {  	[spmem:s2] =	stream.indirect.scatter.add.f32 [tilespmem:s23], [sflag:$0x1], $0x10, s6, s22, $0xb8;
	[tilespmem:$0x79B0] =	vst v63  }
0xd2: {  	_ =	swait.ge [sflag:s21], $0x800  }
0xd3: {  	[sflag:s21] =	ssyncset.done $0x0  }
0xd4: {  	[sflag:s21] =	ssyncadd.s32 $0xFFFFF800  }
0xd5: {  	[spmem:s2] =	stream.indirect.scatter.add.f32 [tilespmem:s23], [sflag:$0x1], $0x10, s7, s22, $0xb8;
	[tilespmem:$0x79B0] =	vst v63  }
0xd6: {  	_ =	swait.ge [sflag:s21], $0x800  }
0xd7: {  	[sflag:s21] =	ssyncset.done $0x0  }
0xd8: {  	[sflag:s21] =	ssyncadd.s32 $0xFFFFF800  }
0xd9: {  	[spmem:s2] =	stream.indirect.scatter.add.f32 [tilespmem:s23], [sflag:$0x1], $0x10, s8, s22, $0xb8;
	[tilespmem:$0x79B0] =	vst v63  }
0xda: {  	_ =	swait.ge [sflag:s21], $0x800  }
0xdb: {  	[sflag:s21] =	ssyncset.done $0x0  }
0xdc: {  	[sflag:s21] =	ssyncadd.s32 $0xFFFFF800  }
0xdd: {  	[spmem:s2] =	stream.indirect.scatter.add.f32 [tilespmem:s23], [sflag:$0x1], $0x10, s9, s22, $0xb8;
	[tilespmem:$0x79B0] =	vst v63  }
0xde: {  	_ =	swait.ge [sflag:s21], $0x800  }
.Ltmp2:
0xdf: {  	[sflag:s21] =	ssyncset.done $0x0;
	(pc) =	sbr.rel @p0 .LBB2_6-.Ltmp2, $4  }
0xe0: {  	[sflag:s21] =	ssyncadd.s32 $0xFFFFF800  }
0xe1: {  	[spmem:s2] =	stream.indirect.scatter.add.f32 [tilespmem:s23], [sflag:$0x1], $0x10, s10, s22, $0xb8;
	[tilespmem:$0x79B0] =	vst v63  }
0xe2: {  	_ =	swait.ge [sflag:s21], $0x800  }
0xe3: {  	s13 =	smov.u32 s14;
	[sflag:s21] =	ssyncset.done $0x0  }
0xe4: {  	s12 =	sadd.s32 s12, s19;
	[sflag:s21] =	ssyncadd.s32 $0xFFFFF800  }
0xe5: {  	[tilespmem:s3], [sflag:$0x1] =	stream.linear.gather [hbm4b:s12+s3], $0x800, $0x38;
	[tilespmem:$0x79B0] =	vst v63  }
0xe6: {  	_ =	swait.ge [sflag:s21], $0x800  }
0xe7: {  	[sflag:s21] =	ssyncset.done $0x0  }
0xe8: {  	[sflag:s21] =	ssyncadd.s32 $0xFFFFF800  }
0xe9: {  	[spmem:s2] =	stream.indirect.scatter.add.f32 [tilespmem:s23], [sflag:$0x1], $0x10, s3, s22, $0xb8;
	[tilespmem:$0x79B0] =	vst v63  }
0xea: {  	_ =	swait.ge [sflag:s21], $0x800  }
0xeb: {  	[sflag:s21] =	ssyncset.done $0x0  }
0xec: {  	[sflag:s21] =	ssyncadd.s32 $0xFFFFF800  }
0xed: {  	[spmem:s2] =	stream.indirect.scatter.add.f32 [tilespmem:s23], [sflag:$0x1], $0x10, s22, s22, $0xb8;
	[tilespmem:$0x79B0] =	vst v63  }
0xee: {  	_ =	swait.ge [sflag:s21], $0x800  }
0xef: {  	[sflag:s21] =	ssyncset.done $0x0  }
0xf0: {  	[sflag:s21] =	ssyncadd.s32 $0xFFFFF800  }
0xf1: {  	[spmem:s2] =	stream.indirect.scatter.add.f32 [tilespmem:s23], [sflag:$0x1], $0x10, s24, s22, $0xb8;
	[tilespmem:$0x79B0] =	vst v63  }
0xf2: {  	_ =	swait.ge [sflag:s21], $0x800  }
0xf3: {  	[sflag:s21] =	ssyncset.done $0x0  }
0xf4: {  	[sflag:s21] =	ssyncadd.s32 $0xFFFFF800  }
0xf5: {  	[spmem:s2] =	stream.indirect.scatter.add.f32 [tilespmem:s23], [sflag:$0x1], $0x10, s26, s22, $0xb8;
	[tilespmem:$0x79B0] =	vst v63  }
0xf6: {  	_ =	swait.ge [sflag:s21], $0x800  }
0xf7: {  	[sflag:s21] =	ssyncset.done $0x0  }
0xf8: {  	[sflag:s21] =	ssyncadd.s32 $0xFFFFF800  }
0xf9: {  	[spmem:s2] =	stream.indirect.scatter.add.f32 [tilespmem:s23], [sflag:$0x1], $0x10, s28, s22, $0xb8;
	[tilespmem:$0x79B0] =	vst v63  }
0xfa: {  	_ =	swait.ge [sflag:s21], $0x800  }
0xfb: {  	[sflag:s21] =	ssyncset.done $0x0  }
0xfc: {  	[sflag:s21] =	ssyncadd.s32 $0xFFFFF800  }
0xfd: {  	[spmem:s2] =	stream.indirect.scatter.add.f32 [tilespmem:s23], [sflag:$0x1], $0x10, s29, s22, $0xb8;
	[tilespmem:$0x79B0] =	vst v63  }
0xfe: {  	_ =	swait.ge [sflag:s21], $0x800  }
0xff: {  	[sflag:s21] =	ssyncset.done $0x0  }
0x100: {  	[sflag:s21] =	ssyncadd.s32 $0xFFFFF800  }
0x101: {  	[spmem:s2] =	stream.indirect.scatter.add.f32 [tilespmem:s23], [sflag:$0x1], $0x10, s30, s22, $0xb8;
	[tilespmem:$0x79B0] =	vst v63  }
0x102: {  	_ =	swait.ge [sflag:s21], $0x800  }
0x103: {  	[sflag:s21] =	ssyncset.done $0x0  }
0x104: {  	[sflag:s21] =	ssyncadd.s32 $0xFFFFF800  }
0x105: {  	[spmem:s2] =	stream.indirect.scatter.add.f32 [tilespmem:s23], [sflag:$0x1], $0x10, s31, s22, $0xb8;
	[tilespmem:$0x79B0] =	vst v63  }
0x106: {  	_ =	swait.ge [sflag:s21], $0x800  }
0x107: {  	[sflag:s21] =	ssyncset.done $0x0  }
0x108: {  	[sflag:s21] =	ssyncadd.s32 $0xFFFFF800  }
0x109: {  	[spmem:s2] =	stream.indirect.scatter.add.f32 [tilespmem:s23], [sflag:$0x1], $0x10, s1, s22, $0xb8;
	[tilespmem:$0x79B0] =	vst v63  }
0x10a: {  	_ =	swait.ge [sflag:s21], $0x800  }
0x10b: {  	[sflag:s21] =	ssyncset.done $0x0  }
0x10c: {  	[sflag:s21] =	ssyncadd.s32 $0xFFFFF800  }
0x10d: {  	[spmem:s2] =	stream.indirect.scatter.add.f32 [tilespmem:s23], [sflag:$0x1], $0x10, s0, s22, $0xb8;
	[tilespmem:$0x79B0] =	vst v63  }
0x10e: {  	_ =	swait.ge [sflag:s21], $0x800  }
0x10f: {  	[sflag:s21] =	ssyncset.done $0x0  }
0x110: {  	[sflag:s21] =	ssyncadd.s32 $0xFFFFF800  }
0x111: {  	[spmem:s2] =	stream.indirect.scatter.add.f32 [tilespmem:s23], [sflag:$0x1], $0x10, s5, s22, $0xb8;
	[tilespmem:$0x79B0] =	vst v63  }
0x112: {  	_ =	swait.ge [sflag:s21], $0x800  }
0x113: {  	[sflag:s21] =	ssyncset.done $0x0  }
0x114: {  	[sflag:s21] =	ssyncadd.s32 $0xFFFFF800  }
0x115: {  	[spmem:s2] =	stream.indirect.scatter.add.f32 [tilespmem:s23], [sflag:$0x1], $0x10, s6, s22, $0xb8;
	[tilespmem:$0x79B0] =	vst v63  }
0x116: {  	_ =	swait.ge [sflag:s21], $0x800  }
0x117: {  	[sflag:s21] =	ssyncset.done $0x0  }
0x118: {  	[sflag:s21] =	ssyncadd.s32 $0xFFFFF800  }
0x119: {  	[spmem:s2] =	stream.indirect.scatter.add.f32 [tilespmem:s23], [sflag:$0x1], $0x10, s7, s22, $0xb8;
	[tilespmem:$0x79B0] =	vst v63  }
0x11a: {  	_ =	swait.ge [sflag:s21], $0x800  }
0x11b: {  	[sflag:s21] =	ssyncset.done $0x0  }
0x11c: {  	[sflag:s21] =	ssyncadd.s32 $0xFFFFF800  }
0x11d: {  	[spmem:s2] =	stream.indirect.scatter.add.f32 [tilespmem:s23], [sflag:$0x1], $0x10, s8, s22, $0xb8;
	[tilespmem:$0x79B0] =	vst v63  }
0x11e: {  	_ =	swait.ge [sflag:s21], $0x800  }
0x11f: {  	[sflag:s21] =	ssyncset.done $0x0  }
0x120: {  	[sflag:s21] =	ssyncadd.s32 $0xFFFFF800  }
0x121: {  	[spmem:s2] =	stream.indirect.scatter.add.f32 [tilespmem:s23], [sflag:$0x1], $0x10, s9, s22, $0xb8;
	[tilespmem:$0x79B0] =	vst v63  }
0x122: {  	_ =	swait.ge [sflag:s21], $0x800  }
0x123: {  	[sflag:s21] =	ssyncset.done $0x0  }
0x124: {  	[sflag:s21] =	ssyncadd.s32 $0xFFFFF800  }
0x125: {  	[spmem:s2] =	stream.indirect.scatter.add.f32 [tilespmem:s23], [sflag:$0x1], $0x10, s10, s22, $0xb8;
	[tilespmem:$0x79B0] =	vst v63  }
0x126: {  	_ =	swait.ge [sflag:s21], $0x800  }
0x127: {  	[sflag:s21] =	ssyncset.done $0x0  }
0x128: {  	s14 =	stileid.u32;
	[sflag:s21] =	ssyncadd.s32 $0xFFFFF800  }
0x129: {  	s12 =	sshll.u32 s14, $0x6;
	[bflag:$0x0] =	sbarrier.arrive $0xFFFF  }
0x12a: {  	s12 =	sor.u32 $0x1C01, s12;
	s13 =	rddreg [dreg:$0x4]  }
0x12b: {  	[hbm:s13], [sflag:s12] =	dma.local [spmem:s25], $0xC40  }
0x12c: {  	_ =	swait.ge [sflag:s21], $0xC40  }
0x12d: {  	s11 =	sadd.s32 $0x1, s11;
	s15 =	rddreg [dreg:$0x5]  }
0x12e: {  	p0 =	sne.s32 s11, s15  }
.Ltmp3:
0x12f: {  	_ = 	snop;
	(pc) =	sbr.rel @p0 .LBB2_1-.Ltmp3, $3  }
0x130: {  	_ =	sdelay $0x1  }
0x131: {  	[sflag:s21] =	ssyncset.done $0x0  }
0x132: {  	[sflag:s21] =	ssyncadd.s32 $0xFFFFF3C0  }
0x133: {  	_ =	sfence.sel $0x180000  }
0x134: {  	[bflag:$0x0] =	sbarrier.arrive $0xFFFF  }
0x135: {  	_ =	strace $0x90000047  }
0x136: {  	s0 =	stileid.u32;
	[bflag:$0x2] =	sbarrier.arrive $0xFFFF  }
0x137: {  	p0 =	sne.s32 s0, $0x0;
	s0 =	rddreg [dreg:$0x3]  }
0x138: {  	s0 =	sadd.s32 @!p0 $0x100000, s0  }
0x139: {  	[sflag:s0] =	ssyncadd.tile.s32 @!p0 $0x1;
	_ =	shalt  }
.Lfunc_end2:
_tile_overlayer_lowered:
.L_overlay_start_2:
0x13a: {  	(tag) =	ssettag $0x2  }
0x13b: {  	s0 =	rddreg [dreg:$0x0];
	s2 =	stileid.u32  }
0x13c: {  	s1 =	rddreg [dreg:$0x1];
	p0 =	sne.s32 s2, $0x0  }
0x13d: {  	s3 =	rddreg [dreg:$0x2];
	[bflag:$0x3] =	sbarrier.arrive $0xFFFF;
	s2 =	simm.s32 @!p0 $0x1C01  }
0x13e: {  	[timem:s3], [sflag:s2] =	dma.local @!p0 [hbm:s0], s1  }
0x13f: {  	s0 =	simm.s32 @!p0 $0x1  }
0x140: {  	_ =	swait.ge @!p0 [sflag:s0], s1  }
0x141: {  	s1 =	ssub.s32 @!p0 $0x0, s1;
	[sflag:s0] =	ssyncset.done @!p0 $0x0  }
0x142: {  	[sflag:s0] =	ssyncadd.s32 @!p0 s1  }
0x143: {  	[bflag:$0x3] =	sbarrier.arrive $0xFFFF  }
0x144: {  	_ =	shalt  }

</sc_bundles>
